<compile_context>
chip_gen: v7x
topology: tpu7x:2x2x1
jax: 0.10.2.dev20260603
libtpu: 0.0.44.dev20260713+nightly
codegen_flags: <defaults>
</compile_context>

<pallas_src>
import functools

import jax
import jax.numpy as jnp
from jax import lax
from jax.experimental import pallas as pl
from jax.experimental.pallas import tpu as pltpu
from jax.experimental.pallas import tpu_sc as plsc

NC = 2
NS = 16
L = 16
NW = NC * NS


@functools.partial(jax.jit, static_argnames=("bt_per_w",))
def _sc_gather_t(params, mi_flat, *, bt_per_w):
    rows, feats = params.shape
    k = mi_flat.shape[0]
    kv = k // L
    bl = 128
    mesh = plsc.VectorSubcoreMesh(
        core_axis_name="c", subcore_axis_name="s", num_cores=NC, num_subcores=NS
    )

    skew = bl + 1
    skrows = (k * skew + bl - 1) // bl + 1

    def body(p_hbm, mi_hbm, out_hbm, mi_v, idx_vs, in_vs, sk_v, out_vs, sems):
        sem_i = sems[:2]
        sem_o = sems[2:]
        wid = lax.axis_index("s") * NC + lax.axis_index("c")
        pltpu.sync_copy(mi_hbm, mi_v)
        lane = lax.iota(jnp.int32, L)
        zvec = jnp.zeros((L,), jnp.int32)
        fvec = [(lane + g * L) * 2 for g in range(kv // 2)] + \
               [(lane + g * L) * 2 + 1 for g in range(kv // 2)]
        colbase = [fvec[g] * skew for g in range(kv)]
        rpbase = [lane + g * L for g in range(kv)]
        rbase = [(lane + g * L) // 2 * 256 + (lane + g * L) % 2
                 for g in range(kv)]

        def make_in(bt_local, buf):
            bt = (wid * bt_per_w + bt_local) * bl
            return pltpu.make_async_copy(
                p_hbm.at[pl.ds(bt, bl)], in_vs.at[buf], sem_i[buf])

        def make_out(bt_local, buf):
            return pltpu.make_async_copy(
                out_vs.at[buf], out_hbm.at[idx_vs.at[buf]], sem_o[buf])

        make_in(0, 0).start()
        for bt_local in range(bt_per_w):
            buf = bt_local % 2
            if bt_local + 1 < bt_per_w:
                make_in(bt_local + 1, 1 - buf).start()
            if bt_local >= 2:
                make_out(bt_local - 2, buf).wait()
            bt2 = (wid * bt_per_w + bt_local) * 2
            for g in range(kv):
                idx_vs[buf, pl.ds(g * L, L)] = rbase[g] + bt2
            make_in(bt_local, buf).wait()
            in_v = in_vs.at[buf]
            out_v = out_vs.at[buf]
            gidx0 = tuple(plsc.load_gather(mi_v, [fvec[g]]) for g in range(kv))
            sidx0 = tuple(colbase[g] for g in range(kv))

            def row_body(b, carry):
                gidx, sidx = carry
                vals = [plsc.load_gather(in_v, [zvec, gidx[g]])
                        for g in range(kv)]
                for g in range(kv):
                    plsc.store_scatter(sk_v, [sidx[g]], vals[g])
                return (tuple(ix + feats for ix in gidx),
                        tuple(ix + 1 for ix in sidx))

            lax.fori_loop(0, bl, row_body, (gidx0, sidx0), unroll=2)

            def repack_body(f, _):
                fs = f * skew
                vals = [sk_v[pl.ds(fs + g * L, L)] for g in range(kv)]
                for g in range(kv):
                    out_v[f, pl.ds(g * L, L)] = vals[g]
                return 0

            lax.fori_loop(0, k, repack_body, 0, unroll=2)
            make_out(bt_local, buf).start()
        for bt_local in range(max(bt_per_w - 2, 0), bt_per_w):
            make_out(bt_local, bt_local % 2).wait()

    return pl.kernel(
        body,
        out_type=jax.ShapeDtypeStruct((rows, feats), jnp.float32),
        mesh=mesh,
        scratch_types=[
            pltpu.VMEM((k,), jnp.int32),
            pltpu.VMEM((2, k), jnp.int32),
            pltpu.VMEM((2, bl, feats), jnp.float32),
            pltpu.VMEM((skrows * bl,), jnp.float32),
            pltpu.VMEM((2, k, bl), jnp.float32),
            (pltpu.SemaphoreType.DMA,) * 4,
        ],
        compiler_params=pltpu.CompilerParams(needs_layout_passes=False),
    )(params, mi_flat)


def kernel(parameters, marginal_indices):
    rows, feats = parameters.shape
    m, t = marginal_indices.shape
    mi_flat = marginal_indices.reshape(-1).astype(jnp.int32)
    res = _sc_gather_t(parameters, mi_flat, bt_per_w=rows // (128 * NW))
    return (res.reshape(m, rows // 128, t, 128)
            .transpose(1, 3, 0, 2)
            .reshape(rows, m, t))

# --- scband reference (transcript-rebuilt; emitter-appended) ---
"""Pipeline reference for scband-parameter-transform-10797547782370 (READ-ONLY COPY).

The authoritative reference and input builder live on the scoring server;
editing this copy changes nothing except your own understanding.
"""

import jax, jax.numpy as jnp
import numpy as np


def setup_inputs(seed: int = 0) -> dict:
    key = jax.random.key(seed)
    parameters = jax.random.normal(key, (16384, 128), dtype=jnp.float32)
    # buffer: 64 marginal index tuples of length 2, pairs (i, i+64)
    base = jnp.arange(64, dtype=jnp.int32)
    marginal_indices = jnp.stack([base, base + 64], axis=1)  # [64, 2]
    return {"parameters": parameters, "marginal_indices": marginal_indices}


def reference(parameters, marginal_indices):
    # torch: torch.stack([parameters[..., mi] for mi in tuple_marginal_indices], dim=1)
    # each mi is a length-2 tuple -> parameters[..., mi] has shape [B, 2];
    # stacking over the 64 tuples at dim=1 gives [B, 64, 2].
    # jnp.take with a [64, 2] index array along the last axis produces the
    # identical [B, 64, 2] gather in one primitive.
    return jnp.take(parameters, marginal_indices, axis=-1)

if __name__ == "__main__":
    import jax
    _d = setup_inputs()
    print(jax.jit(kernel)(*tuple(_d.values())))

</pallas_src>

<mosaic_0001>
#map = affine_map<(d0, d1) -> (0, 0)>
#map1 = affine_map<(d0, d1) -> (0)>
module attributes {stable_mosaic.version = 14 : i64} {
  func.func @body(%arg0: i32, %arg1: i32, %arg2: memref<16384x128xf32, #tpu.memory_space<hbm>>, %arg3: memref<128xi32, #tpu.memory_space<hbm>>, %arg4: memref<16384x128xf32, #tpu.memory_space<hbm>>, %arg5: memref<128xi32, #tpu.memory_space<vmem>>, %arg6: memref<2x128xi32, #tpu.memory_space<vmem>>, %arg7: memref<2x128x128xf32, #tpu.memory_space<vmem>>, %arg8: memref<16640xf32, #tpu.memory_space<vmem>>, %arg9: memref<2x128x128xf32, #tpu.memory_space<vmem>>, %arg10: memref<!tpu.dma_semaphore, #tpu.memory_space<semaphore_mem>>, %arg11: memref<!tpu.dma_semaphore, #tpu.memory_space<semaphore_mem>>, %arg12: memref<!tpu.dma_semaphore, #tpu.memory_space<semaphore_mem>>, %arg13: memref<!tpu.dma_semaphore, #tpu.memory_space<semaphore_mem>>) attributes {dimension_semantics = [#tpu.dimension_semantics<core_parallel>, #tpu.dimension_semantics<subcore_parallel>], iteration_bounds = array<i64: 2, 16>, scalar_prefetch = 0 : i64, scratch_operands = 9 : i64, tpu.core_type = #tpu.core_type<sc_vector_subcore>, window_params = [{transform_indices = #map}, {transform_indices = #map1}, {transform_indices = #map}]} {
    %mul3A = arith.constant 2 : i32
    %mul3A_0 = arith.muli %arg1, %mul3A : i32
    %add3A = arith.addi %mul3A_0, %arg0 : i32
    "tpu.region"() ({
      %run_scoped3A = tpu.sem_alloc : memref<!tpu.dma_semaphore, #tpu.memory_space<semaphore_mem>>
      tpu.enqueue_dma source(%arg3 : memref<128xi32, #tpu.memory_space<hbm>>) target(%arg5 : memref<128xi32, #tpu.memory_space<vmem>>) target_semaphore(%run_scoped3A : memref<!tpu.dma_semaphore, #tpu.memory_space<semaphore_mem>>)
      tpu.wait_dma2 semaphore(%run_scoped3A : memref<!tpu.dma_semaphore, #tpu.memory_space<semaphore_mem>>) src(%arg3 : memref<128xi32, #tpu.memory_space<hbm>>) dst(%arg5 : memref<128xi32, #tpu.memory_space<vmem>>)
      tpu.yield
    }) : () -> ()
    %iota3A = tpu.iota {dimensions = array<i32: 0>} : vector<16xi32>
    %broadcast_in_dim3A = arith.constant 0 : i32
    %broadcast_in_dim3A_1 = vector.broadcast %broadcast_in_dim3A : i32 to vector<16xi32>
    %add3A_2 = arith.constant 0 : i32
    %add3A_3 = vector.broadcast %add3A_2 : i32 to vector<16xi32>
    %add3A_4 = arith.addi %iota3A, %add3A_3 : vector<16xi32>
    %mul3A_5 = arith.constant 2 : i32
    %mul3A_6 = vector.broadcast %mul3A_5 : i32 to vector<16xi32>
    %mul3A_7 = arith.muli %add3A_4, %mul3A_6 : vector<16xi32>
    %add3A_8 = arith.constant 16 : i32
    %add3A_9 = vector.broadcast %add3A_8 : i32 to vector<16xi32>
    %add3A_10 = arith.addi %iota3A, %add3A_9 : vector<16xi32>
    %mul3A_11 = arith.constant 2 : i32
    %mul3A_12 = vector.broadcast %mul3A_11 : i32 to vector<16xi32>
    %mul3A_13 = arith.muli %add3A_10, %mul3A_12 : vector<16xi32>
    %add3A_14 = arith.constant 32 : i32
    %add3A_15 = vector.broadcast %add3A_14 : i32 to vector<16xi32>
    %add3A_16 = arith.addi %iota3A, %add3A_15 : vector<16xi32>
    %mul3A_17 = arith.constant 2 : i32
    %mul3A_18 = vector.broadcast %mul3A_17 : i32 to vector<16xi32>
    %mul3A_19 = arith.muli %add3A_16, %mul3A_18 : vector<16xi32>
    %add3A_20 = arith.constant 48 : i32
    %add3A_21 = vector.broadcast %add3A_20 : i32 to vector<16xi32>
    %add3A_22 = arith.addi %iota3A, %add3A_21 : vector<16xi32>
    %mul3A_23 = arith.constant 2 : i32
    %mul3A_24 = vector.broadcast %mul3A_23 : i32 to vector<16xi32>
    %mul3A_25 = arith.muli %add3A_22, %mul3A_24 : vector<16xi32>
    %add3A_26 = arith.constant 0 : i32
    %add3A_27 = vector.broadcast %add3A_26 : i32 to vector<16xi32>
    %add3A_28 = arith.addi %iota3A, %add3A_27 : vector<16xi32>
    %mul3A_29 = arith.constant 2 : i32
    %mul3A_30 = vector.broadcast %mul3A_29 : i32 to vector<16xi32>
    %mul3A_31 = arith.muli %add3A_28, %mul3A_30 : vector<16xi32>
    %add3A_32 = arith.constant 1 : i32
    %add3A_33 = vector.broadcast %add3A_32 : i32 to vector<16xi32>
    %add3A_34 = arith.addi %mul3A_31, %add3A_33 : vector<16xi32>
    %add3A_35 = arith.constant 16 : i32
    %add3A_36 = vector.broadcast %add3A_35 : i32 to vector<16xi32>
    %add3A_37 = arith.addi %iota3A, %add3A_36 : vector<16xi32>
    %mul3A_38 = arith.constant 2 : i32
    %mul3A_39 = vector.broadcast %mul3A_38 : i32 to vector<16xi32>
    %mul3A_40 = arith.muli %add3A_37, %mul3A_39 : vector<16xi32>
    %add3A_41 = arith.constant 1 : i32
    %add3A_42 = vector.broadcast %add3A_41 : i32 to vector<16xi32>
    %add3A_43 = arith.addi %mul3A_40, %add3A_42 : vector<16xi32>
    %add3A_44 = arith.constant 32 : i32
    %add3A_45 = vector.broadcast %add3A_44 : i32 to vector<16xi32>
    %add3A_46 = arith.addi %iota3A, %add3A_45 : vector<16xi32>
    %mul3A_47 = arith.constant 2 : i32
    %mul3A_48 = vector.broadcast %mul3A_47 : i32 to vector<16xi32>
    %mul3A_49 = arith.muli %add3A_46, %mul3A_48 : vector<16xi32>
    %add3A_50 = arith.constant 1 : i32
    %add3A_51 = vector.broadcast %add3A_50 : i32 to vector<16xi32>
    %add3A_52 = arith.addi %mul3A_49, %add3A_51 : vector<16xi32>
    %add3A_53 = arith.constant 48 : i32
    %add3A_54 = vector.broadcast %add3A_53 : i32 to vector<16xi32>
    %add3A_55 = arith.addi %iota3A, %add3A_54 : vector<16xi32>
    %mul3A_56 = arith.constant 2 : i32
    %mul3A_57 = vector.broadcast %mul3A_56 : i32 to vector<16xi32>
    %mul3A_58 = arith.muli %add3A_55, %mul3A_57 : vector<16xi32>
    %add3A_59 = arith.constant 1 : i32
    %add3A_60 = vector.broadcast %add3A_59 : i32 to vector<16xi32>
    %add3A_61 = arith.addi %mul3A_58, %add3A_60 : vector<16xi32>
    %mul3A_62 = arith.constant 129 : i32
    %mul3A_63 = vector.broadcast %mul3A_62 : i32 to vector<16xi32>
    %mul3A_64 = arith.muli %mul3A_7, %mul3A_63 : vector<16xi32>
    %mul3A_65 = arith.constant 129 : i32
    %mul3A_66 = vector.broadcast %mul3A_65 : i32 to vector<16xi32>
    %mul3A_67 = arith.muli %mul3A_13, %mul3A_66 : vector<16xi32>
    %mul3A_68 = arith.constant 129 : i32
    %mul3A_69 = vector.broadcast %mul3A_68 : i32 to vector<16xi32>
    %mul3A_70 = arith.muli %mul3A_19, %mul3A_69 : vector<16xi32>
    %mul3A_71 = arith.constant 129 : i32
    %mul3A_72 = vector.broadcast %mul3A_71 : i32 to vector<16xi32>
    %mul3A_73 = arith.muli %mul3A_25, %mul3A_72 : vector<16xi32>
    %mul3A_74 = arith.constant 129 : i32
    %mul3A_75 = vector.broadcast %mul3A_74 : i32 to vector<16xi32>
    %mul3A_76 = arith.muli %add3A_34, %mul3A_75 : vector<16xi32>
    %mul3A_77 = arith.constant 129 : i32
    %mul3A_78 = vector.broadcast %mul3A_77 : i32 to vector<16xi32>
    %mul3A_79 = arith.muli %add3A_43, %mul3A_78 : vector<16xi32>
    %mul3A_80 = arith.constant 129 : i32
    %mul3A_81 = vector.broadcast %mul3A_80 : i32 to vector<16xi32>
    %mul3A_82 = arith.muli %add3A_52, %mul3A_81 : vector<16xi32>
    %mul3A_83 = arith.constant 129 : i32
    %mul3A_84 = vector.broadcast %mul3A_83 : i32 to vector<16xi32>
    %mul3A_85 = arith.muli %add3A_61, %mul3A_84 : vector<16xi32>
    %add3A_86 = arith.constant 0 : i32
    %add3A_87 = vector.broadcast %add3A_86 : i32 to vector<16xi32>
    %add3A_88 = arith.addi %iota3A, %add3A_87 : vector<16xi32>
    %add3A_89 = arith.constant 16 : i32
    %add3A_90 = vector.broadcast %add3A_89 : i32 to vector<16xi32>
    %add3A_91 = arith.addi %iota3A, %add3A_90 : vector<16xi32>
    %add3A_92 = arith.constant 32 : i32
    %add3A_93 = vector.broadcast %add3A_92 : i32 to vector<16xi32>
    %add3A_94 = arith.addi %iota3A, %add3A_93 : vector<16xi32>
    %add3A_95 = arith.constant 48 : i32
    %add3A_96 = vector.broadcast %add3A_95 : i32 to vector<16xi32>
    %add3A_97 = arith.addi %iota3A, %add3A_96 : vector<16xi32>
    %add3A_98 = arith.constant 64 : i32
    %add3A_99 = vector.broadcast %add3A_98 : i32 to vector<16xi32>
    %add3A_100 = arith.addi %iota3A, %add3A_99 : vector<16xi32>
    %add3A_101 = arith.constant 80 : i32
    %add3A_102 = vector.broadcast %add3A_101 : i32 to vector<16xi32>
    %add3A_103 = arith.addi %iota3A, %add3A_102 : vector<16xi32>
    %add3A_104 = arith.constant 96 : i32
    %add3A_105 = vector.broadcast %add3A_104 : i32 to vector<16xi32>
    %add3A_106 = arith.addi %iota3A, %add3A_105 : vector<16xi32>
    %add3A_107 = arith.constant 112 : i32
    %add3A_108 = vector.broadcast %add3A_107 : i32 to vector<16xi32>
    %add3A_109 = arith.addi %iota3A, %add3A_108 : vector<16xi32>
    %add3A_110 = arith.constant 0 : i32
    %add3A_111 = vector.broadcast %add3A_110 : i32 to vector<16xi32>
    %add3A_112 = arith.addi %iota3A, %add3A_111 : vector<16xi32>
    %jit3A = arith.constant 2 : i32
    %div3A = vector.broadcast %jit3A : i32 to vector<16xi32>
    %div3A_113 = arith.divsi %add3A_112, %div3A : vector<16xi32>
    %sign3A = arith.constant 0 : i32
    %sign3A_114 = vector.broadcast %sign3A : i32 to vector<16xi32>
    %sign3A_115 = arith.cmpi sgt, %add3A_112, %sign3A_114 : vector<16xi32>
    %sign3A_116 = arith.extui %sign3A_115 : vector<16xi1> to vector<16xi32>
    %sign3A_117 = arith.constant 0 : i32
    %sign3A_118 = vector.broadcast %sign3A_117 : i32 to vector<16xi32>
    %sign3A_119 = arith.cmpi slt, %add3A_112, %sign3A_118 : vector<16xi32>
    %sign3A_120 = arith.extui %sign3A_119 : vector<16xi1> to vector<16xi32>
    %sign3A_121 = arith.subi %sign3A_116, %sign3A_120 : vector<16xi32>
    %sign3A_122 = arith.constant 0 : i32
    %sign3A_123 = arith.cmpi sgt, %jit3A, %sign3A_122 : i32
    %sign3A_124 = arith.extui %sign3A_123 : i1 to i32
    %sign3A_125 = arith.constant 0 : i32
    %sign3A_126 = arith.cmpi slt, %jit3A, %sign3A_125 : i32
    %sign3A_127 = arith.extui %sign3A_126 : i1 to i32
    %sign3A_128 = arith.subi %sign3A_124, %sign3A_127 : i32
    %ne3A = vector.broadcast %sign3A_128 : i32 to vector<16xi32>
    %ne3A_129 = arith.cmpi ne, %sign3A_121, %ne3A : vector<16xi32>
    %rem3A = vector.broadcast %jit3A : i32 to vector<16xi32>
    %rem3A_130 = arith.remsi %add3A_112, %rem3A : vector<16xi32>
    %ne3A_131 = arith.constant 0 : i32
    %ne3A_132 = vector.broadcast %ne3A_131 : i32 to vector<16xi32>
    %ne3A_133 = arith.cmpi ne, %rem3A_130, %ne3A_132 : vector<16xi32>
    %and3A = arith.andi %ne3A_129, %ne3A_133 : vector<16xi1>
    %sub3A = arith.constant 1 : i32
    %sub3A_134 = vector.broadcast %sub3A : i32 to vector<16xi32>
    %sub3A_135 = arith.subi %div3A_113, %sub3A_134 : vector<16xi32>
    %select_n3A = arith.select %and3A, %sub3A_135, %div3A_113 : vector<16xi1>, vector<16xi32>
    %mul3A_136 = arith.constant 256 : i32
    %mul3A_137 = vector.broadcast %mul3A_136 : i32 to vector<16xi32>
    %mul3A_138 = arith.muli %select_n3A, %mul3A_137 : vector<16xi32>
    %add3A_139 = arith.constant 0 : i32
    %add3A_140 = vector.broadcast %add3A_139 : i32 to vector<16xi32>
    %add3A_141 = arith.addi %iota3A, %add3A_140 : vector<16xi32>
    %jit3A_142 = arith.constant 2 : i32
    %eq3A = arith.constant 0 : i32
    %eq3A_143 = arith.cmpi eq, %jit3A_142, %eq3A : i32
    %jit3A_144 = arith.constant 1 : i32
    %select_n3A_145 = arith.select %eq3A_143, %jit3A_144, %jit3A_142 : i32
    %rem3A_146 = vector.broadcast %select_n3A_145 : i32 to vector<16xi32>
    %rem3A_147 = arith.remsi %add3A_141, %rem3A_146 : vector<16xi32>
    %ne3A_148 = arith.constant 0 : i32
    %ne3A_149 = vector.broadcast %ne3A_148 : i32 to vector<16xi32>
    %ne3A_150 = arith.cmpi ne, %rem3A_147, %ne3A_149 : vector<16xi32>
    %lt3A = arith.constant 0 : i32
    %lt3A_151 = vector.broadcast %lt3A : i32 to vector<16xi32>
    %lt3A_152 = arith.cmpi slt, %rem3A_147, %lt3A_151 : vector<16xi32>
    %lt3A_153 = arith.constant 0 : i32
    %lt3A_154 = arith.cmpi slt, %select_n3A_145, %lt3A_153 : i32
    %ne3A_155 = vector.broadcast %lt3A_154 : i1 to vector<16xi1>
    %ne3A_156 = vector.broadcast %ne3A_155 : vector<16xi1> to vector<16xi1>
    %ne3A_157 = arith.xori %lt3A_152, %ne3A_156 : vector<16xi1>
    %and3A_158 = arith.andi %ne3A_157, %ne3A_150 : vector<16xi1>
    %add3A_159 = vector.broadcast %select_n3A_145 : i32 to vector<16xi32>
    %add3A_160 = arith.addi %rem3A_147, %add3A_159 : vector<16xi32>
    %select_n3A_161 = arith.select %and3A_158, %add3A_160, %rem3A_147 : vector<16xi1>, vector<16xi32>
    %add3A_162 = arith.addi %mul3A_138, %select_n3A_161 : vector<16xi32>
    %add3A_163 = arith.constant 16 : i32
    %add3A_164 = vector.broadcast %add3A_163 : i32 to vector<16xi32>
    %add3A_165 = arith.addi %iota3A, %add3A_164 : vector<16xi32>
    %jit3A_166 = arith.constant 2 : i32
    %div3A_167 = vector.broadcast %jit3A_166 : i32 to vector<16xi32>
    %div3A_168 = arith.divsi %add3A_165, %div3A_167 : vector<16xi32>
    %sign3A_169 = arith.constant 0 : i32
    %sign3A_170 = vector.broadcast %sign3A_169 : i32 to vector<16xi32>
    %sign3A_171 = arith.cmpi sgt, %add3A_165, %sign3A_170 : vector<16xi32>
    %sign3A_172 = arith.extui %sign3A_171 : vector<16xi1> to vector<16xi32>
    %sign3A_173 = arith.constant 0 : i32
    %sign3A_174 = vector.broadcast %sign3A_173 : i32 to vector<16xi32>
    %sign3A_175 = arith.cmpi slt, %add3A_165, %sign3A_174 : vector<16xi32>
    %sign3A_176 = arith.extui %sign3A_175 : vector<16xi1> to vector<16xi32>
    %sign3A_177 = arith.subi %sign3A_172, %sign3A_176 : vector<16xi32>
    %sign3A_178 = arith.constant 0 : i32
    %sign3A_179 = arith.cmpi sgt, %jit3A_166, %sign3A_178 : i32
    %sign3A_180 = arith.extui %sign3A_179 : i1 to i32
    %sign3A_181 = arith.constant 0 : i32
    %sign3A_182 = arith.cmpi slt, %jit3A_166, %sign3A_181 : i32
    %sign3A_183 = arith.extui %sign3A_182 : i1 to i32
    %sign3A_184 = arith.subi %sign3A_180, %sign3A_183 : i32
    %ne3A_185 = vector.broadcast %sign3A_184 : i32 to vector<16xi32>
    %ne3A_186 = arith.cmpi ne, %sign3A_177, %ne3A_185 : vector<16xi32>
    %rem3A_187 = vector.broadcast %jit3A_166 : i32 to vector<16xi32>
    %rem3A_188 = arith.remsi %add3A_165, %rem3A_187 : vector<16xi32>
    %ne3A_189 = arith.constant 0 : i32
    %ne3A_190 = vector.broadcast %ne3A_189 : i32 to vector<16xi32>
    %ne3A_191 = arith.cmpi ne, %rem3A_188, %ne3A_190 : vector<16xi32>
    %and3A_192 = arith.andi %ne3A_186, %ne3A_191 : vector<16xi1>
    %sub3A_193 = arith.constant 1 : i32
    %sub3A_194 = vector.broadcast %sub3A_193 : i32 to vector<16xi32>
    %sub3A_195 = arith.subi %div3A_168, %sub3A_194 : vector<16xi32>
    %select_n3A_196 = arith.select %and3A_192, %sub3A_195, %div3A_168 : vector<16xi1>, vector<16xi32>
    %mul3A_197 = arith.constant 256 : i32
    %mul3A_198 = vector.broadcast %mul3A_197 : i32 to vector<16xi32>
    %mul3A_199 = arith.muli %select_n3A_196, %mul3A_198 : vector<16xi32>
    %add3A_200 = arith.constant 16 : i32
    %add3A_201 = vector.broadcast %add3A_200 : i32 to vector<16xi32>
    %add3A_202 = arith.addi %iota3A, %add3A_201 : vector<16xi32>
    %jit3A_203 = arith.constant 2 : i32
    %eq3A_204 = arith.constant 0 : i32
    %eq3A_205 = arith.cmpi eq, %jit3A_203, %eq3A_204 : i32
    %jit3A_206 = arith.constant 1 : i32
    %select_n3A_207 = arith.select %eq3A_205, %jit3A_206, %jit3A_203 : i32
    %rem3A_208 = vector.broadcast %select_n3A_207 : i32 to vector<16xi32>
    %rem3A_209 = arith.remsi %add3A_202, %rem3A_208 : vector<16xi32>
    %ne3A_210 = arith.constant 0 : i32
    %ne3A_211 = vector.broadcast %ne3A_210 : i32 to vector<16xi32>
    %ne3A_212 = arith.cmpi ne, %rem3A_209, %ne3A_211 : vector<16xi32>
    %lt3A_213 = arith.constant 0 : i32
    %lt3A_214 = vector.broadcast %lt3A_213 : i32 to vector<16xi32>
    %lt3A_215 = arith.cmpi slt, %rem3A_209, %lt3A_214 : vector<16xi32>
    %lt3A_216 = arith.constant 0 : i32
    %lt3A_217 = arith.cmpi slt, %select_n3A_207, %lt3A_216 : i32
    %ne3A_218 = vector.broadcast %lt3A_217 : i1 to vector<16xi1>
    %ne3A_219 = vector.broadcast %ne3A_218 : vector<16xi1> to vector<16xi1>
    %ne3A_220 = arith.xori %lt3A_215, %ne3A_219 : vector<16xi1>
    %and3A_221 = arith.andi %ne3A_220, %ne3A_212 : vector<16xi1>
    %add3A_222 = vector.broadcast %select_n3A_207 : i32 to vector<16xi32>
    %add3A_223 = arith.addi %rem3A_209, %add3A_222 : vector<16xi32>
    %select_n3A_224 = arith.select %and3A_221, %add3A_223, %rem3A_209 : vector<16xi1>, vector<16xi32>
    %add3A_225 = arith.addi %mul3A_199, %select_n3A_224 : vector<16xi32>
    %add3A_226 = arith.constant 32 : i32
    %add3A_227 = vector.broadcast %add3A_226 : i32 to vector<16xi32>
    %add3A_228 = arith.addi %iota3A, %add3A_227 : vector<16xi32>
    %jit3A_229 = arith.constant 2 : i32
    %div3A_230 = vector.broadcast %jit3A_229 : i32 to vector<16xi32>
    %div3A_231 = arith.divsi %add3A_228, %div3A_230 : vector<16xi32>
    %sign3A_232 = arith.constant 0 : i32
    %sign3A_233 = vector.broadcast %sign3A_232 : i32 to vector<16xi32>
    %sign3A_234 = arith.cmpi sgt, %add3A_228, %sign3A_233 : vector<16xi32>
    %sign3A_235 = arith.extui %sign3A_234 : vector<16xi1> to vector<16xi32>
    %sign3A_236 = arith.constant 0 : i32
    %sign3A_237 = vector.broadcast %sign3A_236 : i32 to vector<16xi32>
    %sign3A_238 = arith.cmpi slt, %add3A_228, %sign3A_237 : vector<16xi32>
    %sign3A_239 = arith.extui %sign3A_238 : vector<16xi1> to vector<16xi32>
    %sign3A_240 = arith.subi %sign3A_235, %sign3A_239 : vector<16xi32>
    %sign3A_241 = arith.constant 0 : i32
    %sign3A_242 = arith.cmpi sgt, %jit3A_229, %sign3A_241 : i32
    %sign3A_243 = arith.extui %sign3A_242 : i1 to i32
    %sign3A_244 = arith.constant 0 : i32
    %sign3A_245 = arith.cmpi slt, %jit3A_229, %sign3A_244 : i32
    %sign3A_246 = arith.extui %sign3A_245 : i1 to i32
    %sign3A_247 = arith.subi %sign3A_243, %sign3A_246 : i32
    %ne3A_248 = vector.broadcast %sign3A_247 : i32 to vector<16xi32>
    %ne3A_249 = arith.cmpi ne, %sign3A_240, %ne3A_248 : vector<16xi32>
    %rem3A_250 = vector.broadcast %jit3A_229 : i32 to vector<16xi32>
    %rem3A_251 = arith.remsi %add3A_228, %rem3A_250 : vector<16xi32>
    %ne3A_252 = arith.constant 0 : i32
    %ne3A_253 = vector.broadcast %ne3A_252 : i32 to vector<16xi32>
    %ne3A_254 = arith.cmpi ne, %rem3A_251, %ne3A_253 : vector<16xi32>
    %and3A_255 = arith.andi %ne3A_249, %ne3A_254 : vector<16xi1>
    %sub3A_256 = arith.constant 1 : i32
    %sub3A_257 = vector.broadcast %sub3A_256 : i32 to vector<16xi32>
    %sub3A_258 = arith.subi %div3A_231, %sub3A_257 : vector<16xi32>
    %select_n3A_259 = arith.select %and3A_255, %sub3A_258, %div3A_231 : vector<16xi1>, vector<16xi32>
    %mul3A_260 = arith.constant 256 : i32
    %mul3A_261 = vector.broadcast %mul3A_260 : i32 to vector<16xi32>
    %mul3A_262 = arith.muli %select_n3A_259, %mul3A_261 : vector<16xi32>
    %add3A_263 = arith.constant 32 : i32
    %add3A_264 = vector.broadcast %add3A_263 : i32 to vector<16xi32>
    %add3A_265 = arith.addi %iota3A, %add3A_264 : vector<16xi32>
    %jit3A_266 = arith.constant 2 : i32
    %eq3A_267 = arith.constant 0 : i32
    %eq3A_268 = arith.cmpi eq, %jit3A_266, %eq3A_267 : i32
    %jit3A_269 = arith.constant 1 : i32
    %select_n3A_270 = arith.select %eq3A_268, %jit3A_269, %jit3A_266 : i32
    %rem3A_271 = vector.broadcast %select_n3A_270 : i32 to vector<16xi32>
    %rem3A_272 = arith.remsi %add3A_265, %rem3A_271 : vector<16xi32>
    %ne3A_273 = arith.constant 0 : i32
    %ne3A_274 = vector.broadcast %ne3A_273 : i32 to vector<16xi32>
    %ne3A_275 = arith.cmpi ne, %rem3A_272, %ne3A_274 : vector<16xi32>
    %lt3A_276 = arith.constant 0 : i32
    %lt3A_277 = vector.broadcast %lt3A_276 : i32 to vector<16xi32>
    %lt3A_278 = arith.cmpi slt, %rem3A_272, %lt3A_277 : vector<16xi32>
    %lt3A_279 = arith.constant 0 : i32
    %lt3A_280 = arith.cmpi slt, %select_n3A_270, %lt3A_279 : i32
    %ne3A_281 = vector.broadcast %lt3A_280 : i1 to vector<16xi1>
    %ne3A_282 = vector.broadcast %ne3A_281 : vector<16xi1> to vector<16xi1>
    %ne3A_283 = arith.xori %lt3A_278, %ne3A_282 : vector<16xi1>
    %and3A_284 = arith.andi %ne3A_283, %ne3A_275 : vector<16xi1>
    %add3A_285 = vector.broadcast %select_n3A_270 : i32 to vector<16xi32>
    %add3A_286 = arith.addi %rem3A_272, %add3A_285 : vector<16xi32>
    %select_n3A_287 = arith.select %and3A_284, %add3A_286, %rem3A_272 : vector<16xi1>, vector<16xi32>
    %add3A_288 = arith.addi %mul3A_262, %select_n3A_287 : vector<16xi32>
    %add3A_289 = arith.constant 48 : i32
    %add3A_290 = vector.broadcast %add3A_289 : i32 to vector<16xi32>
    %add3A_291 = arith.addi %iota3A, %add3A_290 : vector<16xi32>
    %jit3A_292 = arith.constant 2 : i32
    %div3A_293 = vector.broadcast %jit3A_292 : i32 to vector<16xi32>
    %div3A_294 = arith.divsi %add3A_291, %div3A_293 : vector<16xi32>
    %sign3A_295 = arith.constant 0 : i32
    %sign3A_296 = vector.broadcast %sign3A_295 : i32 to vector<16xi32>
    %sign3A_297 = arith.cmpi sgt, %add3A_291, %sign3A_296 : vector<16xi32>
    %sign3A_298 = arith.extui %sign3A_297 : vector<16xi1> to vector<16xi32>
    %sign3A_299 = arith.constant 0 : i32
    %sign3A_300 = vector.broadcast %sign3A_299 : i32 to vector<16xi32>
    %sign3A_301 = arith.cmpi slt, %add3A_291, %sign3A_300 : vector<16xi32>
    %sign3A_302 = arith.extui %sign3A_301 : vector<16xi1> to vector<16xi32>
    %sign3A_303 = arith.subi %sign3A_298, %sign3A_302 : vector<16xi32>
    %sign3A_304 = arith.constant 0 : i32
    %sign3A_305 = arith.cmpi sgt, %jit3A_292, %sign3A_304 : i32
    %sign3A_306 = arith.extui %sign3A_305 : i1 to i32
    %sign3A_307 = arith.constant 0 : i32
    %sign3A_308 = arith.cmpi slt, %jit3A_292, %sign3A_307 : i32
    %sign3A_309 = arith.extui %sign3A_308 : i1 to i32
    %sign3A_310 = arith.subi %sign3A_306, %sign3A_309 : i32
    %ne3A_311 = vector.broadcast %sign3A_310 : i32 to vector<16xi32>
    %ne3A_312 = arith.cmpi ne, %sign3A_303, %ne3A_311 : vector<16xi32>
    %rem3A_313 = vector.broadcast %jit3A_292 : i32 to vector<16xi32>
    %rem3A_314 = arith.remsi %add3A_291, %rem3A_313 : vector<16xi32>
    %ne3A_315 = arith.constant 0 : i32
    %ne3A_316 = vector.broadcast %ne3A_315 : i32 to vector<16xi32>
    %ne3A_317 = arith.cmpi ne, %rem3A_314, %ne3A_316 : vector<16xi32>
    %and3A_318 = arith.andi %ne3A_312, %ne3A_317 : vector<16xi1>
    %sub3A_319 = arith.constant 1 : i32
    %sub3A_320 = vector.broadcast %sub3A_319 : i32 to vector<16xi32>
    %sub3A_321 = arith.subi %div3A_294, %sub3A_320 : vector<16xi32>
    %select_n3A_322 = arith.select %and3A_318, %sub3A_321, %div3A_294 : vector<16xi1>, vector<16xi32>
    %mul3A_323 = arith.constant 256 : i32
    %mul3A_324 = vector.broadcast %mul3A_323 : i32 to vector<16xi32>
    %mul3A_325 = arith.muli %select_n3A_322, %mul3A_324 : vector<16xi32>
    %add3A_326 = arith.constant 48 : i32
    %add3A_327 = vector.broadcast %add3A_326 : i32 to vector<16xi32>
    %add3A_328 = arith.addi %iota3A, %add3A_327 : vector<16xi32>
    %jit3A_329 = arith.constant 2 : i32
    %eq3A_330 = arith.constant 0 : i32
    %eq3A_331 = arith.cmpi eq, %jit3A_329, %eq3A_330 : i32
    %jit3A_332 = arith.constant 1 : i32
    %select_n3A_333 = arith.select %eq3A_331, %jit3A_332, %jit3A_329 : i32
    %rem3A_334 = vector.broadcast %select_n3A_333 : i32 to vector<16xi32>
    %rem3A_335 = arith.remsi %add3A_328, %rem3A_334 : vector<16xi32>
    %ne3A_336 = arith.constant 0 : i32
    %ne3A_337 = vector.broadcast %ne3A_336 : i32 to vector<16xi32>
    %ne3A_338 = arith.cmpi ne, %rem3A_335, %ne3A_337 : vector<16xi32>
    %lt3A_339 = arith.constant 0 : i32
    %lt3A_340 = vector.broadcast %lt3A_339 : i32 to vector<16xi32>
    %lt3A_341 = arith.cmpi slt, %rem3A_335, %lt3A_340 : vector<16xi32>
    %lt3A_342 = arith.constant 0 : i32
    %lt3A_343 = arith.cmpi slt, %select_n3A_333, %lt3A_342 : i32
    %ne3A_344 = vector.broadcast %lt3A_343 : i1 to vector<16xi1>
    %ne3A_345 = vector.broadcast %ne3A_344 : vector<16xi1> to vector<16xi1>
    %ne3A_346 = arith.xori %lt3A_341, %ne3A_345 : vector<16xi1>
    %and3A_347 = arith.andi %ne3A_346, %ne3A_338 : vector<16xi1>
    %add3A_348 = vector.broadcast %select_n3A_333 : i32 to vector<16xi32>
    %add3A_349 = arith.addi %rem3A_335, %add3A_348 : vector<16xi32>
    %select_n3A_350 = arith.select %and3A_347, %add3A_349, %rem3A_335 : vector<16xi1>, vector<16xi32>
    %add3A_351 = arith.addi %mul3A_325, %select_n3A_350 : vector<16xi32>
    %add3A_352 = arith.constant 64 : i32
    %add3A_353 = vector.broadcast %add3A_352 : i32 to vector<16xi32>
    %add3A_354 = arith.addi %iota3A, %add3A_353 : vector<16xi32>
    %jit3A_355 = arith.constant 2 : i32
    %div3A_356 = vector.broadcast %jit3A_355 : i32 to vector<16xi32>
    %div3A_357 = arith.divsi %add3A_354, %div3A_356 : vector<16xi32>
    %sign3A_358 = arith.constant 0 : i32
    %sign3A_359 = vector.broadcast %sign3A_358 : i32 to vector<16xi32>
    %sign3A_360 = arith.cmpi sgt, %add3A_354, %sign3A_359 : vector<16xi32>
    %sign3A_361 = arith.extui %sign3A_360 : vector<16xi1> to vector<16xi32>
    %sign3A_362 = arith.constant 0 : i32
    %sign3A_363 = vector.broadcast %sign3A_362 : i32 to vector<16xi32>
    %sign3A_364 = arith.cmpi slt, %add3A_354, %sign3A_363 : vector<16xi32>
    %sign3A_365 = arith.extui %sign3A_364 : vector<16xi1> to vector<16xi32>
    %sign3A_366 = arith.subi %sign3A_361, %sign3A_365 : vector<16xi32>
    %sign3A_367 = arith.constant 0 : i32
    %sign3A_368 = arith.cmpi sgt, %jit3A_355, %sign3A_367 : i32
    %sign3A_369 = arith.extui %sign3A_368 : i1 to i32
    %sign3A_370 = arith.constant 0 : i32
    %sign3A_371 = arith.cmpi slt, %jit3A_355, %sign3A_370 : i32
    %sign3A_372 = arith.extui %sign3A_371 : i1 to i32
    %sign3A_373 = arith.subi %sign3A_369, %sign3A_372 : i32
    %ne3A_374 = vector.broadcast %sign3A_373 : i32 to vector<16xi32>
    %ne3A_375 = arith.cmpi ne, %sign3A_366, %ne3A_374 : vector<16xi32>
    %rem3A_376 = vector.broadcast %jit3A_355 : i32 to vector<16xi32>
    %rem3A_377 = arith.remsi %add3A_354, %rem3A_376 : vector<16xi32>
    %ne3A_378 = arith.constant 0 : i32
    %ne3A_379 = vector.broadcast %ne3A_378 : i32 to vector<16xi32>
    %ne3A_380 = arith.cmpi ne, %rem3A_377, %ne3A_379 : vector<16xi32>
    %and3A_381 = arith.andi %ne3A_375, %ne3A_380 : vector<16xi1>
    %sub3A_382 = arith.constant 1 : i32
    %sub3A_383 = vector.broadcast %sub3A_382 : i32 to vector<16xi32>
    %sub3A_384 = arith.subi %div3A_357, %sub3A_383 : vector<16xi32>
    %select_n3A_385 = arith.select %and3A_381, %sub3A_384, %div3A_357 : vector<16xi1>, vector<16xi32>
    %mul3A_386 = arith.constant 256 : i32
    %mul3A_387 = vector.broadcast %mul3A_386 : i32 to vector<16xi32>
    %mul3A_388 = arith.muli %select_n3A_385, %mul3A_387 : vector<16xi32>
    %add3A_389 = arith.constant 64 : i32
    %add3A_390 = vector.broadcast %add3A_389 : i32 to vector<16xi32>
    %add3A_391 = arith.addi %iota3A, %add3A_390 : vector<16xi32>
    %jit3A_392 = arith.constant 2 : i32
    %eq3A_393 = arith.constant 0 : i32
    %eq3A_394 = arith.cmpi eq, %jit3A_392, %eq3A_393 : i32
    %jit3A_395 = arith.constant 1 : i32
    %select_n3A_396 = arith.select %eq3A_394, %jit3A_395, %jit3A_392 : i32
    %rem3A_397 = vector.broadcast %select_n3A_396 : i32 to vector<16xi32>
    %rem3A_398 = arith.remsi %add3A_391, %rem3A_397 : vector<16xi32>
    %ne3A_399 = arith.constant 0 : i32
    %ne3A_400 = vector.broadcast %ne3A_399 : i32 to vector<16xi32>
    %ne3A_401 = arith.cmpi ne, %rem3A_398, %ne3A_400 : vector<16xi32>
    %lt3A_402 = arith.constant 0 : i32
    %lt3A_403 = vector.broadcast %lt3A_402 : i32 to vector<16xi32>
    %lt3A_404 = arith.cmpi slt, %rem3A_398, %lt3A_403 : vector<16xi32>
    %lt3A_405 = arith.constant 0 : i32
    %lt3A_406 = arith.cmpi slt, %select_n3A_396, %lt3A_405 : i32
    %ne3A_407 = vector.broadcast %lt3A_406 : i1 to vector<16xi1>
    %ne3A_408 = vector.broadcast %ne3A_407 : vector<16xi1> to vector<16xi1>
    %ne3A_409 = arith.xori %lt3A_404, %ne3A_408 : vector<16xi1>
    %and3A_410 = arith.andi %ne3A_409, %ne3A_401 : vector<16xi1>
    %add3A_411 = vector.broadcast %select_n3A_396 : i32 to vector<16xi32>
    %add3A_412 = arith.addi %rem3A_398, %add3A_411 : vector<16xi32>
    %select_n3A_413 = arith.select %and3A_410, %add3A_412, %rem3A_398 : vector<16xi1>, vector<16xi32>
    %add3A_414 = arith.addi %mul3A_388, %select_n3A_413 : vector<16xi32>
    %add3A_415 = arith.constant 80 : i32
    %add3A_416 = vector.broadcast %add3A_415 : i32 to vector<16xi32>
    %add3A_417 = arith.addi %iota3A, %add3A_416 : vector<16xi32>
    %jit3A_418 = arith.constant 2 : i32
    %div3A_419 = vector.broadcast %jit3A_418 : i32 to vector<16xi32>
    %div3A_420 = arith.divsi %add3A_417, %div3A_419 : vector<16xi32>
    %sign3A_421 = arith.constant 0 : i32
    %sign3A_422 = vector.broadcast %sign3A_421 : i32 to vector<16xi32>
    %sign3A_423 = arith.cmpi sgt, %add3A_417, %sign3A_422 : vector<16xi32>
    %sign3A_424 = arith.extui %sign3A_423 : vector<16xi1> to vector<16xi32>
    %sign3A_425 = arith.constant 0 : i32
    %sign3A_426 = vector.broadcast %sign3A_425 : i32 to vector<16xi32>
    %sign3A_427 = arith.cmpi slt, %add3A_417, %sign3A_426 : vector<16xi32>
    %sign3A_428 = arith.extui %sign3A_427 : vector<16xi1> to vector<16xi32>
    %sign3A_429 = arith.subi %sign3A_424, %sign3A_428 : vector<16xi32>
    %sign3A_430 = arith.constant 0 : i32
    %sign3A_431 = arith.cmpi sgt, %jit3A_418, %sign3A_430 : i32
    %sign3A_432 = arith.extui %sign3A_431 : i1 to i32
    %sign3A_433 = arith.constant 0 : i32
    %sign3A_434 = arith.cmpi slt, %jit3A_418, %sign3A_433 : i32
    %sign3A_435 = arith.extui %sign3A_434 : i1 to i32
    %sign3A_436 = arith.subi %sign3A_432, %sign3A_435 : i32
    %ne3A_437 = vector.broadcast %sign3A_436 : i32 to vector<16xi32>
    %ne3A_438 = arith.cmpi ne, %sign3A_429, %ne3A_437 : vector<16xi32>
    %rem3A_439 = vector.broadcast %jit3A_418 : i32 to vector<16xi32>
    %rem3A_440 = arith.remsi %add3A_417, %rem3A_439 : vector<16xi32>
    %ne3A_441 = arith.constant 0 : i32
    %ne3A_442 = vector.broadcast %ne3A_441 : i32 to vector<16xi32>
    %ne3A_443 = arith.cmpi ne, %rem3A_440, %ne3A_442 : vector<16xi32>
    %and3A_444 = arith.andi %ne3A_438, %ne3A_443 : vector<16xi1>
    %sub3A_445 = arith.constant 1 : i32
    %sub3A_446 = vector.broadcast %sub3A_445 : i32 to vector<16xi32>
    %sub3A_447 = arith.subi %div3A_420, %sub3A_446 : vector<16xi32>
    %select_n3A_448 = arith.select %and3A_444, %sub3A_447, %div3A_420 : vector<16xi1>, vector<16xi32>
    %mul3A_449 = arith.constant 256 : i32
    %mul3A_450 = vector.broadcast %mul3A_449 : i32 to vector<16xi32>
    %mul3A_451 = arith.muli %select_n3A_448, %mul3A_450 : vector<16xi32>
    %add3A_452 = arith.constant 80 : i32
    %add3A_453 = vector.broadcast %add3A_452 : i32 to vector<16xi32>
    %add3A_454 = arith.addi %iota3A, %add3A_453 : vector<16xi32>
    %jit3A_455 = arith.constant 2 : i32
    %eq3A_456 = arith.constant 0 : i32
    %eq3A_457 = arith.cmpi eq, %jit3A_455, %eq3A_456 : i32
    %jit3A_458 = arith.constant 1 : i32
    %select_n3A_459 = arith.select %eq3A_457, %jit3A_458, %jit3A_455 : i32
    %rem3A_460 = vector.broadcast %select_n3A_459 : i32 to vector<16xi32>
    %rem3A_461 = arith.remsi %add3A_454, %rem3A_460 : vector<16xi32>
    %ne3A_462 = arith.constant 0 : i32
    %ne3A_463 = vector.broadcast %ne3A_462 : i32 to vector<16xi32>
    %ne3A_464 = arith.cmpi ne, %rem3A_461, %ne3A_463 : vector<16xi32>
    %lt3A_465 = arith.constant 0 : i32
    %lt3A_466 = vector.broadcast %lt3A_465 : i32 to vector<16xi32>
    %lt3A_467 = arith.cmpi slt, %rem3A_461, %lt3A_466 : vector<16xi32>
    %lt3A_468 = arith.constant 0 : i32
    %lt3A_469 = arith.cmpi slt, %select_n3A_459, %lt3A_468 : i32
    %ne3A_470 = vector.broadcast %lt3A_469 : i1 to vector<16xi1>
    %ne3A_471 = vector.broadcast %ne3A_470 : vector<16xi1> to vector<16xi1>
    %ne3A_472 = arith.xori %lt3A_467, %ne3A_471 : vector<16xi1>
    %and3A_473 = arith.andi %ne3A_472, %ne3A_464 : vector<16xi1>
    %add3A_474 = vector.broadcast %select_n3A_459 : i32 to vector<16xi32>
    %add3A_475 = arith.addi %rem3A_461, %add3A_474 : vector<16xi32>
    %select_n3A_476 = arith.select %and3A_473, %add3A_475, %rem3A_461 : vector<16xi1>, vector<16xi32>
    %add3A_477 = arith.addi %mul3A_451, %select_n3A_476 : vector<16xi32>
    %add3A_478 = arith.constant 96 : i32
    %add3A_479 = vector.broadcast %add3A_478 : i32 to vector<16xi32>
    %add3A_480 = arith.addi %iota3A, %add3A_479 : vector<16xi32>
    %jit3A_481 = arith.constant 2 : i32
    %div3A_482 = vector.broadcast %jit3A_481 : i32 to vector<16xi32>
    %div3A_483 = arith.divsi %add3A_480, %div3A_482 : vector<16xi32>
    %sign3A_484 = arith.constant 0 : i32
    %sign3A_485 = vector.broadcast %sign3A_484 : i32 to vector<16xi32>
    %sign3A_486 = arith.cmpi sgt, %add3A_480, %sign3A_485 : vector<16xi32>
    %sign3A_487 = arith.extui %sign3A_486 : vector<16xi1> to vector<16xi32>
    %sign3A_488 = arith.constant 0 : i32
    %sign3A_489 = vector.broadcast %sign3A_488 : i32 to vector<16xi32>
    %sign3A_490 = arith.cmpi slt, %add3A_480, %sign3A_489 : vector<16xi32>
    %sign3A_491 = arith.extui %sign3A_490 : vector<16xi1> to vector<16xi32>
    %sign3A_492 = arith.subi %sign3A_487, %sign3A_491 : vector<16xi32>
    %sign3A_493 = arith.constant 0 : i32
    %sign3A_494 = arith.cmpi sgt, %jit3A_481, %sign3A_493 : i32
    %sign3A_495 = arith.extui %sign3A_494 : i1 to i32
    %sign3A_496 = arith.constant 0 : i32
    %sign3A_497 = arith.cmpi slt, %jit3A_481, %sign3A_496 : i32
    %sign3A_498 = arith.extui %sign3A_497 : i1 to i32
    %sign3A_499 = arith.subi %sign3A_495, %sign3A_498 : i32
    %ne3A_500 = vector.broadcast %sign3A_499 : i32 to vector<16xi32>
    %ne3A_501 = arith.cmpi ne, %sign3A_492, %ne3A_500 : vector<16xi32>
    %rem3A_502 = vector.broadcast %jit3A_481 : i32 to vector<16xi32>
    %rem3A_503 = arith.remsi %add3A_480, %rem3A_502 : vector<16xi32>
    %ne3A_504 = arith.constant 0 : i32
    %ne3A_505 = vector.broadcast %ne3A_504 : i32 to vector<16xi32>
    %ne3A_506 = arith.cmpi ne, %rem3A_503, %ne3A_505 : vector<16xi32>
    %and3A_507 = arith.andi %ne3A_501, %ne3A_506 : vector<16xi1>
    %sub3A_508 = arith.constant 1 : i32
    %sub3A_509 = vector.broadcast %sub3A_508 : i32 to vector<16xi32>
    %sub3A_510 = arith.subi %div3A_483, %sub3A_509 : vector<16xi32>
    %select_n3A_511 = arith.select %and3A_507, %sub3A_510, %div3A_483 : vector<16xi1>, vector<16xi32>
    %mul3A_512 = arith.constant 256 : i32
    %mul3A_513 = vector.broadcast %mul3A_512 : i32 to vector<16xi32>
    %mul3A_514 = arith.muli %select_n3A_511, %mul3A_513 : vector<16xi32>
    %add3A_515 = arith.constant 96 : i32
    %add3A_516 = vector.broadcast %add3A_515 : i32 to vector<16xi32>
    %add3A_517 = arith.addi %iota3A, %add3A_516 : vector<16xi32>
    %jit3A_518 = arith.constant 2 : i32
    %eq3A_519 = arith.constant 0 : i32
    %eq3A_520 = arith.cmpi eq, %jit3A_518, %eq3A_519 : i32
    %jit3A_521 = arith.constant 1 : i32
    %select_n3A_522 = arith.select %eq3A_520, %jit3A_521, %jit3A_518 : i32
    %rem3A_523 = vector.broadcast %select_n3A_522 : i32 to vector<16xi32>
    %rem3A_524 = arith.remsi %add3A_517, %rem3A_523 : vector<16xi32>
    %ne3A_525 = arith.constant 0 : i32
    %ne3A_526 = vector.broadcast %ne3A_525 : i32 to vector<16xi32>
    %ne3A_527 = arith.cmpi ne, %rem3A_524, %ne3A_526 : vector<16xi32>
    %lt3A_528 = arith.constant 0 : i32
    %lt3A_529 = vector.broadcast %lt3A_528 : i32 to vector<16xi32>
    %lt3A_530 = arith.cmpi slt, %rem3A_524, %lt3A_529 : vector<16xi32>
    %lt3A_531 = arith.constant 0 : i32
    %lt3A_532 = arith.cmpi slt, %select_n3A_522, %lt3A_531 : i32
    %ne3A_533 = vector.broadcast %lt3A_532 : i1 to vector<16xi1>
    %ne3A_534 = vector.broadcast %ne3A_533 : vector<16xi1> to vector<16xi1>
    %ne3A_535 = arith.xori %lt3A_530, %ne3A_534 : vector<16xi1>
    %and3A_536 = arith.andi %ne3A_535, %ne3A_527 : vector<16xi1>
    %add3A_537 = vector.broadcast %select_n3A_522 : i32 to vector<16xi32>
    %add3A_538 = arith.addi %rem3A_524, %add3A_537 : vector<16xi32>
    %select_n3A_539 = arith.select %and3A_536, %add3A_538, %rem3A_524 : vector<16xi1>, vector<16xi32>
    %add3A_540 = arith.addi %mul3A_514, %select_n3A_539 : vector<16xi32>
    %add3A_541 = arith.constant 112 : i32
    %add3A_542 = vector.broadcast %add3A_541 : i32 to vector<16xi32>
    %add3A_543 = arith.addi %iota3A, %add3A_542 : vector<16xi32>
    %jit3A_544 = arith.constant 2 : i32
    %div3A_545 = vector.broadcast %jit3A_544 : i32 to vector<16xi32>
    %div3A_546 = arith.divsi %add3A_543, %div3A_545 : vector<16xi32>
    %sign3A_547 = arith.constant 0 : i32
    %sign3A_548 = vector.broadcast %sign3A_547 : i32 to vector<16xi32>
    %sign3A_549 = arith.cmpi sgt, %add3A_543, %sign3A_548 : vector<16xi32>
    %sign3A_550 = arith.extui %sign3A_549 : vector<16xi1> to vector<16xi32>
    %sign3A_551 = arith.constant 0 : i32
    %sign3A_552 = vector.broadcast %sign3A_551 : i32 to vector<16xi32>
    %sign3A_553 = arith.cmpi slt, %add3A_543, %sign3A_552 : vector<16xi32>
    %sign3A_554 = arith.extui %sign3A_553 : vector<16xi1> to vector<16xi32>
    %sign3A_555 = arith.subi %sign3A_550, %sign3A_554 : vector<16xi32>
    %sign3A_556 = arith.constant 0 : i32
    %sign3A_557 = arith.cmpi sgt, %jit3A_544, %sign3A_556 : i32
    %sign3A_558 = arith.extui %sign3A_557 : i1 to i32
    %sign3A_559 = arith.constant 0 : i32
    %sign3A_560 = arith.cmpi slt, %jit3A_544, %sign3A_559 : i32
    %sign3A_561 = arith.extui %sign3A_560 : i1 to i32
    %sign3A_562 = arith.subi %sign3A_558, %sign3A_561 : i32
    %ne3A_563 = vector.broadcast %sign3A_562 : i32 to vector<16xi32>
    %ne3A_564 = arith.cmpi ne, %sign3A_555, %ne3A_563 : vector<16xi32>
    %rem3A_565 = vector.broadcast %jit3A_544 : i32 to vector<16xi32>
    %rem3A_566 = arith.remsi %add3A_543, %rem3A_565 : vector<16xi32>
    %ne3A_567 = arith.constant 0 : i32
    %ne3A_568 = vector.broadcast %ne3A_567 : i32 to vector<16xi32>
    %ne3A_569 = arith.cmpi ne, %rem3A_566, %ne3A_568 : vector<16xi32>
    %and3A_570 = arith.andi %ne3A_564, %ne3A_569 : vector<16xi1>
    %sub3A_571 = arith.constant 1 : i32
    %sub3A_572 = vector.broadcast %sub3A_571 : i32 to vector<16xi32>
    %sub3A_573 = arith.subi %div3A_546, %sub3A_572 : vector<16xi32>
    %select_n3A_574 = arith.select %and3A_570, %sub3A_573, %div3A_546 : vector<16xi1>, vector<16xi32>
    %mul3A_575 = arith.constant 256 : i32
    %mul3A_576 = vector.broadcast %mul3A_575 : i32 to vector<16xi32>
    %mul3A_577 = arith.muli %select_n3A_574, %mul3A_576 : vector<16xi32>
    %add3A_578 = arith.constant 112 : i32
    %add3A_579 = vector.broadcast %add3A_578 : i32 to vector<16xi32>
    %add3A_580 = arith.addi %iota3A, %add3A_579 : vector<16xi32>
    %jit3A_581 = arith.constant 2 : i32
    %eq3A_582 = arith.constant 0 : i32
    %eq3A_583 = arith.cmpi eq, %jit3A_581, %eq3A_582 : i32
    %jit3A_584 = arith.constant 1 : i32
    %select_n3A_585 = arith.select %eq3A_583, %jit3A_584, %jit3A_581 : i32
    %rem3A_586 = vector.broadcast %select_n3A_585 : i32 to vector<16xi32>
    %rem3A_587 = arith.remsi %add3A_580, %rem3A_586 : vector<16xi32>
    %ne3A_588 = arith.constant 0 : i32
    %ne3A_589 = vector.broadcast %ne3A_588 : i32 to vector<16xi32>
    %ne3A_590 = arith.cmpi ne, %rem3A_587, %ne3A_589 : vector<16xi32>
    %lt3A_591 = arith.constant 0 : i32
    %lt3A_592 = vector.broadcast %lt3A_591 : i32 to vector<16xi32>
    %lt3A_593 = arith.cmpi slt, %rem3A_587, %lt3A_592 : vector<16xi32>
    %lt3A_594 = arith.constant 0 : i32
    %lt3A_595 = arith.cmpi slt, %select_n3A_585, %lt3A_594 : i32
    %ne3A_596 = vector.broadcast %lt3A_595 : i1 to vector<16xi1>
    %ne3A_597 = vector.broadcast %ne3A_596 : vector<16xi1> to vector<16xi1>
    %ne3A_598 = arith.xori %lt3A_593, %ne3A_597 : vector<16xi1>
    %and3A_599 = arith.andi %ne3A_598, %ne3A_590 : vector<16xi1>
    %add3A_600 = vector.broadcast %select_n3A_585 : i32 to vector<16xi32>
    %add3A_601 = arith.addi %rem3A_587, %add3A_600 : vector<16xi32>
    %select_n3A_602 = arith.select %and3A_599, %add3A_601, %rem3A_587 : vector<16xi1>, vector<16xi32>
    %add3A_603 = arith.addi %mul3A_577, %select_n3A_602 : vector<16xi32>
    %mul3A_604 = arith.constant 4 : i32
    %mul3A_605 = arith.muli %add3A, %mul3A_604 : i32
    %add3A_606 = arith.constant 0 : i32
    %add3A_607 = arith.addi %mul3A_605, %add3A_606 : i32
    %mul3A_608 = arith.constant 128 : i32
    %mul3A_609 = arith.muli %add3A_607, %mul3A_608 : i32
    %dma_start3A = arith.constant 0 : i32
    %dma_start3A_610 = arith.constant 0 : i32
    %dma_start3A_611 = arith.constant 0 : i32
    %dma_start3A_612 = tpu.memref_slice %arg7[%dma_start3A, %dma_start3A_610, %dma_start3A_611] : memref<2x128x128xf32, #tpu.memory_space<vmem>> -> memref<1x128x128xf32, #tpu.memory_space<vmem>>
    %dma_start3A_613 = tpu.memref_squeeze %dma_start3A_612 : memref<1x128x128xf32, #tpu.memory_space<vmem>> -> memref<128x128xf32, #tpu.memory_space<vmem>>
    %dma_start3A_614 = arith.constant 0 : i32
    %dma_start3A_615 = tpu.memref_slice %arg2[%mul3A_609, %dma_start3A_614] : memref<16384x128xf32, #tpu.memory_space<hbm>> -> memref<128x128xf32, #tpu.memory_space<hbm>>
    %dma_start3A_616 = arith.constant 0 : i32
    %dma_start3A_617 = arith.constant 0 : i32
    %dma_start3A_618 = tpu.memref_slice %arg7[%dma_start3A, %dma_start3A_616, %dma_start3A_617] : memref<2x128x128xf32, #tpu.memory_space<vmem>> -> memref<1x128x128xf32, #tpu.memory_space<vmem>>
    %dma_start3A_619 = tpu.memref_squeeze %dma_start3A_618 : memref<1x128x128xf32, #tpu.memory_space<vmem>> -> memref<128x128xf32, #tpu.memory_space<vmem>>
    %dma_start3A_620 = arith.constant 0 : i32
    %dma_start3A_621 = tpu.memref_slice %arg2[%mul3A_609, %dma_start3A_620] : memref<16384x128xf32, #tpu.memory_space<hbm>> -> memref<128x128xf32, #tpu.memory_space<hbm>>
    tpu.enqueue_dma source(%dma_start3A_621 : memref<128x128xf32, #tpu.memory_space<hbm>>) target(%dma_start3A_619 : memref<128x128xf32, #tpu.memory_space<vmem>>) target_semaphore(%arg10 : memref<!tpu.dma_semaphore, #tpu.memory_space<semaphore_mem>>)
    %mul3A_622 = arith.constant 4 : i32
    %mul3A_623 = arith.muli %add3A, %mul3A_622 : i32
    %add3A_624 = arith.constant 1 : i32
    %add3A_625 = arith.addi %mul3A_623, %add3A_624 : i32
    %mul3A_626 = arith.constant 128 : i32
    %mul3A_627 = arith.muli %add3A_625, %mul3A_626 : i32
    %dma_start3A_628 = arith.constant 1 : i32
    %dma_start3A_629 = arith.constant 0 : i32
    %dma_start3A_630 = arith.constant 0 : i32
    %dma_start3A_631 = tpu.memref_slice %arg7[%dma_start3A_628, %dma_start3A_629, %dma_start3A_630] : memref<2x128x128xf32, #tpu.memory_space<vmem>> -> memref<1x128x128xf32, #tpu.memory_space<vmem>>
    %dma_start3A_632 = tpu.memref_squeeze %dma_start3A_631 : memref<1x128x128xf32, #tpu.memory_space<vmem>> -> memref<128x128xf32, #tpu.memory_space<vmem>>
    %dma_start3A_633 = arith.constant 0 : i32
    %dma_start3A_634 = tpu.memref_slice %arg2[%mul3A_627, %dma_start3A_633] : memref<16384x128xf32, #tpu.memory_space<hbm>> -> memref<128x128xf32, #tpu.memory_space<hbm>>
    %dma_start3A_635 = arith.constant 0 : i32
    %dma_start3A_636 = arith.constant 0 : i32
    %dma_start3A_637 = tpu.memref_slice %arg7[%dma_start3A_628, %dma_start3A_635, %dma_start3A_636] : memref<2x128x128xf32, #tpu.memory_space<vmem>> -> memref<1x128x128xf32, #tpu.memory_space<vmem>>
    %dma_start3A_638 = tpu.memref_squeeze %dma_start3A_637 : memref<1x128x128xf32, #tpu.memory_space<vmem>> -> memref<128x128xf32, #tpu.memory_space<vmem>>
    %dma_start3A_639 = arith.constant 0 : i32
    %dma_start3A_640 = tpu.memref_slice %arg2[%mul3A_627, %dma_start3A_639] : memref<16384x128xf32, #tpu.memory_space<hbm>> -> memref<128x128xf32, #tpu.memory_space<hbm>>
    tpu.enqueue_dma source(%dma_start3A_640 : memref<128x128xf32, #tpu.memory_space<hbm>>) target(%dma_start3A_638 : memref<128x128xf32, #tpu.memory_space<vmem>>) target_semaphore(%arg11 : memref<!tpu.dma_semaphore, #tpu.memory_space<semaphore_mem>>)
    %mul3A_641 = arith.constant 4 : i32
    %mul3A_642 = arith.muli %add3A, %mul3A_641 : i32
    %add3A_643 = arith.constant 0 : i32
    %add3A_644 = arith.addi %mul3A_642, %add3A_643 : i32
    %mul3A_645 = arith.constant 2 : i32
    %mul3A_646 = arith.muli %add3A_644, %mul3A_645 : i32
    %add3A_647 = vector.broadcast %mul3A_646 : i32 to vector<16xi32>
    %add3A_648 = arith.addi %add3A_162, %add3A_647 : vector<16xi32>
    %swap3A = arith.constant 0 : i32
    %swap3A_649 = arith.index_cast %swap3A : i32 to index
    %swap3A_650 = arith.constant 0 : index
    %swap3A_651 = tpu.vector_load %arg6[%swap3A_649, %swap3A_650] {strides = array<i32>} : memref<2x128xi32, #tpu.memory_space<vmem>>, vector<16xi32>,
    tpu.vector_store %arg6[%swap3A_649, %swap3A_650], %add3A_648 {strides = array<i32>} : memref<2x128xi32, #tpu.memory_space<vmem>>, vector<16xi32>,
    %add3A_652 = vector.broadcast %mul3A_646 : i32 to vector<16xi32>
    %add3A_653 = arith.addi %add3A_225, %add3A_652 : vector<16xi32>
    %swap3A_654 = arith.constant 0 : i32
    %swap3A_655 = arith.index_cast %swap3A_654 : i32 to index
    %swap3A_656 = arith.constant 16 : index
    %swap3A_657 = tpu.vector_load %arg6[%swap3A_655, %swap3A_656] {strides = array<i32>} : memref<2x128xi32, #tpu.memory_space<vmem>>, vector<16xi32>,
    tpu.vector_store %arg6[%swap3A_655, %swap3A_656], %add3A_653 {strides = array<i32>} : memref<2x128xi32, #tpu.memory_space<vmem>>, vector<16xi32>,
    %add3A_658 = vector.broadcast %mul3A_646 : i32 to vector<16xi32>
    %add3A_659 = arith.addi %add3A_288, %add3A_658 : vector<16xi32>
    %swap3A_660 = arith.constant 0 : i32
    %swap3A_661 = arith.index_cast %swap3A_660 : i32 to index
    %swap3A_662 = arith.constant 32 : index
    %swap3A_663 = tpu.vector_load %arg6[%swap3A_661, %swap3A_662] {strides = array<i32>} : memref<2x128xi32, #tpu.memory_space<vmem>>, vector<16xi32>,
    tpu.vector_store %arg6[%swap3A_661, %swap3A_662], %add3A_659 {strides = array<i32>} : memref<2x128xi32, #tpu.memory_space<vmem>>, vector<16xi32>,
    %add3A_664 = vector.broadcast %mul3A_646 : i32 to vector<16xi32>
    %add3A_665 = arith.addi %add3A_351, %add3A_664 : vector<16xi32>
    %swap3A_666 = arith.constant 0 : i32
    %swap3A_667 = arith.index_cast %swap3A_666 : i32 to index
    %swap3A_668 = arith.constant 48 : index
    %swap3A_669 = tpu.vector_load %arg6[%swap3A_667, %swap3A_668] {strides = array<i32>} : memref<2x128xi32, #tpu.memory_space<vmem>>, vector<16xi32>,
    tpu.vector_store %arg6[%swap3A_667, %swap3A_668], %add3A_665 {strides = array<i32>} : memref<2x128xi32, #tpu.memory_space<vmem>>, vector<16xi32>,
    %add3A_670 = vector.broadcast %mul3A_646 : i32 to vector<16xi32>
    %add3A_671 = arith.addi %add3A_414, %add3A_670 : vector<16xi32>
    %swap3A_672 = arith.constant 0 : i32
    %swap3A_673 = arith.index_cast %swap3A_672 : i32 to index
    %swap3A_674 = arith.constant 64 : index
    %swap3A_675 = tpu.vector_load %arg6[%swap3A_673, %swap3A_674] {strides = array<i32>} : memref<2x128xi32, #tpu.memory_space<vmem>>, vector<16xi32>,
    tpu.vector_store %arg6[%swap3A_673, %swap3A_674], %add3A_671 {strides = array<i32>} : memref<2x128xi32, #tpu.memory_space<vmem>>, vector<16xi32>,
    %add3A_676 = vector.broadcast %mul3A_646 : i32 to vector<16xi32>
    %add3A_677 = arith.addi %add3A_477, %add3A_676 : vector<16xi32>
    %swap3A_678 = arith.constant 0 : i32
    %swap3A_679 = arith.index_cast %swap3A_678 : i32 to index
    %swap3A_680 = arith.constant 80 : index
    %swap3A_681 = tpu.vector_load %arg6[%swap3A_679, %swap3A_680] {strides = array<i32>} : memref<2x128xi32, #tpu.memory_space<vmem>>, vector<16xi32>,
    tpu.vector_store %arg6[%swap3A_679, %swap3A_680], %add3A_677 {strides = array<i32>} : memref<2x128xi32, #tpu.memory_space<vmem>>, vector<16xi32>,
    %add3A_682 = vector.broadcast %mul3A_646 : i32 to vector<16xi32>
    %add3A_683 = arith.addi %add3A_540, %add3A_682 : vector<16xi32>
    %swap3A_684 = arith.constant 0 : i32
    %swap3A_685 = arith.index_cast %swap3A_684 : i32 to index
    %swap3A_686 = arith.constant 96 : index
    %swap3A_687 = tpu.vector_load %arg6[%swap3A_685, %swap3A_686] {strides = array<i32>} : memref<2x128xi32, #tpu.memory_space<vmem>>, vector<16xi32>,
    tpu.vector_store %arg6[%swap3A_685, %swap3A_686], %add3A_683 {strides = array<i32>} : memref<2x128xi32, #tpu.memory_space<vmem>>, vector<16xi32>,
    %add3A_688 = vector.broadcast %mul3A_646 : i32 to vector<16xi32>
    %add3A_689 = arith.addi %add3A_603, %add3A_688 : vector<16xi32>
    %swap3A_690 = arith.constant 0 : i32
    %swap3A_691 = arith.index_cast %swap3A_690 : i32 to index
    %swap3A_692 = arith.constant 112 : index
    %swap3A_693 = tpu.vector_load %arg6[%swap3A_691, %swap3A_692] {strides = array<i32>} : memref<2x128xi32, #tpu.memory_space<vmem>>, vector<16xi32>,
    tpu.vector_store %arg6[%swap3A_691, %swap3A_692], %add3A_689 {strides = array<i32>} : memref<2x128xi32, #tpu.memory_space<vmem>>, vector<16xi32>,
    %mul3A_694 = arith.constant 4 : i32
    %mul3A_695 = arith.muli %add3A, %mul3A_694 : i32
    %add3A_696 = arith.constant 0 : i32
    %add3A_697 = arith.addi %mul3A_695, %add3A_696 : i32
    %mul3A_698 = arith.constant 128 : i32
    %mul3A_699 = arith.muli %add3A_697, %mul3A_698 : i32
    %dma_wait3A = arith.constant 0 : i32
    %dma_wait3A_700 = arith.constant 0 : i32
    %dma_wait3A_701 = arith.constant 0 : i32
    %dma_wait3A_702 = tpu.memref_slice %arg7[%dma_wait3A, %dma_wait3A_700, %dma_wait3A_701] : memref<2x128x128xf32, #tpu.memory_space<vmem>> -> memref<1x128x128xf32, #tpu.memory_space<vmem>>
    %dma_wait3A_703 = tpu.memref_squeeze %dma_wait3A_702 : memref<1x128x128xf32, #tpu.memory_space<vmem>> -> memref<128x128xf32, #tpu.memory_space<vmem>>
    %dma_wait3A_704 = arith.constant 0 : i32
    %dma_wait3A_705 = tpu.memref_slice %arg2[%mul3A_699, %dma_wait3A_704] : memref<16384x128xf32, #tpu.memory_space<hbm>> -> memref<128x128xf32, #tpu.memory_space<hbm>>
    %dma_wait3A_706 = arith.constant 0 : i32
    %dma_wait3A_707 = arith.constant 0 : i32
    %dma_wait3A_708 = tpu.memref_slice %arg7[%dma_wait3A, %dma_wait3A_706, %dma_wait3A_707] : memref<2x128x128xf32, #tpu.memory_space<vmem>> -> memref<1x128x128xf32, #tpu.memory_space<vmem>>
    %dma_wait3A_709 = tpu.memref_squeeze %dma_wait3A_708 : memref<1x128x128xf32, #tpu.memory_space<vmem>> -> memref<128x128xf32, #tpu.memory_space<vmem>>
    %dma_wait3A_710 = arith.constant 0 : i32
    %dma_wait3A_711 = tpu.memref_slice %arg2[%mul3A_699, %dma_wait3A_710] : memref<16384x128xf32, #tpu.memory_space<hbm>> -> memref<128x128xf32, #tpu.memory_space<hbm>>
    tpu.wait_dma2 semaphore(%arg10 : memref<!tpu.dma_semaphore, #tpu.memory_space<semaphore_mem>>) src(%dma_wait3A_711 : memref<128x128xf32, #tpu.memory_space<hbm>>) dst(%dma_wait3A_709 : memref<128x128xf32, #tpu.memory_space<vmem>>)
    %gather3A = tpu.vector_load_idx %arg5[%mul3A_7] : memref<128xi32, #tpu.memory_space<vmem>>[vector<16xi32>], vector<16xi32>,
    %gather3A_712 = tpu.vector_load_idx %arg5[%mul3A_13] : memref<128xi32, #tpu.memory_space<vmem>>[vector<16xi32>], vector<16xi32>,
    %gather3A_713 = tpu.vector_load_idx %arg5[%mul3A_19] : memref<128xi32, #tpu.memory_space<vmem>>[vector<16xi32>], vector<16xi32>,
    %gather3A_714 = tpu.vector_load_idx %arg5[%mul3A_25] : memref<128xi32, #tpu.memory_space<vmem>>[vector<16xi32>], vector<16xi32>,
    %gather3A_715 = tpu.vector_load_idx %arg5[%add3A_34] : memref<128xi32, #tpu.memory_space<vmem>>[vector<16xi32>], vector<16xi32>,
    %gather3A_716 = tpu.vector_load_idx %arg5[%add3A_43] : memref<128xi32, #tpu.memory_space<vmem>>[vector<16xi32>], vector<16xi32>,
    %gather3A_717 = tpu.vector_load_idx %arg5[%add3A_52] : memref<128xi32, #tpu.memory_space<vmem>>[vector<16xi32>], vector<16xi32>,
    %gather3A_718 = tpu.vector_load_idx %arg5[%add3A_61] : memref<128xi32, #tpu.memory_space<vmem>>[vector<16xi32>], vector<16xi32>,
    %scan3A = arith.constant 0 : i32
    %scan3A_719 = arith.constant 0 : i32
    %scan3A_720 = arith.constant 128 : i32
    %scan3A_721 = arith.addi %scan3A_719, %scan3A_720 : i32
    %scan3A_722 = arith.constant 2 : i32
    %scan3A_723:16 = scf.for %scan3A_1155 = %scan3A_719 to %scan3A_721 step %scan3A_722 iter_args(%scan3A_1156 = %gather3A, %scan3A_1157 = %gather3A_712, %scan3A_1158 = %gather3A_713, %scan3A_1159 = %gather3A_714, %scan3A_1160 = %gather3A_715, %scan3A_1161 = %gather3A_716, %scan3A_1162 = %gather3A_717, %scan3A_1163 = %gather3A_718, %scan3A_1164 = %mul3A_64, %scan3A_1165 = %mul3A_67, %scan3A_1166 = %mul3A_70, %scan3A_1167 = %mul3A_73, %scan3A_1168 = %mul3A_76, %scan3A_1169 = %mul3A_79, %scan3A_1170 = %mul3A_82, %scan3A_1171 = %mul3A_85) -> (vector<16xi32>, vector<16xi32>, vector<16xi32>, vector<16xi32>, vector<16xi32>, vector<16xi32>, vector<16xi32>, vector<16xi32>, vector<16xi32>, vector<16xi32>, vector<16xi32>, vector<16xi32>, vector<16xi32>, vector<16xi32>, vector<16xi32>, vector<16xi32>)  : i32 {
      %gather3A_1172 = arith.constant 0 : i32
      %gather3A_1173 = arith.constant 0 : i32
      %gather3A_1174 = tpu.memref_slice %arg7[%scan3A, %gather3A_1172, %gather3A_1173] : memref<2x128x128xf32, #tpu.memory_space<vmem>> -> memref<1x128x128xf32, #tpu.memory_space<vmem>>
      %gather3A_1175 = tpu.memref_squeeze %gather3A_1174 : memref<1x128x128xf32, #tpu.memory_space<vmem>> -> memref<128x128xf32, #tpu.memory_space<vmem>>
      %gather3A_1176 = tpu.vector_load_idx %gather3A_1175[%broadcast_in_dim3A_1, %scan3A_1156] : memref<128x128xf32, #tpu.memory_space<vmem>>[vector<16xi32>, vector<16xi32>], vector<16xf32>,
      %gather3A_1177 = arith.constant 0 : i32
      %gather3A_1178 = arith.constant 0 : i32
      %gather3A_1179 = tpu.memref_slice %arg7[%scan3A, %gather3A_1177, %gather3A_1178] : memref<2x128x128xf32, #tpu.memory_space<vmem>> -> memref<1x128x128xf32, #tpu.memory_space<vmem>>
      %gather3A_1180 = tpu.memref_squeeze %gather3A_1179 : memref<1x128x128xf32, #tpu.memory_space<vmem>> -> memref<128x128xf32, #tpu.memory_space<vmem>>
      %gather3A_1181 = tpu.vector_load_idx %gather3A_1180[%broadcast_in_dim3A_1, %scan3A_1157] : memref<128x128xf32, #tpu.memory_space<vmem>>[vector<16xi32>, vector<16xi32>], vector<16xf32>,
      %gather3A_1182 = arith.constant 0 : i32
      %gather3A_1183 = arith.constant 0 : i32
      %gather3A_1184 = tpu.memref_slice %arg7[%scan3A, %gather3A_1182, %gather3A_1183] : memref<2x128x128xf32, #tpu.memory_space<vmem>> -> memref<1x128x128xf32, #tpu.memory_space<vmem>>
      %gather3A_1185 = tpu.memref_squeeze %gather3A_1184 : memref<1x128x128xf32, #tpu.memory_space<vmem>> -> memref<128x128xf32, #tpu.memory_space<vmem>>
      %gather3A_1186 = tpu.vector_load_idx %gather3A_1185[%broadcast_in_dim3A_1, %scan3A_1158] : memref<128x128xf32, #tpu.memory_space<vmem>>[vector<16xi32>, vector<16xi32>], vector<16xf32>,
      %gather3A_1187 = arith.constant 0 : i32
      %gather3A_1188 = arith.constant 0 : i32
      %gather3A_1189 = tpu.memref_slice %arg7[%scan3A, %gather3A_1187, %gather3A_1188] : memref<2x128x128xf32, #tpu.memory_space<vmem>> -> memref<1x128x128xf32, #tpu.memory_space<vmem>>
      %gather3A_1190 = tpu.memref_squeeze %gather3A_1189 : memref<1x128x128xf32, #tpu.memory_space<vmem>> -> memref<128x128xf32, #tpu.memory_space<vmem>>
      %gather3A_1191 = tpu.vector_load_idx %gather3A_1190[%broadcast_in_dim3A_1, %scan3A_1159] : memref<128x128xf32, #tpu.memory_space<vmem>>[vector<16xi32>, vector<16xi32>], vector<16xf32>,
      %gather3A_1192 = arith.constant 0 : i32
      %gather3A_1193 = arith.constant 0 : i32
      %gather3A_1194 = tpu.memref_slice %arg7[%scan3A, %gather3A_1192, %gather3A_1193] : memref<2x128x128xf32, #tpu.memory_space<vmem>> -> memref<1x128x128xf32, #tpu.memory_space<vmem>>
      %gather3A_1195 = tpu.memref_squeeze %gather3A_1194 : memref<1x128x128xf32, #tpu.memory_space<vmem>> -> memref<128x128xf32, #tpu.memory_space<vmem>>
      %gather3A_1196 = tpu.vector_load_idx %gather3A_1195[%broadcast_in_dim3A_1, %scan3A_1160] : memref<128x128xf32, #tpu.memory_space<vmem>>[vector<16xi32>, vector<16xi32>], vector<16xf32>,
      %gather3A_1197 = arith.constant 0 : i32
      %gather3A_1198 = arith.constant 0 : i32
      %gather3A_1199 = tpu.memref_slice %arg7[%scan3A, %gather3A_1197, %gather3A_1198] : memref<2x128x128xf32, #tpu.memory_space<vmem>> -> memref<1x128x128xf32, #tpu.memory_space<vmem>>
      %gather3A_1200 = tpu.memref_squeeze %gather3A_1199 : memref<1x128x128xf32, #tpu.memory_space<vmem>> -> memref<128x128xf32, #tpu.memory_space<vmem>>
      %gather3A_1201 = tpu.vector_load_idx %gather3A_1200[%broadcast_in_dim3A_1, %scan3A_1161] : memref<128x128xf32, #tpu.memory_space<vmem>>[vector<16xi32>, vector<16xi32>], vector<16xf32>,
      %gather3A_1202 = arith.constant 0 : i32
      %gather3A_1203 = arith.constant 0 : i32
      %gather3A_1204 = tpu.memref_slice %arg7[%scan3A, %gather3A_1202, %gather3A_1203] : memref<2x128x128xf32, #tpu.memory_space<vmem>> -> memref<1x128x128xf32, #tpu.memory_space<vmem>>
      %gather3A_1205 = tpu.memref_squeeze %gather3A_1204 : memref<1x128x128xf32, #tpu.memory_space<vmem>> -> memref<128x128xf32, #tpu.memory_space<vmem>>
      %gather3A_1206 = tpu.vector_load_idx %gather3A_1205[%broadcast_in_dim3A_1, %scan3A_1162] : memref<128x128xf32, #tpu.memory_space<vmem>>[vector<16xi32>, vector<16xi32>], vector<16xf32>,
      %gather3A_1207 = arith.constant 0 : i32
      %gather3A_1208 = arith.constant 0 : i32
      %gather3A_1209 = tpu.memref_slice %arg7[%scan3A, %gather3A_1207, %gather3A_1208] : memref<2x128x128xf32, #tpu.memory_space<vmem>> -> memref<1x128x128xf32, #tpu.memory_space<vmem>>
      %gather3A_1210 = tpu.memref_squeeze %gather3A_1209 : memref<1x128x128xf32, #tpu.memory_space<vmem>> -> memref<128x128xf32, #tpu.memory_space<vmem>>
      %gather3A_1211 = tpu.vector_load_idx %gather3A_1210[%broadcast_in_dim3A_1, %scan3A_1163] : memref<128x128xf32, #tpu.memory_space<vmem>>[vector<16xi32>, vector<16xi32>], vector<16xf32>,
      tpu.vector_store_idx %arg8[%scan3A_1164], %gather3A_1176 : memref<16640xf32, #tpu.memory_space<vmem>>[vector<16xi32>], vector<16xf32>,
      tpu.vector_store_idx %arg8[%scan3A_1165], %gather3A_1181 : memref<16640xf32, #tpu.memory_space<vmem>>[vector<16xi32>], vector<16xf32>,
      tpu.vector_store_idx %arg8[%scan3A_1166], %gather3A_1186 : memref<16640xf32, #tpu.memory_space<vmem>>[vector<16xi32>], vector<16xf32>,
      tpu.vector_store_idx %arg8[%scan3A_1167], %gather3A_1191 : memref<16640xf32, #tpu.memory_space<vmem>>[vector<16xi32>], vector<16xf32>,
      tpu.vector_store_idx %arg8[%scan3A_1168], %gather3A_1196 : memref<16640xf32, #tpu.memory_space<vmem>>[vector<16xi32>], vector<16xf32>,
      tpu.vector_store_idx %arg8[%scan3A_1169], %gather3A_1201 : memref<16640xf32, #tpu.memory_space<vmem>>[vector<16xi32>], vector<16xf32>,
      tpu.vector_store_idx %arg8[%scan3A_1170], %gather3A_1206 : memref<16640xf32, #tpu.memory_space<vmem>>[vector<16xi32>], vector<16xf32>,
      tpu.vector_store_idx %arg8[%scan3A_1171], %gather3A_1211 : memref<16640xf32, #tpu.memory_space<vmem>>[vector<16xi32>], vector<16xf32>,
      %add3A_1212 = arith.constant 128 : i32
      %add3A_1213 = vector.broadcast %add3A_1212 : i32 to vector<16xi32>
      %add3A_1214 = arith.addi %scan3A_1156, %add3A_1213 : vector<16xi32>
      %add3A_1215 = arith.constant 128 : i32
      %add3A_1216 = vector.broadcast %add3A_1215 : i32 to vector<16xi32>
      %add3A_1217 = arith.addi %scan3A_1157, %add3A_1216 : vector<16xi32>
      %add3A_1218 = arith.constant 128 : i32
      %add3A_1219 = vector.broadcast %add3A_1218 : i32 to vector<16xi32>
      %add3A_1220 = arith.addi %scan3A_1158, %add3A_1219 : vector<16xi32>
      %add3A_1221 = arith.constant 128 : i32
      %add3A_1222 = vector.broadcast %add3A_1221 : i32 to vector<16xi32>
      %add3A_1223 = arith.addi %scan3A_1159, %add3A_1222 : vector<16xi32>
      %add3A_1224 = arith.constant 128 : i32
      %add3A_1225 = vector.broadcast %add3A_1224 : i32 to vector<16xi32>
      %add3A_1226 = arith.addi %scan3A_1160, %add3A_1225 : vector<16xi32>
      %add3A_1227 = arith.constant 128 : i32
      %add3A_1228 = vector.broadcast %add3A_1227 : i32 to vector<16xi32>
      %add3A_1229 = arith.addi %scan3A_1161, %add3A_1228 : vector<16xi32>
      %add3A_1230 = arith.constant 128 : i32
      %add3A_1231 = vector.broadcast %add3A_1230 : i32 to vector<16xi32>
      %add3A_1232 = arith.addi %scan3A_1162, %add3A_1231 : vector<16xi32>
      %add3A_1233 = arith.constant 128 : i32
      %add3A_1234 = vector.broadcast %add3A_1233 : i32 to vector<16xi32>
      %add3A_1235 = arith.addi %scan3A_1163, %add3A_1234 : vector<16xi32>
      %add3A_1236 = arith.constant 1 : i32
      %add3A_1237 = vector.broadcast %add3A_1236 : i32 to vector<16xi32>
      %add3A_1238 = arith.addi %scan3A_1164, %add3A_1237 : vector<16xi32>
      %add3A_1239 = arith.constant 1 : i32
      %add3A_1240 = vector.broadcast %add3A_1239 : i32 to vector<16xi32>
      %add3A_1241 = arith.addi %scan3A_1165, %add3A_1240 : vector<16xi32>
      %add3A_1242 = arith.constant 1 : i32
      %add3A_1243 = vector.broadcast %add3A_1242 : i32 to vector<16xi32>
      %add3A_1244 = arith.addi %scan3A_1166, %add3A_1243 : vector<16xi32>
      %add3A_1245 = arith.constant 1 : i32
      %add3A_1246 = vector.broadcast %add3A_1245 : i32 to vector<16xi32>
      %add3A_1247 = arith.addi %scan3A_1167, %add3A_1246 : vector<16xi32>
      %add3A_1248 = arith.constant 1 : i32
      %add3A_1249 = vector.broadcast %add3A_1248 : i32 to vector<16xi32>
      %add3A_1250 = arith.addi %scan3A_1168, %add3A_1249 : vector<16xi32>
      %add3A_1251 = arith.constant 1 : i32
      %add3A_1252 = vector.broadcast %add3A_1251 : i32 to vector<16xi32>
      %add3A_1253 = arith.addi %scan3A_1169, %add3A_1252 : vector<16xi32>
      %add3A_1254 = arith.constant 1 : i32
      %add3A_1255 = vector.broadcast %add3A_1254 : i32 to vector<16xi32>
      %add3A_1256 = arith.addi %scan3A_1170, %add3A_1255 : vector<16xi32>
      %add3A_1257 = arith.constant 1 : i32
      %add3A_1258 = vector.broadcast %add3A_1257 : i32 to vector<16xi32>
      %add3A_1259 = arith.addi %scan3A_1171, %add3A_1258 : vector<16xi32>
      %scan3A_1260 = arith.constant 1 : i32
      %scan3A_1261 = arith.addi %scan3A_1155, %scan3A_1260 : i32
      %gather3A_1262 = arith.constant 0 : i32
      %gather3A_1263 = arith.constant 0 : i32
      %gather3A_1264 = tpu.memref_slice %arg7[%scan3A, %gather3A_1262, %gather3A_1263] : memref<2x128x128xf32, #tpu.memory_space<vmem>> -> memref<1x128x128xf32, #tpu.memory_space<vmem>>
      %gather3A_1265 = tpu.memref_squeeze %gather3A_1264 : memref<1x128x128xf32, #tpu.memory_space<vmem>> -> memref<128x128xf32, #tpu.memory_space<vmem>>
      %gather3A_1266 = tpu.vector_load_idx %gather3A_1265[%broadcast_in_dim3A_1, %add3A_1214] : memref<128x128xf32, #tpu.memory_space<vmem>>[vector<16xi32>, vector<16xi32>], vector<16xf32>,
      %gather3A_1267 = arith.constant 0 : i32
      %gather3A_1268 = arith.constant 0 : i32
      %gather3A_1269 = tpu.memref_slice %arg7[%scan3A, %gather3A_1267, %gather3A_1268] : memref<2x128x128xf32, #tpu.memory_space<vmem>> -> memref<1x128x128xf32, #tpu.memory_space<vmem>>
      %gather3A_1270 = tpu.memref_squeeze %gather3A_1269 : memref<1x128x128xf32, #tpu.memory_space<vmem>> -> memref<128x128xf32, #tpu.memory_space<vmem>>
      %gather3A_1271 = tpu.vector_load_idx %gather3A_1270[%broadcast_in_dim3A_1, %add3A_1217] : memref<128x128xf32, #tpu.memory_space<vmem>>[vector<16xi32>, vector<16xi32>], vector<16xf32>,
      %gather3A_1272 = arith.constant 0 : i32
      %gather3A_1273 = arith.constant 0 : i32
      %gather3A_1274 = tpu.memref_slice %arg7[%scan3A, %gather3A_1272, %gather3A_1273] : memref<2x128x128xf32, #tpu.memory_space<vmem>> -> memref<1x128x128xf32, #tpu.memory_space<vmem>>
      %gather3A_1275 = tpu.memref_squeeze %gather3A_1274 : memref<1x128x128xf32, #tpu.memory_space<vmem>> -> memref<128x128xf32, #tpu.memory_space<vmem>>
      %gather3A_1276 = tpu.vector_load_idx %gather3A_1275[%broadcast_in_dim3A_1, %add3A_1220] : memref<128x128xf32, #tpu.memory_space<vmem>>[vector<16xi32>, vector<16xi32>], vector<16xf32>,
      %gather3A_1277 = arith.constant 0 : i32
      %gather3A_1278 = arith.constant 0 : i32
      %gather3A_1279 = tpu.memref_slice %arg7[%scan3A, %gather3A_1277, %gather3A_1278] : memref<2x128x128xf32, #tpu.memory_space<vmem>> -> memref<1x128x128xf32, #tpu.memory_space<vmem>>
      %gather3A_1280 = tpu.memref_squeeze %gather3A_1279 : memref<1x128x128xf32, #tpu.memory_space<vmem>> -> memref<128x128xf32, #tpu.memory_space<vmem>>
      %gather3A_1281 = tpu.vector_load_idx %gather3A_1280[%broadcast_in_dim3A_1, %add3A_1223] : memref<128x128xf32, #tpu.memory_space<vmem>>[vector<16xi32>, vector<16xi32>], vector<16xf32>,
      %gather3A_1282 = arith.constant 0 : i32
      %gather3A_1283 = arith.constant 0 : i32
      %gather3A_1284 = tpu.memref_slice %arg7[%scan3A, %gather3A_1282, %gather3A_1283] : memref<2x128x128xf32, #tpu.memory_space<vmem>> -> memref<1x128x128xf32, #tpu.memory_space<vmem>>
      %gather3A_1285 = tpu.memref_squeeze %gather3A_1284 : memref<1x128x128xf32, #tpu.memory_space<vmem>> -> memref<128x128xf32, #tpu.memory_space<vmem>>
      %gather3A_1286 = tpu.vector_load_idx %gather3A_1285[%broadcast_in_dim3A_1, %add3A_1226] : memref<128x128xf32, #tpu.memory_space<vmem>>[vector<16xi32>, vector<16xi32>], vector<16xf32>,
      %gather3A_1287 = arith.constant 0 : i32
      %gather3A_1288 = arith.constant 0 : i32
      %gather3A_1289 = tpu.memref_slice %arg7[%scan3A, %gather3A_1287, %gather3A_1288] : memref<2x128x128xf32, #tpu.memory_space<vmem>> -> memref<1x128x128xf32, #tpu.memory_space<vmem>>
      %gather3A_1290 = tpu.memref_squeeze %gather3A_1289 : memref<1x128x128xf32, #tpu.memory_space<vmem>> -> memref<128x128xf32, #tpu.memory_space<vmem>>
      %gather3A_1291 = tpu.vector_load_idx %gather3A_1290[%broadcast_in_dim3A_1, %add3A_1229] : memref<128x128xf32, #tpu.memory_space<vmem>>[vector<16xi32>, vector<16xi32>], vector<16xf32>,
      %gather3A_1292 = arith.constant 0 : i32
      %gather3A_1293 = arith.constant 0 : i32
      %gather3A_1294 = tpu.memref_slice %arg7[%scan3A, %gather3A_1292, %gather3A_1293] : memref<2x128x128xf32, #tpu.memory_space<vmem>> -> memref<1x128x128xf32, #tpu.memory_space<vmem>>
      %gather3A_1295 = tpu.memref_squeeze %gather3A_1294 : memref<1x128x128xf32, #tpu.memory_space<vmem>> -> memref<128x128xf32, #tpu.memory_space<vmem>>
      %gather3A_1296 = tpu.vector_load_idx %gather3A_1295[%broadcast_in_dim3A_1, %add3A_1232] : memref<128x128xf32, #tpu.memory_space<vmem>>[vector<16xi32>, vector<16xi32>], vector<16xf32>,
      %gather3A_1297 = arith.constant 0 : i32
      %gather3A_1298 = arith.constant 0 : i32
      %gather3A_1299 = tpu.memref_slice %arg7[%scan3A, %gather3A_1297, %gather3A_1298] : memref<2x128x128xf32, #tpu.memory_space<vmem>> -> memref<1x128x128xf32, #tpu.memory_space<vmem>>
      %gather3A_1300 = tpu.memref_squeeze %gather3A_1299 : memref<1x128x128xf32, #tpu.memory_space<vmem>> -> memref<128x128xf32, #tpu.memory_space<vmem>>
      %gather3A_1301 = tpu.vector_load_idx %gather3A_1300[%broadcast_in_dim3A_1, %add3A_1235] : memref<128x128xf32, #tpu.memory_space<vmem>>[vector<16xi32>, vector<16xi32>], vector<16xf32>,
      tpu.vector_store_idx %arg8[%add3A_1238], %gather3A_1266 : memref<16640xf32, #tpu.memory_space<vmem>>[vector<16xi32>], vector<16xf32>,
      tpu.vector_store_idx %arg8[%add3A_1241], %gather3A_1271 : memref<16640xf32, #tpu.memory_space<vmem>>[vector<16xi32>], vector<16xf32>,
      tpu.vector_store_idx %arg8[%add3A_1244], %gather3A_1276 : memref<16640xf32, #tpu.memory_space<vmem>>[vector<16xi32>], vector<16xf32>,
      tpu.vector_store_idx %arg8[%add3A_1247], %gather3A_1281 : memref<16640xf32, #tpu.memory_space<vmem>>[vector<16xi32>], vector<16xf32>,
      tpu.vector_store_idx %arg8[%add3A_1250], %gather3A_1286 : memref<16640xf32, #tpu.memory_space<vmem>>[vector<16xi32>], vector<16xf32>,
      tpu.vector_store_idx %arg8[%add3A_1253], %gather3A_1291 : memref<16640xf32, #tpu.memory_space<vmem>>[vector<16xi32>], vector<16xf32>,
      tpu.vector_store_idx %arg8[%add3A_1256], %gather3A_1296 : memref<16640xf32, #tpu.memory_space<vmem>>[vector<16xi32>], vector<16xf32>,
      tpu.vector_store_idx %arg8[%add3A_1259], %gather3A_1301 : memref<16640xf32, #tpu.memory_space<vmem>>[vector<16xi32>], vector<16xf32>,
      %add3A_1302 = arith.constant 128 : i32
      %add3A_1303 = vector.broadcast %add3A_1302 : i32 to vector<16xi32>
      %add3A_1304 = arith.addi %add3A_1214, %add3A_1303 : vector<16xi32>
      %add3A_1305 = arith.constant 128 : i32
      %add3A_1306 = vector.broadcast %add3A_1305 : i32 to vector<16xi32>
      %add3A_1307 = arith.addi %add3A_1217, %add3A_1306 : vector<16xi32>
      %add3A_1308 = arith.constant 128 : i32
      %add3A_1309 = vector.broadcast %add3A_1308 : i32 to vector<16xi32>
      %add3A_1310 = arith.addi %add3A_1220, %add3A_1309 : vector<16xi32>
      %add3A_1311 = arith.constant 128 : i32
      %add3A_1312 = vector.broadcast %add3A_1311 : i32 to vector<16xi32>
      %add3A_1313 = arith.addi %add3A_1223, %add3A_1312 : vector<16xi32>
      %add3A_1314 = arith.constant 128 : i32
      %add3A_1315 = vector.broadcast %add3A_1314 : i32 to vector<16xi32>
      %add3A_1316 = arith.addi %add3A_1226, %add3A_1315 : vector<16xi32>
      %add3A_1317 = arith.constant 128 : i32
      %add3A_1318 = vector.broadcast %add3A_1317 : i32 to vector<16xi32>
      %add3A_1319 = arith.addi %add3A_1229, %add3A_1318 : vector<16xi32>
      %add3A_1320 = arith.constant 128 : i32
      %add3A_1321 = vector.broadcast %add3A_1320 : i32 to vector<16xi32>
      %add3A_1322 = arith.addi %add3A_1232, %add3A_1321 : vector<16xi32>
      %add3A_1323 = arith.constant 128 : i32
      %add3A_1324 = vector.broadcast %add3A_1323 : i32 to vector<16xi32>
      %add3A_1325 = arith.addi %add3A_1235, %add3A_1324 : vector<16xi32>
      %add3A_1326 = arith.constant 1 : i32
      %add3A_1327 = vector.broadcast %add3A_1326 : i32 to vector<16xi32>
      %add3A_1328 = arith.addi %add3A_1238, %add3A_1327 : vector<16xi32>
      %add3A_1329 = arith.constant 1 : i32
      %add3A_1330 = vector.broadcast %add3A_1329 : i32 to vector<16xi32>
      %add3A_1331 = arith.addi %add3A_1241, %add3A_1330 : vector<16xi32>
      %add3A_1332 = arith.constant 1 : i32
      %add3A_1333 = vector.broadcast %add3A_1332 : i32 to vector<16xi32>
      %add3A_1334 = arith.addi %add3A_1244, %add3A_1333 : vector<16xi32>
      %add3A_1335 = arith.constant 1 : i32
      %add3A_1336 = vector.broadcast %add3A_1335 : i32 to vector<16xi32>
      %add3A_1337 = arith.addi %add3A_1247, %add3A_1336 : vector<16xi32>
      %add3A_1338 = arith.constant 1 : i32
      %add3A_1339 = vector.broadcast %add3A_1338 : i32 to vector<16xi32>
      %add3A_1340 = arith.addi %add3A_1250, %add3A_1339 : vector<16xi32>
      %add3A_1341 = arith.constant 1 : i32
      %add3A_1342 = vector.broadcast %add3A_1341 : i32 to vector<16xi32>
      %add3A_1343 = arith.addi %add3A_1253, %add3A_1342 : vector<16xi32>
      %add3A_1344 = arith.constant 1 : i32
      %add3A_1345 = vector.broadcast %add3A_1344 : i32 to vector<16xi32>
      %add3A_1346 = arith.addi %add3A_1256, %add3A_1345 : vector<16xi32>
      %add3A_1347 = arith.constant 1 : i32
      %add3A_1348 = vector.broadcast %add3A_1347 : i32 to vector<16xi32>
      %add3A_1349 = arith.addi %add3A_1259, %add3A_1348 : vector<16xi32>
      scf.yield %add3A_1304, %add3A_1307, %add3A_1310, %add3A_1313, %add3A_1316, %add3A_1319, %add3A_1322, %add3A_1325, %add3A_1328, %add3A_1331, %add3A_1334, %add3A_1337, %add3A_1340, %add3A_1343, %add3A_1346, %add3A_1349 : vector<16xi32>, vector<16xi32>, vector<16xi32>, vector<16xi32>, vector<16xi32>, vector<16xi32>, vector<16xi32>, vector<16xi32>, vector<16xi32>, vector<16xi32>, vector<16xi32>, vector<16xi32>, vector<16xi32>, vector<16xi32>, vector<16xi32>, vector<16xi32>
    }
    %scan3A_724 = arith.constant 128 : i32
    %scan3A_725 = arith.constant 0 : i32
    %scan3A_726 = arith.constant 0 : i32
    %scan3A_727 = arith.constant 0 : i32
    %scan3A_728 = arith.constant 128 : i32
    %scan3A_729 = arith.addi %scan3A_727, %scan3A_728 : i32
    %scan3A_730 = arith.constant 2 : i32
    %scan3A_731 = scf.for %scan3A_1155 = %scan3A_727 to %scan3A_729 step %scan3A_730 iter_args(%scan3A_1156 = %scan3A_726) -> (i32)  : i32 {
      %mul3A_1157 = arith.constant 129 : i32
      %mul3A_1158 = arith.muli %scan3A_1155, %mul3A_1157 : i32
      %add3A_1159 = arith.constant 0 : i32
      %add3A_1160 = arith.addi %mul3A_1158, %add3A_1159 : i32
      %get3A = arith.index_cast %add3A_1160 : i32 to index
      %get3A_1161 = tpu.vector_load %arg8[%get3A] {strides = array<i32>} : memref<16640xf32, #tpu.memory_space<vmem>>, vector<16xf32>,
      %add3A_1162 = arith.constant 16 : i32
      %add3A_1163 = arith.addi %mul3A_1158, %add3A_1162 : i32
      %get3A_1164 = arith.index_cast %add3A_1163 : i32 to index
      %get3A_1165 = tpu.vector_load %arg8[%get3A_1164] {strides = array<i32>} : memref<16640xf32, #tpu.memory_space<vmem>>, vector<16xf32>,
      %add3A_1166 = arith.constant 32 : i32
      %add3A_1167 = arith.addi %mul3A_1158, %add3A_1166 : i32
      %get3A_1168 = arith.index_cast %add3A_1167 : i32 to index
      %get3A_1169 = tpu.vector_load %arg8[%get3A_1168] {strides = array<i32>} : memref<16640xf32, #tpu.memory_space<vmem>>, vector<16xf32>,
      %add3A_1170 = arith.constant 48 : i32
      %add3A_1171 = arith.addi %mul3A_1158, %add3A_1170 : i32
      %get3A_1172 = arith.index_cast %add3A_1171 : i32 to index
      %get3A_1173 = tpu.vector_load %arg8[%get3A_1172] {strides = array<i32>} : memref<16640xf32, #tpu.memory_space<vmem>>, vector<16xf32>,
      %add3A_1174 = arith.constant 64 : i32
      %add3A_1175 = arith.addi %mul3A_1158, %add3A_1174 : i32
      %get3A_1176 = arith.index_cast %add3A_1175 : i32 to index
      %get3A_1177 = tpu.vector_load %arg8[%get3A_1176] {strides = array<i32>} : memref<16640xf32, #tpu.memory_space<vmem>>, vector<16xf32>,
      %add3A_1178 = arith.constant 80 : i32
      %add3A_1179 = arith.addi %mul3A_1158, %add3A_1178 : i32
      %get3A_1180 = arith.index_cast %add3A_1179 : i32 to index
      %get3A_1181 = tpu.vector_load %arg8[%get3A_1180] {strides = array<i32>} : memref<16640xf32, #tpu.memory_space<vmem>>, vector<16xf32>,
      %add3A_1182 = arith.constant 96 : i32
      %add3A_1183 = arith.addi %mul3A_1158, %add3A_1182 : i32
      %get3A_1184 = arith.index_cast %add3A_1183 : i32 to index
      %get3A_1185 = tpu.vector_load %arg8[%get3A_1184] {strides = array<i32>} : memref<16640xf32, #tpu.memory_space<vmem>>, vector<16xf32>,
      %add3A_1186 = arith.constant 112 : i32
      %add3A_1187 = arith.addi %mul3A_1158, %add3A_1186 : i32
      %get3A_1188 = arith.index_cast %add3A_1187 : i32 to index
      %get3A_1189 = tpu.vector_load %arg8[%get3A_1188] {strides = array<i32>} : memref<16640xf32, #tpu.memory_space<vmem>>, vector<16xf32>,
      %swap3A_1190 = arith.constant 0 : i32
      %swap3A_1191 = arith.constant 0 : i32
      %swap3A_1192 = tpu.memref_slice %arg9[%scan3A_725, %swap3A_1190, %swap3A_1191] : memref<2x128x128xf32, #tpu.memory_space<vmem>> -> memref<1x128x128xf32, #tpu.memory_space<vmem>>
      %swap3A_1193 = tpu.memref_squeeze %swap3A_1192 : memref<1x128x128xf32, #tpu.memory_space<vmem>> -> memref<128x128xf32, #tpu.memory_space<vmem>>
      %swap3A_1194 = arith.index_cast %scan3A_1155 : i32 to index
      %swap3A_1195 = arith.constant 0 : index
      %swap3A_1196 = tpu.vector_load %swap3A_1193[%swap3A_1194, %swap3A_1195] {strides = array<i32>} : memref<128x128xf32, #tpu.memory_space<vmem>>, vector<16xf32>,
      tpu.vector_store %swap3A_1193[%swap3A_1194, %swap3A_1195], %get3A_1161 {strides = array<i32>} : memref<128x128xf32, #tpu.memory_space<vmem>>, vector<16xf32>,
      %swap3A_1197 = arith.constant 0 : i32
      %swap3A_1198 = arith.constant 0 : i32
      %swap3A_1199 = tpu.memref_slice %arg9[%scan3A_725, %swap3A_1197, %swap3A_1198] : memref<2x128x128xf32, #tpu.memory_space<vmem>> -> memref<1x128x128xf32, #tpu.memory_space<vmem>>
      %swap3A_1200 = tpu.memref_squeeze %swap3A_1199 : memref<1x128x128xf32, #tpu.memory_space<vmem>> -> memref<128x128xf32, #tpu.memory_space<vmem>>
      %swap3A_1201 = arith.index_cast %scan3A_1155 : i32 to index
      %swap3A_1202 = arith.constant 16 : index
      %swap3A_1203 = tpu.vector_load %swap3A_1200[%swap3A_1201, %swap3A_1202] {strides = array<i32>} : memref<128x128xf32, #tpu.memory_space<vmem>>, vector<16xf32>,
      tpu.vector_store %swap3A_1200[%swap3A_1201, %swap3A_1202], %get3A_1165 {strides = array<i32>} : memref<128x128xf32, #tpu.memory_space<vmem>>, vector<16xf32>,
      %swap3A_1204 = arith.constant 0 : i32
      %swap3A_1205 = arith.constant 0 : i32
      %swap3A_1206 = tpu.memref_slice %arg9[%scan3A_725, %swap3A_1204, %swap3A_1205] : memref<2x128x128xf32, #tpu.memory_space<vmem>> -> memref<1x128x128xf32, #tpu.memory_space<vmem>>
      %swap3A_1207 = tpu.memref_squeeze %swap3A_1206 : memref<1x128x128xf32, #tpu.memory_space<vmem>> -> memref<128x128xf32, #tpu.memory_space<vmem>>
      %swap3A_1208 = arith.index_cast %scan3A_1155 : i32 to index
      %swap3A_1209 = arith.constant 32 : index
      %swap3A_1210 = tpu.vector_load %swap3A_1207[%swap3A_1208, %swap3A_1209] {strides = array<i32>} : memref<128x128xf32, #tpu.memory_space<vmem>>, vector<16xf32>,
      tpu.vector_store %swap3A_1207[%swap3A_1208, %swap3A_1209], %get3A_1169 {strides = array<i32>} : memref<128x128xf32, #tpu.memory_space<vmem>>, vector<16xf32>,
      %swap3A_1211 = arith.constant 0 : i32
      %swap3A_1212 = arith.constant 0 : i32
      %swap3A_1213 = tpu.memref_slice %arg9[%scan3A_725, %swap3A_1211, %swap3A_1212] : memref<2x128x128xf32, #tpu.memory_space<vmem>> -> memref<1x128x128xf32, #tpu.memory_space<vmem>>
      %swap3A_1214 = tpu.memref_squeeze %swap3A_1213 : memref<1x128x128xf32, #tpu.memory_space<vmem>> -> memref<128x128xf32, #tpu.memory_space<vmem>>
      %swap3A_1215 = arith.index_cast %scan3A_1155 : i32 to index
      %swap3A_1216 = arith.constant 48 : index
      %swap3A_1217 = tpu.vector_load %swap3A_1214[%swap3A_1215, %swap3A_1216] {strides = array<i32>} : memref<128x128xf32, #tpu.memory_space<vmem>>, vector<16xf32>,
      tpu.vector_store %swap3A_1214[%swap3A_1215, %swap3A_1216], %get3A_1173 {strides = array<i32>} : memref<128x128xf32, #tpu.memory_space<vmem>>, vector<16xf32>,
      %swap3A_1218 = arith.constant 0 : i32
      %swap3A_1219 = arith.constant 0 : i32
      %swap3A_1220 = tpu.memref_slice %arg9[%scan3A_725, %swap3A_1218, %swap3A_1219] : memref<2x128x128xf32, #tpu.memory_space<vmem>> -> memref<1x128x128xf32, #tpu.memory_space<vmem>>
      %swap3A_1221 = tpu.memref_squeeze %swap3A_1220 : memref<1x128x128xf32, #tpu.memory_space<vmem>> -> memref<128x128xf32, #tpu.memory_space<vmem>>
      %swap3A_1222 = arith.index_cast %scan3A_1155 : i32 to index
      %swap3A_1223 = arith.constant 64 : index
      %swap3A_1224 = tpu.vector_load %swap3A_1221[%swap3A_1222, %swap3A_1223] {strides = array<i32>} : memref<128x128xf32, #tpu.memory_space<vmem>>, vector<16xf32>,
      tpu.vector_store %swap3A_1221[%swap3A_1222, %swap3A_1223], %get3A_1177 {strides = array<i32>} : memref<128x128xf32, #tpu.memory_space<vmem>>, vector<16xf32>,
      %swap3A_1225 = arith.constant 0 : i32
      %swap3A_1226 = arith.constant 0 : i32
      %swap3A_1227 = tpu.memref_slice %arg9[%scan3A_725, %swap3A_1225, %swap3A_1226] : memref<2x128x128xf32, #tpu.memory_space<vmem>> -> memref<1x128x128xf32, #tpu.memory_space<vmem>>
      %swap3A_1228 = tpu.memref_squeeze %swap3A_1227 : memref<1x128x128xf32, #tpu.memory_space<vmem>> -> memref<128x128xf32, #tpu.memory_space<vmem>>
      %swap3A_1229 = arith.index_cast %scan3A_1155 : i32 to index
      %swap3A_1230 = arith.constant 80 : index
      %swap3A_1231 = tpu.vector_load %swap3A_1228[%swap3A_1229, %swap3A_1230] {strides = array<i32>} : memref<128x128xf32, #tpu.memory_space<vmem>>, vector<16xf32>,
      tpu.vector_store %swap3A_1228[%swap3A_1229, %swap3A_1230], %get3A_1181 {strides = array<i32>} : memref<128x128xf32, #tpu.memory_space<vmem>>, vector<16xf32>,
      %swap3A_1232 = arith.constant 0 : i32
      %swap3A_1233 = arith.constant 0 : i32
      %swap3A_1234 = tpu.memref_slice %arg9[%scan3A_725, %swap3A_1232, %swap3A_1233] : memref<2x128x128xf32, #tpu.memory_space<vmem>> -> memref<1x128x128xf32, #tpu.memory_space<vmem>>
      %swap3A_1235 = tpu.memref_squeeze %swap3A_1234 : memref<1x128x128xf32, #tpu.memory_space<vmem>> -> memref<128x128xf32, #tpu.memory_space<vmem>>
      %swap3A_1236 = arith.index_cast %scan3A_1155 : i32 to index
      %swap3A_1237 = arith.constant 96 : index
      %swap3A_1238 = tpu.vector_load %swap3A_1235[%swap3A_1236, %swap3A_1237] {strides = array<i32>} : memref<128x128xf32, #tpu.memory_space<vmem>>, vector<16xf32>,
      tpu.vector_store %swap3A_1235[%swap3A_1236, %swap3A_1237], %get3A_1185 {strides = array<i32>} : memref<128x128xf32, #tpu.memory_space<vmem>>, vector<16xf32>,
      %swap3A_1239 = arith.constant 0 : i32
      %swap3A_1240 = arith.constant 0 : i32
      %swap3A_1241 = tpu.memref_slice %arg9[%scan3A_725, %swap3A_1239, %swap3A_1240] : memref<2x128x128xf32, #tpu.memory_space<vmem>> -> memref<1x128x128xf32, #tpu.memory_space<vmem>>
      %swap3A_1242 = tpu.memref_squeeze %swap3A_1241 : memref<1x128x128xf32, #tpu.memory_space<vmem>> -> memref<128x128xf32, #tpu.memory_space<vmem>>
      %swap3A_1243 = arith.index_cast %scan3A_1155 : i32 to index
      %swap3A_1244 = arith.constant 112 : index
      %swap3A_1245 = tpu.vector_load %swap3A_1242[%swap3A_1243, %swap3A_1244] {strides = array<i32>} : memref<128x128xf32, #tpu.memory_space<vmem>>, vector<16xf32>,
      tpu.vector_store %swap3A_1242[%swap3A_1243, %swap3A_1244], %get3A_1189 {strides = array<i32>} : memref<128x128xf32, #tpu.memory_space<vmem>>, vector<16xf32>,
      %scan3A_1246 = arith.constant 0 : i32
      %scan3A_1247 = arith.constant 1 : i32
      %scan3A_1248 = arith.addi %scan3A_1155, %scan3A_1247 : i32
      %mul3A_1249 = arith.constant 129 : i32
      %mul3A_1250 = arith.muli %scan3A_1248, %mul3A_1249 : i32
      %add3A_1251 = arith.constant 0 : i32
      %add3A_1252 = arith.addi %mul3A_1250, %add3A_1251 : i32
      %get3A_1253 = arith.index_cast %add3A_1252 : i32 to index
      %get3A_1254 = tpu.vector_load %arg8[%get3A_1253] {strides = array<i32>} : memref<16640xf32, #tpu.memory_space<vmem>>, vector<16xf32>,
      %add3A_1255 = arith.constant 16 : i32
      %add3A_1256 = arith.addi %mul3A_1250, %add3A_1255 : i32
      %get3A_1257 = arith.index_cast %add3A_1256 : i32 to index
      %get3A_1258 = tpu.vector_load %arg8[%get3A_1257] {strides = array<i32>} : memref<16640xf32, #tpu.memory_space<vmem>>, vector<16xf32>,
      %add3A_1259 = arith.constant 32 : i32
      %add3A_1260 = arith.addi %mul3A_1250, %add3A_1259 : i32
      %get3A_1261 = arith.index_cast %add3A_1260 : i32 to index
      %get3A_1262 = tpu.vector_load %arg8[%get3A_1261] {strides = array<i32>} : memref<16640xf32, #tpu.memory_space<vmem>>, vector<16xf32>,
      %add3A_1263 = arith.constant 48 : i32
      %add3A_1264 = arith.addi %mul3A_1250, %add3A_1263 : i32
      %get3A_1265 = arith.index_cast %add3A_1264 : i32 to index
      %get3A_1266 = tpu.vector_load %arg8[%get3A_1265] {strides = array<i32>} : memref<16640xf32, #tpu.memory_space<vmem>>, vector<16xf32>,
      %add3A_1267 = arith.constant 64 : i32
      %add3A_1268 = arith.addi %mul3A_1250, %add3A_1267 : i32
      %get3A_1269 = arith.index_cast %add3A_1268 : i32 to index
      %get3A_1270 = tpu.vector_load %arg8[%get3A_1269] {strides = array<i32>} : memref<16640xf32, #tpu.memory_space<vmem>>, vector<16xf32>,
      %add3A_1271 = arith.constant 80 : i32
      %add3A_1272 = arith.addi %mul3A_1250, %add3A_1271 : i32
      %get3A_1273 = arith.index_cast %add3A_1272 : i32 to index
      %get3A_1274 = tpu.vector_load %arg8[%get3A_1273] {strides = array<i32>} : memref<16640xf32, #tpu.memory_space<vmem>>, vector<16xf32>,
      %add3A_1275 = arith.constant 96 : i32
      %add3A_1276 = arith.addi %mul3A_1250, %add3A_1275 : i32
      %get3A_1277 = arith.index_cast %add3A_1276 : i32 to index
      %get3A_1278 = tpu.vector_load %arg8[%get3A_1277] {strides = array<i32>} : memref<16640xf32, #tpu.memory_space<vmem>>, vector<16xf32>,
      %add3A_1279 = arith.constant 112 : i32
      %add3A_1280 = arith.addi %mul3A_1250, %add3A_1279 : i32
      %get3A_1281 = arith.index_cast %add3A_1280 : i32 to index
      %get3A_1282 = tpu.vector_load %arg8[%get3A_1281] {strides = array<i32>} : memref<16640xf32, #tpu.memory_space<vmem>>, vector<16xf32>,
      %swap3A_1283 = arith.constant 0 : i32
      %swap3A_1284 = arith.constant 0 : i32
      %swap3A_1285 = tpu.memref_slice %arg9[%scan3A_725, %swap3A_1283, %swap3A_1284] : memref<2x128x128xf32, #tpu.memory_space<vmem>> -> memref<1x128x128xf32, #tpu.memory_space<vmem>>
      %swap3A_1286 = tpu.memref_squeeze %swap3A_1285 : memref<1x128x128xf32, #tpu.memory_space<vmem>> -> memref<128x128xf32, #tpu.memory_space<vmem>>
      %swap3A_1287 = arith.index_cast %scan3A_1248 : i32 to index
      %swap3A_1288 = arith.constant 0 : index
      %swap3A_1289 = tpu.vector_load %swap3A_1286[%swap3A_1287, %swap3A_1288] {strides = array<i32>} : memref<128x128xf32, #tpu.memory_space<vmem>>, vector<16xf32>,
      tpu.vector_store %swap3A_1286[%swap3A_1287, %swap3A_1288], %get3A_1254 {strides = array<i32>} : memref<128x128xf32, #tpu.memory_space<vmem>>, vector<16xf32>,
      %swap3A_1290 = arith.constant 0 : i32
      %swap3A_1291 = arith.constant 0 : i32
      %swap3A_1292 = tpu.memref_slice %arg9[%scan3A_725, %swap3A_1290, %swap3A_1291] : memref<2x128x128xf32, #tpu.memory_space<vmem>> -> memref<1x128x128xf32, #tpu.memory_space<vmem>>
      %swap3A_1293 = tpu.memref_squeeze %swap3A_1292 : memref<1x128x128xf32, #tpu.memory_space<vmem>> -> memref<128x128xf32, #tpu.memory_space<vmem>>
      %swap3A_1294 = arith.index_cast %scan3A_1248 : i32 to index
      %swap3A_1295 = arith.constant 16 : index
      %swap3A_1296 = tpu.vector_load %swap3A_1293[%swap3A_1294, %swap3A_1295] {strides = array<i32>} : memref<128x128xf32, #tpu.memory_space<vmem>>, vector<16xf32>,
      tpu.vector_store %swap3A_1293[%swap3A_1294, %swap3A_1295], %get3A_1258 {strides = array<i32>} : memref<128x128xf32, #tpu.memory_space<vmem>>, vector<16xf32>,
      %swap3A_1297 = arith.constant 0 : i32
      %swap3A_1298 = arith.constant 0 : i32
      %swap3A_1299 = tpu.memref_slice %arg9[%scan3A_725, %swap3A_1297, %swap3A_1298] : memref<2x128x128xf32, #tpu.memory_space<vmem>> -> memref<1x128x128xf32, #tpu.memory_space<vmem>>
      %swap3A_1300 = tpu.memref_squeeze %swap3A_1299 : memref<1x128x128xf32, #tpu.memory_space<vmem>> -> memref<128x128xf32, #tpu.memory_space<vmem>>
      %swap3A_1301 = arith.index_cast %scan3A_1248 : i32 to index
      %swap3A_1302 = arith.constant 32 : index
      %swap3A_1303 = tpu.vector_load %swap3A_1300[%swap3A_1301, %swap3A_1302] {strides = array<i32>} : memref<128x128xf32, #tpu.memory_space<vmem>>, vector<16xf32>,
      tpu.vector_store %swap3A_1300[%swap3A_1301, %swap3A_1302], %get3A_1262 {strides = array<i32>} : memref<128x128xf32, #tpu.memory_space<vmem>>, vector<16xf32>,
      %swap3A_1304 = arith.constant 0 : i32
      %swap3A_1305 = arith.constant 0 : i32
      %swap3A_1306 = tpu.memref_slice %arg9[%scan3A_725, %swap3A_1304, %swap3A_1305] : memref<2x128x128xf32, #tpu.memory_space<vmem>> -> memref<1x128x128xf32, #tpu.memory_space<vmem>>
      %swap3A_1307 = tpu.memref_squeeze %swap3A_1306 : memref<1x128x128xf32, #tpu.memory_space<vmem>> -> memref<128x128xf32, #tpu.memory_space<vmem>>
      %swap3A_1308 = arith.index_cast %scan3A_1248 : i32 to index
      %swap3A_1309 = arith.constant 48 : index
      %swap3A_1310 = tpu.vector_load %swap3A_1307[%swap3A_1308, %swap3A_1309] {strides = array<i32>} : memref<128x128xf32, #tpu.memory_space<vmem>>, vector<16xf32>,
      tpu.vector_store %swap3A_1307[%swap3A_1308, %swap3A_1309], %get3A_1266 {strides = array<i32>} : memref<128x128xf32, #tpu.memory_space<vmem>>, vector<16xf32>,
      %swap3A_1311 = arith.constant 0 : i32
      %swap3A_1312 = arith.constant 0 : i32
      %swap3A_1313 = tpu.memref_slice %arg9[%scan3A_725, %swap3A_1311, %swap3A_1312] : memref<2x128x128xf32, #tpu.memory_space<vmem>> -> memref<1x128x128xf32, #tpu.memory_space<vmem>>
      %swap3A_1314 = tpu.memref_squeeze %swap3A_1313 : memref<1x128x128xf32, #tpu.memory_space<vmem>> -> memref<128x128xf32, #tpu.memory_space<vmem>>
      %swap3A_1315 = arith.index_cast %scan3A_1248 : i32 to index
      %swap3A_1316 = arith.constant 64 : index
      %swap3A_1317 = tpu.vector_load %swap3A_1314[%swap3A_1315, %swap3A_1316] {strides = array<i32>} : memref<128x128xf32, #tpu.memory_space<vmem>>, vector<16xf32>,
      tpu.vector_store %swap3A_1314[%swap3A_1315, %swap3A_1316], %get3A_1270 {strides = array<i32>} : memref<128x128xf32, #tpu.memory_space<vmem>>, vector<16xf32>,
      %swap3A_1318 = arith.constant 0 : i32
      %swap3A_1319 = arith.constant 0 : i32
      %swap3A_1320 = tpu.memref_slice %arg9[%scan3A_725, %swap3A_1318, %swap3A_1319] : memref<2x128x128xf32, #tpu.memory_space<vmem>> -> memref<1x128x128xf32, #tpu.memory_space<vmem>>
      %swap3A_1321 = tpu.memref_squeeze %swap3A_1320 : memref<1x128x128xf32, #tpu.memory_space<vmem>> -> memref<128x128xf32, #tpu.memory_space<vmem>>
      %swap3A_1322 = arith.index_cast %scan3A_1248 : i32 to index
      %swap3A_1323 = arith.constant 80 : index
      %swap3A_1324 = tpu.vector_load %swap3A_1321[%swap3A_1322, %swap3A_1323] {strides = array<i32>} : memref<128x128xf32, #tpu.memory_space<vmem>>, vector<16xf32>,
      tpu.vector_store %swap3A_1321[%swap3A_1322, %swap3A_1323], %get3A_1274 {strides = array<i32>} : memref<128x128xf32, #tpu.memory_space<vmem>>, vector<16xf32>,
      %swap3A_1325 = arith.constant 0 : i32
      %swap3A_1326 = arith.constant 0 : i32
      %swap3A_1327 = tpu.memref_slice %arg9[%scan3A_725, %swap3A_1325, %swap3A_1326] : memref<2x128x128xf32, #tpu.memory_space<vmem>> -> memref<1x128x128xf32, #tpu.memory_space<vmem>>
      %swap3A_1328 = tpu.memref_squeeze %swap3A_1327 : memref<1x128x128xf32, #tpu.memory_space<vmem>> -> memref<128x128xf32, #tpu.memory_space<vmem>>
      %swap3A_1329 = arith.index_cast %scan3A_1248 : i32 to index
      %swap3A_1330 = arith.constant 96 : index
      %swap3A_1331 = tpu.vector_load %swap3A_1328[%swap3A_1329, %swap3A_1330] {strides = array<i32>} : memref<128x128xf32, #tpu.memory_space<vmem>>, vector<16xf32>,
      tpu.vector_store %swap3A_1328[%swap3A_1329, %swap3A_1330], %get3A_1278 {strides = array<i32>} : memref<128x128xf32, #tpu.memory_space<vmem>>, vector<16xf32>,
      %swap3A_1332 = arith.constant 0 : i32
      %swap3A_1333 = arith.constant 0 : i32
      %swap3A_1334 = tpu.memref_slice %arg9[%scan3A_725, %swap3A_1332, %swap3A_1333] : memref<2x128x128xf32, #tpu.memory_space<vmem>> -> memref<1x128x128xf32, #tpu.memory_space<vmem>>
      %swap3A_1335 = tpu.memref_squeeze %swap3A_1334 : memref<1x128x128xf32, #tpu.memory_space<vmem>> -> memref<128x128xf32, #tpu.memory_space<vmem>>
      %swap3A_1336 = arith.index_cast %scan3A_1248 : i32 to index
      %swap3A_1337 = arith.constant 112 : index
      %swap3A_1338 = tpu.vector_load %swap3A_1335[%swap3A_1336, %swap3A_1337] {strides = array<i32>} : memref<128x128xf32, #tpu.memory_space<vmem>>, vector<16xf32>,
      tpu.vector_store %swap3A_1335[%swap3A_1336, %swap3A_1337], %get3A_1282 {strides = array<i32>} : memref<128x128xf32, #tpu.memory_space<vmem>>, vector<16xf32>,
      %scan3A_1339 = arith.constant 0 : i32
      scf.yield %scan3A_1339 : i32
    }
    %scan3A_732 = arith.constant 128 : i32
    %dma_start3A_733 = arith.constant 0 : i32
    %dma_start3A_734 = arith.constant 0 : i32
    %dma_start3A_735 = arith.constant 0 : i32
    %dma_start3A_736 = arith.constant 0 : i32
    %dma_start3A_737 = tpu.memref_slice %arg9[%dma_start3A_733, %dma_start3A_735, %dma_start3A_736] : memref<2x128x128xf32, #tpu.memory_space<vmem>> -> memref<1x128x128xf32, #tpu.memory_space<vmem>>
    %dma_start3A_738 = tpu.memref_squeeze %dma_start3A_737 : memref<1x128x128xf32, #tpu.memory_space<vmem>> -> memref<128x128xf32, #tpu.memory_space<vmem>>
    %dma_start3A_739 = arith.constant 0 : i32
    %dma_start3A_740 = tpu.memref_slice %arg6[%dma_start3A_734, %dma_start3A_739] : memref<2x128xi32, #tpu.memory_space<vmem>> -> memref<1x128xi32, #tpu.memory_space<vmem>>
    %dma_start3A_741 = tpu.memref_squeeze %dma_start3A_740 : memref<1x128xi32, #tpu.memory_space<vmem>> -> memref<128xi32, #tpu.memory_space<vmem>>
    %dma_start3A_742 = arith.constant 0 : i32
    %dma_start3A_743 = arith.constant 0 : i32
    %dma_start3A_744 = tpu.memref_slice %arg4[%dma_start3A_742, %dma_start3A_743] : memref<16384x128xf32, #tpu.memory_space<hbm>> -> memref<16384x128xf32, #tpu.memory_space<hbm>>
    tpu.enqueue_indirect_dma source(%dma_start3A_738 : memref<128x128xf32, #tpu.memory_space<vmem>>) target(%dma_start3A_744 : memref<16384x128xf32, #tpu.memory_space<hbm>>) offsets(%dma_start3A_741 : memref<128xi32, #tpu.memory_space<vmem>>) semaphore(%arg12 : memref<!tpu.dma_semaphore, #tpu.memory_space<semaphore_mem>>)
    %mul3A_745 = arith.constant 4 : i32
    %mul3A_746 = arith.muli %add3A, %mul3A_745 : i32
    %add3A_747 = arith.constant 2 : i32
    %add3A_748 = arith.addi %mul3A_746, %add3A_747 : i32
    %mul3A_749 = arith.constant 128 : i32
    %mul3A_750 = arith.muli %add3A_748, %mul3A_749 : i32
    %dma_start3A_751 = arith.constant 0 : i32
    %dma_start3A_752 = arith.constant 0 : i32
    %dma_start3A_753 = arith.constant 0 : i32
    %dma_start3A_754 = tpu.memref_slice %arg7[%dma_start3A_751, %dma_start3A_752, %dma_start3A_753] : memref<2x128x128xf32, #tpu.memory_space<vmem>> -> memref<1x128x128xf32, #tpu.memory_space<vmem>>
    %dma_start3A_755 = tpu.memref_squeeze %dma_start3A_754 : memref<1x128x128xf32, #tpu.memory_space<vmem>> -> memref<128x128xf32, #tpu.memory_space<vmem>>
    %dma_start3A_756 = arith.constant 0 : i32
    %dma_start3A_757 = tpu.memref_slice %arg2[%mul3A_750, %dma_start3A_756] : memref<16384x128xf32, #tpu.memory_space<hbm>> -> memref<128x128xf32, #tpu.memory_space<hbm>>
    %dma_start3A_758 = arith.constant 0 : i32
    %dma_start3A_759 = arith.constant 0 : i32
    %dma_start3A_760 = tpu.memref_slice %arg7[%dma_start3A_751, %dma_start3A_758, %dma_start3A_759] : memref<2x128x128xf32, #tpu.memory_space<vmem>> -> memref<1x128x128xf32, #tpu.memory_space<vmem>>
    %dma_start3A_761 = tpu.memref_squeeze %dma_start3A_760 : memref<1x128x128xf32, #tpu.memory_space<vmem>> -> memref<128x128xf32, #tpu.memory_space<vmem>>
    %dma_start3A_762 = arith.constant 0 : i32
    %dma_start3A_763 = tpu.memref_slice %arg2[%mul3A_750, %dma_start3A_762] : memref<16384x128xf32, #tpu.memory_space<hbm>> -> memref<128x128xf32, #tpu.memory_space<hbm>>
    tpu.enqueue_dma source(%dma_start3A_763 : memref<128x128xf32, #tpu.memory_space<hbm>>) target(%dma_start3A_761 : memref<128x128xf32, #tpu.memory_space<vmem>>) target_semaphore(%arg10 : memref<!tpu.dma_semaphore, #tpu.memory_space<semaphore_mem>>)
    %mul3A_764 = arith.constant 4 : i32
    %mul3A_765 = arith.muli %add3A, %mul3A_764 : i32
    %add3A_766 = arith.constant 1 : i32
    %add3A_767 = arith.addi %mul3A_765, %add3A_766 : i32
    %mul3A_768 = arith.constant 2 : i32
    %mul3A_769 = arith.muli %add3A_767, %mul3A_768 : i32
    %add3A_770 = vector.broadcast %mul3A_769 : i32 to vector<16xi32>
    %add3A_771 = arith.addi %add3A_162, %add3A_770 : vector<16xi32>
    %swap3A_772 = arith.constant 1 : i32
    %swap3A_773 = arith.index_cast %swap3A_772 : i32 to index
    %swap3A_774 = arith.constant 0 : index
    %swap3A_775 = tpu.vector_load %arg6[%swap3A_773, %swap3A_774] {strides = array<i32>} : memref<2x128xi32, #tpu.memory_space<vmem>>, vector<16xi32>,
    tpu.vector_store %arg6[%swap3A_773, %swap3A_774], %add3A_771 {strides = array<i32>} : memref<2x128xi32, #tpu.memory_space<vmem>>, vector<16xi32>,
    %add3A_776 = vector.broadcast %mul3A_769 : i32 to vector<16xi32>
    %add3A_777 = arith.addi %add3A_225, %add3A_776 : vector<16xi32>
    %swap3A_778 = arith.constant 1 : i32
    %swap3A_779 = arith.index_cast %swap3A_778 : i32 to index
    %swap3A_780 = arith.constant 16 : index
    %swap3A_781 = tpu.vector_load %arg6[%swap3A_779, %swap3A_780] {strides = array<i32>} : memref<2x128xi32, #tpu.memory_space<vmem>>, vector<16xi32>,
    tpu.vector_store %arg6[%swap3A_779, %swap3A_780], %add3A_777 {strides = array<i32>} : memref<2x128xi32, #tpu.memory_space<vmem>>, vector<16xi32>,
    %add3A_782 = vector.broadcast %mul3A_769 : i32 to vector<16xi32>
    %add3A_783 = arith.addi %add3A_288, %add3A_782 : vector<16xi32>
    %swap3A_784 = arith.constant 1 : i32
    %swap3A_785 = arith.index_cast %swap3A_784 : i32 to index
    %swap3A_786 = arith.constant 32 : index
    %swap3A_787 = tpu.vector_load %arg6[%swap3A_785, %swap3A_786] {strides = array<i32>} : memref<2x128xi32, #tpu.memory_space<vmem>>, vector<16xi32>,
    tpu.vector_store %arg6[%swap3A_785, %swap3A_786], %add3A_783 {strides = array<i32>} : memref<2x128xi32, #tpu.memory_space<vmem>>, vector<16xi32>,
    %add3A_788 = vector.broadcast %mul3A_769 : i32 to vector<16xi32>
    %add3A_789 = arith.addi %add3A_351, %add3A_788 : vector<16xi32>
    %swap3A_790 = arith.constant 1 : i32
    %swap3A_791 = arith.index_cast %swap3A_790 : i32 to index
    %swap3A_792 = arith.constant 48 : index
    %swap3A_793 = tpu.vector_load %arg6[%swap3A_791, %swap3A_792] {strides = array<i32>} : memref<2x128xi32, #tpu.memory_space<vmem>>, vector<16xi32>,
    tpu.vector_store %arg6[%swap3A_791, %swap3A_792], %add3A_789 {strides = array<i32>} : memref<2x128xi32, #tpu.memory_space<vmem>>, vector<16xi32>,
    %add3A_794 = vector.broadcast %mul3A_769 : i32 to vector<16xi32>
    %add3A_795 = arith.addi %add3A_414, %add3A_794 : vector<16xi32>
    %swap3A_796 = arith.constant 1 : i32
    %swap3A_797 = arith.index_cast %swap3A_796 : i32 to index
    %swap3A_798 = arith.constant 64 : index
    %swap3A_799 = tpu.vector_load %arg6[%swap3A_797, %swap3A_798] {strides = array<i32>} : memref<2x128xi32, #tpu.memory_space<vmem>>, vector<16xi32>,
    tpu.vector_store %arg6[%swap3A_797, %swap3A_798], %add3A_795 {strides = array<i32>} : memref<2x128xi32, #tpu.memory_space<vmem>>, vector<16xi32>,
    %add3A_800 = vector.broadcast %mul3A_769 : i32 to vector<16xi32>
    %add3A_801 = arith.addi %add3A_477, %add3A_800 : vector<16xi32>
    %swap3A_802 = arith.constant 1 : i32
    %swap3A_803 = arith.index_cast %swap3A_802 : i32 to index
    %swap3A_804 = arith.constant 80 : index
    %swap3A_805 = tpu.vector_load %arg6[%swap3A_803, %swap3A_804] {strides = array<i32>} : memref<2x128xi32, #tpu.memory_space<vmem>>, vector<16xi32>,
    tpu.vector_store %arg6[%swap3A_803, %swap3A_804], %add3A_801 {strides = array<i32>} : memref<2x128xi32, #tpu.memory_space<vmem>>, vector<16xi32>,
    %add3A_806 = vector.broadcast %mul3A_769 : i32 to vector<16xi32>
    %add3A_807 = arith.addi %add3A_540, %add3A_806 : vector<16xi32>
    %swap3A_808 = arith.constant 1 : i32
    %swap3A_809 = arith.index_cast %swap3A_808 : i32 to index
    %swap3A_810 = arith.constant 96 : index
    %swap3A_811 = tpu.vector_load %arg6[%swap3A_809, %swap3A_810] {strides = array<i32>} : memref<2x128xi32, #tpu.memory_space<vmem>>, vector<16xi32>,
    tpu.vector_store %arg6[%swap3A_809, %swap3A_810], %add3A_807 {strides = array<i32>} : memref<2x128xi32, #tpu.memory_space<vmem>>, vector<16xi32>,
    %add3A_812 = vector.broadcast %mul3A_769 : i32 to vector<16xi32>
    %add3A_813 = arith.addi %add3A_603, %add3A_812 : vector<16xi32>
    %swap3A_814 = arith.constant 1 : i32
    %swap3A_815 = arith.index_cast %swap3A_814 : i32 to index
    %swap3A_816 = arith.constant 112 : index
    %swap3A_817 = tpu.vector_load %arg6[%swap3A_815, %swap3A_816] {strides = array<i32>} : memref<2x128xi32, #tpu.memory_space<vmem>>, vector<16xi32>,
    tpu.vector_store %arg6[%swap3A_815, %swap3A_816], %add3A_813 {strides = array<i32>} : memref<2x128xi32, #tpu.memory_space<vmem>>, vector<16xi32>,
    %mul3A_818 = arith.constant 4 : i32
    %mul3A_819 = arith.muli %add3A, %mul3A_818 : i32
    %add3A_820 = arith.constant 1 : i32
    %add3A_821 = arith.addi %mul3A_819, %add3A_820 : i32
    %mul3A_822 = arith.constant 128 : i32
    %mul3A_823 = arith.muli %add3A_821, %mul3A_822 : i32
    %dma_wait3A_824 = arith.constant 1 : i32
    %dma_wait3A_825 = arith.constant 0 : i32
    %dma_wait3A_826 = arith.constant 0 : i32
    %dma_wait3A_827 = tpu.memref_slice %arg7[%dma_wait3A_824, %dma_wait3A_825, %dma_wait3A_826] : memref<2x128x128xf32, #tpu.memory_space<vmem>> -> memref<1x128x128xf32, #tpu.memory_space<vmem>>
    %dma_wait3A_828 = tpu.memref_squeeze %dma_wait3A_827 : memref<1x128x128xf32, #tpu.memory_space<vmem>> -> memref<128x128xf32, #tpu.memory_space<vmem>>
    %dma_wait3A_829 = arith.constant 0 : i32
    %dma_wait3A_830 = tpu.memref_slice %arg2[%mul3A_823, %dma_wait3A_829] : memref<16384x128xf32, #tpu.memory_space<hbm>> -> memref<128x128xf32, #tpu.memory_space<hbm>>
    %dma_wait3A_831 = arith.constant 0 : i32
    %dma_wait3A_832 = arith.constant 0 : i32
    %dma_wait3A_833 = tpu.memref_slice %arg7[%dma_wait3A_824, %dma_wait3A_831, %dma_wait3A_832] : memref<2x128x128xf32, #tpu.memory_space<vmem>> -> memref<1x128x128xf32, #tpu.memory_space<vmem>>
    %dma_wait3A_834 = tpu.memref_squeeze %dma_wait3A_833 : memref<1x128x128xf32, #tpu.memory_space<vmem>> -> memref<128x128xf32, #tpu.memory_space<vmem>>
    %dma_wait3A_835 = arith.constant 0 : i32
    %dma_wait3A_836 = tpu.memref_slice %arg2[%mul3A_823, %dma_wait3A_835] : memref<16384x128xf32, #tpu.memory_space<hbm>> -> memref<128x128xf32, #tpu.memory_space<hbm>>
    tpu.wait_dma2 semaphore(%arg11 : memref<!tpu.dma_semaphore, #tpu.memory_space<semaphore_mem>>) src(%dma_wait3A_836 : memref<128x128xf32, #tpu.memory_space<hbm>>) dst(%dma_wait3A_834 : memref<128x128xf32, #tpu.memory_space<vmem>>)
    %gather3A_837 = tpu.vector_load_idx %arg5[%mul3A_7] : memref<128xi32, #tpu.memory_space<vmem>>[vector<16xi32>], vector<16xi32>,
    %gather3A_838 = tpu.vector_load_idx %arg5[%mul3A_13] : memref<128xi32, #tpu.memory_space<vmem>>[vector<16xi32>], vector<16xi32>,
    %gather3A_839 = tpu.vector_load_idx %arg5[%mul3A_19] : memref<128xi32, #tpu.memory_space<vmem>>[vector<16xi32>], vector<16xi32>,
    %gather3A_840 = tpu.vector_load_idx %arg5[%mul3A_25] : memref<128xi32, #tpu.memory_space<vmem>>[vector<16xi32>], vector<16xi32>,
    %gather3A_841 = tpu.vector_load_idx %arg5[%add3A_34] : memref<128xi32, #tpu.memory_space<vmem>>[vector<16xi32>], vector<16xi32>,
    %gather3A_842 = tpu.vector_load_idx %arg5[%add3A_43] : memref<128xi32, #tpu.memory_space<vmem>>[vector<16xi32>], vector<16xi32>,
    %gather3A_843 = tpu.vector_load_idx %arg5[%add3A_52] : memref<128xi32, #tpu.memory_space<vmem>>[vector<16xi32>], vector<16xi32>,
    %gather3A_844 = tpu.vector_load_idx %arg5[%add3A_61] : memref<128xi32, #tpu.memory_space<vmem>>[vector<16xi32>], vector<16xi32>,
    %scan3A_845 = arith.constant 1 : i32
    %scan3A_846 = arith.constant 0 : i32
    %scan3A_847 = arith.constant 128 : i32
    %scan3A_848 = arith.addi %scan3A_846, %scan3A_847 : i32
    %scan3A_849 = arith.constant 2 : i32
    %scan3A_850:16 = scf.for %scan3A_1155 = %scan3A_846 to %scan3A_848 step %scan3A_849 iter_args(%scan3A_1156 = %gather3A_837, %scan3A_1157 = %gather3A_838, %scan3A_1158 = %gather3A_839, %scan3A_1159 = %gather3A_840, %scan3A_1160 = %gather3A_841, %scan3A_1161 = %gather3A_842, %scan3A_1162 = %gather3A_843, %scan3A_1163 = %gather3A_844, %scan3A_1164 = %mul3A_64, %scan3A_1165 = %mul3A_67, %scan3A_1166 = %mul3A_70, %scan3A_1167 = %mul3A_73, %scan3A_1168 = %mul3A_76, %scan3A_1169 = %mul3A_79, %scan3A_1170 = %mul3A_82, %scan3A_1171 = %mul3A_85) -> (vector<16xi32>, vector<16xi32>, vector<16xi32>, vector<16xi32>, vector<16xi32>, vector<16xi32>, vector<16xi32>, vector<16xi32>, vector<16xi32>, vector<16xi32>, vector<16xi32>, vector<16xi32>, vector<16xi32>, vector<16xi32>, vector<16xi32>, vector<16xi32>)  : i32 {
      %gather3A_1172 = arith.constant 0 : i32
      %gather3A_1173 = arith.constant 0 : i32
      %gather3A_1174 = tpu.memref_slice %arg7[%scan3A_845, %gather3A_1172, %gather3A_1173] : memref<2x128x128xf32, #tpu.memory_space<vmem>> -> memref<1x128x128xf32, #tpu.memory_space<vmem>>
      %gather3A_1175 = tpu.memref_squeeze %gather3A_1174 : memref<1x128x128xf32, #tpu.memory_space<vmem>> -> memref<128x128xf32, #tpu.memory_space<vmem>>
      %gather3A_1176 = tpu.vector_load_idx %gather3A_1175[%broadcast_in_dim3A_1, %scan3A_1156] : memref<128x128xf32, #tpu.memory_space<vmem>>[vector<16xi32>, vector<16xi32>], vector<16xf32>,
      %gather3A_1177 = arith.constant 0 : i32
      %gather3A_1178 = arith.constant 0 : i32
      %gather3A_1179 = tpu.memref_slice %arg7[%scan3A_845, %gather3A_1177, %gather3A_1178] : memref<2x128x128xf32, #tpu.memory_space<vmem>> -> memref<1x128x128xf32, #tpu.memory_space<vmem>>
      %gather3A_1180 = tpu.memref_squeeze %gather3A_1179 : memref<1x128x128xf32, #tpu.memory_space<vmem>> -> memref<128x128xf32, #tpu.memory_space<vmem>>
      %gather3A_1181 = tpu.vector_load_idx %gather3A_1180[%broadcast_in_dim3A_1, %scan3A_1157] : memref<128x128xf32, #tpu.memory_space<vmem>>[vector<16xi32>, vector<16xi32>], vector<16xf32>,
      %gather3A_1182 = arith.constant 0 : i32
      %gather3A_1183 = arith.constant 0 : i32
      %gather3A_1184 = tpu.memref_slice %arg7[%scan3A_845, %gather3A_1182, %gather3A_1183] : memref<2x128x128xf32, #tpu.memory_space<vmem>> -> memref<1x128x128xf32, #tpu.memory_space<vmem>>
      %gather3A_1185 = tpu.memref_squeeze %gather3A_1184 : memref<1x128x128xf32, #tpu.memory_space<vmem>> -> memref<128x128xf32, #tpu.memory_space<vmem>>
      %gather3A_1186 = tpu.vector_load_idx %gather3A_1185[%broadcast_in_dim3A_1, %scan3A_1158] : memref<128x128xf32, #tpu.memory_space<vmem>>[vector<16xi32>, vector<16xi32>], vector<16xf32>,
      %gather3A_1187 = arith.constant 0 : i32
      %gather3A_1188 = arith.constant 0 : i32
      %gather3A_1189 = tpu.memref_slice %arg7[%scan3A_845, %gather3A_1187, %gather3A_1188] : memref<2x128x128xf32, #tpu.memory_space<vmem>> -> memref<1x128x128xf32, #tpu.memory_space<vmem>>
      %gather3A_1190 = tpu.memref_squeeze %gather3A_1189 : memref<1x128x128xf32, #tpu.memory_space<vmem>> -> memref<128x128xf32, #tpu.memory_space<vmem>>
      %gather3A_1191 = tpu.vector_load_idx %gather3A_1190[%broadcast_in_dim3A_1, %scan3A_1159] : memref<128x128xf32, #tpu.memory_space<vmem>>[vector<16xi32>, vector<16xi32>], vector<16xf32>,
      %gather3A_1192 = arith.constant 0 : i32
      %gather3A_1193 = arith.constant 0 : i32
      %gather3A_1194 = tpu.memref_slice %arg7[%scan3A_845, %gather3A_1192, %gather3A_1193] : memref<2x128x128xf32, #tpu.memory_space<vmem>> -> memref<1x128x128xf32, #tpu.memory_space<vmem>>
      %gather3A_1195 = tpu.memref_squeeze %gather3A_1194 : memref<1x128x128xf32, #tpu.memory_space<vmem>> -> memref<128x128xf32, #tpu.memory_space<vmem>>
      %gather3A_1196 = tpu.vector_load_idx %gather3A_1195[%broadcast_in_dim3A_1, %scan3A_1160] : memref<128x128xf32, #tpu.memory_space<vmem>>[vector<16xi32>, vector<16xi32>], vector<16xf32>,
      %gather3A_1197 = arith.constant 0 : i32
      %gather3A_1198 = arith.constant 0 : i32
      %gather3A_1199 = tpu.memref_slice %arg7[%scan3A_845, %gather3A_1197, %gather3A_1198] : memref<2x128x128xf32, #tpu.memory_space<vmem>> -> memref<1x128x128xf32, #tpu.memory_space<vmem>>
      %gather3A_1200 = tpu.memref_squeeze %gather3A_1199 : memref<1x128x128xf32, #tpu.memory_space<vmem>> -> memref<128x128xf32, #tpu.memory_space<vmem>>
      %gather3A_1201 = tpu.vector_load_idx %gather3A_1200[%broadcast_in_dim3A_1, %scan3A_1161] : memref<128x128xf32, #tpu.memory_space<vmem>>[vector<16xi32>, vector<16xi32>], vector<16xf32>,
      %gather3A_1202 = arith.constant 0 : i32
      %gather3A_1203 = arith.constant 0 : i32
      %gather3A_1204 = tpu.memref_slice %arg7[%scan3A_845, %gather3A_1202, %gather3A_1203] : memref<2x128x128xf32, #tpu.memory_space<vmem>> -> memref<1x128x128xf32, #tpu.memory_space<vmem>>
      %gather3A_1205 = tpu.memref_squeeze %gather3A_1204 : memref<1x128x128xf32, #tpu.memory_space<vmem>> -> memref<128x128xf32, #tpu.memory_space<vmem>>
      %gather3A_1206 = tpu.vector_load_idx %gather3A_1205[%broadcast_in_dim3A_1, %scan3A_1162] : memref<128x128xf32, #tpu.memory_space<vmem>>[vector<16xi32>, vector<16xi32>], vector<16xf32>,
      %gather3A_1207 = arith.constant 0 : i32
      %gather3A_1208 = arith.constant 0 : i32
      %gather3A_1209 = tpu.memref_slice %arg7[%scan3A_845, %gather3A_1207, %gather3A_1208] : memref<2x128x128xf32, #tpu.memory_space<vmem>> -> memref<1x128x128xf32, #tpu.memory_space<vmem>>
      %gather3A_1210 = tpu.memref_squeeze %gather3A_1209 : memref<1x128x128xf32, #tpu.memory_space<vmem>> -> memref<128x128xf32, #tpu.memory_space<vmem>>
      %gather3A_1211 = tpu.vector_load_idx %gather3A_1210[%broadcast_in_dim3A_1, %scan3A_1163] : memref<128x128xf32, #tpu.memory_space<vmem>>[vector<16xi32>, vector<16xi32>], vector<16xf32>,
      tpu.vector_store_idx %arg8[%scan3A_1164], %gather3A_1176 : memref<16640xf32, #tpu.memory_space<vmem>>[vector<16xi32>], vector<16xf32>,
      tpu.vector_store_idx %arg8[%scan3A_1165], %gather3A_1181 : memref<16640xf32, #tpu.memory_space<vmem>>[vector<16xi32>], vector<16xf32>,
      tpu.vector_store_idx %arg8[%scan3A_1166], %gather3A_1186 : memref<16640xf32, #tpu.memory_space<vmem>>[vector<16xi32>], vector<16xf32>,
      tpu.vector_store_idx %arg8[%scan3A_1167], %gather3A_1191 : memref<16640xf32, #tpu.memory_space<vmem>>[vector<16xi32>], vector<16xf32>,
      tpu.vector_store_idx %arg8[%scan3A_1168], %gather3A_1196 : memref<16640xf32, #tpu.memory_space<vmem>>[vector<16xi32>], vector<16xf32>,
      tpu.vector_store_idx %arg8[%scan3A_1169], %gather3A_1201 : memref<16640xf32, #tpu.memory_space<vmem>>[vector<16xi32>], vector<16xf32>,
      tpu.vector_store_idx %arg8[%scan3A_1170], %gather3A_1206 : memref<16640xf32, #tpu.memory_space<vmem>>[vector<16xi32>], vector<16xf32>,
      tpu.vector_store_idx %arg8[%scan3A_1171], %gather3A_1211 : memref<16640xf32, #tpu.memory_space<vmem>>[vector<16xi32>], vector<16xf32>,
      %add3A_1212 = arith.constant 128 : i32
      %add3A_1213 = vector.broadcast %add3A_1212 : i32 to vector<16xi32>
      %add3A_1214 = arith.addi %scan3A_1156, %add3A_1213 : vector<16xi32>
      %add3A_1215 = arith.constant 128 : i32
      %add3A_1216 = vector.broadcast %add3A_1215 : i32 to vector<16xi32>
      %add3A_1217 = arith.addi %scan3A_1157, %add3A_1216 : vector<16xi32>
      %add3A_1218 = arith.constant 128 : i32
      %add3A_1219 = vector.broadcast %add3A_1218 : i32 to vector<16xi32>
      %add3A_1220 = arith.addi %scan3A_1158, %add3A_1219 : vector<16xi32>
      %add3A_1221 = arith.constant 128 : i32
      %add3A_1222 = vector.broadcast %add3A_1221 : i32 to vector<16xi32>
      %add3A_1223 = arith.addi %scan3A_1159, %add3A_1222 : vector<16xi32>
      %add3A_1224 = arith.constant 128 : i32
      %add3A_1225 = vector.broadcast %add3A_1224 : i32 to vector<16xi32>
      %add3A_1226 = arith.addi %scan3A_1160, %add3A_1225 : vector<16xi32>
      %add3A_1227 = arith.constant 128 : i32
      %add3A_1228 = vector.broadcast %add3A_1227 : i32 to vector<16xi32>
      %add3A_1229 = arith.addi %scan3A_1161, %add3A_1228 : vector<16xi32>
      %add3A_1230 = arith.constant 128 : i32
      %add3A_1231 = vector.broadcast %add3A_1230 : i32 to vector<16xi32>
      %add3A_1232 = arith.addi %scan3A_1162, %add3A_1231 : vector<16xi32>
      %add3A_1233 = arith.constant 128 : i32
      %add3A_1234 = vector.broadcast %add3A_1233 : i32 to vector<16xi32>
      %add3A_1235 = arith.addi %scan3A_1163, %add3A_1234 : vector<16xi32>
      %add3A_1236 = arith.constant 1 : i32
      %add3A_1237 = vector.broadcast %add3A_1236 : i32 to vector<16xi32>
      %add3A_1238 = arith.addi %scan3A_1164, %add3A_1237 : vector<16xi32>
      %add3A_1239 = arith.constant 1 : i32
      %add3A_1240 = vector.broadcast %add3A_1239 : i32 to vector<16xi32>
      %add3A_1241 = arith.addi %scan3A_1165, %add3A_1240 : vector<16xi32>
      %add3A_1242 = arith.constant 1 : i32
      %add3A_1243 = vector.broadcast %add3A_1242 : i32 to vector<16xi32>
      %add3A_1244 = arith.addi %scan3A_1166, %add3A_1243 : vector<16xi32>
      %add3A_1245 = arith.constant 1 : i32
      %add3A_1246 = vector.broadcast %add3A_1245 : i32 to vector<16xi32>
      %add3A_1247 = arith.addi %scan3A_1167, %add3A_1246 : vector<16xi32>
      %add3A_1248 = arith.constant 1 : i32
      %add3A_1249 = vector.broadcast %add3A_1248 : i32 to vector<16xi32>
      %add3A_1250 = arith.addi %scan3A_1168, %add3A_1249 : vector<16xi32>
      %add3A_1251 = arith.constant 1 : i32
      %add3A_1252 = vector.broadcast %add3A_1251 : i32 to vector<16xi32>
      %add3A_1253 = arith.addi %scan3A_1169, %add3A_1252 : vector<16xi32>
      %add3A_1254 = arith.constant 1 : i32
      %add3A_1255 = vector.broadcast %add3A_1254 : i32 to vector<16xi32>
      %add3A_1256 = arith.addi %scan3A_1170, %add3A_1255 : vector<16xi32>
      %add3A_1257 = arith.constant 1 : i32
      %add3A_1258 = vector.broadcast %add3A_1257 : i32 to vector<16xi32>
      %add3A_1259 = arith.addi %scan3A_1171, %add3A_1258 : vector<16xi32>
      %scan3A_1260 = arith.constant 1 : i32
      %scan3A_1261 = arith.addi %scan3A_1155, %scan3A_1260 : i32
      %gather3A_1262 = arith.constant 0 : i32
      %gather3A_1263 = arith.constant 0 : i32
      %gather3A_1264 = tpu.memref_slice %arg7[%scan3A_845, %gather3A_1262, %gather3A_1263] : memref<2x128x128xf32, #tpu.memory_space<vmem>> -> memref<1x128x128xf32, #tpu.memory_space<vmem>>
      %gather3A_1265 = tpu.memref_squeeze %gather3A_1264 : memref<1x128x128xf32, #tpu.memory_space<vmem>> -> memref<128x128xf32, #tpu.memory_space<vmem>>
      %gather3A_1266 = tpu.vector_load_idx %gather3A_1265[%broadcast_in_dim3A_1, %add3A_1214] : memref<128x128xf32, #tpu.memory_space<vmem>>[vector<16xi32>, vector<16xi32>], vector<16xf32>,
      %gather3A_1267 = arith.constant 0 : i32
      %gather3A_1268 = arith.constant 0 : i32
      %gather3A_1269 = tpu.memref_slice %arg7[%scan3A_845, %gather3A_1267, %gather3A_1268] : memref<2x128x128xf32, #tpu.memory_space<vmem>> -> memref<1x128x128xf32, #tpu.memory_space<vmem>>
      %gather3A_1270 = tpu.memref_squeeze %gather3A_1269 : memref<1x128x128xf32, #tpu.memory_space<vmem>> -> memref<128x128xf32, #tpu.memory_space<vmem>>
      %gather3A_1271 = tpu.vector_load_idx %gather3A_1270[%broadcast_in_dim3A_1, %add3A_1217] : memref<128x128xf32, #tpu.memory_space<vmem>>[vector<16xi32>, vector<16xi32>], vector<16xf32>,
      %gather3A_1272 = arith.constant 0 : i32
      %gather3A_1273 = arith.constant 0 : i32
      %gather3A_1274 = tpu.memref_slice %arg7[%scan3A_845, %gather3A_1272, %gather3A_1273] : memref<2x128x128xf32, #tpu.memory_space<vmem>> -> memref<1x128x128xf32, #tpu.memory_space<vmem>>
      %gather3A_1275 = tpu.memref_squeeze %gather3A_1274 : memref<1x128x128xf32, #tpu.memory_space<vmem>> -> memref<128x128xf32, #tpu.memory_space<vmem>>
      %gather3A_1276 = tpu.vector_load_idx %gather3A_1275[%broadcast_in_dim3A_1, %add3A_1220] : memref<128x128xf32, #tpu.memory_space<vmem>>[vector<16xi32>, vector<16xi32>], vector<16xf32>,
      %gather3A_1277 = arith.constant 0 : i32
      %gather3A_1278 = arith.constant 0 : i32
      %gather3A_1279 = tpu.memref_slice %arg7[%scan3A_845, %gather3A_1277, %gather3A_1278] : memref<2x128x128xf32, #tpu.memory_space<vmem>> -> memref<1x128x128xf32, #tpu.memory_space<vmem>>
      %gather3A_1280 = tpu.memref_squeeze %gather3A_1279 : memref<1x128x128xf32, #tpu.memory_space<vmem>> -> memref<128x128xf32, #tpu.memory_space<vmem>>
      %gather3A_1281 = tpu.vector_load_idx %gather3A_1280[%broadcast_in_dim3A_1, %add3A_1223] : memref<128x128xf32, #tpu.memory_space<vmem>>[vector<16xi32>, vector<16xi32>], vector<16xf32>,
      %gather3A_1282 = arith.constant 0 : i32
      %gather3A_1283 = arith.constant 0 : i32
      %gather3A_1284 = tpu.memref_slice %arg7[%scan3A_845, %gather3A_1282, %gather3A_1283] : memref<2x128x128xf32, #tpu.memory_space<vmem>> -> memref<1x128x128xf32, #tpu.memory_space<vmem>>
      %gather3A_1285 = tpu.memref_squeeze %gather3A_1284 : memref<1x128x128xf32, #tpu.memory_space<vmem>> -> memref<128x128xf32, #tpu.memory_space<vmem>>
      %gather3A_1286 = tpu.vector_load_idx %gather3A_1285[%broadcast_in_dim3A_1, %add3A_1226] : memref<128x128xf32, #tpu.memory_space<vmem>>[vector<16xi32>, vector<16xi32>], vector<16xf32>,
      %gather3A_1287 = arith.constant 0 : i32
      %gather3A_1288 = arith.constant 0 : i32
      %gather3A_1289 = tpu.memref_slice %arg7[%scan3A_845, %gather3A_1287, %gather3A_1288] : memref<2x128x128xf32, #tpu.memory_space<vmem>> -> memref<1x128x128xf32, #tpu.memory_space<vmem>>
      %gather3A_1290 = tpu.memref_squeeze %gather3A_1289 : memref<1x128x128xf32, #tpu.memory_space<vmem>> -> memref<128x128xf32, #tpu.memory_space<vmem>>
      %gather3A_1291 = tpu.vector_load_idx %gather3A_1290[%broadcast_in_dim3A_1, %add3A_1229] : memref<128x128xf32, #tpu.memory_space<vmem>>[vector<16xi32>, vector<16xi32>], vector<16xf32>,
      %gather3A_1292 = arith.constant 0 : i32
      %gather3A_1293 = arith.constant 0 : i32
      %gather3A_1294 = tpu.memref_slice %arg7[%scan3A_845, %gather3A_1292, %gather3A_1293] : memref<2x128x128xf32, #tpu.memory_space<vmem>> -> memref<1x128x128xf32, #tpu.memory_space<vmem>>
      %gather3A_1295 = tpu.memref_squeeze %gather3A_1294 : memref<1x128x128xf32, #tpu.memory_space<vmem>> -> memref<128x128xf32, #tpu.memory_space<vmem>>
      %gather3A_1296 = tpu.vector_load_idx %gather3A_1295[%broadcast_in_dim3A_1, %add3A_1232] : memref<128x128xf32, #tpu.memory_space<vmem>>[vector<16xi32>, vector<16xi32>], vector<16xf32>,
      %gather3A_1297 = arith.constant 0 : i32
      %gather3A_1298 = arith.constant 0 : i32
      %gather3A_1299 = tpu.memref_slice %arg7[%scan3A_845, %gather3A_1297, %gather3A_1298] : memref<2x128x128xf32, #tpu.memory_space<vmem>> -> memref<1x128x128xf32, #tpu.memory_space<vmem>>
      %gather3A_1300 = tpu.memref_squeeze %gather3A_1299 : memref<1x128x128xf32, #tpu.memory_space<vmem>> -> memref<128x128xf32, #tpu.memory_space<vmem>>
      %gather3A_1301 = tpu.vector_load_idx %gather3A_1300[%broadcast_in_dim3A_1, %add3A_1235] : memref<128x128xf32, #tpu.memory_space<vmem>>[vector<16xi32>, vector<16xi32>], vector<16xf32>,
      tpu.vector_store_idx %arg8[%add3A_1238], %gather3A_1266 : memref<16640xf32, #tpu.memory_space<vmem>>[vector<16xi32>], vector<16xf32>,
      tpu.vector_store_idx %arg8[%add3A_1241], %gather3A_1271 : memref<16640xf32, #tpu.memory_space<vmem>>[vector<16xi32>], vector<16xf32>,
      tpu.vector_store_idx %arg8[%add3A_1244], %gather3A_1276 : memref<16640xf32, #tpu.memory_space<vmem>>[vector<16xi32>], vector<16xf32>,
      tpu.vector_store_idx %arg8[%add3A_1247], %gather3A_1281 : memref<16640xf32, #tpu.memory_space<vmem>>[vector<16xi32>], vector<16xf32>,
      tpu.vector_store_idx %arg8[%add3A_1250], %gather3A_1286 : memref<16640xf32, #tpu.memory_space<vmem>>[vector<16xi32>], vector<16xf32>,
      tpu.vector_store_idx %arg8[%add3A_1253], %gather3A_1291 : memref<16640xf32, #tpu.memory_space<vmem>>[vector<16xi32>], vector<16xf32>,
      tpu.vector_store_idx %arg8[%add3A_1256], %gather3A_1296 : memref<16640xf32, #tpu.memory_space<vmem>>[vector<16xi32>], vector<16xf32>,
      tpu.vector_store_idx %arg8[%add3A_1259], %gather3A_1301 : memref<16640xf32, #tpu.memory_space<vmem>>[vector<16xi32>], vector<16xf32>,
      %add3A_1302 = arith.constant 128 : i32
      %add3A_1303 = vector.broadcast %add3A_1302 : i32 to vector<16xi32>
      %add3A_1304 = arith.addi %add3A_1214, %add3A_1303 : vector<16xi32>
      %add3A_1305 = arith.constant 128 : i32
      %add3A_1306 = vector.broadcast %add3A_1305 : i32 to vector<16xi32>
      %add3A_1307 = arith.addi %add3A_1217, %add3A_1306 : vector<16xi32>
      %add3A_1308 = arith.constant 128 : i32
      %add3A_1309 = vector.broadcast %add3A_1308 : i32 to vector<16xi32>
      %add3A_1310 = arith.addi %add3A_1220, %add3A_1309 : vector<16xi32>
      %add3A_1311 = arith.constant 128 : i32
      %add3A_1312 = vector.broadcast %add3A_1311 : i32 to vector<16xi32>
      %add3A_1313 = arith.addi %add3A_1223, %add3A_1312 : vector<16xi32>
      %add3A_1314 = arith.constant 128 : i32
      %add3A_1315 = vector.broadcast %add3A_1314 : i32 to vector<16xi32>
      %add3A_1316 = arith.addi %add3A_1226, %add3A_1315 : vector<16xi32>
      %add3A_1317 = arith.constant 128 : i32
      %add3A_1318 = vector.broadcast %add3A_1317 : i32 to vector<16xi32>
      %add3A_1319 = arith.addi %add3A_1229, %add3A_1318 : vector<16xi32>
      %add3A_1320 = arith.constant 128 : i32
      %add3A_1321 = vector.broadcast %add3A_1320 : i32 to vector<16xi32>
      %add3A_1322 = arith.addi %add3A_1232, %add3A_1321 : vector<16xi32>
      %add3A_1323 = arith.constant 128 : i32
      %add3A_1324 = vector.broadcast %add3A_1323 : i32 to vector<16xi32>
      %add3A_1325 = arith.addi %add3A_1235, %add3A_1324 : vector<16xi32>
      %add3A_1326 = arith.constant 1 : i32
      %add3A_1327 = vector.broadcast %add3A_1326 : i32 to vector<16xi32>
      %add3A_1328 = arith.addi %add3A_1238, %add3A_1327 : vector<16xi32>
      %add3A_1329 = arith.constant 1 : i32
      %add3A_1330 = vector.broadcast %add3A_1329 : i32 to vector<16xi32>
      %add3A_1331 = arith.addi %add3A_1241, %add3A_1330 : vector<16xi32>
      %add3A_1332 = arith.constant 1 : i32
      %add3A_1333 = vector.broadcast %add3A_1332 : i32 to vector<16xi32>
      %add3A_1334 = arith.addi %add3A_1244, %add3A_1333 : vector<16xi32>
      %add3A_1335 = arith.constant 1 : i32
      %add3A_1336 = vector.broadcast %add3A_1335 : i32 to vector<16xi32>
      %add3A_1337 = arith.addi %add3A_1247, %add3A_1336 : vector<16xi32>
      %add3A_1338 = arith.constant 1 : i32
      %add3A_1339 = vector.broadcast %add3A_1338 : i32 to vector<16xi32>
      %add3A_1340 = arith.addi %add3A_1250, %add3A_1339 : vector<16xi32>
      %add3A_1341 = arith.constant 1 : i32
      %add3A_1342 = vector.broadcast %add3A_1341 : i32 to vector<16xi32>
      %add3A_1343 = arith.addi %add3A_1253, %add3A_1342 : vector<16xi32>
      %add3A_1344 = arith.constant 1 : i32
      %add3A_1345 = vector.broadcast %add3A_1344 : i32 to vector<16xi32>
      %add3A_1346 = arith.addi %add3A_1256, %add3A_1345 : vector<16xi32>
      %add3A_1347 = arith.constant 1 : i32
      %add3A_1348 = vector.broadcast %add3A_1347 : i32 to vector<16xi32>
      %add3A_1349 = arith.addi %add3A_1259, %add3A_1348 : vector<16xi32>
      scf.yield %add3A_1304, %add3A_1307, %add3A_1310, %add3A_1313, %add3A_1316, %add3A_1319, %add3A_1322, %add3A_1325, %add3A_1328, %add3A_1331, %add3A_1334, %add3A_1337, %add3A_1340, %add3A_1343, %add3A_1346, %add3A_1349 : vector<16xi32>, vector<16xi32>, vector<16xi32>, vector<16xi32>, vector<16xi32>, vector<16xi32>, vector<16xi32>, vector<16xi32>, vector<16xi32>, vector<16xi32>, vector<16xi32>, vector<16xi32>, vector<16xi32>, vector<16xi32>, vector<16xi32>, vector<16xi32>
    }
    %scan3A_851 = arith.constant 128 : i32
    %scan3A_852 = arith.constant 1 : i32
    %scan3A_853 = arith.constant 0 : i32
    %scan3A_854 = arith.constant 0 : i32
    %scan3A_855 = arith.constant 128 : i32
    %scan3A_856 = arith.addi %scan3A_854, %scan3A_855 : i32
    %scan3A_857 = arith.constant 2 : i32
    %scan3A_858 = scf.for %scan3A_1155 = %scan3A_854 to %scan3A_856 step %scan3A_857 iter_args(%scan3A_1156 = %scan3A_853) -> (i32)  : i32 {
      %mul3A_1157 = arith.constant 129 : i32
      %mul3A_1158 = arith.muli %scan3A_1155, %mul3A_1157 : i32
      %add3A_1159 = arith.constant 0 : i32
      %add3A_1160 = arith.addi %mul3A_1158, %add3A_1159 : i32
      %get3A = arith.index_cast %add3A_1160 : i32 to index
      %get3A_1161 = tpu.vector_load %arg8[%get3A] {strides = array<i32>} : memref<16640xf32, #tpu.memory_space<vmem>>, vector<16xf32>,
      %add3A_1162 = arith.constant 16 : i32
      %add3A_1163 = arith.addi %mul3A_1158, %add3A_1162 : i32
      %get3A_1164 = arith.index_cast %add3A_1163 : i32 to index
      %get3A_1165 = tpu.vector_load %arg8[%get3A_1164] {strides = array<i32>} : memref<16640xf32, #tpu.memory_space<vmem>>, vector<16xf32>,
      %add3A_1166 = arith.constant 32 : i32
      %add3A_1167 = arith.addi %mul3A_1158, %add3A_1166 : i32
      %get3A_1168 = arith.index_cast %add3A_1167 : i32 to index
      %get3A_1169 = tpu.vector_load %arg8[%get3A_1168] {strides = array<i32>} : memref<16640xf32, #tpu.memory_space<vmem>>, vector<16xf32>,
      %add3A_1170 = arith.constant 48 : i32
      %add3A_1171 = arith.addi %mul3A_1158, %add3A_1170 : i32
      %get3A_1172 = arith.index_cast %add3A_1171 : i32 to index
      %get3A_1173 = tpu.vector_load %arg8[%get3A_1172] {strides = array<i32>} : memref<16640xf32, #tpu.memory_space<vmem>>, vector<16xf32>,
      %add3A_1174 = arith.constant 64 : i32
      %add3A_1175 = arith.addi %mul3A_1158, %add3A_1174 : i32
      %get3A_1176 = arith.index_cast %add3A_1175 : i32 to index
      %get3A_1177 = tpu.vector_load %arg8[%get3A_1176] {strides = array<i32>} : memref<16640xf32, #tpu.memory_space<vmem>>, vector<16xf32>,
      %add3A_1178 = arith.constant 80 : i32
      %add3A_1179 = arith.addi %mul3A_1158, %add3A_1178 : i32
      %get3A_1180 = arith.index_cast %add3A_1179 : i32 to index
      %get3A_1181 = tpu.vector_load %arg8[%get3A_1180] {strides = array<i32>} : memref<16640xf32, #tpu.memory_space<vmem>>, vector<16xf32>,
      %add3A_1182 = arith.constant 96 : i32
      %add3A_1183 = arith.addi %mul3A_1158, %add3A_1182 : i32
      %get3A_1184 = arith.index_cast %add3A_1183 : i32 to index
      %get3A_1185 = tpu.vector_load %arg8[%get3A_1184] {strides = array<i32>} : memref<16640xf32, #tpu.memory_space<vmem>>, vector<16xf32>,
      %add3A_1186 = arith.constant 112 : i32
      %add3A_1187 = arith.addi %mul3A_1158, %add3A_1186 : i32
      %get3A_1188 = arith.index_cast %add3A_1187 : i32 to index
      %get3A_1189 = tpu.vector_load %arg8[%get3A_1188] {strides = array<i32>} : memref<16640xf32, #tpu.memory_space<vmem>>, vector<16xf32>,
      %swap3A_1190 = arith.constant 0 : i32
      %swap3A_1191 = arith.constant 0 : i32
      %swap3A_1192 = tpu.memref_slice %arg9[%scan3A_852, %swap3A_1190, %swap3A_1191] : memref<2x128x128xf32, #tpu.memory_space<vmem>> -> memref<1x128x128xf32, #tpu.memory_space<vmem>>
      %swap3A_1193 = tpu.memref_squeeze %swap3A_1192 : memref<1x128x128xf32, #tpu.memory_space<vmem>> -> memref<128x128xf32, #tpu.memory_space<vmem>>
      %swap3A_1194 = arith.index_cast %scan3A_1155 : i32 to index
      %swap3A_1195 = arith.constant 0 : index
      %swap3A_1196 = tpu.vector_load %swap3A_1193[%swap3A_1194, %swap3A_1195] {strides = array<i32>} : memref<128x128xf32, #tpu.memory_space<vmem>>, vector<16xf32>,
      tpu.vector_store %swap3A_1193[%swap3A_1194, %swap3A_1195], %get3A_1161 {strides = array<i32>} : memref<128x128xf32, #tpu.memory_space<vmem>>, vector<16xf32>,
      %swap3A_1197 = arith.constant 0 : i32
      %swap3A_1198 = arith.constant 0 : i32
      %swap3A_1199 = tpu.memref_slice %arg9[%scan3A_852, %swap3A_1197, %swap3A_1198] : memref<2x128x128xf32, #tpu.memory_space<vmem>> -> memref<1x128x128xf32, #tpu.memory_space<vmem>>
      %swap3A_1200 = tpu.memref_squeeze %swap3A_1199 : memref<1x128x128xf32, #tpu.memory_space<vmem>> -> memref<128x128xf32, #tpu.memory_space<vmem>>
      %swap3A_1201 = arith.index_cast %scan3A_1155 : i32 to index
      %swap3A_1202 = arith.constant 16 : index
      %swap3A_1203 = tpu.vector_load %swap3A_1200[%swap3A_1201, %swap3A_1202] {strides = array<i32>} : memref<128x128xf32, #tpu.memory_space<vmem>>, vector<16xf32>,
      tpu.vector_store %swap3A_1200[%swap3A_1201, %swap3A_1202], %get3A_1165 {strides = array<i32>} : memref<128x128xf32, #tpu.memory_space<vmem>>, vector<16xf32>,
      %swap3A_1204 = arith.constant 0 : i32
      %swap3A_1205 = arith.constant 0 : i32
      %swap3A_1206 = tpu.memref_slice %arg9[%scan3A_852, %swap3A_1204, %swap3A_1205] : memref<2x128x128xf32, #tpu.memory_space<vmem>> -> memref<1x128x128xf32, #tpu.memory_space<vmem>>
      %swap3A_1207 = tpu.memref_squeeze %swap3A_1206 : memref<1x128x128xf32, #tpu.memory_space<vmem>> -> memref<128x128xf32, #tpu.memory_space<vmem>>
      %swap3A_1208 = arith.index_cast %scan3A_1155 : i32 to index
      %swap3A_1209 = arith.constant 32 : index
      %swap3A_1210 = tpu.vector_load %swap3A_1207[%swap3A_1208, %swap3A_1209] {strides = array<i32>} : memref<128x128xf32, #tpu.memory_space<vmem>>, vector<16xf32>,
      tpu.vector_store %swap3A_1207[%swap3A_1208, %swap3A_1209], %get3A_1169 {strides = array<i32>} : memref<128x128xf32, #tpu.memory_space<vmem>>, vector<16xf32>,
      %swap3A_1211 = arith.constant 0 : i32
      %swap3A_1212 = arith.constant 0 : i32
      %swap3A_1213 = tpu.memref_slice %arg9[%scan3A_852, %swap3A_1211, %swap3A_1212] : memref<2x128x128xf32, #tpu.memory_space<vmem>> -> memref<1x128x128xf32, #tpu.memory_space<vmem>>
      %swap3A_1214 = tpu.memref_squeeze %swap3A_1213 : memref<1x128x128xf32, #tpu.memory_space<vmem>> -> memref<128x128xf32, #tpu.memory_space<vmem>>
      %swap3A_1215 = arith.index_cast %scan3A_1155 : i32 to index
      %swap3A_1216 = arith.constant 48 : index
      %swap3A_1217 = tpu.vector_load %swap3A_1214[%swap3A_1215, %swap3A_1216] {strides = array<i32>} : memref<128x128xf32, #tpu.memory_space<vmem>>, vector<16xf32>,
      tpu.vector_store %swap3A_1214[%swap3A_1215, %swap3A_1216], %get3A_1173 {strides = array<i32>} : memref<128x128xf32, #tpu.memory_space<vmem>>, vector<16xf32>,
      %swap3A_1218 = arith.constant 0 : i32
      %swap3A_1219 = arith.constant 0 : i32
      %swap3A_1220 = tpu.memref_slice %arg9[%scan3A_852, %swap3A_1218, %swap3A_1219] : memref<2x128x128xf32, #tpu.memory_space<vmem>> -> memref<1x128x128xf32, #tpu.memory_space<vmem>>
      %swap3A_1221 = tpu.memref_squeeze %swap3A_1220 : memref<1x128x128xf32, #tpu.memory_space<vmem>> -> memref<128x128xf32, #tpu.memory_space<vmem>>
      %swap3A_1222 = arith.index_cast %scan3A_1155 : i32 to index
      %swap3A_1223 = arith.constant 64 : index
      %swap3A_1224 = tpu.vector_load %swap3A_1221[%swap3A_1222, %swap3A_1223] {strides = array<i32>} : memref<128x128xf32, #tpu.memory_space<vmem>>, vector<16xf32>,
      tpu.vector_store %swap3A_1221[%swap3A_1222, %swap3A_1223], %get3A_1177 {strides = array<i32>} : memref<128x128xf32, #tpu.memory_space<vmem>>, vector<16xf32>,
      %swap3A_1225 = arith.constant 0 : i32
      %swap3A_1226 = arith.constant 0 : i32
      %swap3A_1227 = tpu.memref_slice %arg9[%scan3A_852, %swap3A_1225, %swap3A_1226] : memref<2x128x128xf32, #tpu.memory_space<vmem>> -> memref<1x128x128xf32, #tpu.memory_space<vmem>>
      %swap3A_1228 = tpu.memref_squeeze %swap3A_1227 : memref<1x128x128xf32, #tpu.memory_space<vmem>> -> memref<128x128xf32, #tpu.memory_space<vmem>>
      %swap3A_1229 = arith.index_cast %scan3A_1155 : i32 to index
      %swap3A_1230 = arith.constant 80 : index
      %swap3A_1231 = tpu.vector_load %swap3A_1228[%swap3A_1229, %swap3A_1230] {strides = array<i32>} : memref<128x128xf32, #tpu.memory_space<vmem>>, vector<16xf32>,
      tpu.vector_store %swap3A_1228[%swap3A_1229, %swap3A_1230], %get3A_1181 {strides = array<i32>} : memref<128x128xf32, #tpu.memory_space<vmem>>, vector<16xf32>,
      %swap3A_1232 = arith.constant 0 : i32
      %swap3A_1233 = arith.constant 0 : i32
      %swap3A_1234 = tpu.memref_slice %arg9[%scan3A_852, %swap3A_1232, %swap3A_1233] : memref<2x128x128xf32, #tpu.memory_space<vmem>> -> memref<1x128x128xf32, #tpu.memory_space<vmem>>
      %swap3A_1235 = tpu.memref_squeeze %swap3A_1234 : memref<1x128x128xf32, #tpu.memory_space<vmem>> -> memref<128x128xf32, #tpu.memory_space<vmem>>
      %swap3A_1236 = arith.index_cast %scan3A_1155 : i32 to index
      %swap3A_1237 = arith.constant 96 : index
      %swap3A_1238 = tpu.vector_load %swap3A_1235[%swap3A_1236, %swap3A_1237] {strides = array<i32>} : memref<128x128xf32, #tpu.memory_space<vmem>>, vector<16xf32>,
      tpu.vector_store %swap3A_1235[%swap3A_1236, %swap3A_1237], %get3A_1185 {strides = array<i32>} : memref<128x128xf32, #tpu.memory_space<vmem>>, vector<16xf32>,
      %swap3A_1239 = arith.constant 0 : i32
      %swap3A_1240 = arith.constant 0 : i32
      %swap3A_1241 = tpu.memref_slice %arg9[%scan3A_852, %swap3A_1239, %swap3A_1240] : memref<2x128x128xf32, #tpu.memory_space<vmem>> -> memref<1x128x128xf32, #tpu.memory_space<vmem>>
      %swap3A_1242 = tpu.memref_squeeze %swap3A_1241 : memref<1x128x128xf32, #tpu.memory_space<vmem>> -> memref<128x128xf32, #tpu.memory_space<vmem>>
      %swap3A_1243 = arith.index_cast %scan3A_1155 : i32 to index
      %swap3A_1244 = arith.constant 112 : index
      %swap3A_1245 = tpu.vector_load %swap3A_1242[%swap3A_1243, %swap3A_1244] {strides = array<i32>} : memref<128x128xf32, #tpu.memory_space<vmem>>, vector<16xf32>,
      tpu.vector_store %swap3A_1242[%swap3A_1243, %swap3A_1244], %get3A_1189 {strides = array<i32>} : memref<128x128xf32, #tpu.memory_space<vmem>>, vector<16xf32>,
      %scan3A_1246 = arith.constant 0 : i32
      %scan3A_1247 = arith.constant 1 : i32
      %scan3A_1248 = arith.addi %scan3A_1155, %scan3A_1247 : i32
      %mul3A_1249 = arith.constant 129 : i32
      %mul3A_1250 = arith.muli %scan3A_1248, %mul3A_1249 : i32
      %add3A_1251 = arith.constant 0 : i32
      %add3A_1252 = arith.addi %mul3A_1250, %add3A_1251 : i32
      %get3A_1253 = arith.index_cast %add3A_1252 : i32 to index
      %get3A_1254 = tpu.vector_load %arg8[%get3A_1253] {strides = array<i32>} : memref<16640xf32, #tpu.memory_space<vmem>>, vector<16xf32>,
      %add3A_1255 = arith.constant 16 : i32
      %add3A_1256 = arith.addi %mul3A_1250, %add3A_1255 : i32
      %get3A_1257 = arith.index_cast %add3A_1256 : i32 to index
      %get3A_1258 = tpu.vector_load %arg8[%get3A_1257] {strides = array<i32>} : memref<16640xf32, #tpu.memory_space<vmem>>, vector<16xf32>,
      %add3A_1259 = arith.constant 32 : i32
      %add3A_1260 = arith.addi %mul3A_1250, %add3A_1259 : i32
      %get3A_1261 = arith.index_cast %add3A_1260 : i32 to index
      %get3A_1262 = tpu.vector_load %arg8[%get3A_1261] {strides = array<i32>} : memref<16640xf32, #tpu.memory_space<vmem>>, vector<16xf32>,
      %add3A_1263 = arith.constant 48 : i32
      %add3A_1264 = arith.addi %mul3A_1250, %add3A_1263 : i32
      %get3A_1265 = arith.index_cast %add3A_1264 : i32 to index
      %get3A_1266 = tpu.vector_load %arg8[%get3A_1265] {strides = array<i32>} : memref<16640xf32, #tpu.memory_space<vmem>>, vector<16xf32>,
      %add3A_1267 = arith.constant 64 : i32
      %add3A_1268 = arith.addi %mul3A_1250, %add3A_1267 : i32
      %get3A_1269 = arith.index_cast %add3A_1268 : i32 to index
      %get3A_1270 = tpu.vector_load %arg8[%get3A_1269] {strides = array<i32>} : memref<16640xf32, #tpu.memory_space<vmem>>, vector<16xf32>,
      %add3A_1271 = arith.constant 80 : i32
      %add3A_1272 = arith.addi %mul3A_1250, %add3A_1271 : i32
      %get3A_1273 = arith.index_cast %add3A_1272 : i32 to index
      %get3A_1274 = tpu.vector_load %arg8[%get3A_1273] {strides = array<i32>} : memref<16640xf32, #tpu.memory_space<vmem>>, vector<16xf32>,
      %add3A_1275 = arith.constant 96 : i32
      %add3A_1276 = arith.addi %mul3A_1250, %add3A_1275 : i32
      %get3A_1277 = arith.index_cast %add3A_1276 : i32 to index
      %get3A_1278 = tpu.vector_load %arg8[%get3A_1277] {strides = array<i32>} : memref<16640xf32, #tpu.memory_space<vmem>>, vector<16xf32>,
      %add3A_1279 = arith.constant 112 : i32
      %add3A_1280 = arith.addi %mul3A_1250, %add3A_1279 : i32
      %get3A_1281 = arith.index_cast %add3A_1280 : i32 to index
      %get3A_1282 = tpu.vector_load %arg8[%get3A_1281] {strides = array<i32>} : memref<16640xf32, #tpu.memory_space<vmem>>, vector<16xf32>,
      %swap3A_1283 = arith.constant 0 : i32
      %swap3A_1284 = arith.constant 0 : i32
      %swap3A_1285 = tpu.memref_slice %arg9[%scan3A_852, %swap3A_1283, %swap3A_1284] : memref<2x128x128xf32, #tpu.memory_space<vmem>> -> memref<1x128x128xf32, #tpu.memory_space<vmem>>
      %swap3A_1286 = tpu.memref_squeeze %swap3A_1285 : memref<1x128x128xf32, #tpu.memory_space<vmem>> -> memref<128x128xf32, #tpu.memory_space<vmem>>
      %swap3A_1287 = arith.index_cast %scan3A_1248 : i32 to index
      %swap3A_1288 = arith.constant 0 : index
      %swap3A_1289 = tpu.vector_load %swap3A_1286[%swap3A_1287, %swap3A_1288] {strides = array<i32>} : memref<128x128xf32, #tpu.memory_space<vmem>>, vector<16xf32>,
      tpu.vector_store %swap3A_1286[%swap3A_1287, %swap3A_1288], %get3A_1254 {strides = array<i32>} : memref<128x128xf32, #tpu.memory_space<vmem>>, vector<16xf32>,
      %swap3A_1290 = arith.constant 0 : i32
      %swap3A_1291 = arith.constant 0 : i32
      %swap3A_1292 = tpu.memref_slice %arg9[%scan3A_852, %swap3A_1290, %swap3A_1291] : memref<2x128x128xf32, #tpu.memory_space<vmem>> -> memref<1x128x128xf32, #tpu.memory_space<vmem>>
      %swap3A_1293 = tpu.memref_squeeze %swap3A_1292 : memref<1x128x128xf32, #tpu.memory_space<vmem>> -> memref<128x128xf32, #tpu.memory_space<vmem>>
      %swap3A_1294 = arith.index_cast %scan3A_1248 : i32 to index
      %swap3A_1295 = arith.constant 16 : index
      %swap3A_1296 = tpu.vector_load %swap3A_1293[%swap3A_1294, %swap3A_1295] {strides = array<i32>} : memref<128x128xf32, #tpu.memory_space<vmem>>, vector<16xf32>,
      tpu.vector_store %swap3A_1293[%swap3A_1294, %swap3A_1295], %get3A_1258 {strides = array<i32>} : memref<128x128xf32, #tpu.memory_space<vmem>>, vector<16xf32>,
      %swap3A_1297 = arith.constant 0 : i32
      %swap3A_1298 = arith.constant 0 : i32
      %swap3A_1299 = tpu.memref_slice %arg9[%scan3A_852, %swap3A_1297, %swap3A_1298] : memref<2x128x128xf32, #tpu.memory_space<vmem>> -> memref<1x128x128xf32, #tpu.memory_space<vmem>>
      %swap3A_1300 = tpu.memref_squeeze %swap3A_1299 : memref<1x128x128xf32, #tpu.memory_space<vmem>> -> memref<128x128xf32, #tpu.memory_space<vmem>>
      %swap3A_1301 = arith.index_cast %scan3A_1248 : i32 to index
      %swap3A_1302 = arith.constant 32 : index
      %swap3A_1303 = tpu.vector_load %swap3A_1300[%swap3A_1301, %swap3A_1302] {strides = array<i32>} : memref<128x128xf32, #tpu.memory_space<vmem>>, vector<16xf32>,
      tpu.vector_store %swap3A_1300[%swap3A_1301, %swap3A_1302], %get3A_1262 {strides = array<i32>} : memref<128x128xf32, #tpu.memory_space<vmem>>, vector<16xf32>,
      %swap3A_1304 = arith.constant 0 : i32
      %swap3A_1305 = arith.constant 0 : i32
      %swap3A_1306 = tpu.memref_slice %arg9[%scan3A_852, %swap3A_1304, %swap3A_1305] : memref<2x128x128xf32, #tpu.memory_space<vmem>> -> memref<1x128x128xf32, #tpu.memory_space<vmem>>
      %swap3A_1307 = tpu.memref_squeeze %swap3A_1306 : memref<1x128x128xf32, #tpu.memory_space<vmem>> -> memref<128x128xf32, #tpu.memory_space<vmem>>
      %swap3A_1308 = arith.index_cast %scan3A_1248 : i32 to index
      %swap3A_1309 = arith.constant 48 : index
      %swap3A_1310 = tpu.vector_load %swap3A_1307[%swap3A_1308, %swap3A_1309] {strides = array<i32>} : memref<128x128xf32, #tpu.memory_space<vmem>>, vector<16xf32>,
      tpu.vector_store %swap3A_1307[%swap3A_1308, %swap3A_1309], %get3A_1266 {strides = array<i32>} : memref<128x128xf32, #tpu.memory_space<vmem>>, vector<16xf32>,
      %swap3A_1311 = arith.constant 0 : i32
      %swap3A_1312 = arith.constant 0 : i32
      %swap3A_1313 = tpu.memref_slice %arg9[%scan3A_852, %swap3A_1311, %swap3A_1312] : memref<2x128x128xf32, #tpu.memory_space<vmem>> -> memref<1x128x128xf32, #tpu.memory_space<vmem>>
      %swap3A_1314 = tpu.memref_squeeze %swap3A_1313 : memref<1x128x128xf32, #tpu.memory_space<vmem>> -> memref<128x128xf32, #tpu.memory_space<vmem>>
      %swap3A_1315 = arith.index_cast %scan3A_1248 : i32 to index
      %swap3A_1316 = arith.constant 64 : index
      %swap3A_1317 = tpu.vector_load %swap3A_1314[%swap3A_1315, %swap3A_1316] {strides = array<i32>} : memref<128x128xf32, #tpu.memory_space<vmem>>, vector<16xf32>,
      tpu.vector_store %swap3A_1314[%swap3A_1315, %swap3A_1316], %get3A_1270 {strides = array<i32>} : memref<128x128xf32, #tpu.memory_space<vmem>>, vector<16xf32>,
      %swap3A_1318 = arith.constant 0 : i32
      %swap3A_1319 = arith.constant 0 : i32
      %swap3A_1320 = tpu.memref_slice %arg9[%scan3A_852, %swap3A_1318, %swap3A_1319] : memref<2x128x128xf32, #tpu.memory_space<vmem>> -> memref<1x128x128xf32, #tpu.memory_space<vmem>>
      %swap3A_1321 = tpu.memref_squeeze %swap3A_1320 : memref<1x128x128xf32, #tpu.memory_space<vmem>> -> memref<128x128xf32, #tpu.memory_space<vmem>>
      %swap3A_1322 = arith.index_cast %scan3A_1248 : i32 to index
      %swap3A_1323 = arith.constant 80 : index
      %swap3A_1324 = tpu.vector_load %swap3A_1321[%swap3A_1322, %swap3A_1323] {strides = array<i32>} : memref<128x128xf32, #tpu.memory_space<vmem>>, vector<16xf32>,
      tpu.vector_store %swap3A_1321[%swap3A_1322, %swap3A_1323], %get3A_1274 {strides = array<i32>} : memref<128x128xf32, #tpu.memory_space<vmem>>, vector<16xf32>,
      %swap3A_1325 = arith.constant 0 : i32
      %swap3A_1326 = arith.constant 0 : i32
      %swap3A_1327 = tpu.memref_slice %arg9[%scan3A_852, %swap3A_1325, %swap3A_1326] : memref<2x128x128xf32, #tpu.memory_space<vmem>> -> memref<1x128x128xf32, #tpu.memory_space<vmem>>
      %swap3A_1328 = tpu.memref_squeeze %swap3A_1327 : memref<1x128x128xf32, #tpu.memory_space<vmem>> -> memref<128x128xf32, #tpu.memory_space<vmem>>
      %swap3A_1329 = arith.index_cast %scan3A_1248 : i32 to index
      %swap3A_1330 = arith.constant 96 : index
      %swap3A_1331 = tpu.vector_load %swap3A_1328[%swap3A_1329, %swap3A_1330] {strides = array<i32>} : memref<128x128xf32, #tpu.memory_space<vmem>>, vector<16xf32>,
      tpu.vector_store %swap3A_1328[%swap3A_1329, %swap3A_1330], %get3A_1278 {strides = array<i32>} : memref<128x128xf32, #tpu.memory_space<vmem>>, vector<16xf32>,
      %swap3A_1332 = arith.constant 0 : i32
      %swap3A_1333 = arith.constant 0 : i32
      %swap3A_1334 = tpu.memref_slice %arg9[%scan3A_852, %swap3A_1332, %swap3A_1333] : memref<2x128x128xf32, #tpu.memory_space<vmem>> -> memref<1x128x128xf32, #tpu.memory_space<vmem>>
      %swap3A_1335 = tpu.memref_squeeze %swap3A_1334 : memref<1x128x128xf32, #tpu.memory_space<vmem>> -> memref<128x128xf32, #tpu.memory_space<vmem>>
      %swap3A_1336 = arith.index_cast %scan3A_1248 : i32 to index
      %swap3A_1337 = arith.constant 112 : index
      %swap3A_1338 = tpu.vector_load %swap3A_1335[%swap3A_1336, %swap3A_1337] {strides = array<i32>} : memref<128x128xf32, #tpu.memory_space<vmem>>, vector<16xf32>,
      tpu.vector_store %swap3A_1335[%swap3A_1336, %swap3A_1337], %get3A_1282 {strides = array<i32>} : memref<128x128xf32, #tpu.memory_space<vmem>>, vector<16xf32>,
      %scan3A_1339 = arith.constant 0 : i32
      scf.yield %scan3A_1339 : i32
    }
    %scan3A_859 = arith.constant 128 : i32
    %dma_start3A_860 = arith.constant 1 : i32
    %dma_start3A_861 = arith.constant 1 : i32
    %dma_start3A_862 = arith.constant 0 : i32
    %dma_start3A_863 = arith.constant 0 : i32
    %dma_start3A_864 = tpu.memref_slice %arg9[%dma_start3A_860, %dma_start3A_862, %dma_start3A_863] : memref<2x128x128xf32, #tpu.memory_space<vmem>> -> memref<1x128x128xf32, #tpu.memory_space<vmem>>
    %dma_start3A_865 = tpu.memref_squeeze %dma_start3A_864 : memref<1x128x128xf32, #tpu.memory_space<vmem>> -> memref<128x128xf32, #tpu.memory_space<vmem>>
    %dma_start3A_866 = arith.constant 0 : i32
    %dma_start3A_867 = tpu.memref_slice %arg6[%dma_start3A_861, %dma_start3A_866] : memref<2x128xi32, #tpu.memory_space<vmem>> -> memref<1x128xi32, #tpu.memory_space<vmem>>
    %dma_start3A_868 = tpu.memref_squeeze %dma_start3A_867 : memref<1x128xi32, #tpu.memory_space<vmem>> -> memref<128xi32, #tpu.memory_space<vmem>>
    %dma_start3A_869 = arith.constant 0 : i32
    %dma_start3A_870 = arith.constant 0 : i32
    %dma_start3A_871 = tpu.memref_slice %arg4[%dma_start3A_869, %dma_start3A_870] : memref<16384x128xf32, #tpu.memory_space<hbm>> -> memref<16384x128xf32, #tpu.memory_space<hbm>>
    tpu.enqueue_indirect_dma source(%dma_start3A_865 : memref<128x128xf32, #tpu.memory_space<vmem>>) target(%dma_start3A_871 : memref<16384x128xf32, #tpu.memory_space<hbm>>) offsets(%dma_start3A_868 : memref<128xi32, #tpu.memory_space<vmem>>) semaphore(%arg13 : memref<!tpu.dma_semaphore, #tpu.memory_space<semaphore_mem>>)
    %mul3A_872 = arith.constant 4 : i32
    %mul3A_873 = arith.muli %add3A, %mul3A_872 : i32
    %add3A_874 = arith.constant 3 : i32
    %add3A_875 = arith.addi %mul3A_873, %add3A_874 : i32
    %mul3A_876 = arith.constant 128 : i32
    %mul3A_877 = arith.muli %add3A_875, %mul3A_876 : i32
    %dma_start3A_878 = arith.constant 1 : i32
    %dma_start3A_879 = arith.constant 0 : i32
    %dma_start3A_880 = arith.constant 0 : i32
    %dma_start3A_881 = tpu.memref_slice %arg7[%dma_start3A_878, %dma_start3A_879, %dma_start3A_880] : memref<2x128x128xf32, #tpu.memory_space<vmem>> -> memref<1x128x128xf32, #tpu.memory_space<vmem>>
    %dma_start3A_882 = tpu.memref_squeeze %dma_start3A_881 : memref<1x128x128xf32, #tpu.memory_space<vmem>> -> memref<128x128xf32, #tpu.memory_space<vmem>>
    %dma_start3A_883 = arith.constant 0 : i32
    %dma_start3A_884 = tpu.memref_slice %arg2[%mul3A_877, %dma_start3A_883] : memref<16384x128xf32, #tpu.memory_space<hbm>> -> memref<128x128xf32, #tpu.memory_space<hbm>>
    %dma_start3A_885 = arith.constant 0 : i32
    %dma_start3A_886 = arith.constant 0 : i32
    %dma_start3A_887 = tpu.memref_slice %arg7[%dma_start3A_878, %dma_start3A_885, %dma_start3A_886] : memref<2x128x128xf32, #tpu.memory_space<vmem>> -> memref<1x128x128xf32, #tpu.memory_space<vmem>>
    %dma_start3A_888 = tpu.memref_squeeze %dma_start3A_887 : memref<1x128x128xf32, #tpu.memory_space<vmem>> -> memref<128x128xf32, #tpu.memory_space<vmem>>
    %dma_start3A_889 = arith.constant 0 : i32
    %dma_start3A_890 = tpu.memref_slice %arg2[%mul3A_877, %dma_start3A_889] : memref<16384x128xf32, #tpu.memory_space<hbm>> -> memref<128x128xf32, #tpu.memory_space<hbm>>
    tpu.enqueue_dma source(%dma_start3A_890 : memref<128x128xf32, #tpu.memory_space<hbm>>) target(%dma_start3A_888 : memref<128x128xf32, #tpu.memory_space<vmem>>) target_semaphore(%arg11 : memref<!tpu.dma_semaphore, #tpu.memory_space<semaphore_mem>>)
    %dma_wait3A_891 = arith.constant 0 : i32
    %dma_wait3A_892 = arith.constant 0 : i32
    %dma_wait3A_893 = arith.constant 0 : i32
    %dma_wait3A_894 = arith.constant 0 : i32
    %dma_wait3A_895 = tpu.memref_slice %arg9[%dma_wait3A_891, %dma_wait3A_893, %dma_wait3A_894] : memref<2x128x128xf32, #tpu.memory_space<vmem>> -> memref<1x128x128xf32, #tpu.memory_space<vmem>>
    %dma_wait3A_896 = tpu.memref_squeeze %dma_wait3A_895 : memref<1x128x128xf32, #tpu.memory_space<vmem>> -> memref<128x128xf32, #tpu.memory_space<vmem>>
    %dma_wait3A_897 = arith.constant 0 : i32
    %dma_wait3A_898 = tpu.memref_slice %arg6[%dma_wait3A_892, %dma_wait3A_897] : memref<2x128xi32, #tpu.memory_space<vmem>> -> memref<1x128xi32, #tpu.memory_space<vmem>>
    %dma_wait3A_899 = tpu.memref_squeeze %dma_wait3A_898 : memref<1x128xi32, #tpu.memory_space<vmem>> -> memref<128xi32, #tpu.memory_space<vmem>>
    %dma_wait3A_900 = arith.constant 0 : i32
    %dma_wait3A_901 = arith.constant 0 : i32
    %dma_wait3A_902 = tpu.memref_slice %arg4[%dma_wait3A_900, %dma_wait3A_901] : memref<16384x128xf32, #tpu.memory_space<hbm>> -> memref<16384x128xf32, #tpu.memory_space<hbm>>
    tpu.wait_indirect_dma semaphore(%arg12 : memref<!tpu.dma_semaphore, #tpu.memory_space<semaphore_mem>>) src(%dma_wait3A_896 : memref<128x128xf32, #tpu.memory_space<vmem>>) dst(%dma_wait3A_902 : memref<16384x128xf32, #tpu.memory_space<hbm>>)
    %mul3A_903 = arith.constant 4 : i32
    %mul3A_904 = arith.muli %add3A, %mul3A_903 : i32
    %add3A_905 = arith.constant 2 : i32
    %add3A_906 = arith.addi %mul3A_904, %add3A_905 : i32
    %mul3A_907 = arith.constant 2 : i32
    %mul3A_908 = arith.muli %add3A_906, %mul3A_907 : i32
    %add3A_909 = vector.broadcast %mul3A_908 : i32 to vector<16xi32>
    %add3A_910 = arith.addi %add3A_162, %add3A_909 : vector<16xi32>
    %swap3A_911 = arith.constant 0 : i32
    %swap3A_912 = arith.index_cast %swap3A_911 : i32 to index
    %swap3A_913 = arith.constant 0 : index
    %swap3A_914 = tpu.vector_load %arg6[%swap3A_912, %swap3A_913] {strides = array<i32>} : memref<2x128xi32, #tpu.memory_space<vmem>>, vector<16xi32>,
    tpu.vector_store %arg6[%swap3A_912, %swap3A_913], %add3A_910 {strides = array<i32>} : memref<2x128xi32, #tpu.memory_space<vmem>>, vector<16xi32>,
    %add3A_915 = vector.broadcast %mul3A_908 : i32 to vector<16xi32>
    %add3A_916 = arith.addi %add3A_225, %add3A_915 : vector<16xi32>
    %swap3A_917 = arith.constant 0 : i32
    %swap3A_918 = arith.index_cast %swap3A_917 : i32 to index
    %swap3A_919 = arith.constant 16 : index
    %swap3A_920 = tpu.vector_load %arg6[%swap3A_918, %swap3A_919] {strides = array<i32>} : memref<2x128xi32, #tpu.memory_space<vmem>>, vector<16xi32>,
    tpu.vector_store %arg6[%swap3A_918, %swap3A_919], %add3A_916 {strides = array<i32>} : memref<2x128xi32, #tpu.memory_space<vmem>>, vector<16xi32>,
    %add3A_921 = vector.broadcast %mul3A_908 : i32 to vector<16xi32>
    %add3A_922 = arith.addi %add3A_288, %add3A_921 : vector<16xi32>
    %swap3A_923 = arith.constant 0 : i32
    %swap3A_924 = arith.index_cast %swap3A_923 : i32 to index
    %swap3A_925 = arith.constant 32 : index
    %swap3A_926 = tpu.vector_load %arg6[%swap3A_924, %swap3A_925] {strides = array<i32>} : memref<2x128xi32, #tpu.memory_space<vmem>>, vector<16xi32>,
    tpu.vector_store %arg6[%swap3A_924, %swap3A_925], %add3A_922 {strides = array<i32>} : memref<2x128xi32, #tpu.memory_space<vmem>>, vector<16xi32>,
    %add3A_927 = vector.broadcast %mul3A_908 : i32 to vector<16xi32>
    %add3A_928 = arith.addi %add3A_351, %add3A_927 : vector<16xi32>
    %swap3A_929 = arith.constant 0 : i32
    %swap3A_930 = arith.index_cast %swap3A_929 : i32 to index
    %swap3A_931 = arith.constant 48 : index
    %swap3A_932 = tpu.vector_load %arg6[%swap3A_930, %swap3A_931] {strides = array<i32>} : memref<2x128xi32, #tpu.memory_space<vmem>>, vector<16xi32>,
    tpu.vector_store %arg6[%swap3A_930, %swap3A_931], %add3A_928 {strides = array<i32>} : memref<2x128xi32, #tpu.memory_space<vmem>>, vector<16xi32>,
    %add3A_933 = vector.broadcast %mul3A_908 : i32 to vector<16xi32>
    %add3A_934 = arith.addi %add3A_414, %add3A_933 : vector<16xi32>
    %swap3A_935 = arith.constant 0 : i32
    %swap3A_936 = arith.index_cast %swap3A_935 : i32 to index
    %swap3A_937 = arith.constant 64 : index
    %swap3A_938 = tpu.vector_load %arg6[%swap3A_936, %swap3A_937] {strides = array<i32>} : memref<2x128xi32, #tpu.memory_space<vmem>>, vector<16xi32>,
    tpu.vector_store %arg6[%swap3A_936, %swap3A_937], %add3A_934 {strides = array<i32>} : memref<2x128xi32, #tpu.memory_space<vmem>>, vector<16xi32>,
    %add3A_939 = vector.broadcast %mul3A_908 : i32 to vector<16xi32>
    %add3A_940 = arith.addi %add3A_477, %add3A_939 : vector<16xi32>
    %swap3A_941 = arith.constant 0 : i32
    %swap3A_942 = arith.index_cast %swap3A_941 : i32 to index
    %swap3A_943 = arith.constant 80 : index
    %swap3A_944 = tpu.vector_load %arg6[%swap3A_942, %swap3A_943] {strides = array<i32>} : memref<2x128xi32, #tpu.memory_space<vmem>>, vector<16xi32>,
    tpu.vector_store %arg6[%swap3A_942, %swap3A_943], %add3A_940 {strides = array<i32>} : memref<2x128xi32, #tpu.memory_space<vmem>>, vector<16xi32>,
    %add3A_945 = vector.broadcast %mul3A_908 : i32 to vector<16xi32>
    %add3A_946 = arith.addi %add3A_540, %add3A_945 : vector<16xi32>
    %swap3A_947 = arith.constant 0 : i32
    %swap3A_948 = arith.index_cast %swap3A_947 : i32 to index
    %swap3A_949 = arith.constant 96 : index
    %swap3A_950 = tpu.vector_load %arg6[%swap3A_948, %swap3A_949] {strides = array<i32>} : memref<2x128xi32, #tpu.memory_space<vmem>>, vector<16xi32>,
    tpu.vector_store %arg6[%swap3A_948, %swap3A_949], %add3A_946 {strides = array<i32>} : memref<2x128xi32, #tpu.memory_space<vmem>>, vector<16xi32>,
    %add3A_951 = vector.broadcast %mul3A_908 : i32 to vector<16xi32>
    %add3A_952 = arith.addi %add3A_603, %add3A_951 : vector<16xi32>
    %swap3A_953 = arith.constant 0 : i32
    %swap3A_954 = arith.index_cast %swap3A_953 : i32 to index
    %swap3A_955 = arith.constant 112 : index
    %swap3A_956 = tpu.vector_load %arg6[%swap3A_954, %swap3A_955] {strides = array<i32>} : memref<2x128xi32, #tpu.memory_space<vmem>>, vector<16xi32>,
    tpu.vector_store %arg6[%swap3A_954, %swap3A_955], %add3A_952 {strides = array<i32>} : memref<2x128xi32, #tpu.memory_space<vmem>>, vector<16xi32>,
    %mul3A_957 = arith.constant 4 : i32
    %mul3A_958 = arith.muli %add3A, %mul3A_957 : i32
    %add3A_959 = arith.constant 2 : i32
    %add3A_960 = arith.addi %mul3A_958, %add3A_959 : i32
    %mul3A_961 = arith.constant 128 : i32
    %mul3A_962 = arith.muli %add3A_960, %mul3A_961 : i32
    %dma_wait3A_963 = arith.constant 0 : i32
    %dma_wait3A_964 = arith.constant 0 : i32
    %dma_wait3A_965 = arith.constant 0 : i32
    %dma_wait3A_966 = tpu.memref_slice %arg7[%dma_wait3A_963, %dma_wait3A_964, %dma_wait3A_965] : memref<2x128x128xf32, #tpu.memory_space<vmem>> -> memref<1x128x128xf32, #tpu.memory_space<vmem>>
    %dma_wait3A_967 = tpu.memref_squeeze %dma_wait3A_966 : memref<1x128x128xf32, #tpu.memory_space<vmem>> -> memref<128x128xf32, #tpu.memory_space<vmem>>
    %dma_wait3A_968 = arith.constant 0 : i32
    %dma_wait3A_969 = tpu.memref_slice %arg2[%mul3A_962, %dma_wait3A_968] : memref<16384x128xf32, #tpu.memory_space<hbm>> -> memref<128x128xf32, #tpu.memory_space<hbm>>
    %dma_wait3A_970 = arith.constant 0 : i32
    %dma_wait3A_971 = arith.constant 0 : i32
    %dma_wait3A_972 = tpu.memref_slice %arg7[%dma_wait3A_963, %dma_wait3A_970, %dma_wait3A_971] : memref<2x128x128xf32, #tpu.memory_space<vmem>> -> memref<1x128x128xf32, #tpu.memory_space<vmem>>
    %dma_wait3A_973 = tpu.memref_squeeze %dma_wait3A_972 : memref<1x128x128xf32, #tpu.memory_space<vmem>> -> memref<128x128xf32, #tpu.memory_space<vmem>>
    %dma_wait3A_974 = arith.constant 0 : i32
    %dma_wait3A_975 = tpu.memref_slice %arg2[%mul3A_962, %dma_wait3A_974] : memref<16384x128xf32, #tpu.memory_space<hbm>> -> memref<128x128xf32, #tpu.memory_space<hbm>>
    tpu.wait_dma2 semaphore(%arg10 : memref<!tpu.dma_semaphore, #tpu.memory_space<semaphore_mem>>) src(%dma_wait3A_975 : memref<128x128xf32, #tpu.memory_space<hbm>>) dst(%dma_wait3A_973 : memref<128x128xf32, #tpu.memory_space<vmem>>)
    %gather3A_976 = tpu.vector_load_idx %arg5[%mul3A_7] : memref<128xi32, #tpu.memory_space<vmem>>[vector<16xi32>], vector<16xi32>,
    %gather3A_977 = tpu.vector_load_idx %arg5[%mul3A_13] : memref<128xi32, #tpu.memory_space<vmem>>[vector<16xi32>], vector<16xi32>,
    %gather3A_978 = tpu.vector_load_idx %arg5[%mul3A_19] : memref<128xi32, #tpu.memory_space<vmem>>[vector<16xi32>], vector<16xi32>,
    %gather3A_979 = tpu.vector_load_idx %arg5[%mul3A_25] : memref<128xi32, #tpu.memory_space<vmem>>[vector<16xi32>], vector<16xi32>,
    %gather3A_980 = tpu.vector_load_idx %arg5[%add3A_34] : memref<128xi32, #tpu.memory_space<vmem>>[vector<16xi32>], vector<16xi32>,
    %gather3A_981 = tpu.vector_load_idx %arg5[%add3A_43] : memref<128xi32, #tpu.memory_space<vmem>>[vector<16xi32>], vector<16xi32>,
    %gather3A_982 = tpu.vector_load_idx %arg5[%add3A_52] : memref<128xi32, #tpu.memory_space<vmem>>[vector<16xi32>], vector<16xi32>,
    %gather3A_983 = tpu.vector_load_idx %arg5[%add3A_61] : memref<128xi32, #tpu.memory_space<vmem>>[vector<16xi32>], vector<16xi32>,
    %scan3A_984 = arith.constant 0 : i32
    %scan3A_985 = arith.constant 0 : i32
    %scan3A_986 = arith.constant 128 : i32
    %scan3A_987 = arith.addi %scan3A_985, %scan3A_986 : i32
    %scan3A_988 = arith.constant 2 : i32
    %scan3A_989:16 = scf.for %scan3A_1155 = %scan3A_985 to %scan3A_987 step %scan3A_988 iter_args(%scan3A_1156 = %gather3A_976, %scan3A_1157 = %gather3A_977, %scan3A_1158 = %gather3A_978, %scan3A_1159 = %gather3A_979, %scan3A_1160 = %gather3A_980, %scan3A_1161 = %gather3A_981, %scan3A_1162 = %gather3A_982, %scan3A_1163 = %gather3A_983, %scan3A_1164 = %mul3A_64, %scan3A_1165 = %mul3A_67, %scan3A_1166 = %mul3A_70, %scan3A_1167 = %mul3A_73, %scan3A_1168 = %mul3A_76, %scan3A_1169 = %mul3A_79, %scan3A_1170 = %mul3A_82, %scan3A_1171 = %mul3A_85) -> (vector<16xi32>, vector<16xi32>, vector<16xi32>, vector<16xi32>, vector<16xi32>, vector<16xi32>, vector<16xi32>, vector<16xi32>, vector<16xi32>, vector<16xi32>, vector<16xi32>, vector<16xi32>, vector<16xi32>, vector<16xi32>, vector<16xi32>, vector<16xi32>)  : i32 {
      %gather3A_1172 = arith.constant 0 : i32
      %gather3A_1173 = arith.constant 0 : i32
      %gather3A_1174 = tpu.memref_slice %arg7[%scan3A_984, %gather3A_1172, %gather3A_1173] : memref<2x128x128xf32, #tpu.memory_space<vmem>> -> memref<1x128x128xf32, #tpu.memory_space<vmem>>
      %gather3A_1175 = tpu.memref_squeeze %gather3A_1174 : memref<1x128x128xf32, #tpu.memory_space<vmem>> -> memref<128x128xf32, #tpu.memory_space<vmem>>
      %gather3A_1176 = tpu.vector_load_idx %gather3A_1175[%broadcast_in_dim3A_1, %scan3A_1156] : memref<128x128xf32, #tpu.memory_space<vmem>>[vector<16xi32>, vector<16xi32>], vector<16xf32>,
      %gather3A_1177 = arith.constant 0 : i32
      %gather3A_1178 = arith.constant 0 : i32
      %gather3A_1179 = tpu.memref_slice %arg7[%scan3A_984, %gather3A_1177, %gather3A_1178] : memref<2x128x128xf32, #tpu.memory_space<vmem>> -> memref<1x128x128xf32, #tpu.memory_space<vmem>>
      %gather3A_1180 = tpu.memref_squeeze %gather3A_1179 : memref<1x128x128xf32, #tpu.memory_space<vmem>> -> memref<128x128xf32, #tpu.memory_space<vmem>>
      %gather3A_1181 = tpu.vector_load_idx %gather3A_1180[%broadcast_in_dim3A_1, %scan3A_1157] : memref<128x128xf32, #tpu.memory_space<vmem>>[vector<16xi32>, vector<16xi32>], vector<16xf32>,
      %gather3A_1182 = arith.constant 0 : i32
      %gather3A_1183 = arith.constant 0 : i32
      %gather3A_1184 = tpu.memref_slice %arg7[%scan3A_984, %gather3A_1182, %gather3A_1183] : memref<2x128x128xf32, #tpu.memory_space<vmem>> -> memref<1x128x128xf32, #tpu.memory_space<vmem>>
      %gather3A_1185 = tpu.memref_squeeze %gather3A_1184 : memref<1x128x128xf32, #tpu.memory_space<vmem>> -> memref<128x128xf32, #tpu.memory_space<vmem>>
      %gather3A_1186 = tpu.vector_load_idx %gather3A_1185[%broadcast_in_dim3A_1, %scan3A_1158] : memref<128x128xf32, #tpu.memory_space<vmem>>[vector<16xi32>, vector<16xi32>], vector<16xf32>,
      %gather3A_1187 = arith.constant 0 : i32
      %gather3A_1188 = arith.constant 0 : i32
      %gather3A_1189 = tpu.memref_slice %arg7[%scan3A_984, %gather3A_1187, %gather3A_1188] : memref<2x128x128xf32, #tpu.memory_space<vmem>> -> memref<1x128x128xf32, #tpu.memory_space<vmem>>
      %gather3A_1190 = tpu.memref_squeeze %gather3A_1189 : memref<1x128x128xf32, #tpu.memory_space<vmem>> -> memref<128x128xf32, #tpu.memory_space<vmem>>
      %gather3A_1191 = tpu.vector_load_idx %gather3A_1190[%broadcast_in_dim3A_1, %scan3A_1159] : memref<128x128xf32, #tpu.memory_space<vmem>>[vector<16xi32>, vector<16xi32>], vector<16xf32>,
      %gather3A_1192 = arith.constant 0 : i32
      %gather3A_1193 = arith.constant 0 : i32
      %gather3A_1194 = tpu.memref_slice %arg7[%scan3A_984, %gather3A_1192, %gather3A_1193] : memref<2x128x128xf32, #tpu.memory_space<vmem>> -> memref<1x128x128xf32, #tpu.memory_space<vmem>>
      %gather3A_1195 = tpu.memref_squeeze %gather3A_1194 : memref<1x128x128xf32, #tpu.memory_space<vmem>> -> memref<128x128xf32, #tpu.memory_space<vmem>>
      %gather3A_1196 = tpu.vector_load_idx %gather3A_1195[%broadcast_in_dim3A_1, %scan3A_1160] : memref<128x128xf32, #tpu.memory_space<vmem>>[vector<16xi32>, vector<16xi32>], vector<16xf32>,
      %gather3A_1197 = arith.constant 0 : i32
      %gather3A_1198 = arith.constant 0 : i32
      %gather3A_1199 = tpu.memref_slice %arg7[%scan3A_984, %gather3A_1197, %gather3A_1198] : memref<2x128x128xf32, #tpu.memory_space<vmem>> -> memref<1x128x128xf32, #tpu.memory_space<vmem>>
      %gather3A_1200 = tpu.memref_squeeze %gather3A_1199 : memref<1x128x128xf32, #tpu.memory_space<vmem>> -> memref<128x128xf32, #tpu.memory_space<vmem>>
      %gather3A_1201 = tpu.vector_load_idx %gather3A_1200[%broadcast_in_dim3A_1, %scan3A_1161] : memref<128x128xf32, #tpu.memory_space<vmem>>[vector<16xi32>, vector<16xi32>], vector<16xf32>,
      %gather3A_1202 = arith.constant 0 : i32
      %gather3A_1203 = arith.constant 0 : i32
      %gather3A_1204 = tpu.memref_slice %arg7[%scan3A_984, %gather3A_1202, %gather3A_1203] : memref<2x128x128xf32, #tpu.memory_space<vmem>> -> memref<1x128x128xf32, #tpu.memory_space<vmem>>
      %gather3A_1205 = tpu.memref_squeeze %gather3A_1204 : memref<1x128x128xf32, #tpu.memory_space<vmem>> -> memref<128x128xf32, #tpu.memory_space<vmem>>
      %gather3A_1206 = tpu.vector_load_idx %gather3A_1205[%broadcast_in_dim3A_1, %scan3A_1162] : memref<128x128xf32, #tpu.memory_space<vmem>>[vector<16xi32>, vector<16xi32>], vector<16xf32>,
      %gather3A_1207 = arith.constant 0 : i32
      %gather3A_1208 = arith.constant 0 : i32
      %gather3A_1209 = tpu.memref_slice %arg7[%scan3A_984, %gather3A_1207, %gather3A_1208] : memref<2x128x128xf32, #tpu.memory_space<vmem>> -> memref<1x128x128xf32, #tpu.memory_space<vmem>>
      %gather3A_1210 = tpu.memref_squeeze %gather3A_1209 : memref<1x128x128xf32, #tpu.memory_space<vmem>> -> memref<128x128xf32, #tpu.memory_space<vmem>>
      %gather3A_1211 = tpu.vector_load_idx %gather3A_1210[%broadcast_in_dim3A_1, %scan3A_1163] : memref<128x128xf32, #tpu.memory_space<vmem>>[vector<16xi32>, vector<16xi32>], vector<16xf32>,
      tpu.vector_store_idx %arg8[%scan3A_1164], %gather3A_1176 : memref<16640xf32, #tpu.memory_space<vmem>>[vector<16xi32>], vector<16xf32>,
      tpu.vector_store_idx %arg8[%scan3A_1165], %gather3A_1181 : memref<16640xf32, #tpu.memory_space<vmem>>[vector<16xi32>], vector<16xf32>,
      tpu.vector_store_idx %arg8[%scan3A_1166], %gather3A_1186 : memref<16640xf32, #tpu.memory_space<vmem>>[vector<16xi32>], vector<16xf32>,
      tpu.vector_store_idx %arg8[%scan3A_1167], %gather3A_1191 : memref<16640xf32, #tpu.memory_space<vmem>>[vector<16xi32>], vector<16xf32>,
      tpu.vector_store_idx %arg8[%scan3A_1168], %gather3A_1196 : memref<16640xf32, #tpu.memory_space<vmem>>[vector<16xi32>], vector<16xf32>,
      tpu.vector_store_idx %arg8[%scan3A_1169], %gather3A_1201 : memref<16640xf32, #tpu.memory_space<vmem>>[vector<16xi32>], vector<16xf32>,
      tpu.vector_store_idx %arg8[%scan3A_1170], %gather3A_1206 : memref<16640xf32, #tpu.memory_space<vmem>>[vector<16xi32>], vector<16xf32>,
      tpu.vector_store_idx %arg8[%scan3A_1171], %gather3A_1211 : memref<16640xf32, #tpu.memory_space<vmem>>[vector<16xi32>], vector<16xf32>,
      %add3A_1212 = arith.constant 128 : i32
      %add3A_1213 = vector.broadcast %add3A_1212 : i32 to vector<16xi32>
      %add3A_1214 = arith.addi %scan3A_1156, %add3A_1213 : vector<16xi32>
      %add3A_1215 = arith.constant 128 : i32
      %add3A_1216 = vector.broadcast %add3A_1215 : i32 to vector<16xi32>
      %add3A_1217 = arith.addi %scan3A_1157, %add3A_1216 : vector<16xi32>
      %add3A_1218 = arith.constant 128 : i32
      %add3A_1219 = vector.broadcast %add3A_1218 : i32 to vector<16xi32>
      %add3A_1220 = arith.addi %scan3A_1158, %add3A_1219 : vector<16xi32>
      %add3A_1221 = arith.constant 128 : i32
      %add3A_1222 = vector.broadcast %add3A_1221 : i32 to vector<16xi32>
      %add3A_1223 = arith.addi %scan3A_1159, %add3A_1222 : vector<16xi32>
      %add3A_1224 = arith.constant 128 : i32
      %add3A_1225 = vector.broadcast %add3A_1224 : i32 to vector<16xi32>
      %add3A_1226 = arith.addi %scan3A_1160, %add3A_1225 : vector<16xi32>
      %add3A_1227 = arith.constant 128 : i32
      %add3A_1228 = vector.broadcast %add3A_1227 : i32 to vector<16xi32>
      %add3A_1229 = arith.addi %scan3A_1161, %add3A_1228 : vector<16xi32>
      %add3A_1230 = arith.constant 128 : i32
      %add3A_1231 = vector.broadcast %add3A_1230 : i32 to vector<16xi32>
      %add3A_1232 = arith.addi %scan3A_1162, %add3A_1231 : vector<16xi32>
      %add3A_1233 = arith.constant 128 : i32
      %add3A_1234 = vector.broadcast %add3A_1233 : i32 to vector<16xi32>
      %add3A_1235 = arith.addi %scan3A_1163, %add3A_1234 : vector<16xi32>
      %add3A_1236 = arith.constant 1 : i32
      %add3A_1237 = vector.broadcast %add3A_1236 : i32 to vector<16xi32>
      %add3A_1238 = arith.addi %scan3A_1164, %add3A_1237 : vector<16xi32>
      %add3A_1239 = arith.constant 1 : i32
      %add3A_1240 = vector.broadcast %add3A_1239 : i32 to vector<16xi32>
      %add3A_1241 = arith.addi %scan3A_1165, %add3A_1240 : vector<16xi32>
      %add3A_1242 = arith.constant 1 : i32
      %add3A_1243 = vector.broadcast %add3A_1242 : i32 to vector<16xi32>
      %add3A_1244 = arith.addi %scan3A_1166, %add3A_1243 : vector<16xi32>
      %add3A_1245 = arith.constant 1 : i32
      %add3A_1246 = vector.broadcast %add3A_1245 : i32 to vector<16xi32>
      %add3A_1247 = arith.addi %scan3A_1167, %add3A_1246 : vector<16xi32>
      %add3A_1248 = arith.constant 1 : i32
      %add3A_1249 = vector.broadcast %add3A_1248 : i32 to vector<16xi32>
      %add3A_1250 = arith.addi %scan3A_1168, %add3A_1249 : vector<16xi32>
      %add3A_1251 = arith.constant 1 : i32
      %add3A_1252 = vector.broadcast %add3A_1251 : i32 to vector<16xi32>
      %add3A_1253 = arith.addi %scan3A_1169, %add3A_1252 : vector<16xi32>
      %add3A_1254 = arith.constant 1 : i32
      %add3A_1255 = vector.broadcast %add3A_1254 : i32 to vector<16xi32>
      %add3A_1256 = arith.addi %scan3A_1170, %add3A_1255 : vector<16xi32>
      %add3A_1257 = arith.constant 1 : i32
      %add3A_1258 = vector.broadcast %add3A_1257 : i32 to vector<16xi32>
      %add3A_1259 = arith.addi %scan3A_1171, %add3A_1258 : vector<16xi32>
      %scan3A_1260 = arith.constant 1 : i32
      %scan3A_1261 = arith.addi %scan3A_1155, %scan3A_1260 : i32
      %gather3A_1262 = arith.constant 0 : i32
      %gather3A_1263 = arith.constant 0 : i32
      %gather3A_1264 = tpu.memref_slice %arg7[%scan3A_984, %gather3A_1262, %gather3A_1263] : memref<2x128x128xf32, #tpu.memory_space<vmem>> -> memref<1x128x128xf32, #tpu.memory_space<vmem>>
      %gather3A_1265 = tpu.memref_squeeze %gather3A_1264 : memref<1x128x128xf32, #tpu.memory_space<vmem>> -> memref<128x128xf32, #tpu.memory_space<vmem>>
      %gather3A_1266 = tpu.vector_load_idx %gather3A_1265[%broadcast_in_dim3A_1, %add3A_1214] : memref<128x128xf32, #tpu.memory_space<vmem>>[vector<16xi32>, vector<16xi32>], vector<16xf32>,
      %gather3A_1267 = arith.constant 0 : i32
      %gather3A_1268 = arith.constant 0 : i32
      %gather3A_1269 = tpu.memref_slice %arg7[%scan3A_984, %gather3A_1267, %gather3A_1268] : memref<2x128x128xf32, #tpu.memory_space<vmem>> -> memref<1x128x128xf32, #tpu.memory_space<vmem>>
      %gather3A_1270 = tpu.memref_squeeze %gather3A_1269 : memref<1x128x128xf32, #tpu.memory_space<vmem>> -> memref<128x128xf32, #tpu.memory_space<vmem>>
      %gather3A_1271 = tpu.vector_load_idx %gather3A_1270[%broadcast_in_dim3A_1, %add3A_1217] : memref<128x128xf32, #tpu.memory_space<vmem>>[vector<16xi32>, vector<16xi32>], vector<16xf32>,
      %gather3A_1272 = arith.constant 0 : i32
      %gather3A_1273 = arith.constant 0 : i32
      %gather3A_1274 = tpu.memref_slice %arg7[%scan3A_984, %gather3A_1272, %gather3A_1273] : memref<2x128x128xf32, #tpu.memory_space<vmem>> -> memref<1x128x128xf32, #tpu.memory_space<vmem>>
      %gather3A_1275 = tpu.memref_squeeze %gather3A_1274 : memref<1x128x128xf32, #tpu.memory_space<vmem>> -> memref<128x128xf32, #tpu.memory_space<vmem>>
      %gather3A_1276 = tpu.vector_load_idx %gather3A_1275[%broadcast_in_dim3A_1, %add3A_1220] : memref<128x128xf32, #tpu.memory_space<vmem>>[vector<16xi32>, vector<16xi32>], vector<16xf32>,
      %gather3A_1277 = arith.constant 0 : i32
      %gather3A_1278 = arith.constant 0 : i32
      %gather3A_1279 = tpu.memref_slice %arg7[%scan3A_984, %gather3A_1277, %gather3A_1278] : memref<2x128x128xf32, #tpu.memory_space<vmem>> -> memref<1x128x128xf32, #tpu.memory_space<vmem>>
      %gather3A_1280 = tpu.memref_squeeze %gather3A_1279 : memref<1x128x128xf32, #tpu.memory_space<vmem>> -> memref<128x128xf32, #tpu.memory_space<vmem>>
      %gather3A_1281 = tpu.vector_load_idx %gather3A_1280[%broadcast_in_dim3A_1, %add3A_1223] : memref<128x128xf32, #tpu.memory_space<vmem>>[vector<16xi32>, vector<16xi32>], vector<16xf32>,
      %gather3A_1282 = arith.constant 0 : i32
      %gather3A_1283 = arith.constant 0 : i32
      %gather3A_1284 = tpu.memref_slice %arg7[%scan3A_984, %gather3A_1282, %gather3A_1283] : memref<2x128x128xf32, #tpu.memory_space<vmem>> -> memref<1x128x128xf32, #tpu.memory_space<vmem>>
      %gather3A_1285 = tpu.memref_squeeze %gather3A_1284 : memref<1x128x128xf32, #tpu.memory_space<vmem>> -> memref<128x128xf32, #tpu.memory_space<vmem>>
      %gather3A_1286 = tpu.vector_load_idx %gather3A_1285[%broadcast_in_dim3A_1, %add3A_1226] : memref<128x128xf32, #tpu.memory_space<vmem>>[vector<16xi32>, vector<16xi32>], vector<16xf32>,
      %gather3A_1287 = arith.constant 0 : i32
      %gather3A_1288 = arith.constant 0 : i32
      %gather3A_1289 = tpu.memref_slice %arg7[%scan3A_984, %gather3A_1287, %gather3A_1288] : memref<2x128x128xf32, #tpu.memory_space<vmem>> -> memref<1x128x128xf32, #tpu.memory_space<vmem>>
      %gather3A_1290 = tpu.memref_squeeze %gather3A_1289 : memref<1x128x128xf32, #tpu.memory_space<vmem>> -> memref<128x128xf32, #tpu.memory_space<vmem>>
      %gather3A_1291 = tpu.vector_load_idx %gather3A_1290[%broadcast_in_dim3A_1, %add3A_1229] : memref<128x128xf32, #tpu.memory_space<vmem>>[vector<16xi32>, vector<16xi32>], vector<16xf32>,
      %gather3A_1292 = arith.constant 0 : i32
      %gather3A_1293 = arith.constant 0 : i32
      %gather3A_1294 = tpu.memref_slice %arg7[%scan3A_984, %gather3A_1292, %gather3A_1293] : memref<2x128x128xf32, #tpu.memory_space<vmem>> -> memref<1x128x128xf32, #tpu.memory_space<vmem>>
      %gather3A_1295 = tpu.memref_squeeze %gather3A_1294 : memref<1x128x128xf32, #tpu.memory_space<vmem>> -> memref<128x128xf32, #tpu.memory_space<vmem>>
      %gather3A_1296 = tpu.vector_load_idx %gather3A_1295[%broadcast_in_dim3A_1, %add3A_1232] : memref<128x128xf32, #tpu.memory_space<vmem>>[vector<16xi32>, vector<16xi32>], vector<16xf32>,
      %gather3A_1297 = arith.constant 0 : i32
      %gather3A_1298 = arith.constant 0 : i32
      %gather3A_1299 = tpu.memref_slice %arg7[%scan3A_984, %gather3A_1297, %gather3A_1298] : memref<2x128x128xf32, #tpu.memory_space<vmem>> -> memref<1x128x128xf32, #tpu.memory_space<vmem>>
      %gather3A_1300 = tpu.memref_squeeze %gather3A_1299 : memref<1x128x128xf32, #tpu.memory_space<vmem>> -> memref<128x128xf32, #tpu.memory_space<vmem>>
      %gather3A_1301 = tpu.vector_load_idx %gather3A_1300[%broadcast_in_dim3A_1, %add3A_1235] : memref<128x128xf32, #tpu.memory_space<vmem>>[vector<16xi32>, vector<16xi32>], vector<16xf32>,
      tpu.vector_store_idx %arg8[%add3A_1238], %gather3A_1266 : memref<16640xf32, #tpu.memory_space<vmem>>[vector<16xi32>], vector<16xf32>,
      tpu.vector_store_idx %arg8[%add3A_1241], %gather3A_1271 : memref<16640xf32, #tpu.memory_space<vmem>>[vector<16xi32>], vector<16xf32>,
      tpu.vector_store_idx %arg8[%add3A_1244], %gather3A_1276 : memref<16640xf32, #tpu.memory_space<vmem>>[vector<16xi32>], vector<16xf32>,
      tpu.vector_store_idx %arg8[%add3A_1247], %gather3A_1281 : memref<16640xf32, #tpu.memory_space<vmem>>[vector<16xi32>], vector<16xf32>,
      tpu.vector_store_idx %arg8[%add3A_1250], %gather3A_1286 : memref<16640xf32, #tpu.memory_space<vmem>>[vector<16xi32>], vector<16xf32>,
      tpu.vector_store_idx %arg8[%add3A_1253], %gather3A_1291 : memref<16640xf32, #tpu.memory_space<vmem>>[vector<16xi32>], vector<16xf32>,
      tpu.vector_store_idx %arg8[%add3A_1256], %gather3A_1296 : memref<16640xf32, #tpu.memory_space<vmem>>[vector<16xi32>], vector<16xf32>,
      tpu.vector_store_idx %arg8[%add3A_1259], %gather3A_1301 : memref<16640xf32, #tpu.memory_space<vmem>>[vector<16xi32>], vector<16xf32>,
      %add3A_1302 = arith.constant 128 : i32
      %add3A_1303 = vector.broadcast %add3A_1302 : i32 to vector<16xi32>
      %add3A_1304 = arith.addi %add3A_1214, %add3A_1303 : vector<16xi32>
      %add3A_1305 = arith.constant 128 : i32
      %add3A_1306 = vector.broadcast %add3A_1305 : i32 to vector<16xi32>
      %add3A_1307 = arith.addi %add3A_1217, %add3A_1306 : vector<16xi32>
      %add3A_1308 = arith.constant 128 : i32
      %add3A_1309 = vector.broadcast %add3A_1308 : i32 to vector<16xi32>
      %add3A_1310 = arith.addi %add3A_1220, %add3A_1309 : vector<16xi32>
      %add3A_1311 = arith.constant 128 : i32
      %add3A_1312 = vector.broadcast %add3A_1311 : i32 to vector<16xi32>
      %add3A_1313 = arith.addi %add3A_1223, %add3A_1312 : vector<16xi32>
      %add3A_1314 = arith.constant 128 : i32
      %add3A_1315 = vector.broadcast %add3A_1314 : i32 to vector<16xi32>
      %add3A_1316 = arith.addi %add3A_1226, %add3A_1315 : vector<16xi32>
      %add3A_1317 = arith.constant 128 : i32
      %add3A_1318 = vector.broadcast %add3A_1317 : i32 to vector<16xi32>
      %add3A_1319 = arith.addi %add3A_1229, %add3A_1318 : vector<16xi32>
      %add3A_1320 = arith.constant 128 : i32
      %add3A_1321 = vector.broadcast %add3A_1320 : i32 to vector<16xi32>
      %add3A_1322 = arith.addi %add3A_1232, %add3A_1321 : vector<16xi32>
      %add3A_1323 = arith.constant 128 : i32
      %add3A_1324 = vector.broadcast %add3A_1323 : i32 to vector<16xi32>
      %add3A_1325 = arith.addi %add3A_1235, %add3A_1324 : vector<16xi32>
      %add3A_1326 = arith.constant 1 : i32
      %add3A_1327 = vector.broadcast %add3A_1326 : i32 to vector<16xi32>
      %add3A_1328 = arith.addi %add3A_1238, %add3A_1327 : vector<16xi32>
      %add3A_1329 = arith.constant 1 : i32
      %add3A_1330 = vector.broadcast %add3A_1329 : i32 to vector<16xi32>
      %add3A_1331 = arith.addi %add3A_1241, %add3A_1330 : vector<16xi32>
      %add3A_1332 = arith.constant 1 : i32
      %add3A_1333 = vector.broadcast %add3A_1332 : i32 to vector<16xi32>
      %add3A_1334 = arith.addi %add3A_1244, %add3A_1333 : vector<16xi32>
      %add3A_1335 = arith.constant 1 : i32
      %add3A_1336 = vector.broadcast %add3A_1335 : i32 to vector<16xi32>
      %add3A_1337 = arith.addi %add3A_1247, %add3A_1336 : vector<16xi32>
      %add3A_1338 = arith.constant 1 : i32
      %add3A_1339 = vector.broadcast %add3A_1338 : i32 to vector<16xi32>
      %add3A_1340 = arith.addi %add3A_1250, %add3A_1339 : vector<16xi32>
      %add3A_1341 = arith.constant 1 : i32
      %add3A_1342 = vector.broadcast %add3A_1341 : i32 to vector<16xi32>
      %add3A_1343 = arith.addi %add3A_1253, %add3A_1342 : vector<16xi32>
      %add3A_1344 = arith.constant 1 : i32
      %add3A_1345 = vector.broadcast %add3A_1344 : i32 to vector<16xi32>
      %add3A_1346 = arith.addi %add3A_1256, %add3A_1345 : vector<16xi32>
      %add3A_1347 = arith.constant 1 : i32
      %add3A_1348 = vector.broadcast %add3A_1347 : i32 to vector<16xi32>
      %add3A_1349 = arith.addi %add3A_1259, %add3A_1348 : vector<16xi32>
      scf.yield %add3A_1304, %add3A_1307, %add3A_1310, %add3A_1313, %add3A_1316, %add3A_1319, %add3A_1322, %add3A_1325, %add3A_1328, %add3A_1331, %add3A_1334, %add3A_1337, %add3A_1340, %add3A_1343, %add3A_1346, %add3A_1349 : vector<16xi32>, vector<16xi32>, vector<16xi32>, vector<16xi32>, vector<16xi32>, vector<16xi32>, vector<16xi32>, vector<16xi32>, vector<16xi32>, vector<16xi32>, vector<16xi32>, vector<16xi32>, vector<16xi32>, vector<16xi32>, vector<16xi32>, vector<16xi32>
    }
    %scan3A_990 = arith.constant 128 : i32
    %scan3A_991 = arith.constant 0 : i32
    %scan3A_992 = arith.constant 0 : i32
    %scan3A_993 = arith.constant 0 : i32
    %scan3A_994 = arith.constant 128 : i32
    %scan3A_995 = arith.addi %scan3A_993, %scan3A_994 : i32
    %scan3A_996 = arith.constant 2 : i32
    %scan3A_997 = scf.for %scan3A_1155 = %scan3A_993 to %scan3A_995 step %scan3A_996 iter_args(%scan3A_1156 = %scan3A_992) -> (i32)  : i32 {
      %mul3A_1157 = arith.constant 129 : i32
      %mul3A_1158 = arith.muli %scan3A_1155, %mul3A_1157 : i32
      %add3A_1159 = arith.constant 0 : i32
      %add3A_1160 = arith.addi %mul3A_1158, %add3A_1159 : i32
      %get3A = arith.index_cast %add3A_1160 : i32 to index
      %get3A_1161 = tpu.vector_load %arg8[%get3A] {strides = array<i32>} : memref<16640xf32, #tpu.memory_space<vmem>>, vector<16xf32>,
      %add3A_1162 = arith.constant 16 : i32
      %add3A_1163 = arith.addi %mul3A_1158, %add3A_1162 : i32
      %get3A_1164 = arith.index_cast %add3A_1163 : i32 to index
      %get3A_1165 = tpu.vector_load %arg8[%get3A_1164] {strides = array<i32>} : memref<16640xf32, #tpu.memory_space<vmem>>, vector<16xf32>,
      %add3A_1166 = arith.constant 32 : i32
      %add3A_1167 = arith.addi %mul3A_1158, %add3A_1166 : i32
      %get3A_1168 = arith.index_cast %add3A_1167 : i32 to index
      %get3A_1169 = tpu.vector_load %arg8[%get3A_1168] {strides = array<i32>} : memref<16640xf32, #tpu.memory_space<vmem>>, vector<16xf32>,
      %add3A_1170 = arith.constant 48 : i32
      %add3A_1171 = arith.addi %mul3A_1158, %add3A_1170 : i32
      %get3A_1172 = arith.index_cast %add3A_1171 : i32 to index
      %get3A_1173 = tpu.vector_load %arg8[%get3A_1172] {strides = array<i32>} : memref<16640xf32, #tpu.memory_space<vmem>>, vector<16xf32>,
      %add3A_1174 = arith.constant 64 : i32
      %add3A_1175 = arith.addi %mul3A_1158, %add3A_1174 : i32
      %get3A_1176 = arith.index_cast %add3A_1175 : i32 to index
      %get3A_1177 = tpu.vector_load %arg8[%get3A_1176] {strides = array<i32>} : memref<16640xf32, #tpu.memory_space<vmem>>, vector<16xf32>,
      %add3A_1178 = arith.constant 80 : i32
      %add3A_1179 = arith.addi %mul3A_1158, %add3A_1178 : i32
      %get3A_1180 = arith.index_cast %add3A_1179 : i32 to index
      %get3A_1181 = tpu.vector_load %arg8[%get3A_1180] {strides = array<i32>} : memref<16640xf32, #tpu.memory_space<vmem>>, vector<16xf32>,
      %add3A_1182 = arith.constant 96 : i32
      %add3A_1183 = arith.addi %mul3A_1158, %add3A_1182 : i32
      %get3A_1184 = arith.index_cast %add3A_1183 : i32 to index
      %get3A_1185 = tpu.vector_load %arg8[%get3A_1184] {strides = array<i32>} : memref<16640xf32, #tpu.memory_space<vmem>>, vector<16xf32>,
      %add3A_1186 = arith.constant 112 : i32
      %add3A_1187 = arith.addi %mul3A_1158, %add3A_1186 : i32
      %get3A_1188 = arith.index_cast %add3A_1187 : i32 to index
      %get3A_1189 = tpu.vector_load %arg8[%get3A_1188] {strides = array<i32>} : memref<16640xf32, #tpu.memory_space<vmem>>, vector<16xf32>,
      %swap3A_1190 = arith.constant 0 : i32
      %swap3A_1191 = arith.constant 0 : i32
      %swap3A_1192 = tpu.memref_slice %arg9[%scan3A_991, %swap3A_1190, %swap3A_1191] : memref<2x128x128xf32, #tpu.memory_space<vmem>> -> memref<1x128x128xf32, #tpu.memory_space<vmem>>
      %swap3A_1193 = tpu.memref_squeeze %swap3A_1192 : memref<1x128x128xf32, #tpu.memory_space<vmem>> -> memref<128x128xf32, #tpu.memory_space<vmem>>
      %swap3A_1194 = arith.index_cast %scan3A_1155 : i32 to index
      %swap3A_1195 = arith.constant 0 : index
      %swap3A_1196 = tpu.vector_load %swap3A_1193[%swap3A_1194, %swap3A_1195] {strides = array<i32>} : memref<128x128xf32, #tpu.memory_space<vmem>>, vector<16xf32>,
      tpu.vector_store %swap3A_1193[%swap3A_1194, %swap3A_1195], %get3A_1161 {strides = array<i32>} : memref<128x128xf32, #tpu.memory_space<vmem>>, vector<16xf32>,
      %swap3A_1197 = arith.constant 0 : i32
      %swap3A_1198 = arith.constant 0 : i32
      %swap3A_1199 = tpu.memref_slice %arg9[%scan3A_991, %swap3A_1197, %swap3A_1198] : memref<2x128x128xf32, #tpu.memory_space<vmem>> -> memref<1x128x128xf32, #tpu.memory_space<vmem>>
      %swap3A_1200 = tpu.memref_squeeze %swap3A_1199 : memref<1x128x128xf32, #tpu.memory_space<vmem>> -> memref<128x128xf32, #tpu.memory_space<vmem>>
      %swap3A_1201 = arith.index_cast %scan3A_1155 : i32 to index
      %swap3A_1202 = arith.constant 16 : index
      %swap3A_1203 = tpu.vector_load %swap3A_1200[%swap3A_1201, %swap3A_1202] {strides = array<i32>} : memref<128x128xf32, #tpu.memory_space<vmem>>, vector<16xf32>,
      tpu.vector_store %swap3A_1200[%swap3A_1201, %swap3A_1202], %get3A_1165 {strides = array<i32>} : memref<128x128xf32, #tpu.memory_space<vmem>>, vector<16xf32>,
      %swap3A_1204 = arith.constant 0 : i32
      %swap3A_1205 = arith.constant 0 : i32
      %swap3A_1206 = tpu.memref_slice %arg9[%scan3A_991, %swap3A_1204, %swap3A_1205] : memref<2x128x128xf32, #tpu.memory_space<vmem>> -> memref<1x128x128xf32, #tpu.memory_space<vmem>>
      %swap3A_1207 = tpu.memref_squeeze %swap3A_1206 : memref<1x128x128xf32, #tpu.memory_space<vmem>> -> memref<128x128xf32, #tpu.memory_space<vmem>>
      %swap3A_1208 = arith.index_cast %scan3A_1155 : i32 to index
      %swap3A_1209 = arith.constant 32 : index
      %swap3A_1210 = tpu.vector_load %swap3A_1207[%swap3A_1208, %swap3A_1209] {strides = array<i32>} : memref<128x128xf32, #tpu.memory_space<vmem>>, vector<16xf32>,
      tpu.vector_store %swap3A_1207[%swap3A_1208, %swap3A_1209], %get3A_1169 {strides = array<i32>} : memref<128x128xf32, #tpu.memory_space<vmem>>, vector<16xf32>,
      %swap3A_1211 = arith.constant 0 : i32
      %swap3A_1212 = arith.constant 0 : i32
      %swap3A_1213 = tpu.memref_slice %arg9[%scan3A_991, %swap3A_1211, %swap3A_1212] : memref<2x128x128xf32, #tpu.memory_space<vmem>> -> memref<1x128x128xf32, #tpu.memory_space<vmem>>
      %swap3A_1214 = tpu.memref_squeeze %swap3A_1213 : memref<1x128x128xf32, #tpu.memory_space<vmem>> -> memref<128x128xf32, #tpu.memory_space<vmem>>
      %swap3A_1215 = arith.index_cast %scan3A_1155 : i32 to index
      %swap3A_1216 = arith.constant 48 : index
      %swap3A_1217 = tpu.vector_load %swap3A_1214[%swap3A_1215, %swap3A_1216] {strides = array<i32>} : memref<128x128xf32, #tpu.memory_space<vmem>>, vector<16xf32>,
      tpu.vector_store %swap3A_1214[%swap3A_1215, %swap3A_1216], %get3A_1173 {strides = array<i32>} : memref<128x128xf32, #tpu.memory_space<vmem>>, vector<16xf32>,
      %swap3A_1218 = arith.constant 0 : i32
      %swap3A_1219 = arith.constant 0 : i32
      %swap3A_1220 = tpu.memref_slice %arg9[%scan3A_991, %swap3A_1218, %swap3A_1219] : memref<2x128x128xf32, #tpu.memory_space<vmem>> -> memref<1x128x128xf32, #tpu.memory_space<vmem>>
      %swap3A_1221 = tpu.memref_squeeze %swap3A_1220 : memref<1x128x128xf32, #tpu.memory_space<vmem>> -> memref<128x128xf32, #tpu.memory_space<vmem>>
      %swap3A_1222 = arith.index_cast %scan3A_1155 : i32 to index
      %swap3A_1223 = arith.constant 64 : index
      %swap3A_1224 = tpu.vector_load %swap3A_1221[%swap3A_1222, %swap3A_1223] {strides = array<i32>} : memref<128x128xf32, #tpu.memory_space<vmem>>, vector<16xf32>,
      tpu.vector_store %swap3A_1221[%swap3A_1222, %swap3A_1223], %get3A_1177 {strides = array<i32>} : memref<128x128xf32, #tpu.memory_space<vmem>>, vector<16xf32>,
      %swap3A_1225 = arith.constant 0 : i32
      %swap3A_1226 = arith.constant 0 : i32
      %swap3A_1227 = tpu.memref_slice %arg9[%scan3A_991, %swap3A_1225, %swap3A_1226] : memref<2x128x128xf32, #tpu.memory_space<vmem>> -> memref<1x128x128xf32, #tpu.memory_space<vmem>>
      %swap3A_1228 = tpu.memref_squeeze %swap3A_1227 : memref<1x128x128xf32, #tpu.memory_space<vmem>> -> memref<128x128xf32, #tpu.memory_space<vmem>>
      %swap3A_1229 = arith.index_cast %scan3A_1155 : i32 to index
      %swap3A_1230 = arith.constant 80 : index
      %swap3A_1231 = tpu.vector_load %swap3A_1228[%swap3A_1229, %swap3A_1230] {strides = array<i32>} : memref<128x128xf32, #tpu.memory_space<vmem>>, vector<16xf32>,
      tpu.vector_store %swap3A_1228[%swap3A_1229, %swap3A_1230], %get3A_1181 {strides = array<i32>} : memref<128x128xf32, #tpu.memory_space<vmem>>, vector<16xf32>,
      %swap3A_1232 = arith.constant 0 : i32
      %swap3A_1233 = arith.constant 0 : i32
      %swap3A_1234 = tpu.memref_slice %arg9[%scan3A_991, %swap3A_1232, %swap3A_1233] : memref<2x128x128xf32, #tpu.memory_space<vmem>> -> memref<1x128x128xf32, #tpu.memory_space<vmem>>
      %swap3A_1235 = tpu.memref_squeeze %swap3A_1234 : memref<1x128x128xf32, #tpu.memory_space<vmem>> -> memref<128x128xf32, #tpu.memory_space<vmem>>
      %swap3A_1236 = arith.index_cast %scan3A_1155 : i32 to index
      %swap3A_1237 = arith.constant 96 : index
      %swap3A_1238 = tpu.vector_load %swap3A_1235[%swap3A_1236, %swap3A_1237] {strides = array<i32>} : memref<128x128xf32, #tpu.memory_space<vmem>>, vector<16xf32>,
      tpu.vector_store %swap3A_1235[%swap3A_1236, %swap3A_1237], %get3A_1185 {strides = array<i32>} : memref<128x128xf32, #tpu.memory_space<vmem>>, vector<16xf32>,
      %swap3A_1239 = arith.constant 0 : i32
      %swap3A_1240 = arith.constant 0 : i32
      %swap3A_1241 = tpu.memref_slice %arg9[%scan3A_991, %swap3A_1239, %swap3A_1240] : memref<2x128x128xf32, #tpu.memory_space<vmem>> -> memref<1x128x128xf32, #tpu.memory_space<vmem>>
      %swap3A_1242 = tpu.memref_squeeze %swap3A_1241 : memref<1x128x128xf32, #tpu.memory_space<vmem>> -> memref<128x128xf32, #tpu.memory_space<vmem>>
      %swap3A_1243 = arith.index_cast %scan3A_1155 : i32 to index
      %swap3A_1244 = arith.constant 112 : index
      %swap3A_1245 = tpu.vector_load %swap3A_1242[%swap3A_1243, %swap3A_1244] {strides = array<i32>} : memref<128x128xf32, #tpu.memory_space<vmem>>, vector<16xf32>,
      tpu.vector_store %swap3A_1242[%swap3A_1243, %swap3A_1244], %get3A_1189 {strides = array<i32>} : memref<128x128xf32, #tpu.memory_space<vmem>>, vector<16xf32>,
      %scan3A_1246 = arith.constant 0 : i32
      %scan3A_1247 = arith.constant 1 : i32
      %scan3A_1248 = arith.addi %scan3A_1155, %scan3A_1247 : i32
      %mul3A_1249 = arith.constant 129 : i32
      %mul3A_1250 = arith.muli %scan3A_1248, %mul3A_1249 : i32
      %add3A_1251 = arith.constant 0 : i32
      %add3A_1252 = arith.addi %mul3A_1250, %add3A_1251 : i32
      %get3A_1253 = arith.index_cast %add3A_1252 : i32 to index
      %get3A_1254 = tpu.vector_load %arg8[%get3A_1253] {strides = array<i32>} : memref<16640xf32, #tpu.memory_space<vmem>>, vector<16xf32>,
      %add3A_1255 = arith.constant 16 : i32
      %add3A_1256 = arith.addi %mul3A_1250, %add3A_1255 : i32
      %get3A_1257 = arith.index_cast %add3A_1256 : i32 to index
      %get3A_1258 = tpu.vector_load %arg8[%get3A_1257] {strides = array<i32>} : memref<16640xf32, #tpu.memory_space<vmem>>, vector<16xf32>,
      %add3A_1259 = arith.constant 32 : i32
      %add3A_1260 = arith.addi %mul3A_1250, %add3A_1259 : i32
      %get3A_1261 = arith.index_cast %add3A_1260 : i32 to index
      %get3A_1262 = tpu.vector_load %arg8[%get3A_1261] {strides = array<i32>} : memref<16640xf32, #tpu.memory_space<vmem>>, vector<16xf32>,
      %add3A_1263 = arith.constant 48 : i32
      %add3A_1264 = arith.addi %mul3A_1250, %add3A_1263 : i32
      %get3A_1265 = arith.index_cast %add3A_1264 : i32 to index
      %get3A_1266 = tpu.vector_load %arg8[%get3A_1265] {strides = array<i32>} : memref<16640xf32, #tpu.memory_space<vmem>>, vector<16xf32>,
      %add3A_1267 = arith.constant 64 : i32
      %add3A_1268 = arith.addi %mul3A_1250, %add3A_1267 : i32
      %get3A_1269 = arith.index_cast %add3A_1268 : i32 to index
      %get3A_1270 = tpu.vector_load %arg8[%get3A_1269] {strides = array<i32>} : memref<16640xf32, #tpu.memory_space<vmem>>, vector<16xf32>,
      %add3A_1271 = arith.constant 80 : i32
      %add3A_1272 = arith.addi %mul3A_1250, %add3A_1271 : i32
      %get3A_1273 = arith.index_cast %add3A_1272 : i32 to index
      %get3A_1274 = tpu.vector_load %arg8[%get3A_1273] {strides = array<i32>} : memref<16640xf32, #tpu.memory_space<vmem>>, vector<16xf32>,
      %add3A_1275 = arith.constant 96 : i32
      %add3A_1276 = arith.addi %mul3A_1250, %add3A_1275 : i32
      %get3A_1277 = arith.index_cast %add3A_1276 : i32 to index
      %get3A_1278 = tpu.vector_load %arg8[%get3A_1277] {strides = array<i32>} : memref<16640xf32, #tpu.memory_space<vmem>>, vector<16xf32>,
      %add3A_1279 = arith.constant 112 : i32
      %add3A_1280 = arith.addi %mul3A_1250, %add3A_1279 : i32
      %get3A_1281 = arith.index_cast %add3A_1280 : i32 to index
      %get3A_1282 = tpu.vector_load %arg8[%get3A_1281] {strides = array<i32>} : memref<16640xf32, #tpu.memory_space<vmem>>, vector<16xf32>,
      %swap3A_1283 = arith.constant 0 : i32
      %swap3A_1284 = arith.constant 0 : i32
      %swap3A_1285 = tpu.memref_slice %arg9[%scan3A_991, %swap3A_1283, %swap3A_1284] : memref<2x128x128xf32, #tpu.memory_space<vmem>> -> memref<1x128x128xf32, #tpu.memory_space<vmem>>
      %swap3A_1286 = tpu.memref_squeeze %swap3A_1285 : memref<1x128x128xf32, #tpu.memory_space<vmem>> -> memref<128x128xf32, #tpu.memory_space<vmem>>
      %swap3A_1287 = arith.index_cast %scan3A_1248 : i32 to index
      %swap3A_1288 = arith.constant 0 : index
      %swap3A_1289 = tpu.vector_load %swap3A_1286[%swap3A_1287, %swap3A_1288] {strides = array<i32>} : memref<128x128xf32, #tpu.memory_space<vmem>>, vector<16xf32>,
      tpu.vector_store %swap3A_1286[%swap3A_1287, %swap3A_1288], %get3A_1254 {strides = array<i32>} : memref<128x128xf32, #tpu.memory_space<vmem>>, vector<16xf32>,
      %swap3A_1290 = arith.constant 0 : i32
      %swap3A_1291 = arith.constant 0 : i32
      %swap3A_1292 = tpu.memref_slice %arg9[%scan3A_991, %swap3A_1290, %swap3A_1291] : memref<2x128x128xf32, #tpu.memory_space<vmem>> -> memref<1x128x128xf32, #tpu.memory_space<vmem>>
      %swap3A_1293 = tpu.memref_squeeze %swap3A_1292 : memref<1x128x128xf32, #tpu.memory_space<vmem>> -> memref<128x128xf32, #tpu.memory_space<vmem>>
      %swap3A_1294 = arith.index_cast %scan3A_1248 : i32 to index
      %swap3A_1295 = arith.constant 16 : index
      %swap3A_1296 = tpu.vector_load %swap3A_1293[%swap3A_1294, %swap3A_1295] {strides = array<i32>} : memref<128x128xf32, #tpu.memory_space<vmem>>, vector<16xf32>,
      tpu.vector_store %swap3A_1293[%swap3A_1294, %swap3A_1295], %get3A_1258 {strides = array<i32>} : memref<128x128xf32, #tpu.memory_space<vmem>>, vector<16xf32>,
      %swap3A_1297 = arith.constant 0 : i32
      %swap3A_1298 = arith.constant 0 : i32
      %swap3A_1299 = tpu.memref_slice %arg9[%scan3A_991, %swap3A_1297, %swap3A_1298] : memref<2x128x128xf32, #tpu.memory_space<vmem>> -> memref<1x128x128xf32, #tpu.memory_space<vmem>>
      %swap3A_1300 = tpu.memref_squeeze %swap3A_1299 : memref<1x128x128xf32, #tpu.memory_space<vmem>> -> memref<128x128xf32, #tpu.memory_space<vmem>>
      %swap3A_1301 = arith.index_cast %scan3A_1248 : i32 to index
      %swap3A_1302 = arith.constant 32 : index
      %swap3A_1303 = tpu.vector_load %swap3A_1300[%swap3A_1301, %swap3A_1302] {strides = array<i32>} : memref<128x128xf32, #tpu.memory_space<vmem>>, vector<16xf32>,
      tpu.vector_store %swap3A_1300[%swap3A_1301, %swap3A_1302], %get3A_1262 {strides = array<i32>} : memref<128x128xf32, #tpu.memory_space<vmem>>, vector<16xf32>,
      %swap3A_1304 = arith.constant 0 : i32
      %swap3A_1305 = arith.constant 0 : i32
      %swap3A_1306 = tpu.memref_slice %arg9[%scan3A_991, %swap3A_1304, %swap3A_1305] : memref<2x128x128xf32, #tpu.memory_space<vmem>> -> memref<1x128x128xf32, #tpu.memory_space<vmem>>
      %swap3A_1307 = tpu.memref_squeeze %swap3A_1306 : memref<1x128x128xf32, #tpu.memory_space<vmem>> -> memref<128x128xf32, #tpu.memory_space<vmem>>
      %swap3A_1308 = arith.index_cast %scan3A_1248 : i32 to index
      %swap3A_1309 = arith.constant 48 : index
      %swap3A_1310 = tpu.vector_load %swap3A_1307[%swap3A_1308, %swap3A_1309] {strides = array<i32>} : memref<128x128xf32, #tpu.memory_space<vmem>>, vector<16xf32>,
      tpu.vector_store %swap3A_1307[%swap3A_1308, %swap3A_1309], %get3A_1266 {strides = array<i32>} : memref<128x128xf32, #tpu.memory_space<vmem>>, vector<16xf32>,
      %swap3A_1311 = arith.constant 0 : i32
      %swap3A_1312 = arith.constant 0 : i32
      %swap3A_1313 = tpu.memref_slice %arg9[%scan3A_991, %swap3A_1311, %swap3A_1312] : memref<2x128x128xf32, #tpu.memory_space<vmem>> -> memref<1x128x128xf32, #tpu.memory_space<vmem>>
      %swap3A_1314 = tpu.memref_squeeze %swap3A_1313 : memref<1x128x128xf32, #tpu.memory_space<vmem>> -> memref<128x128xf32, #tpu.memory_space<vmem>>
      %swap3A_1315 = arith.index_cast %scan3A_1248 : i32 to index
      %swap3A_1316 = arith.constant 64 : index
      %swap3A_1317 = tpu.vector_load %swap3A_1314[%swap3A_1315, %swap3A_1316] {strides = array<i32>} : memref<128x128xf32, #tpu.memory_space<vmem>>, vector<16xf32>,
      tpu.vector_store %swap3A_1314[%swap3A_1315, %swap3A_1316], %get3A_1270 {strides = array<i32>} : memref<128x128xf32, #tpu.memory_space<vmem>>, vector<16xf32>,
      %swap3A_1318 = arith.constant 0 : i32
      %swap3A_1319 = arith.constant 0 : i32
      %swap3A_1320 = tpu.memref_slice %arg9[%scan3A_991, %swap3A_1318, %swap3A_1319] : memref<2x128x128xf32, #tpu.memory_space<vmem>> -> memref<1x128x128xf32, #tpu.memory_space<vmem>>
      %swap3A_1321 = tpu.memref_squeeze %swap3A_1320 : memref<1x128x128xf32, #tpu.memory_space<vmem>> -> memref<128x128xf32, #tpu.memory_space<vmem>>
      %swap3A_1322 = arith.index_cast %scan3A_1248 : i32 to index
      %swap3A_1323 = arith.constant 80 : index
      %swap3A_1324 = tpu.vector_load %swap3A_1321[%swap3A_1322, %swap3A_1323] {strides = array<i32>} : memref<128x128xf32, #tpu.memory_space<vmem>>, vector<16xf32>,
      tpu.vector_store %swap3A_1321[%swap3A_1322, %swap3A_1323], %get3A_1274 {strides = array<i32>} : memref<128x128xf32, #tpu.memory_space<vmem>>, vector<16xf32>,
      %swap3A_1325 = arith.constant 0 : i32
      %swap3A_1326 = arith.constant 0 : i32
      %swap3A_1327 = tpu.memref_slice %arg9[%scan3A_991, %swap3A_1325, %swap3A_1326] : memref<2x128x128xf32, #tpu.memory_space<vmem>> -> memref<1x128x128xf32, #tpu.memory_space<vmem>>
      %swap3A_1328 = tpu.memref_squeeze %swap3A_1327 : memref<1x128x128xf32, #tpu.memory_space<vmem>> -> memref<128x128xf32, #tpu.memory_space<vmem>>
      %swap3A_1329 = arith.index_cast %scan3A_1248 : i32 to index
      %swap3A_1330 = arith.constant 96 : index
      %swap3A_1331 = tpu.vector_load %swap3A_1328[%swap3A_1329, %swap3A_1330] {strides = array<i32>} : memref<128x128xf32, #tpu.memory_space<vmem>>, vector<16xf32>,
      tpu.vector_store %swap3A_1328[%swap3A_1329, %swap3A_1330], %get3A_1278 {strides = array<i32>} : memref<128x128xf32, #tpu.memory_space<vmem>>, vector<16xf32>,
      %swap3A_1332 = arith.constant 0 : i32
      %swap3A_1333 = arith.constant 0 : i32
      %swap3A_1334 = tpu.memref_slice %arg9[%scan3A_991, %swap3A_1332, %swap3A_1333] : memref<2x128x128xf32, #tpu.memory_space<vmem>> -> memref<1x128x128xf32, #tpu.memory_space<vmem>>
      %swap3A_1335 = tpu.memref_squeeze %swap3A_1334 : memref<1x128x128xf32, #tpu.memory_space<vmem>> -> memref<128x128xf32, #tpu.memory_space<vmem>>
      %swap3A_1336 = arith.index_cast %scan3A_1248 : i32 to index
      %swap3A_1337 = arith.constant 112 : index
      %swap3A_1338 = tpu.vector_load %swap3A_1335[%swap3A_1336, %swap3A_1337] {strides = array<i32>} : memref<128x128xf32, #tpu.memory_space<vmem>>, vector<16xf32>,
      tpu.vector_store %swap3A_1335[%swap3A_1336, %swap3A_1337], %get3A_1282 {strides = array<i32>} : memref<128x128xf32, #tpu.memory_space<vmem>>, vector<16xf32>,
      %scan3A_1339 = arith.constant 0 : i32
      scf.yield %scan3A_1339 : i32
    }
    %scan3A_998 = arith.constant 128 : i32
    %dma_start3A_999 = arith.constant 0 : i32
    %dma_start3A_1000 = arith.constant 0 : i32
    %dma_start3A_1001 = arith.constant 0 : i32
    %dma_start3A_1002 = arith.constant 0 : i32
    %dma_start3A_1003 = tpu.memref_slice %arg9[%dma_start3A_999, %dma_start3A_1001, %dma_start3A_1002] : memref<2x128x128xf32, #tpu.memory_space<vmem>> -> memref<1x128x128xf32, #tpu.memory_space<vmem>>
    %dma_start3A_1004 = tpu.memref_squeeze %dma_start3A_1003 : memref<1x128x128xf32, #tpu.memory_space<vmem>> -> memref<128x128xf32, #tpu.memory_space<vmem>>
    %dma_start3A_1005 = arith.constant 0 : i32
    %dma_start3A_1006 = tpu.memref_slice %arg6[%dma_start3A_1000, %dma_start3A_1005] : memref<2x128xi32, #tpu.memory_space<vmem>> -> memref<1x128xi32, #tpu.memory_space<vmem>>
    %dma_start3A_1007 = tpu.memref_squeeze %dma_start3A_1006 : memref<1x128xi32, #tpu.memory_space<vmem>> -> memref<128xi32, #tpu.memory_space<vmem>>
    %dma_start3A_1008 = arith.constant 0 : i32
    %dma_start3A_1009 = arith.constant 0 : i32
    %dma_start3A_1010 = tpu.memref_slice %arg4[%dma_start3A_1008, %dma_start3A_1009] : memref<16384x128xf32, #tpu.memory_space<hbm>> -> memref<16384x128xf32, #tpu.memory_space<hbm>>
    tpu.enqueue_indirect_dma source(%dma_start3A_1004 : memref<128x128xf32, #tpu.memory_space<vmem>>) target(%dma_start3A_1010 : memref<16384x128xf32, #tpu.memory_space<hbm>>) offsets(%dma_start3A_1007 : memref<128xi32, #tpu.memory_space<vmem>>) semaphore(%arg12 : memref<!tpu.dma_semaphore, #tpu.memory_space<semaphore_mem>>)
    %dma_wait3A_1011 = arith.constant 1 : i32
    %dma_wait3A_1012 = arith.constant 1 : i32
    %dma_wait3A_1013 = arith.constant 0 : i32
    %dma_wait3A_1014 = arith.constant 0 : i32
    %dma_wait3A_1015 = tpu.memref_slice %arg9[%dma_wait3A_1011, %dma_wait3A_1013, %dma_wait3A_1014] : memref<2x128x128xf32, #tpu.memory_space<vmem>> -> memref<1x128x128xf32, #tpu.memory_space<vmem>>
    %dma_wait3A_1016 = tpu.memref_squeeze %dma_wait3A_1015 : memref<1x128x128xf32, #tpu.memory_space<vmem>> -> memref<128x128xf32, #tpu.memory_space<vmem>>
    %dma_wait3A_1017 = arith.constant 0 : i32
    %dma_wait3A_1018 = tpu.memref_slice %arg6[%dma_wait3A_1012, %dma_wait3A_1017] : memref<2x128xi32, #tpu.memory_space<vmem>> -> memref<1x128xi32, #tpu.memory_space<vmem>>
    %dma_wait3A_1019 = tpu.memref_squeeze %dma_wait3A_1018 : memref<1x128xi32, #tpu.memory_space<vmem>> -> memref<128xi32, #tpu.memory_space<vmem>>
    %dma_wait3A_1020 = arith.constant 0 : i32
    %dma_wait3A_1021 = arith.constant 0 : i32
    %dma_wait3A_1022 = tpu.memref_slice %arg4[%dma_wait3A_1020, %dma_wait3A_1021] : memref<16384x128xf32, #tpu.memory_space<hbm>> -> memref<16384x128xf32, #tpu.memory_space<hbm>>
    tpu.wait_indirect_dma semaphore(%arg13 : memref<!tpu.dma_semaphore, #tpu.memory_space<semaphore_mem>>) src(%dma_wait3A_1016 : memref<128x128xf32, #tpu.memory_space<vmem>>) dst(%dma_wait3A_1022 : memref<16384x128xf32, #tpu.memory_space<hbm>>)
    %mul3A_1023 = arith.constant 4 : i32
    %mul3A_1024 = arith.muli %add3A, %mul3A_1023 : i32
    %add3A_1025 = arith.constant 3 : i32
    %add3A_1026 = arith.addi %mul3A_1024, %add3A_1025 : i32
    %mul3A_1027 = arith.constant 2 : i32
    %mul3A_1028 = arith.muli %add3A_1026, %mul3A_1027 : i32
    %add3A_1029 = vector.broadcast %mul3A_1028 : i32 to vector<16xi32>
    %add3A_1030 = arith.addi %add3A_162, %add3A_1029 : vector<16xi32>
    %swap3A_1031 = arith.constant 1 : i32
    %swap3A_1032 = arith.index_cast %swap3A_1031 : i32 to index
    %swap3A_1033 = arith.constant 0 : index
    %swap3A_1034 = tpu.vector_load %arg6[%swap3A_1032, %swap3A_1033] {strides = array<i32>} : memref<2x128xi32, #tpu.memory_space<vmem>>, vector<16xi32>,
    tpu.vector_store %arg6[%swap3A_1032, %swap3A_1033], %add3A_1030 {strides = array<i32>} : memref<2x128xi32, #tpu.memory_space<vmem>>, vector<16xi32>,
    %add3A_1035 = vector.broadcast %mul3A_1028 : i32 to vector<16xi32>
    %add3A_1036 = arith.addi %add3A_225, %add3A_1035 : vector<16xi32>
    %swap3A_1037 = arith.constant 1 : i32
    %swap3A_1038 = arith.index_cast %swap3A_1037 : i32 to index
    %swap3A_1039 = arith.constant 16 : index
    %swap3A_1040 = tpu.vector_load %arg6[%swap3A_1038, %swap3A_1039] {strides = array<i32>} : memref<2x128xi32, #tpu.memory_space<vmem>>, vector<16xi32>,
    tpu.vector_store %arg6[%swap3A_1038, %swap3A_1039], %add3A_1036 {strides = array<i32>} : memref<2x128xi32, #tpu.memory_space<vmem>>, vector<16xi32>,
    %add3A_1041 = vector.broadcast %mul3A_1028 : i32 to vector<16xi32>
    %add3A_1042 = arith.addi %add3A_288, %add3A_1041 : vector<16xi32>
    %swap3A_1043 = arith.constant 1 : i32
    %swap3A_1044 = arith.index_cast %swap3A_1043 : i32 to index
    %swap3A_1045 = arith.constant 32 : index
    %swap3A_1046 = tpu.vector_load %arg6[%swap3A_1044, %swap3A_1045] {strides = array<i32>} : memref<2x128xi32, #tpu.memory_space<vmem>>, vector<16xi32>,
    tpu.vector_store %arg6[%swap3A_1044, %swap3A_1045], %add3A_1042 {strides = array<i32>} : memref<2x128xi32, #tpu.memory_space<vmem>>, vector<16xi32>,
    %add3A_1047 = vector.broadcast %mul3A_1028 : i32 to vector<16xi32>
    %add3A_1048 = arith.addi %add3A_351, %add3A_1047 : vector<16xi32>
    %swap3A_1049 = arith.constant 1 : i32
    %swap3A_1050 = arith.index_cast %swap3A_1049 : i32 to index
    %swap3A_1051 = arith.constant 48 : index
    %swap3A_1052 = tpu.vector_load %arg6[%swap3A_1050, %swap3A_1051] {strides = array<i32>} : memref<2x128xi32, #tpu.memory_space<vmem>>, vector<16xi32>,
    tpu.vector_store %arg6[%swap3A_1050, %swap3A_1051], %add3A_1048 {strides = array<i32>} : memref<2x128xi32, #tpu.memory_space<vmem>>, vector<16xi32>,
    %add3A_1053 = vector.broadcast %mul3A_1028 : i32 to vector<16xi32>
    %add3A_1054 = arith.addi %add3A_414, %add3A_1053 : vector<16xi32>
    %swap3A_1055 = arith.constant 1 : i32
    %swap3A_1056 = arith.index_cast %swap3A_1055 : i32 to index
    %swap3A_1057 = arith.constant 64 : index
    %swap3A_1058 = tpu.vector_load %arg6[%swap3A_1056, %swap3A_1057] {strides = array<i32>} : memref<2x128xi32, #tpu.memory_space<vmem>>, vector<16xi32>,
    tpu.vector_store %arg6[%swap3A_1056, %swap3A_1057], %add3A_1054 {strides = array<i32>} : memref<2x128xi32, #tpu.memory_space<vmem>>, vector<16xi32>,
    %add3A_1059 = vector.broadcast %mul3A_1028 : i32 to vector<16xi32>
    %add3A_1060 = arith.addi %add3A_477, %add3A_1059 : vector<16xi32>
    %swap3A_1061 = arith.constant 1 : i32
    %swap3A_1062 = arith.index_cast %swap3A_1061 : i32 to index
    %swap3A_1063 = arith.constant 80 : index
    %swap3A_1064 = tpu.vector_load %arg6[%swap3A_1062, %swap3A_1063] {strides = array<i32>} : memref<2x128xi32, #tpu.memory_space<vmem>>, vector<16xi32>,
    tpu.vector_store %arg6[%swap3A_1062, %swap3A_1063], %add3A_1060 {strides = array<i32>} : memref<2x128xi32, #tpu.memory_space<vmem>>, vector<16xi32>,
    %add3A_1065 = vector.broadcast %mul3A_1028 : i32 to vector<16xi32>
    %add3A_1066 = arith.addi %add3A_540, %add3A_1065 : vector<16xi32>
    %swap3A_1067 = arith.constant 1 : i32
    %swap3A_1068 = arith.index_cast %swap3A_1067 : i32 to index
    %swap3A_1069 = arith.constant 96 : index
    %swap3A_1070 = tpu.vector_load %arg6[%swap3A_1068, %swap3A_1069] {strides = array<i32>} : memref<2x128xi32, #tpu.memory_space<vmem>>, vector<16xi32>,
    tpu.vector_store %arg6[%swap3A_1068, %swap3A_1069], %add3A_1066 {strides = array<i32>} : memref<2x128xi32, #tpu.memory_space<vmem>>, vector<16xi32>,
    %add3A_1071 = vector.broadcast %mul3A_1028 : i32 to vector<16xi32>
    %add3A_1072 = arith.addi %add3A_603, %add3A_1071 : vector<16xi32>
    %swap3A_1073 = arith.constant 1 : i32
    %swap3A_1074 = arith.index_cast %swap3A_1073 : i32 to index
    %swap3A_1075 = arith.constant 112 : index
    %swap3A_1076 = tpu.vector_load %arg6[%swap3A_1074, %swap3A_1075] {strides = array<i32>} : memref<2x128xi32, #tpu.memory_space<vmem>>, vector<16xi32>,
    tpu.vector_store %arg6[%swap3A_1074, %swap3A_1075], %add3A_1072 {strides = array<i32>} : memref<2x128xi32, #tpu.memory_space<vmem>>, vector<16xi32>,
    %mul3A_1077 = arith.constant 4 : i32
    %mul3A_1078 = arith.muli %add3A, %mul3A_1077 : i32
    %add3A_1079 = arith.constant 3 : i32
    %add3A_1080 = arith.addi %mul3A_1078, %add3A_1079 : i32
    %mul3A_1081 = arith.constant 128 : i32
    %mul3A_1082 = arith.muli %add3A_1080, %mul3A_1081 : i32
    %dma_wait3A_1083 = arith.constant 1 : i32
    %dma_wait3A_1084 = arith.constant 0 : i32
    %dma_wait3A_1085 = arith.constant 0 : i32
    %dma_wait3A_1086 = tpu.memref_slice %arg7[%dma_wait3A_1083, %dma_wait3A_1084, %dma_wait3A_1085] : memref<2x128x128xf32, #tpu.memory_space<vmem>> -> memref<1x128x128xf32, #tpu.memory_space<vmem>>
    %dma_wait3A_1087 = tpu.memref_squeeze %dma_wait3A_1086 : memref<1x128x128xf32, #tpu.memory_space<vmem>> -> memref<128x128xf32, #tpu.memory_space<vmem>>
    %dma_wait3A_1088 = arith.constant 0 : i32
    %dma_wait3A_1089 = tpu.memref_slice %arg2[%mul3A_1082, %dma_wait3A_1088] : memref<16384x128xf32, #tpu.memory_space<hbm>> -> memref<128x128xf32, #tpu.memory_space<hbm>>
    %dma_wait3A_1090 = arith.constant 0 : i32
    %dma_wait3A_1091 = arith.constant 0 : i32
    %dma_wait3A_1092 = tpu.memref_slice %arg7[%dma_wait3A_1083, %dma_wait3A_1090, %dma_wait3A_1091] : memref<2x128x128xf32, #tpu.memory_space<vmem>> -> memref<1x128x128xf32, #tpu.memory_space<vmem>>
    %dma_wait3A_1093 = tpu.memref_squeeze %dma_wait3A_1092 : memref<1x128x128xf32, #tpu.memory_space<vmem>> -> memref<128x128xf32, #tpu.memory_space<vmem>>
    %dma_wait3A_1094 = arith.constant 0 : i32
    %dma_wait3A_1095 = tpu.memref_slice %arg2[%mul3A_1082, %dma_wait3A_1094] : memref<16384x128xf32, #tpu.memory_space<hbm>> -> memref<128x128xf32, #tpu.memory_space<hbm>>
    tpu.wait_dma2 semaphore(%arg11 : memref<!tpu.dma_semaphore, #tpu.memory_space<semaphore_mem>>) src(%dma_wait3A_1095 : memref<128x128xf32, #tpu.memory_space<hbm>>) dst(%dma_wait3A_1093 : memref<128x128xf32, #tpu.memory_space<vmem>>)
    %gather3A_1096 = tpu.vector_load_idx %arg5[%mul3A_7] : memref<128xi32, #tpu.memory_space<vmem>>[vector<16xi32>], vector<16xi32>,
    %gather3A_1097 = tpu.vector_load_idx %arg5[%mul3A_13] : memref<128xi32, #tpu.memory_space<vmem>>[vector<16xi32>], vector<16xi32>,
    %gather3A_1098 = tpu.vector_load_idx %arg5[%mul3A_19] : memref<128xi32, #tpu.memory_space<vmem>>[vector<16xi32>], vector<16xi32>,
    %gather3A_1099 = tpu.vector_load_idx %arg5[%mul3A_25] : memref<128xi32, #tpu.memory_space<vmem>>[vector<16xi32>], vector<16xi32>,
    %gather3A_1100 = tpu.vector_load_idx %arg5[%add3A_34] : memref<128xi32, #tpu.memory_space<vmem>>[vector<16xi32>], vector<16xi32>,
    %gather3A_1101 = tpu.vector_load_idx %arg5[%add3A_43] : memref<128xi32, #tpu.memory_space<vmem>>[vector<16xi32>], vector<16xi32>,
    %gather3A_1102 = tpu.vector_load_idx %arg5[%add3A_52] : memref<128xi32, #tpu.memory_space<vmem>>[vector<16xi32>], vector<16xi32>,
    %gather3A_1103 = tpu.vector_load_idx %arg5[%add3A_61] : memref<128xi32, #tpu.memory_space<vmem>>[vector<16xi32>], vector<16xi32>,
    %scan3A_1104 = arith.constant 1 : i32
    %scan3A_1105 = arith.constant 0 : i32
    %scan3A_1106 = arith.constant 128 : i32
    %scan3A_1107 = arith.addi %scan3A_1105, %scan3A_1106 : i32
    %scan3A_1108 = arith.constant 2 : i32
    %scan3A_1109:16 = scf.for %scan3A_1155 = %scan3A_1105 to %scan3A_1107 step %scan3A_1108 iter_args(%scan3A_1156 = %gather3A_1096, %scan3A_1157 = %gather3A_1097, %scan3A_1158 = %gather3A_1098, %scan3A_1159 = %gather3A_1099, %scan3A_1160 = %gather3A_1100, %scan3A_1161 = %gather3A_1101, %scan3A_1162 = %gather3A_1102, %scan3A_1163 = %gather3A_1103, %scan3A_1164 = %mul3A_64, %scan3A_1165 = %mul3A_67, %scan3A_1166 = %mul3A_70, %scan3A_1167 = %mul3A_73, %scan3A_1168 = %mul3A_76, %scan3A_1169 = %mul3A_79, %scan3A_1170 = %mul3A_82, %scan3A_1171 = %mul3A_85) -> (vector<16xi32>, vector<16xi32>, vector<16xi32>, vector<16xi32>, vector<16xi32>, vector<16xi32>, vector<16xi32>, vector<16xi32>, vector<16xi32>, vector<16xi32>, vector<16xi32>, vector<16xi32>, vector<16xi32>, vector<16xi32>, vector<16xi32>, vector<16xi32>)  : i32 {
      %gather3A_1172 = arith.constant 0 : i32
      %gather3A_1173 = arith.constant 0 : i32
      %gather3A_1174 = tpu.memref_slice %arg7[%scan3A_1104, %gather3A_1172, %gather3A_1173] : memref<2x128x128xf32, #tpu.memory_space<vmem>> -> memref<1x128x128xf32, #tpu.memory_space<vmem>>
      %gather3A_1175 = tpu.memref_squeeze %gather3A_1174 : memref<1x128x128xf32, #tpu.memory_space<vmem>> -> memref<128x128xf32, #tpu.memory_space<vmem>>
      %gather3A_1176 = tpu.vector_load_idx %gather3A_1175[%broadcast_in_dim3A_1, %scan3A_1156] : memref<128x128xf32, #tpu.memory_space<vmem>>[vector<16xi32>, vector<16xi32>], vector<16xf32>,
      %gather3A_1177 = arith.constant 0 : i32
      %gather3A_1178 = arith.constant 0 : i32
      %gather3A_1179 = tpu.memref_slice %arg7[%scan3A_1104, %gather3A_1177, %gather3A_1178] : memref<2x128x128xf32, #tpu.memory_space<vmem>> -> memref<1x128x128xf32, #tpu.memory_space<vmem>>
      %gather3A_1180 = tpu.memref_squeeze %gather3A_1179 : memref<1x128x128xf32, #tpu.memory_space<vmem>> -> memref<128x128xf32, #tpu.memory_space<vmem>>
      %gather3A_1181 = tpu.vector_load_idx %gather3A_1180[%broadcast_in_dim3A_1, %scan3A_1157] : memref<128x128xf32, #tpu.memory_space<vmem>>[vector<16xi32>, vector<16xi32>], vector<16xf32>,
      %gather3A_1182 = arith.constant 0 : i32
      %gather3A_1183 = arith.constant 0 : i32
      %gather3A_1184 = tpu.memref_slice %arg7[%scan3A_1104, %gather3A_1182, %gather3A_1183] : memref<2x128x128xf32, #tpu.memory_space<vmem>> -> memref<1x128x128xf32, #tpu.memory_space<vmem>>
      %gather3A_1185 = tpu.memref_squeeze %gather3A_1184 : memref<1x128x128xf32, #tpu.memory_space<vmem>> -> memref<128x128xf32, #tpu.memory_space<vmem>>
      %gather3A_1186 = tpu.vector_load_idx %gather3A_1185[%broadcast_in_dim3A_1, %scan3A_1158] : memref<128x128xf32, #tpu.memory_space<vmem>>[vector<16xi32>, vector<16xi32>], vector<16xf32>,
      %gather3A_1187 = arith.constant 0 : i32
      %gather3A_1188 = arith.constant 0 : i32
      %gather3A_1189 = tpu.memref_slice %arg7[%scan3A_1104, %gather3A_1187, %gather3A_1188] : memref<2x128x128xf32, #tpu.memory_space<vmem>> -> memref<1x128x128xf32, #tpu.memory_space<vmem>>
      %gather3A_1190 = tpu.memref_squeeze %gather3A_1189 : memref<1x128x128xf32, #tpu.memory_space<vmem>> -> memref<128x128xf32, #tpu.memory_space<vmem>>
      %gather3A_1191 = tpu.vector_load_idx %gather3A_1190[%broadcast_in_dim3A_1, %scan3A_1159] : memref<128x128xf32, #tpu.memory_space<vmem>>[vector<16xi32>, vector<16xi32>], vector<16xf32>,
      %gather3A_1192 = arith.constant 0 : i32
      %gather3A_1193 = arith.constant 0 : i32
      %gather3A_1194 = tpu.memref_slice %arg7[%scan3A_1104, %gather3A_1192, %gather3A_1193] : memref<2x128x128xf32, #tpu.memory_space<vmem>> -> memref<1x128x128xf32, #tpu.memory_space<vmem>>
      %gather3A_1195 = tpu.memref_squeeze %gather3A_1194 : memref<1x128x128xf32, #tpu.memory_space<vmem>> -> memref<128x128xf32, #tpu.memory_space<vmem>>
      %gather3A_1196 = tpu.vector_load_idx %gather3A_1195[%broadcast_in_dim3A_1, %scan3A_1160] : memref<128x128xf32, #tpu.memory_space<vmem>>[vector<16xi32>, vector<16xi32>], vector<16xf32>,
      %gather3A_1197 = arith.constant 0 : i32
      %gather3A_1198 = arith.constant 0 : i32
      %gather3A_1199 = tpu.memref_slice %arg7[%scan3A_1104, %gather3A_1197, %gather3A_1198] : memref<2x128x128xf32, #tpu.memory_space<vmem>> -> memref<1x128x128xf32, #tpu.memory_space<vmem>>
      %gather3A_1200 = tpu.memref_squeeze %gather3A_1199 : memref<1x128x128xf32, #tpu.memory_space<vmem>> -> memref<128x128xf32, #tpu.memory_space<vmem>>
      %gather3A_1201 = tpu.vector_load_idx %gather3A_1200[%broadcast_in_dim3A_1, %scan3A_1161] : memref<128x128xf32, #tpu.memory_space<vmem>>[vector<16xi32>, vector<16xi32>], vector<16xf32>,
      %gather3A_1202 = arith.constant 0 : i32
      %gather3A_1203 = arith.constant 0 : i32
      %gather3A_1204 = tpu.memref_slice %arg7[%scan3A_1104, %gather3A_1202, %gather3A_1203] : memref<2x128x128xf32, #tpu.memory_space<vmem>> -> memref<1x128x128xf32, #tpu.memory_space<vmem>>
      %gather3A_1205 = tpu.memref_squeeze %gather3A_1204 : memref<1x128x128xf32, #tpu.memory_space<vmem>> -> memref<128x128xf32, #tpu.memory_space<vmem>>
      %gather3A_1206 = tpu.vector_load_idx %gather3A_1205[%broadcast_in_dim3A_1, %scan3A_1162] : memref<128x128xf32, #tpu.memory_space<vmem>>[vector<16xi32>, vector<16xi32>], vector<16xf32>,
      %gather3A_1207 = arith.constant 0 : i32
      %gather3A_1208 = arith.constant 0 : i32
      %gather3A_1209 = tpu.memref_slice %arg7[%scan3A_1104, %gather3A_1207, %gather3A_1208] : memref<2x128x128xf32, #tpu.memory_space<vmem>> -> memref<1x128x128xf32, #tpu.memory_space<vmem>>
      %gather3A_1210 = tpu.memref_squeeze %gather3A_1209 : memref<1x128x128xf32, #tpu.memory_space<vmem>> -> memref<128x128xf32, #tpu.memory_space<vmem>>
      %gather3A_1211 = tpu.vector_load_idx %gather3A_1210[%broadcast_in_dim3A_1, %scan3A_1163] : memref<128x128xf32, #tpu.memory_space<vmem>>[vector<16xi32>, vector<16xi32>], vector<16xf32>,
      tpu.vector_store_idx %arg8[%scan3A_1164], %gather3A_1176 : memref<16640xf32, #tpu.memory_space<vmem>>[vector<16xi32>], vector<16xf32>,
      tpu.vector_store_idx %arg8[%scan3A_1165], %gather3A_1181 : memref<16640xf32, #tpu.memory_space<vmem>>[vector<16xi32>], vector<16xf32>,
      tpu.vector_store_idx %arg8[%scan3A_1166], %gather3A_1186 : memref<16640xf32, #tpu.memory_space<vmem>>[vector<16xi32>], vector<16xf32>,
      tpu.vector_store_idx %arg8[%scan3A_1167], %gather3A_1191 : memref<16640xf32, #tpu.memory_space<vmem>>[vector<16xi32>], vector<16xf32>,
      tpu.vector_store_idx %arg8[%scan3A_1168], %gather3A_1196 : memref<16640xf32, #tpu.memory_space<vmem>>[vector<16xi32>], vector<16xf32>,
      tpu.vector_store_idx %arg8[%scan3A_1169], %gather3A_1201 : memref<16640xf32, #tpu.memory_space<vmem>>[vector<16xi32>], vector<16xf32>,
      tpu.vector_store_idx %arg8[%scan3A_1170], %gather3A_1206 : memref<16640xf32, #tpu.memory_space<vmem>>[vector<16xi32>], vector<16xf32>,
      tpu.vector_store_idx %arg8[%scan3A_1171], %gather3A_1211 : memref<16640xf32, #tpu.memory_space<vmem>>[vector<16xi32>], vector<16xf32>,
      %add3A_1212 = arith.constant 128 : i32
      %add3A_1213 = vector.broadcast %add3A_1212 : i32 to vector<16xi32>
      %add3A_1214 = arith.addi %scan3A_1156, %add3A_1213 : vector<16xi32>
      %add3A_1215 = arith.constant 128 : i32
      %add3A_1216 = vector.broadcast %add3A_1215 : i32 to vector<16xi32>
      %add3A_1217 = arith.addi %scan3A_1157, %add3A_1216 : vector<16xi32>
      %add3A_1218 = arith.constant 128 : i32
      %add3A_1219 = vector.broadcast %add3A_1218 : i32 to vector<16xi32>
      %add3A_1220 = arith.addi %scan3A_1158, %add3A_1219 : vector<16xi32>
      %add3A_1221 = arith.constant 128 : i32
      %add3A_1222 = vector.broadcast %add3A_1221 : i32 to vector<16xi32>
      %add3A_1223 = arith.addi %scan3A_1159, %add3A_1222 : vector<16xi32>
      %add3A_1224 = arith.constant 128 : i32
      %add3A_1225 = vector.broadcast %add3A_1224 : i32 to vector<16xi32>
      %add3A_1226 = arith.addi %scan3A_1160, %add3A_1225 : vector<16xi32>
      %add3A_1227 = arith.constant 128 : i32
      %add3A_1228 = vector.broadcast %add3A_1227 : i32 to vector<16xi32>
      %add3A_1229 = arith.addi %scan3A_1161, %add3A_1228 : vector<16xi32>
      %add3A_1230 = arith.constant 128 : i32
      %add3A_1231 = vector.broadcast %add3A_1230 : i32 to vector<16xi32>
      %add3A_1232 = arith.addi %scan3A_1162, %add3A_1231 : vector<16xi32>
      %add3A_1233 = arith.constant 128 : i32
      %add3A_1234 = vector.broadcast %add3A_1233 : i32 to vector<16xi32>
      %add3A_1235 = arith.addi %scan3A_1163, %add3A_1234 : vector<16xi32>
      %add3A_1236 = arith.constant 1 : i32
      %add3A_1237 = vector.broadcast %add3A_1236 : i32 to vector<16xi32>
      %add3A_1238 = arith.addi %scan3A_1164, %add3A_1237 : vector<16xi32>
      %add3A_1239 = arith.constant 1 : i32
      %add3A_1240 = vector.broadcast %add3A_1239 : i32 to vector<16xi32>
      %add3A_1241 = arith.addi %scan3A_1165, %add3A_1240 : vector<16xi32>
      %add3A_1242 = arith.constant 1 : i32
      %add3A_1243 = vector.broadcast %add3A_1242 : i32 to vector<16xi32>
      %add3A_1244 = arith.addi %scan3A_1166, %add3A_1243 : vector<16xi32>
      %add3A_1245 = arith.constant 1 : i32
      %add3A_1246 = vector.broadcast %add3A_1245 : i32 to vector<16xi32>
      %add3A_1247 = arith.addi %scan3A_1167, %add3A_1246 : vector<16xi32>
      %add3A_1248 = arith.constant 1 : i32
      %add3A_1249 = vector.broadcast %add3A_1248 : i32 to vector<16xi32>
      %add3A_1250 = arith.addi %scan3A_1168, %add3A_1249 : vector<16xi32>
      %add3A_1251 = arith.constant 1 : i32
      %add3A_1252 = vector.broadcast %add3A_1251 : i32 to vector<16xi32>
      %add3A_1253 = arith.addi %scan3A_1169, %add3A_1252 : vector<16xi32>
      %add3A_1254 = arith.constant 1 : i32
      %add3A_1255 = vector.broadcast %add3A_1254 : i32 to vector<16xi32>
      %add3A_1256 = arith.addi %scan3A_1170, %add3A_1255 : vector<16xi32>
      %add3A_1257 = arith.constant 1 : i32
      %add3A_1258 = vector.broadcast %add3A_1257 : i32 to vector<16xi32>
      %add3A_1259 = arith.addi %scan3A_1171, %add3A_1258 : vector<16xi32>
      %scan3A_1260 = arith.constant 1 : i32
      %scan3A_1261 = arith.addi %scan3A_1155, %scan3A_1260 : i32
      %gather3A_1262 = arith.constant 0 : i32
      %gather3A_1263 = arith.constant 0 : i32
      %gather3A_1264 = tpu.memref_slice %arg7[%scan3A_1104, %gather3A_1262, %gather3A_1263] : memref<2x128x128xf32, #tpu.memory_space<vmem>> -> memref<1x128x128xf32, #tpu.memory_space<vmem>>
      %gather3A_1265 = tpu.memref_squeeze %gather3A_1264 : memref<1x128x128xf32, #tpu.memory_space<vmem>> -> memref<128x128xf32, #tpu.memory_space<vmem>>
      %gather3A_1266 = tpu.vector_load_idx %gather3A_1265[%broadcast_in_dim3A_1, %add3A_1214] : memref<128x128xf32, #tpu.memory_space<vmem>>[vector<16xi32>, vector<16xi32>], vector<16xf32>,
      %gather3A_1267 = arith.constant 0 : i32
      %gather3A_1268 = arith.constant 0 : i32
      %gather3A_1269 = tpu.memref_slice %arg7[%scan3A_1104, %gather3A_1267, %gather3A_1268] : memref<2x128x128xf32, #tpu.memory_space<vmem>> -> memref<1x128x128xf32, #tpu.memory_space<vmem>>
      %gather3A_1270 = tpu.memref_squeeze %gather3A_1269 : memref<1x128x128xf32, #tpu.memory_space<vmem>> -> memref<128x128xf32, #tpu.memory_space<vmem>>
      %gather3A_1271 = tpu.vector_load_idx %gather3A_1270[%broadcast_in_dim3A_1, %add3A_1217] : memref<128x128xf32, #tpu.memory_space<vmem>>[vector<16xi32>, vector<16xi32>], vector<16xf32>,
      %gather3A_1272 = arith.constant 0 : i32
      %gather3A_1273 = arith.constant 0 : i32
      %gather3A_1274 = tpu.memref_slice %arg7[%scan3A_1104, %gather3A_1272, %gather3A_1273] : memref<2x128x128xf32, #tpu.memory_space<vmem>> -> memref<1x128x128xf32, #tpu.memory_space<vmem>>
      %gather3A_1275 = tpu.memref_squeeze %gather3A_1274 : memref<1x128x128xf32, #tpu.memory_space<vmem>> -> memref<128x128xf32, #tpu.memory_space<vmem>>
      %gather3A_1276 = tpu.vector_load_idx %gather3A_1275[%broadcast_in_dim3A_1, %add3A_1220] : memref<128x128xf32, #tpu.memory_space<vmem>>[vector<16xi32>, vector<16xi32>], vector<16xf32>,
      %gather3A_1277 = arith.constant 0 : i32
      %gather3A_1278 = arith.constant 0 : i32
      %gather3A_1279 = tpu.memref_slice %arg7[%scan3A_1104, %gather3A_1277, %gather3A_1278] : memref<2x128x128xf32, #tpu.memory_space<vmem>> -> memref<1x128x128xf32, #tpu.memory_space<vmem>>
      %gather3A_1280 = tpu.memref_squeeze %gather3A_1279 : memref<1x128x128xf32, #tpu.memory_space<vmem>> -> memref<128x128xf32, #tpu.memory_space<vmem>>
      %gather3A_1281 = tpu.vector_load_idx %gather3A_1280[%broadcast_in_dim3A_1, %add3A_1223] : memref<128x128xf32, #tpu.memory_space<vmem>>[vector<16xi32>, vector<16xi32>], vector<16xf32>,
      %gather3A_1282 = arith.constant 0 : i32
      %gather3A_1283 = arith.constant 0 : i32
      %gather3A_1284 = tpu.memref_slice %arg7[%scan3A_1104, %gather3A_1282, %gather3A_1283] : memref<2x128x128xf32, #tpu.memory_space<vmem>> -> memref<1x128x128xf32, #tpu.memory_space<vmem>>
      %gather3A_1285 = tpu.memref_squeeze %gather3A_1284 : memref<1x128x128xf32, #tpu.memory_space<vmem>> -> memref<128x128xf32, #tpu.memory_space<vmem>>
      %gather3A_1286 = tpu.vector_load_idx %gather3A_1285[%broadcast_in_dim3A_1, %add3A_1226] : memref<128x128xf32, #tpu.memory_space<vmem>>[vector<16xi32>, vector<16xi32>], vector<16xf32>,
      %gather3A_1287 = arith.constant 0 : i32
      %gather3A_1288 = arith.constant 0 : i32
      %gather3A_1289 = tpu.memref_slice %arg7[%scan3A_1104, %gather3A_1287, %gather3A_1288] : memref<2x128x128xf32, #tpu.memory_space<vmem>> -> memref<1x128x128xf32, #tpu.memory_space<vmem>>
      %gather3A_1290 = tpu.memref_squeeze %gather3A_1289 : memref<1x128x128xf32, #tpu.memory_space<vmem>> -> memref<128x128xf32, #tpu.memory_space<vmem>>
      %gather3A_1291 = tpu.vector_load_idx %gather3A_1290[%broadcast_in_dim3A_1, %add3A_1229] : memref<128x128xf32, #tpu.memory_space<vmem>>[vector<16xi32>, vector<16xi32>], vector<16xf32>,
      %gather3A_1292 = arith.constant 0 : i32
      %gather3A_1293 = arith.constant 0 : i32
      %gather3A_1294 = tpu.memref_slice %arg7[%scan3A_1104, %gather3A_1292, %gather3A_1293] : memref<2x128x128xf32, #tpu.memory_space<vmem>> -> memref<1x128x128xf32, #tpu.memory_space<vmem>>
      %gather3A_1295 = tpu.memref_squeeze %gather3A_1294 : memref<1x128x128xf32, #tpu.memory_space<vmem>> -> memref<128x128xf32, #tpu.memory_space<vmem>>
      %gather3A_1296 = tpu.vector_load_idx %gather3A_1295[%broadcast_in_dim3A_1, %add3A_1232] : memref<128x128xf32, #tpu.memory_space<vmem>>[vector<16xi32>, vector<16xi32>], vector<16xf32>,
      %gather3A_1297 = arith.constant 0 : i32
      %gather3A_1298 = arith.constant 0 : i32
      %gather3A_1299 = tpu.memref_slice %arg7[%scan3A_1104, %gather3A_1297, %gather3A_1298] : memref<2x128x128xf32, #tpu.memory_space<vmem>> -> memref<1x128x128xf32, #tpu.memory_space<vmem>>
      %gather3A_1300 = tpu.memref_squeeze %gather3A_1299 : memref<1x128x128xf32, #tpu.memory_space<vmem>> -> memref<128x128xf32, #tpu.memory_space<vmem>>
      %gather3A_1301 = tpu.vector_load_idx %gather3A_1300[%broadcast_in_dim3A_1, %add3A_1235] : memref<128x128xf32, #tpu.memory_space<vmem>>[vector<16xi32>, vector<16xi32>], vector<16xf32>,
      tpu.vector_store_idx %arg8[%add3A_1238], %gather3A_1266 : memref<16640xf32, #tpu.memory_space<vmem>>[vector<16xi32>], vector<16xf32>,
      tpu.vector_store_idx %arg8[%add3A_1241], %gather3A_1271 : memref<16640xf32, #tpu.memory_space<vmem>>[vector<16xi32>], vector<16xf32>,
      tpu.vector_store_idx %arg8[%add3A_1244], %gather3A_1276 : memref<16640xf32, #tpu.memory_space<vmem>>[vector<16xi32>], vector<16xf32>,
      tpu.vector_store_idx %arg8[%add3A_1247], %gather3A_1281 : memref<16640xf32, #tpu.memory_space<vmem>>[vector<16xi32>], vector<16xf32>,
      tpu.vector_store_idx %arg8[%add3A_1250], %gather3A_1286 : memref<16640xf32, #tpu.memory_space<vmem>>[vector<16xi32>], vector<16xf32>,
      tpu.vector_store_idx %arg8[%add3A_1253], %gather3A_1291 : memref<16640xf32, #tpu.memory_space<vmem>>[vector<16xi32>], vector<16xf32>,
      tpu.vector_store_idx %arg8[%add3A_1256], %gather3A_1296 : memref<16640xf32, #tpu.memory_space<vmem>>[vector<16xi32>], vector<16xf32>,
      tpu.vector_store_idx %arg8[%add3A_1259], %gather3A_1301 : memref<16640xf32, #tpu.memory_space<vmem>>[vector<16xi32>], vector<16xf32>,
      %add3A_1302 = arith.constant 128 : i32
      %add3A_1303 = vector.broadcast %add3A_1302 : i32 to vector<16xi32>
      %add3A_1304 = arith.addi %add3A_1214, %add3A_1303 : vector<16xi32>
      %add3A_1305 = arith.constant 128 : i32
      %add3A_1306 = vector.broadcast %add3A_1305 : i32 to vector<16xi32>
      %add3A_1307 = arith.addi %add3A_1217, %add3A_1306 : vector<16xi32>
      %add3A_1308 = arith.constant 128 : i32
      %add3A_1309 = vector.broadcast %add3A_1308 : i32 to vector<16xi32>
      %add3A_1310 = arith.addi %add3A_1220, %add3A_1309 : vector<16xi32>
      %add3A_1311 = arith.constant 128 : i32
      %add3A_1312 = vector.broadcast %add3A_1311 : i32 to vector<16xi32>
      %add3A_1313 = arith.addi %add3A_1223, %add3A_1312 : vector<16xi32>
      %add3A_1314 = arith.constant 128 : i32
      %add3A_1315 = vector.broadcast %add3A_1314 : i32 to vector<16xi32>
      %add3A_1316 = arith.addi %add3A_1226, %add3A_1315 : vector<16xi32>
      %add3A_1317 = arith.constant 128 : i32
      %add3A_1318 = vector.broadcast %add3A_1317 : i32 to vector<16xi32>
      %add3A_1319 = arith.addi %add3A_1229, %add3A_1318 : vector<16xi32>
      %add3A_1320 = arith.constant 128 : i32
      %add3A_1321 = vector.broadcast %add3A_1320 : i32 to vector<16xi32>
      %add3A_1322 = arith.addi %add3A_1232, %add3A_1321 : vector<16xi32>
      %add3A_1323 = arith.constant 128 : i32
      %add3A_1324 = vector.broadcast %add3A_1323 : i32 to vector<16xi32>
      %add3A_1325 = arith.addi %add3A_1235, %add3A_1324 : vector<16xi32>
      %add3A_1326 = arith.constant 1 : i32
      %add3A_1327 = vector.broadcast %add3A_1326 : i32 to vector<16xi32>
      %add3A_1328 = arith.addi %add3A_1238, %add3A_1327 : vector<16xi32>
      %add3A_1329 = arith.constant 1 : i32
      %add3A_1330 = vector.broadcast %add3A_1329 : i32 to vector<16xi32>
      %add3A_1331 = arith.addi %add3A_1241, %add3A_1330 : vector<16xi32>
      %add3A_1332 = arith.constant 1 : i32
      %add3A_1333 = vector.broadcast %add3A_1332 : i32 to vector<16xi32>
      %add3A_1334 = arith.addi %add3A_1244, %add3A_1333 : vector<16xi32>
      %add3A_1335 = arith.constant 1 : i32
      %add3A_1336 = vector.broadcast %add3A_1335 : i32 to vector<16xi32>
      %add3A_1337 = arith.addi %add3A_1247, %add3A_1336 : vector<16xi32>
      %add3A_1338 = arith.constant 1 : i32
      %add3A_1339 = vector.broadcast %add3A_1338 : i32 to vector<16xi32>
      %add3A_1340 = arith.addi %add3A_1250, %add3A_1339 : vector<16xi32>
      %add3A_1341 = arith.constant 1 : i32
      %add3A_1342 = vector.broadcast %add3A_1341 : i32 to vector<16xi32>
      %add3A_1343 = arith.addi %add3A_1253, %add3A_1342 : vector<16xi32>
      %add3A_1344 = arith.constant 1 : i32
      %add3A_1345 = vector.broadcast %add3A_1344 : i32 to vector<16xi32>
      %add3A_1346 = arith.addi %add3A_1256, %add3A_1345 : vector<16xi32>
      %add3A_1347 = arith.constant 1 : i32
      %add3A_1348 = vector.broadcast %add3A_1347 : i32 to vector<16xi32>
      %add3A_1349 = arith.addi %add3A_1259, %add3A_1348 : vector<16xi32>
      scf.yield %add3A_1304, %add3A_1307, %add3A_1310, %add3A_1313, %add3A_1316, %add3A_1319, %add3A_1322, %add3A_1325, %add3A_1328, %add3A_1331, %add3A_1334, %add3A_1337, %add3A_1340, %add3A_1343, %add3A_1346, %add3A_1349 : vector<16xi32>, vector<16xi32>, vector<16xi32>, vector<16xi32>, vector<16xi32>, vector<16xi32>, vector<16xi32>, vector<16xi32>, vector<16xi32>, vector<16xi32>, vector<16xi32>, vector<16xi32>, vector<16xi32>, vector<16xi32>, vector<16xi32>, vector<16xi32>
    }
    %scan3A_1110 = arith.constant 128 : i32
    %scan3A_1111 = arith.constant 1 : i32
    %scan3A_1112 = arith.constant 0 : i32
    %scan3A_1113 = arith.constant 0 : i32
    %scan3A_1114 = arith.constant 128 : i32
    %scan3A_1115 = arith.addi %scan3A_1113, %scan3A_1114 : i32
    %scan3A_1116 = arith.constant 2 : i32
    %scan3A_1117 = scf.for %scan3A_1155 = %scan3A_1113 to %scan3A_1115 step %scan3A_1116 iter_args(%scan3A_1156 = %scan3A_1112) -> (i32)  : i32 {
      %mul3A_1157 = arith.constant 129 : i32
      %mul3A_1158 = arith.muli %scan3A_1155, %mul3A_1157 : i32
      %add3A_1159 = arith.constant 0 : i32
      %add3A_1160 = arith.addi %mul3A_1158, %add3A_1159 : i32
      %get3A = arith.index_cast %add3A_1160 : i32 to index
      %get3A_1161 = tpu.vector_load %arg8[%get3A] {strides = array<i32>} : memref<16640xf32, #tpu.memory_space<vmem>>, vector<16xf32>,
      %add3A_1162 = arith.constant 16 : i32
      %add3A_1163 = arith.addi %mul3A_1158, %add3A_1162 : i32
      %get3A_1164 = arith.index_cast %add3A_1163 : i32 to index
      %get3A_1165 = tpu.vector_load %arg8[%get3A_1164] {strides = array<i32>} : memref<16640xf32, #tpu.memory_space<vmem>>, vector<16xf32>,
      %add3A_1166 = arith.constant 32 : i32
      %add3A_1167 = arith.addi %mul3A_1158, %add3A_1166 : i32
      %get3A_1168 = arith.index_cast %add3A_1167 : i32 to index
      %get3A_1169 = tpu.vector_load %arg8[%get3A_1168] {strides = array<i32>} : memref<16640xf32, #tpu.memory_space<vmem>>, vector<16xf32>,
      %add3A_1170 = arith.constant 48 : i32
      %add3A_1171 = arith.addi %mul3A_1158, %add3A_1170 : i32
      %get3A_1172 = arith.index_cast %add3A_1171 : i32 to index
      %get3A_1173 = tpu.vector_load %arg8[%get3A_1172] {strides = array<i32>} : memref<16640xf32, #tpu.memory_space<vmem>>, vector<16xf32>,
      %add3A_1174 = arith.constant 64 : i32
      %add3A_1175 = arith.addi %mul3A_1158, %add3A_1174 : i32
      %get3A_1176 = arith.index_cast %add3A_1175 : i32 to index
      %get3A_1177 = tpu.vector_load %arg8[%get3A_1176] {strides = array<i32>} : memref<16640xf32, #tpu.memory_space<vmem>>, vector<16xf32>,
      %add3A_1178 = arith.constant 80 : i32
      %add3A_1179 = arith.addi %mul3A_1158, %add3A_1178 : i32
      %get3A_1180 = arith.index_cast %add3A_1179 : i32 to index
      %get3A_1181 = tpu.vector_load %arg8[%get3A_1180] {strides = array<i32>} : memref<16640xf32, #tpu.memory_space<vmem>>, vector<16xf32>,
      %add3A_1182 = arith.constant 96 : i32
      %add3A_1183 = arith.addi %mul3A_1158, %add3A_1182 : i32
      %get3A_1184 = arith.index_cast %add3A_1183 : i32 to index
      %get3A_1185 = tpu.vector_load %arg8[%get3A_1184] {strides = array<i32>} : memref<16640xf32, #tpu.memory_space<vmem>>, vector<16xf32>,
      %add3A_1186 = arith.constant 112 : i32
      %add3A_1187 = arith.addi %mul3A_1158, %add3A_1186 : i32
      %get3A_1188 = arith.index_cast %add3A_1187 : i32 to index
      %get3A_1189 = tpu.vector_load %arg8[%get3A_1188] {strides = array<i32>} : memref<16640xf32, #tpu.memory_space<vmem>>, vector<16xf32>,
      %swap3A_1190 = arith.constant 0 : i32
      %swap3A_1191 = arith.constant 0 : i32
      %swap3A_1192 = tpu.memref_slice %arg9[%scan3A_1111, %swap3A_1190, %swap3A_1191] : memref<2x128x128xf32, #tpu.memory_space<vmem>> -> memref<1x128x128xf32, #tpu.memory_space<vmem>>
      %swap3A_1193 = tpu.memref_squeeze %swap3A_1192 : memref<1x128x128xf32, #tpu.memory_space<vmem>> -> memref<128x128xf32, #tpu.memory_space<vmem>>
      %swap3A_1194 = arith.index_cast %scan3A_1155 : i32 to index
      %swap3A_1195 = arith.constant 0 : index
      %swap3A_1196 = tpu.vector_load %swap3A_1193[%swap3A_1194, %swap3A_1195] {strides = array<i32>} : memref<128x128xf32, #tpu.memory_space<vmem>>, vector<16xf32>,
      tpu.vector_store %swap3A_1193[%swap3A_1194, %swap3A_1195], %get3A_1161 {strides = array<i32>} : memref<128x128xf32, #tpu.memory_space<vmem>>, vector<16xf32>,
      %swap3A_1197 = arith.constant 0 : i32
      %swap3A_1198 = arith.constant 0 : i32
      %swap3A_1199 = tpu.memref_slice %arg9[%scan3A_1111, %swap3A_1197, %swap3A_1198] : memref<2x128x128xf32, #tpu.memory_space<vmem>> -> memref<1x128x128xf32, #tpu.memory_space<vmem>>
      %swap3A_1200 = tpu.memref_squeeze %swap3A_1199 : memref<1x128x128xf32, #tpu.memory_space<vmem>> -> memref<128x128xf32, #tpu.memory_space<vmem>>
      %swap3A_1201 = arith.index_cast %scan3A_1155 : i32 to index
      %swap3A_1202 = arith.constant 16 : index
      %swap3A_1203 = tpu.vector_load %swap3A_1200[%swap3A_1201, %swap3A_1202] {strides = array<i32>} : memref<128x128xf32, #tpu.memory_space<vmem>>, vector<16xf32>,
      tpu.vector_store %swap3A_1200[%swap3A_1201, %swap3A_1202], %get3A_1165 {strides = array<i32>} : memref<128x128xf32, #tpu.memory_space<vmem>>, vector<16xf32>,
      %swap3A_1204 = arith.constant 0 : i32
      %swap3A_1205 = arith.constant 0 : i32
      %swap3A_1206 = tpu.memref_slice %arg9[%scan3A_1111, %swap3A_1204, %swap3A_1205] : memref<2x128x128xf32, #tpu.memory_space<vmem>> -> memref<1x128x128xf32, #tpu.memory_space<vmem>>
      %swap3A_1207 = tpu.memref_squeeze %swap3A_1206 : memref<1x128x128xf32, #tpu.memory_space<vmem>> -> memref<128x128xf32, #tpu.memory_space<vmem>>
      %swap3A_1208 = arith.index_cast %scan3A_1155 : i32 to index
      %swap3A_1209 = arith.constant 32 : index
      %swap3A_1210 = tpu.vector_load %swap3A_1207[%swap3A_1208, %swap3A_1209] {strides = array<i32>} : memref<128x128xf32, #tpu.memory_space<vmem>>, vector<16xf32>,
      tpu.vector_store %swap3A_1207[%swap3A_1208, %swap3A_1209], %get3A_1169 {strides = array<i32>} : memref<128x128xf32, #tpu.memory_space<vmem>>, vector<16xf32>,
      %swap3A_1211 = arith.constant 0 : i32
      %swap3A_1212 = arith.constant 0 : i32
      %swap3A_1213 = tpu.memref_slice %arg9[%scan3A_1111, %swap3A_1211, %swap3A_1212] : memref<2x128x128xf32, #tpu.memory_space<vmem>> -> memref<1x128x128xf32, #tpu.memory_space<vmem>>
      %swap3A_1214 = tpu.memref_squeeze %swap3A_1213 : memref<1x128x128xf32, #tpu.memory_space<vmem>> -> memref<128x128xf32, #tpu.memory_space<vmem>>
      %swap3A_1215 = arith.index_cast %scan3A_1155 : i32 to index
      %swap3A_1216 = arith.constant 48 : index
      %swap3A_1217 = tpu.vector_load %swap3A_1214[%swap3A_1215, %swap3A_1216] {strides = array<i32>} : memref<128x128xf32, #tpu.memory_space<vmem>>, vector<16xf32>,
      tpu.vector_store %swap3A_1214[%swap3A_1215, %swap3A_1216], %get3A_1173 {strides = array<i32>} : memref<128x128xf32, #tpu.memory_space<vmem>>, vector<16xf32>,
      %swap3A_1218 = arith.constant 0 : i32
      %swap3A_1219 = arith.constant 0 : i32
      %swap3A_1220 = tpu.memref_slice %arg9[%scan3A_1111, %swap3A_1218, %swap3A_1219] : memref<2x128x128xf32, #tpu.memory_space<vmem>> -> memref<1x128x128xf32, #tpu.memory_space<vmem>>
      %swap3A_1221 = tpu.memref_squeeze %swap3A_1220 : memref<1x128x128xf32, #tpu.memory_space<vmem>> -> memref<128x128xf32, #tpu.memory_space<vmem>>
      %swap3A_1222 = arith.index_cast %scan3A_1155 : i32 to index
      %swap3A_1223 = arith.constant 64 : index
      %swap3A_1224 = tpu.vector_load %swap3A_1221[%swap3A_1222, %swap3A_1223] {strides = array<i32>} : memref<128x128xf32, #tpu.memory_space<vmem>>, vector<16xf32>,
      tpu.vector_store %swap3A_1221[%swap3A_1222, %swap3A_1223], %get3A_1177 {strides = array<i32>} : memref<128x128xf32, #tpu.memory_space<vmem>>, vector<16xf32>,
      %swap3A_1225 = arith.constant 0 : i32
      %swap3A_1226 = arith.constant 0 : i32
      %swap3A_1227 = tpu.memref_slice %arg9[%scan3A_1111, %swap3A_1225, %swap3A_1226] : memref<2x128x128xf32, #tpu.memory_space<vmem>> -> memref<1x128x128xf32, #tpu.memory_space<vmem>>
      %swap3A_1228 = tpu.memref_squeeze %swap3A_1227 : memref<1x128x128xf32, #tpu.memory_space<vmem>> -> memref<128x128xf32, #tpu.memory_space<vmem>>
      %swap3A_1229 = arith.index_cast %scan3A_1155 : i32 to index
      %swap3A_1230 = arith.constant 80 : index
      %swap3A_1231 = tpu.vector_load %swap3A_1228[%swap3A_1229, %swap3A_1230] {strides = array<i32>} : memref<128x128xf32, #tpu.memory_space<vmem>>, vector<16xf32>,
      tpu.vector_store %swap3A_1228[%swap3A_1229, %swap3A_1230], %get3A_1181 {strides = array<i32>} : memref<128x128xf32, #tpu.memory_space<vmem>>, vector<16xf32>,
      %swap3A_1232 = arith.constant 0 : i32
      %swap3A_1233 = arith.constant 0 : i32
      %swap3A_1234 = tpu.memref_slice %arg9[%scan3A_1111, %swap3A_1232, %swap3A_1233] : memref<2x128x128xf32, #tpu.memory_space<vmem>> -> memref<1x128x128xf32, #tpu.memory_space<vmem>>
      %swap3A_1235 = tpu.memref_squeeze %swap3A_1234 : memref<1x128x128xf32, #tpu.memory_space<vmem>> -> memref<128x128xf32, #tpu.memory_space<vmem>>
      %swap3A_1236 = arith.index_cast %scan3A_1155 : i32 to index
      %swap3A_1237 = arith.constant 96 : index
      %swap3A_1238 = tpu.vector_load %swap3A_1235[%swap3A_1236, %swap3A_1237] {strides = array<i32>} : memref<128x128xf32, #tpu.memory_space<vmem>>, vector<16xf32>,
      tpu.vector_store %swap3A_1235[%swap3A_1236, %swap3A_1237], %get3A_1185 {strides = array<i32>} : memref<128x128xf32, #tpu.memory_space<vmem>>, vector<16xf32>,
      %swap3A_1239 = arith.constant 0 : i32
      %swap3A_1240 = arith.constant 0 : i32
      %swap3A_1241 = tpu.memref_slice %arg9[%scan3A_1111, %swap3A_1239, %swap3A_1240] : memref<2x128x128xf32, #tpu.memory_space<vmem>> -> memref<1x128x128xf32, #tpu.memory_space<vmem>>
      %swap3A_1242 = tpu.memref_squeeze %swap3A_1241 : memref<1x128x128xf32, #tpu.memory_space<vmem>> -> memref<128x128xf32, #tpu.memory_space<vmem>>
      %swap3A_1243 = arith.index_cast %scan3A_1155 : i32 to index
      %swap3A_1244 = arith.constant 112 : index
      %swap3A_1245 = tpu.vector_load %swap3A_1242[%swap3A_1243, %swap3A_1244] {strides = array<i32>} : memref<128x128xf32, #tpu.memory_space<vmem>>, vector<16xf32>,
      tpu.vector_store %swap3A_1242[%swap3A_1243, %swap3A_1244], %get3A_1189 {strides = array<i32>} : memref<128x128xf32, #tpu.memory_space<vmem>>, vector<16xf32>,
      %scan3A_1246 = arith.constant 0 : i32
      %scan3A_1247 = arith.constant 1 : i32
      %scan3A_1248 = arith.addi %scan3A_1155, %scan3A_1247 : i32
      %mul3A_1249 = arith.constant 129 : i32
      %mul3A_1250 = arith.muli %scan3A_1248, %mul3A_1249 : i32
      %add3A_1251 = arith.constant 0 : i32
      %add3A_1252 = arith.addi %mul3A_1250, %add3A_1251 : i32
      %get3A_1253 = arith.index_cast %add3A_1252 : i32 to index
      %get3A_1254 = tpu.vector_load %arg8[%get3A_1253] {strides = array<i32>} : memref<16640xf32, #tpu.memory_space<vmem>>, vector<16xf32>,
      %add3A_1255 = arith.constant 16 : i32
      %add3A_1256 = arith.addi %mul3A_1250, %add3A_1255 : i32
      %get3A_1257 = arith.index_cast %add3A_1256 : i32 to index
      %get3A_1258 = tpu.vector_load %arg8[%get3A_1257] {strides = array<i32>} : memref<16640xf32, #tpu.memory_space<vmem>>, vector<16xf32>,
      %add3A_1259 = arith.constant 32 : i32
      %add3A_1260 = arith.addi %mul3A_1250, %add3A_1259 : i32
      %get3A_1261 = arith.index_cast %add3A_1260 : i32 to index
      %get3A_1262 = tpu.vector_load %arg8[%get3A_1261] {strides = array<i32>} : memref<16640xf32, #tpu.memory_space<vmem>>, vector<16xf32>,
      %add3A_1263 = arith.constant 48 : i32
      %add3A_1264 = arith.addi %mul3A_1250, %add3A_1263 : i32
      %get3A_1265 = arith.index_cast %add3A_1264 : i32 to index
      %get3A_1266 = tpu.vector_load %arg8[%get3A_1265] {strides = array<i32>} : memref<16640xf32, #tpu.memory_space<vmem>>, vector<16xf32>,
      %add3A_1267 = arith.constant 64 : i32
      %add3A_1268 = arith.addi %mul3A_1250, %add3A_1267 : i32
      %get3A_1269 = arith.index_cast %add3A_1268 : i32 to index
      %get3A_1270 = tpu.vector_load %arg8[%get3A_1269] {strides = array<i32>} : memref<16640xf32, #tpu.memory_space<vmem>>, vector<16xf32>,
      %add3A_1271 = arith.constant 80 : i32
      %add3A_1272 = arith.addi %mul3A_1250, %add3A_1271 : i32
      %get3A_1273 = arith.index_cast %add3A_1272 : i32 to index
      %get3A_1274 = tpu.vector_load %arg8[%get3A_1273] {strides = array<i32>} : memref<16640xf32, #tpu.memory_space<vmem>>, vector<16xf32>,
      %add3A_1275 = arith.constant 96 : i32
      %add3A_1276 = arith.addi %mul3A_1250, %add3A_1275 : i32
      %get3A_1277 = arith.index_cast %add3A_1276 : i32 to index
      %get3A_1278 = tpu.vector_load %arg8[%get3A_1277] {strides = array<i32>} : memref<16640xf32, #tpu.memory_space<vmem>>, vector<16xf32>,
      %add3A_1279 = arith.constant 112 : i32
      %add3A_1280 = arith.addi %mul3A_1250, %add3A_1279 : i32
      %get3A_1281 = arith.index_cast %add3A_1280 : i32 to index
      %get3A_1282 = tpu.vector_load %arg8[%get3A_1281] {strides = array<i32>} : memref<16640xf32, #tpu.memory_space<vmem>>, vector<16xf32>,
      %swap3A_1283 = arith.constant 0 : i32
      %swap3A_1284 = arith.constant 0 : i32
      %swap3A_1285 = tpu.memref_slice %arg9[%scan3A_1111, %swap3A_1283, %swap3A_1284] : memref<2x128x128xf32, #tpu.memory_space<vmem>> -> memref<1x128x128xf32, #tpu.memory_space<vmem>>
      %swap3A_1286 = tpu.memref_squeeze %swap3A_1285 : memref<1x128x128xf32, #tpu.memory_space<vmem>> -> memref<128x128xf32, #tpu.memory_space<vmem>>
      %swap3A_1287 = arith.index_cast %scan3A_1248 : i32 to index
      %swap3A_1288 = arith.constant 0 : index
      %swap3A_1289 = tpu.vector_load %swap3A_1286[%swap3A_1287, %swap3A_1288] {strides = array<i32>} : memref<128x128xf32, #tpu.memory_space<vmem>>, vector<16xf32>,
      tpu.vector_store %swap3A_1286[%swap3A_1287, %swap3A_1288], %get3A_1254 {strides = array<i32>} : memref<128x128xf32, #tpu.memory_space<vmem>>, vector<16xf32>,
      %swap3A_1290 = arith.constant 0 : i32
      %swap3A_1291 = arith.constant 0 : i32
      %swap3A_1292 = tpu.memref_slice %arg9[%scan3A_1111, %swap3A_1290, %swap3A_1291] : memref<2x128x128xf32, #tpu.memory_space<vmem>> -> memref<1x128x128xf32, #tpu.memory_space<vmem>>
      %swap3A_1293 = tpu.memref_squeeze %swap3A_1292 : memref<1x128x128xf32, #tpu.memory_space<vmem>> -> memref<128x128xf32, #tpu.memory_space<vmem>>
      %swap3A_1294 = arith.index_cast %scan3A_1248 : i32 to index
      %swap3A_1295 = arith.constant 16 : index
      %swap3A_1296 = tpu.vector_load %swap3A_1293[%swap3A_1294, %swap3A_1295] {strides = array<i32>} : memref<128x128xf32, #tpu.memory_space<vmem>>, vector<16xf32>,
      tpu.vector_store %swap3A_1293[%swap3A_1294, %swap3A_1295], %get3A_1258 {strides = array<i32>} : memref<128x128xf32, #tpu.memory_space<vmem>>, vector<16xf32>,
      %swap3A_1297 = arith.constant 0 : i32
      %swap3A_1298 = arith.constant 0 : i32
      %swap3A_1299 = tpu.memref_slice %arg9[%scan3A_1111, %swap3A_1297, %swap3A_1298] : memref<2x128x128xf32, #tpu.memory_space<vmem>> -> memref<1x128x128xf32, #tpu.memory_space<vmem>>
      %swap3A_1300 = tpu.memref_squeeze %swap3A_1299 : memref<1x128x128xf32, #tpu.memory_space<vmem>> -> memref<128x128xf32, #tpu.memory_space<vmem>>
      %swap3A_1301 = arith.index_cast %scan3A_1248 : i32 to index
      %swap3A_1302 = arith.constant 32 : index
      %swap3A_1303 = tpu.vector_load %swap3A_1300[%swap3A_1301, %swap3A_1302] {strides = array<i32>} : memref<128x128xf32, #tpu.memory_space<vmem>>, vector<16xf32>,
      tpu.vector_store %swap3A_1300[%swap3A_1301, %swap3A_1302], %get3A_1262 {strides = array<i32>} : memref<128x128xf32, #tpu.memory_space<vmem>>, vector<16xf32>,
      %swap3A_1304 = arith.constant 0 : i32
      %swap3A_1305 = arith.constant 0 : i32
      %swap3A_1306 = tpu.memref_slice %arg9[%scan3A_1111, %swap3A_1304, %swap3A_1305] : memref<2x128x128xf32, #tpu.memory_space<vmem>> -> memref<1x128x128xf32, #tpu.memory_space<vmem>>
      %swap3A_1307 = tpu.memref_squeeze %swap3A_1306 : memref<1x128x128xf32, #tpu.memory_space<vmem>> -> memref<128x128xf32, #tpu.memory_space<vmem>>
      %swap3A_1308 = arith.index_cast %scan3A_1248 : i32 to index
      %swap3A_1309 = arith.constant 48 : index
      %swap3A_1310 = tpu.vector_load %swap3A_1307[%swap3A_1308, %swap3A_1309] {strides = array<i32>} : memref<128x128xf32, #tpu.memory_space<vmem>>, vector<16xf32>,
      tpu.vector_store %swap3A_1307[%swap3A_1308, %swap3A_1309], %get3A_1266 {strides = array<i32>} : memref<128x128xf32, #tpu.memory_space<vmem>>, vector<16xf32>,
      %swap3A_1311 = arith.constant 0 : i32
      %swap3A_1312 = arith.constant 0 : i32
      %swap3A_1313 = tpu.memref_slice %arg9[%scan3A_1111, %swap3A_1311, %swap3A_1312] : memref<2x128x128xf32, #tpu.memory_space<vmem>> -> memref<1x128x128xf32, #tpu.memory_space<vmem>>
      %swap3A_1314 = tpu.memref_squeeze %swap3A_1313 : memref<1x128x128xf32, #tpu.memory_space<vmem>> -> memref<128x128xf32, #tpu.memory_space<vmem>>
      %swap3A_1315 = arith.index_cast %scan3A_1248 : i32 to index
      %swap3A_1316 = arith.constant 64 : index
      %swap3A_1317 = tpu.vector_load %swap3A_1314[%swap3A_1315, %swap3A_1316] {strides = array<i32>} : memref<128x128xf32, #tpu.memory_space<vmem>>, vector<16xf32>,
      tpu.vector_store %swap3A_1314[%swap3A_1315, %swap3A_1316], %get3A_1270 {strides = array<i32>} : memref<128x128xf32, #tpu.memory_space<vmem>>, vector<16xf32>,
      %swap3A_1318 = arith.constant 0 : i32
      %swap3A_1319 = arith.constant 0 : i32
      %swap3A_1320 = tpu.memref_slice %arg9[%scan3A_1111, %swap3A_1318, %swap3A_1319] : memref<2x128x128xf32, #tpu.memory_space<vmem>> -> memref<1x128x128xf32, #tpu.memory_space<vmem>>
      %swap3A_1321 = tpu.memref_squeeze %swap3A_1320 : memref<1x128x128xf32, #tpu.memory_space<vmem>> -> memref<128x128xf32, #tpu.memory_space<vmem>>
      %swap3A_1322 = arith.index_cast %scan3A_1248 : i32 to index
      %swap3A_1323 = arith.constant 80 : index
      %swap3A_1324 = tpu.vector_load %swap3A_1321[%swap3A_1322, %swap3A_1323] {strides = array<i32>} : memref<128x128xf32, #tpu.memory_space<vmem>>, vector<16xf32>,
      tpu.vector_store %swap3A_1321[%swap3A_1322, %swap3A_1323], %get3A_1274 {strides = array<i32>} : memref<128x128xf32, #tpu.memory_space<vmem>>, vector<16xf32>,
      %swap3A_1325 = arith.constant 0 : i32
      %swap3A_1326 = arith.constant 0 : i32
      %swap3A_1327 = tpu.memref_slice %arg9[%scan3A_1111, %swap3A_1325, %swap3A_1326] : memref<2x128x128xf32, #tpu.memory_space<vmem>> -> memref<1x128x128xf32, #tpu.memory_space<vmem>>
      %swap3A_1328 = tpu.memref_squeeze %swap3A_1327 : memref<1x128x128xf32, #tpu.memory_space<vmem>> -> memref<128x128xf32, #tpu.memory_space<vmem>>
      %swap3A_1329 = arith.index_cast %scan3A_1248 : i32 to index
      %swap3A_1330 = arith.constant 96 : index
      %swap3A_1331 = tpu.vector_load %swap3A_1328[%swap3A_1329, %swap3A_1330] {strides = array<i32>} : memref<128x128xf32, #tpu.memory_space<vmem>>, vector<16xf32>,
      tpu.vector_store %swap3A_1328[%swap3A_1329, %swap3A_1330], %get3A_1278 {strides = array<i32>} : memref<128x128xf32, #tpu.memory_space<vmem>>, vector<16xf32>,
      %swap3A_1332 = arith.constant 0 : i32
      %swap3A_1333 = arith.constant 0 : i32
      %swap3A_1334 = tpu.memref_slice %arg9[%scan3A_1111, %swap3A_1332, %swap3A_1333] : memref<2x128x128xf32, #tpu.memory_space<vmem>> -> memref<1x128x128xf32, #tpu.memory_space<vmem>>
      %swap3A_1335 = tpu.memref_squeeze %swap3A_1334 : memref<1x128x128xf32, #tpu.memory_space<vmem>> -> memref<128x128xf32, #tpu.memory_space<vmem>>
      %swap3A_1336 = arith.index_cast %scan3A_1248 : i32 to index
      %swap3A_1337 = arith.constant 112 : index
      %swap3A_1338 = tpu.vector_load %swap3A_1335[%swap3A_1336, %swap3A_1337] {strides = array<i32>} : memref<128x128xf32, #tpu.memory_space<vmem>>, vector<16xf32>,
      tpu.vector_store %swap3A_1335[%swap3A_1336, %swap3A_1337], %get3A_1282 {strides = array<i32>} : memref<128x128xf32, #tpu.memory_space<vmem>>, vector<16xf32>,
      %scan3A_1339 = arith.constant 0 : i32
      scf.yield %scan3A_1339 : i32
    }
    %scan3A_1118 = arith.constant 128 : i32
    %dma_start3A_1119 = arith.constant 1 : i32
    %dma_start3A_1120 = arith.constant 1 : i32
    %dma_start3A_1121 = arith.constant 0 : i32
    %dma_start3A_1122 = arith.constant 0 : i32
    %dma_start3A_1123 = tpu.memref_slice %arg9[%dma_start3A_1119, %dma_start3A_1121, %dma_start3A_1122] : memref<2x128x128xf32, #tpu.memory_space<vmem>> -> memref<1x128x128xf32, #tpu.memory_space<vmem>>
    %dma_start3A_1124 = tpu.memref_squeeze %dma_start3A_1123 : memref<1x128x128xf32, #tpu.memory_space<vmem>> -> memref<128x128xf32, #tpu.memory_space<vmem>>
    %dma_start3A_1125 = arith.constant 0 : i32
    %dma_start3A_1126 = tpu.memref_slice %arg6[%dma_start3A_1120, %dma_start3A_1125] : memref<2x128xi32, #tpu.memory_space<vmem>> -> memref<1x128xi32, #tpu.memory_space<vmem>>
    %dma_start3A_1127 = tpu.memref_squeeze %dma_start3A_1126 : memref<1x128xi32, #tpu.memory_space<vmem>> -> memref<128xi32, #tpu.memory_space<vmem>>
    %dma_start3A_1128 = arith.constant 0 : i32
    %dma_start3A_1129 = arith.constant 0 : i32
    %dma_start3A_1130 = tpu.memref_slice %arg4[%dma_start3A_1128, %dma_start3A_1129] : memref<16384x128xf32, #tpu.memory_space<hbm>> -> memref<16384x128xf32, #tpu.memory_space<hbm>>
    tpu.enqueue_indirect_dma source(%dma_start3A_1124 : memref<128x128xf32, #tpu.memory_space<vmem>>) target(%dma_start3A_1130 : memref<16384x128xf32, #tpu.memory_space<hbm>>) offsets(%dma_start3A_1127 : memref<128xi32, #tpu.memory_space<vmem>>) semaphore(%arg13 : memref<!tpu.dma_semaphore, #tpu.memory_space<semaphore_mem>>)
    %dma_wait3A_1131 = arith.constant 0 : i32
    %dma_wait3A_1132 = arith.constant 0 : i32
    %dma_wait3A_1133 = arith.constant 0 : i32
    %dma_wait3A_1134 = arith.constant 0 : i32
    %dma_wait3A_1135 = tpu.memref_slice %arg9[%dma_wait3A_1131, %dma_wait3A_1133, %dma_wait3A_1134] : memref<2x128x128xf32, #tpu.memory_space<vmem>> -> memref<1x128x128xf32, #tpu.memory_space<vmem>>
    %dma_wait3A_1136 = tpu.memref_squeeze %dma_wait3A_1135 : memref<1x128x128xf32, #tpu.memory_space<vmem>> -> memref<128x128xf32, #tpu.memory_space<vmem>>
    %dma_wait3A_1137 = arith.constant 0 : i32
    %dma_wait3A_1138 = tpu.memref_slice %arg6[%dma_wait3A_1132, %dma_wait3A_1137] : memref<2x128xi32, #tpu.memory_space<vmem>> -> memref<1x128xi32, #tpu.memory_space<vmem>>
    %dma_wait3A_1139 = tpu.memref_squeeze %dma_wait3A_1138 : memref<1x128xi32, #tpu.memory_space<vmem>> -> memref<128xi32, #tpu.memory_space<vmem>>
    %dma_wait3A_1140 = arith.constant 0 : i32
    %dma_wait3A_1141 = arith.constant 0 : i32
    %dma_wait3A_1142 = tpu.memref_slice %arg4[%dma_wait3A_1140, %dma_wait3A_1141] : memref<16384x128xf32, #tpu.memory_space<hbm>> -> memref<16384x128xf32, #tpu.memory_space<hbm>>
    tpu.wait_indirect_dma semaphore(%arg12 : memref<!tpu.dma_semaphore, #tpu.memory_space<semaphore_mem>>) src(%dma_wait3A_1136 : memref<128x128xf32, #tpu.memory_space<vmem>>) dst(%dma_wait3A_1142 : memref<16384x128xf32, #tpu.memory_space<hbm>>)
    %dma_wait3A_1143 = arith.constant 1 : i32
    %dma_wait3A_1144 = arith.constant 1 : i32
    %dma_wait3A_1145 = arith.constant 0 : i32
    %dma_wait3A_1146 = arith.constant 0 : i32
    %dma_wait3A_1147 = tpu.memref_slice %arg9[%dma_wait3A_1143, %dma_wait3A_1145, %dma_wait3A_1146] : memref<2x128x128xf32, #tpu.memory_space<vmem>> -> memref<1x128x128xf32, #tpu.memory_space<vmem>>
    %dma_wait3A_1148 = tpu.memref_squeeze %dma_wait3A_1147 : memref<1x128x128xf32, #tpu.memory_space<vmem>> -> memref<128x128xf32, #tpu.memory_space<vmem>>
    %dma_wait3A_1149 = arith.constant 0 : i32
    %dma_wait3A_1150 = tpu.memref_slice %arg6[%dma_wait3A_1144, %dma_wait3A_1149] : memref<2x128xi32, #tpu.memory_space<vmem>> -> memref<1x128xi32, #tpu.memory_space<vmem>>
    %dma_wait3A_1151 = tpu.memref_squeeze %dma_wait3A_1150 : memref<1x128xi32, #tpu.memory_space<vmem>> -> memref<128xi32, #tpu.memory_space<vmem>>
    %dma_wait3A_1152 = arith.constant 0 : i32
    %dma_wait3A_1153 = arith.constant 0 : i32
    %dma_wait3A_1154 = tpu.memref_slice %arg4[%dma_wait3A_1152, %dma_wait3A_1153] : memref<16384x128xf32, #tpu.memory_space<hbm>> -> memref<16384x128xf32, #tpu.memory_space<hbm>>
    tpu.wait_indirect_dma semaphore(%arg13 : memref<!tpu.dma_semaphore, #tpu.memory_space<semaphore_mem>>) src(%dma_wait3A_1148 : memref<128x128xf32, #tpu.memory_space<vmem>>) dst(%dma_wait3A_1154 : memref<16384x128xf32, #tpu.memory_space<hbm>>)
    return
  }
}

</mosaic_0001>

<sc_bundles>
// kernel: _sc_gather_t.3.cloned.1.call-start
scs
__scs_entry_jumppad:
0x0: {  	(pc) =	sbr.rel $0x88, $3  }
0x1: {  	(tag) =	ssettag $0x0;
	lr =	simm.s32 $0x1  }
0x2: {  	[smem:$0x3F9F] =	sst lr;
	_ =	strace $0xD0000000  }
0x3: {  	_ = 	snop  }
0x4: {  	_ = 	snop  }
0x5: {  	_ = 	snop  }
0x6: {  	_ = 	snop  }
0x7: {  	_ = 	snop  }
__scs_overlays_trampoline_lowered:
0x8: {  	[smem:$0x3FAE] =	sst s0  }
0x9: {  	[smem:$0x3FAF] =	sst s1  }
0xa: {  	[smem:$0x3FB0] =	sst s2  }
0xb: {  	[smem:$0x3FB1] =	sst s3  }
0xc: {  	[smem:$0x3FB2] =	sst s4  }
0xd: {  	[smem:$0x3FB3] =	sst s5  }
0xe: {  	[smem:$0x3FB4] =	sst s6  }
0xf: {  	[smem:$0x3FB5] =	sst s7  }
0x10: {  	[smem:$0x3FB6] =	sst s8  }
0x11: {  	[smem:$0x3FB7] =	sst s9;
	s0 =	simm.s32 @!p0 $0x0  }
0x12: {  	s1 =	sld [smem:$0x3F9D];
	s0 =	simm.s32 @p0 $0x1  }
0x13: {  	[smem:$0x3FB8] =	sst s0;
	s0 =	simm.s32 @!p1 $0x0  }
0x14: {  	s2 =	sld [smem:$0x3F9C];
	s0 =	simm.s32 @p1 $0x1  }
0x15: {  	[smem:$0x3FB9] =	sst s0;
	s0 =	simm.s32 @!p2 $0x0  }
0x16: {  	s3 =	sld [smem:$0x3FDB];
	s0 =	simm.s32 @p2 $0x1  }
0x17: {  	s4 =	simm.s32 $0x1BF5;
	[smem:$0x3FBB] =	sst s0  }
0x18: {  	s0 =	sld [smem:$0x3F9E];
	_ =	swait.ge [sflag:s4], $0x0  }
0x19: {  	s7 =	sld [smem:$0x3F9F]  }
0x1a: {  	s8 =	sadd.s32 $0xFFFFE003, lr  }
0x1b: {  	s9 =	sadd.s32 $0xFFFFFEF7, lr;
	s5 =	simm.s32 $0xFFFFFFFF;
	p2 =	slt.u32 s8, $0xFFFFF086  }
0x1c: {  	p1 =	slt.u32 s9, $0xF7A;
	s5 =	simm.s32 @!p2 $0x0  }
0x1d: {  	s5 =	simm.s32 @p1 $0x1;
	p0 =	seq.s32 s7, s2  }
0x1e: {  	s7 =	smul.u32 @!p0 $0xF7A, s2;
	p2 =	seq.s32 @!p0 s5, $0x0  }
0x1f: {  	s9 =	smul.u32 $0xF7A, s1;
	s8 =	simm.s32 @!p0 $0x1BF5;
	p2 =	por !p2, p0  }
0x20: {  	[sflag:s8] =	ssyncset.s32 @!p0 $0xFFFFF086;
	s6 =	sadd.s32 @!p0 s3, s7;
	s7 =	simm.s32 @!p0 $0x108  }
0x21: {  	s3 =	sadd.s32 s3, s9;
	s6 =	sadd.s32 @!p0 $0x88, s6;
	s7 =	simm.s32 @p2 $0x1082  }
0x22: {  	[simem:s7], [sflag:s8] =	dma.local @!p0 [hbm:s6], $0xF7A  }
0x23: {  	s9 =	sor.u32 $0xD0000000, s2;
	s6 =	simm.s32 $0x108;
	_ =	swait.ge @!p0 [sflag:s8], $0x0  }
0x24: {  	s3 =	sadd.s32 $0x88, s3;
	s6 =	simm.s32 @!p1 $0x1082;
	[sflag:s4] =	ssyncset.s32 $0xFFFFF086  }
0x25: {  	[simem:s6], [sflag:s4] =	dma.local [hbm:s3], $0xF7A  }
0x26: {  	[smem:$0x3F9F] =	sst s1;
	(tag) =	ssettag s2;
	_ =	strace s9  }
0x27: {  	s1 =	sld [smem:$0x3FAF]  }
0x28: {  	s2 =	sld [smem:$0x3FB0]  }
0x29: {  	s4 =	sld [smem:$0x3FB2]  }
0x2a: {  	p0 =	seq.s32 s5, $0x0;
	s5 =	sld [smem:$0x3FB3]  }
0x2b: {  	s6 =	sld [smem:$0x3FB4]  }
0x2c: {  	s7 =	sld [smem:$0x3FB5]  }
0x2d: {  	s3 =	simm.s32 $0x108;
	s8 =	sld [smem:$0x3FB6]  }
0x2e: {  	s3 =	simm.s32 @!p0 $0x1082;
	s9 =	sld [smem:$0x3FB7]  }
0x2f: {  	lr =	sadd.s32 s0, s3;
	s0 =	sld [smem:$0x3FAE]  }
0x30: {  	s3 =	sld [smem:$0x3FB1]  }
0x31: {  	[smem:$0x3FBA] =	sst s10  }
0x32: {  	s10 =	sld [smem:$0x3FB8];
	_ =	sdelay $0x3  }
0x33: {  	p0 =	seq.s32 s10, $0x1;
	s10 =	sld [smem:$0x3FBA];
	_ =	sdelay $0x3  }
0x34: {  	[smem:$0x3FBA] =	sst s10  }
0x35: {  	s10 =	sld [smem:$0x3FB9];
	_ =	sdelay $0x3  }
0x36: {  	p1 =	seq.s32 s10, $0x1;
	s10 =	sld [smem:$0x3FBA];
	_ =	sdelay $0x3  }
0x37: {  	[smem:$0x3FBA] =	sst s10  }
0x38: {  	s10 =	sld [smem:$0x3FBB]  }
0x39: {  	_ = 	snop;
	(pc) =	sbr.ind lr, $3  }
0x3a: {  	_ = 	snop  }
0x3b: {  	_ = 	snop  }
0x3c: {  	p2 =	seq.s32 s10, $0x1;
	s10 =	sld [smem:$0x3FBA]  }
0x3d: {  	_ =	shalt  }
0x3e: {  	_ =	shalt  }
0x3f: {  	_ =	shalt  }
0x40: {  	_ =	shalt  }
0x41: {  	_ =	shalt  }
0x42: {  	_ =	shalt  }
0x43: {  	_ =	shalt  }
0x44: {  	_ =	shalt  }
0x45: {  	_ =	shalt  }
0x46: {  	_ =	shalt  }
0x47: {  	_ =	shalt  }
0x48: {  	_ =	shalt  }
0x49: {  	_ =	shalt  }
0x4a: {  	_ =	shalt  }
0x4b: {  	_ =	shalt  }
0x4c: {  	_ =	shalt  }
0x4d: {  	_ =	shalt  }
0x4e: {  	_ =	shalt  }
0x4f: {  	_ =	shalt  }
0x50: {  	_ =	shalt  }
0x51: {  	_ =	shalt  }
0x52: {  	_ =	shalt  }
0x53: {  	_ =	shalt  }
0x54: {  	_ =	shalt  }
0x55: {  	_ =	shalt  }
0x56: {  	_ =	shalt  }
0x57: {  	_ =	shalt  }
0x58: {  	_ =	shalt  }
0x59: {  	_ =	shalt  }
0x5a: {  	_ =	shalt  }
0x5b: {  	_ =	shalt  }
0x5c: {  	_ =	shalt  }
0x5d: {  	_ =	shalt  }
0x5e: {  	_ =	shalt  }
0x5f: {  	_ =	shalt  }
0x60: {  	_ =	shalt  }
0x61: {  	_ =	shalt  }
0x62: {  	_ =	shalt  }
0x63: {  	_ =	shalt  }
0x64: {  	_ =	shalt  }
0x65: {  	_ =	shalt  }
0x66: {  	_ =	shalt  }
0x67: {  	_ =	shalt  }
0x68: {  	_ =	shalt  }
0x69: {  	_ =	shalt  }
0x6a: {  	_ =	shalt  }
0x6b: {  	_ =	shalt  }
0x6c: {  	_ =	shalt  }
0x6d: {  	_ =	shalt  }
0x6e: {  	_ =	shalt  }
0x6f: {  	_ =	shalt  }
0x70: {  	_ =	shalt  }
0x71: {  	_ =	shalt  }
0x72: {  	_ =	shalt  }
0x73: {  	_ =	shalt  }
0x74: {  	_ =	shalt  }
0x75: {  	_ =	shalt  }
0x76: {  	_ =	shalt  }
0x77: {  	_ =	shalt  }
0x78: {  	_ =	shalt  }
0x79: {  	_ =	shalt  }
0x7a: {  	_ =	shalt  }
0x7b: {  	_ =	shalt  }
0x7c: {  	_ =	shalt  }
0x7d: {  	_ =	shalt  }
0x7e: {  	_ =	shalt  }
0x7f: {  	_ =	shalt  }
0x80: {  	_ =	shalt  }
0x81: {  	_ =	shalt  }
0x82: {  	_ =	shalt  }
0x83: {  	_ =	shalt  }
0x84: {  	_ =	shalt  }
0x85: {  	_ =	shalt  }
0x86: {  	_ =	shalt  }
0x87: {  	_ =	shalt  }
.Lfunc_end0:
.L_simem_size_0:
called_computation_lowered:
.L_overlay_start_0:
0x88: {  	s2 =	sld [smem:$0x3FD9]  }
0x89: {  	s3 =	sld [smem:$0x3FFE];
	_ =	sdelay $0x1  }
0x8a: {  	s1 =	srdreg.scid  }
0x8b: {  	s0 =	sand.u32 $0x1, s1  }
0x8c: {  	s18 =	sshll.u32 s0, $0xA;
	s2 =	sadd.s32 s3, s2  }
0x8d: {  	s2 =	sadd.s32 s2, s18  }
0x8e: {  	[smem:$0x3FC6] =	sst s2  }
0x8f: {  	_ = 	snop  }
0x90: {  	s2 =	sld [smem:$0x3FC9]  }
0x91: {  	s19 =	sld [smem:$0x3FC8]  }
0x92: {  	s4 =	sld [smem:$0x3FD0];
	(tm) =	ssettm $0x1  }
0x93: {  	s5 =	sld [smem:$0x3FFB];
	_ =	sdelay $0x3  }
0x94: {  	_ =	strace s5  }
0x95: {  	s5 =	sld [smem:$0x3FFC];
	_ =	sdelay $0x3  }
0x96: {  	_ =	strace s5  }
0x97: {  	s5 =	sld [smem:$0x3FFD];
	_ =	sdelay $0x3  }
0x98: {  	_ =	strace s5  }
0x99: {  	_ =	strace $0x8FFFFFFF  }
0x9a: {  	s20 =	sld [smem:$0x3FDB];
	_ =	sdelay $0x1  }
0x9b: {  	s6 =	simm.s32 $_scs_section_size  }
0x9c: {  	s7 =	simm.s32 $_size__tile_overlayer_lowered;
	s8 =	simm.s32 $_tile_overlayer_lowered  }
0x9d: {  	s23 =	simm.s32 $0x1BFF;
	s22 =	sshll.u32 s8, $0x1;
	s5 =	sadd.s32 s6, s20  }
0x9e: {  	s9 =	simm.s32 $0x0;
	s21 =	sshll.u32 s7, $0x1;
	s7 =	sadd.s32 s22, s5  }
0x9f: {  	[timem:s9], [sflag:s23] =	dma.local [hbm:s7], s21  }
0xa0: {  	_ =	swait.ge [sflag:s23], s21  }
0xa1: {  	s6 =	ssub.s32 $0x0, s21;
	[sflag:s23] =	ssyncset.done $0x0  }
0xa2: {  	[sflag:s23] =	ssyncadd.s32 s6;
	_ =	sdelay $0x1  }
0xa3: {  	s24 =	simm.s32 $0x1B8B  }
0xa4: {  	_ =	swait.ge [sflag:s24], $0x1  }
0xa5: {  	[sflag:s24] =	ssyncset.done $0x0  }
0xa6: {  	s25 =	simm.s32 $0x1B8E;
	[sflag:s24] =	ssyncadd.s32 $0xFFFFFFFF  }
0xa7: {  	s26 =	simm.s32 $execute0_lowered;
	[smem:$0x3FD2] =	sst s25  }
0xa8: {  	s6 =	sshll.u32 s26, $0x1;
	_ =	strace $0x80000046;
	[dreg:$0x1] =	wrdreg $0xFFFFFFFF  }
0xa9: {  	s28 =	simm.s32 $_size_execute0_lowered;
	s5 =	sadd.s32 s5, s6;
	[dreg:$0x0] =	wrdreg $0x0  }
0xaa: {  	s6 =	sshll.u32 s28, $0x1;
	[dreg:$0x2] =	wrdreg s5  }
0xab: {  	[dreg:$0x3] =	wrdreg s6  }
0xac: {  	[dreg:$0x4] =	wrdreg $0xC0  }
0xad: {  	_ =	task [dreg:s9], $0x5FFFF  }
0xae: {  	[dreg:$0x1] =	wrdreg $0xFFFFFFFF  }
0xaf: {  	[dreg:$0x0] =	wrdreg $0x60  }
0xb0: {  	[dreg:$0x2] =	wrdreg s2  }
0xb1: {  	[dreg:$0x3] =	wrdreg s19  }
0xb2: {  	[dreg:$0x4] =	wrdreg s4  }
0xb3: {  	[dreg:$0x5] =	wrdreg $0x9  }
0xb4: {  	_ =	task.clear_ibuf [dreg:s9], $0x6FFFF;
	_ =	strace $0x90000046  }
0xb5: {  	s29 =	simm.s32 $0x9;
	_ =	strace $0x80000048  }
0xb6: {  	_ =	swait.ge [sflag:s29], $0x1  }
0xb7: {  	[sflag:s29] =	ssyncadd.s32 $0xFFFFFFFF  }
0xb8: {  	_ =	strace $0x90000048  }
0xb9: {  	_ =	sfence  }
0xba: {  	s30 =	sld [smem:$0x0];
	_ =	sdelay $0x2  }
0xbb: {  	s31 =	sshll.u32 s1, $0xD;
	s1 =	sshrl.u32 s1, $0x2  }
0xbc: {  	s3 =	sand.u32 $0x4000, s31;
	s1 =	sadd.s32 s1, s30  }
0xbd: {  	s0 =	sor.u32 s3, s0;
	s1 =	sshll.u32 s1, $0x11  }
0xbe: {  	s0 =	sor.u32 s1, s0  }
0xbf: {  	s0 =	sadd.s32 $0x8F2B, s0  }
0xc0: {  	[sflag:s0] =	ssyncadd.remote.s32 $0x1  }
0xc1: {  	_ =	sfence.sel $0xFFFF  }
0xc2: {  	[dreg:$0x0] =	wrdreg $0xFFFFFFFF;
	(pc) =	sbr.abs _section_cstart, $3  }
0xc3: {  	[dreg:$0x1] =	wrdreg $0xFFFFFFFF  }
0xc4: {  	_ =	task.clear_ibuf [dreg:s9], $0x2FFFF;
	_ =	strace $0x9FFFFFFF  }
0xc5: {  	(tm) =	ssettm $0x7FFFFFFF  }
tec
execute0_lowered:
.L_overlay_start_1:
0x0: {  	(tag) =	ssettag $0x1  }
0x1: {  	v0 =	vimm.s32 $0x100  }
0x2: {  	vm0 =	vcmask $0x700;
	v0 =	vunpack.c.0.s8.s32 v0  }
0x3: {  	v1 =	vimm.s32 $0xF01;
	vm13 =	vcmask $0x300;
	vm14 =	vcmask $0x704  }
0x4: {  	v1 =	vsel vm13, $0x800, v1;
	v0 =	vnsel vm0, $0x701, v0;
	vm0 =	vcmask $0xB08  }
0x5: {  	vm1 =	vcmask $0xF0C;
	v1 =	vsel vm14, $0x801, v1;
	v0 =	vsel vm0, $0x100, v0  }
0x6: {  	vm2 =	vcmask $0x1310;
	v1 =	vsel vm0, $0x900, v1;
	v0 =	vsel vm1, $0x101, v0  }
0x7: {  	vm3 =	vcmask $0x1714;
	v1 =	vsel vm1, $0x901, v1;
	v0 =	vsel vm2, $0x200, v0  }
0x8: {  	vm4 =	vcmask $0x1B18;
	v1 =	vsel vm2, $0xA00, v1;
	v0 =	vsel vm3, $0x201, v0  }
0x9: {  	vm5 =	vcmask $0x1F1C;
	v1 =	vsel vm3, $0xA01, v1;
	v0 =	vsel vm4, $0x300, v0  }
0xa: {  	vm6 =	vcmask $0x2320;
	v1 =	vsel vm4, $0xB00, v1;
	v0 =	vsel vm5, $0x301, v0  }
0xb: {  	vm7 =	vcmask $0x2724;
	v1 =	vsel vm5, $0xB01, v1;
	v0 =	vsel vm6, $0x400, v0  }
0xc: {  	vm8 =	vcmask $0x2B28;
	v1 =	vsel vm6, $0xC00, v1;
	v0 =	vsel vm7, $0x401, v0  }
0xd: {  	vm9 =	vcmask $0x2F2C;
	v1 =	vsel vm7, $0xC01, v1;
	v0 =	vsel vm8, $0x500, v0  }
0xe: {  	vm10 =	vcmask $0x3330;
	v1 =	vsel vm8, $0xD00, v1;
	v0 =	vsel vm9, $0x501, v0  }
0xf: {  	s1 =	srdreg.scid;
	s0 =	stileid.u32;
	vm11 =	vcmask $0x3734;
	v1 =	vsel vm9, $0xD01, v1;
	v0 =	vsel vm10, $0x600, v0  }
0x10: {  	vm12 =	vcmask $0x3B38;
	s6 =	sand.u32 $0x1, s1;
	s26 =	sshll.u32 s0, $0x1;
	v1 =	vsel vm10, $0xE00, v1;
	v0 =	vsel vm11, $0x601, v0  }
0x11: {  	s5 =	sor.u32 s6, s26;
	v24 =	vsel vm12, $0x700, v0;
	v0 =	vsel vm11, $0xE01, v1  }
0x12: {  	s1 =	sshll.u32 s5, $0x3;
	v25 =	vsel vm12, $0xF00, v0  }
0x13: {  	v0 =	vor.u32 s1, v25  }
0x14: {  	v1 =	vor.u32 s1, v24;
	[tilespmem:$0x1FE90] =	vst v0;
	v0 =	vimm.s32 $0x1701  }
0x15: {  	[tilespmem:$0x1FE80] =	vst v1;
	v1 =	vimm.s32 $0x1F01;
	v0 =	vsel vm13, $0x1000, v0  }
0x16: {  	v2 =	vimm.s32 $0x2701;
	v1 =	vsel vm13, $0x1800, v1;
	v0 =	vsel vm14, $0x1001, v0  }
0x17: {  	v2 =	vsel vm13, $0x2000, v2;
	v1 =	vsel vm14, $0x1801, v1;
	v0 =	vsel vm0, $0x1100, v0  }
0x18: {  	v2 =	vsel vm14, $0x2001, v2;
	v1 =	vsel vm0, $0x1900, v1;
	v0 =	vsel vm1, $0x1101, v0  }
0x19: {  	v2 =	vsel vm0, $0x2100, v2;
	v1 =	vsel vm1, $0x1901, v1;
	v0 =	vsel vm2, $0x1200, v0  }
0x1a: {  	v2 =	vsel vm1, $0x2101, v2;
	v1 =	vsel vm2, $0x1A00, v1;
	v0 =	vsel vm3, $0x1201, v0  }
0x1b: {  	v2 =	vsel vm2, $0x2200, v2;
	v1 =	vsel vm3, $0x1A01, v1;
	v0 =	vsel vm4, $0x1300, v0  }
0x1c: {  	v2 =	vsel vm3, $0x2201, v2;
	v1 =	vsel vm4, $0x1B00, v1;
	v0 =	vsel vm5, $0x1301, v0  }
0x1d: {  	v2 =	vsel vm4, $0x2300, v2;
	v1 =	vsel vm5, $0x1B01, v1;
	v0 =	vsel vm6, $0x1400, v0  }
0x1e: {  	v2 =	vsel vm5, $0x2301, v2;
	v1 =	vsel vm6, $0x1C00, v1;
	v0 =	vsel vm7, $0x1401, v0  }
0x1f: {  	v2 =	vsel vm6, $0x2400, v2;
	v1 =	vsel vm7, $0x1C01, v1;
	v0 =	vsel vm8, $0x1500, v0  }
0x20: {  	v2 =	vsel vm7, $0x2401, v2;
	v1 =	vsel vm8, $0x1D00, v1;
	v0 =	vsel vm9, $0x1501, v0  }
0x21: {  	v2 =	vsel vm8, $0x2500, v2;
	v1 =	vsel vm9, $0x1D01, v1;
	v0 =	vsel vm10, $0x1600, v0  }
0x22: {  	v2 =	vsel vm9, $0x2501, v2;
	v1 =	vsel vm10, $0x1E00, v1;
	v0 =	vsel vm11, $0x1601, v0  }
0x23: {  	v2 =	vsel vm10, $0x2600, v2;
	v1 =	vsel vm11, $0x1E01, v1;
	v0 =	vsel vm12, $0x1700, v0  }
0x24: {  	v2 =	vsel vm11, $0x2601, v2;
	v1 =	vsel vm12, $0x1F00, v1;
	v3 =	vor.u32 s1, v0  }
0x25: {  	v2 =	vsel vm12, $0x2700, v2;
	[tilespmem:$0x1FEA0] =	vst v3;
	v3 =	vor.u32 s1, v1  }
0x26: {  	[tilespmem:$0x1FEB0] =	vst v3;
	v3 =	vor.u32 s1, v2  }
0x27: {  	[tilespmem:$0x1FEC0] =	vst v3;
	v3 =	vimm.s32 $0x2F01  }
0x28: {  	v4 =	vimm.s32 $0x3701;
	v3 =	vsel vm13, $0x2800, v3  }
0x29: {  	v5 =	vimm.s32 $0x3F01;
	v4 =	vsel vm13, $0x3000, v4;
	v3 =	vsel vm14, $0x2801, v3  }
0x2a: {  	v5 =	vsel vm13, $0x3800, v5;
	v4 =	vsel vm14, $0x3001, v4;
	v3 =	vsel vm0, $0x2900, v3  }
0x2b: {  	v5 =	vsel vm14, $0x3801, v5;
	v4 =	vsel vm0, $0x3100, v4;
	v3 =	vsel vm1, $0x2901, v3  }
0x2c: {  	v5 =	vsel vm0, $0x3900, v5;
	v4 =	vsel vm1, $0x3101, v4;
	v3 =	vsel vm2, $0x2A00, v3  }
0x2d: {  	v5 =	vsel vm1, $0x3901, v5;
	v4 =	vsel vm2, $0x3200, v4;
	v3 =	vsel vm3, $0x2A01, v3  }
0x2e: {  	v5 =	vsel vm2, $0x3A00, v5;
	v4 =	vsel vm3, $0x3201, v4;
	v3 =	vsel vm4, $0x2B00, v3  }
0x2f: {  	v5 =	vsel vm3, $0x3A01, v5;
	v4 =	vsel vm4, $0x3300, v4;
	v3 =	vsel vm5, $0x2B01, v3  }
0x30: {  	v5 =	vsel vm4, $0x3B00, v5;
	v4 =	vsel vm5, $0x3301, v4;
	v3 =	vsel vm6, $0x2C00, v3  }
0x31: {  	v5 =	vsel vm5, $0x3B01, v5;
	v4 =	vsel vm6, $0x3400, v4;
	v3 =	vsel vm7, $0x2C01, v3  }
0x32: {  	v5 =	vsel vm6, $0x3C00, v5;
	v4 =	vsel vm7, $0x3401, v4;
	v3 =	vsel vm8, $0x2D00, v3  }
0x33: {  	v5 =	vsel vm7, $0x3C01, v5;
	v4 =	vsel vm8, $0x3500, v4;
	v3 =	vsel vm9, $0x2D01, v3  }
0x34: {  	v5 =	vsel vm8, $0x3D00, v5;
	v4 =	vsel vm9, $0x3501, v4;
	v3 =	vsel vm10, $0x2E00, v3  }
0x35: {  	v5 =	vsel vm9, $0x3D01, v5;
	v4 =	vsel vm10, $0x3600, v4;
	v3 =	vsel vm11, $0x2E01, v3  }
0x36: {  	v5 =	vsel vm10, $0x3E00, v5;
	v4 =	vsel vm11, $0x3601, v4;
	v3 =	vsel vm12, $0x2F00, v3  }
0x37: {  	s2 =	sshll.u32 s5, $0x2;
	v5 =	vsel vm11, $0x3E01, v5;
	v4 =	vsel vm12, $0x3700, v4;
	v6 =	vor.u32 s1, v3  }
0x38: {  	s7 =	sor.u32 $0x1, s2;
	v5 =	vsel vm12, $0x3F00, v5;
	[tilespmem:$0x1FED0] =	vst v6;
	v6 =	vor.u32 s1, v4  }
0x39: {  	s4 =	sshll.u32 s7, $0x1;
	[tilespmem:$0x1FEE0] =	vst v6;
	v6 =	vor.u32 s1, v5  }
0x3a: {  	[tilespmem:$0x1FEF0] =	vst v6;
	v6 =	vadd.s32 s4, v24  }
0x3b: {  	[tilespmem:$0x1FF00] =	vst v6;
	v6 =	vadd.s32 s4, v25  }
0x3c: {  	[tilespmem:$0x1FF10] =	vst v6;
	v6 =	vadd.s32 s4, v0  }
0x3d: {  	[tilespmem:$0x1FF20] =	vst v6;
	v6 =	vadd.s32 s4, v1  }
0x3e: {  	[tilespmem:$0x1FF30] =	vst v6;
	v6 =	vadd.s32 s4, v2  }
0x3f: {  	[tilespmem:$0x1FF40] =	vst v6;
	v6 =	vadd.s32 s4, v3  }
0x40: {  	s11 =	sshllo.u32 s5, $0x2;
	s9 =	sor.u32 $0x2, s2;
	[tilespmem:$0x1FF50] =	vst v6;
	v6 =	vadd.s32 s4, v4  }
0x41: {  	s8 =	rddreg [dreg:$0x0];
	s12 =	sshll.u32 s11, $0x1;
	s10 =	sshll.u32 s9, $0x1;
	[tilespmem:$0x1FF60] =	vst v6;
	v6 =	vadd.s32 s4, v5  }
0x42: {  	s3 =	rddreg [dreg:$0x2];
	v28 =	vadd.s32 s12, v2;
	v31 =	vadd.s32 s12, v4;
	[tilespmem:$0x1FF70] =	vst v6;
	v6 =	vadd.s32 s10, v24  }
0x43: {  	s14 =	simm.s32 $0x8180;
	s15 =	simm.s32 $0x80;
	s16 =	simm.s32 $0xC280;
	v32 =	vadd.s32 s12, v5;
	v27 =	vadd.s32 s12, v1;
	[tilespmem:$0x1FF80] =	vst v6;
	v6 =	vadd.s32 s10, v25  }
0x44: {  	s17 =	simm.s32 $0x2;
	s18 =	simm.s32 $0x100;
	s19 =	simm.s32 $0x10280;
	v26 =	vadd.s32 s12, v0;
	[tilespmem:$0x1FF90] =	vst v6;
	v6 =	vadd.s32 s10, v0;
	v0 =	vlaneseq.u32  }
0x45: {  	s20 =	simm.s32 $0x3;
	s21 =	simm.s32 $0x4;
	s6 =	ssub.s32 $0x2, s6;
	v30 =	vadd.s32 s12, v3;
	[tilespmem:$0x1FFA0] =	vst v6;
	v6 =	vadd.s32 s10, v1;
	v29 =	vmul.u32 $0x2, v0  }
0x46: {  	s22 =	simm.s32 $0x0;
	s13 =	sshrl.u32 s6, $0x1;
	s5 =	sshll.u32 s5, $0xD;
	v24 =	vadd.s32 s12, v24;
	v25 =	vadd.s32 s12, v25;
	[tilespmem:$0x1FFB0] =	vst v6;
	v6 =	vadd.s32 s10, v2  }
0x47: {  	s2 =	rddreg [dreg:$0x3];
	s28 =	ssub.s32 s6, s13;
	s5 =	sadd.s32 s8, s5;
	v35 =	vmul.u32 $0x102, v0;
	[tilespmem:$0x1FFC0] =	vst v6;
	v6 =	vadd.s32 s10, v3;
	v33 =	vor.u32 $0x20, v29  }
0x48: {  	s31 =	sshll.u32 s11, $0xB;
	s11 =	simm.s32 $0x180;
	s13 =	simm.s32 $0x1;
	v34 =	vor.u32 $0x40, v29;
	v36 =	vor.u32 $0x60, v29;
	v37 =	vor.u32 $0x1, v29  }
0x49: {  	s29 =	sshll.u32 s7, $0xB;
	s30 =	sshll.u32 s9, $0xB;
	s9 =	smax.u32 s28, $0x1;
	v38 =	vor.u32 $0x21, v29;
	v39 =	vor.u32 $0x41, v29;
	[tilespmem:$0x1FFD0] =	vst v6;
	v6 =	vadd.s32 s10, v4  }
0x4a: {  	s6 =	sadd.s32 s8, s29;
	s1 =	rddreg [dreg:$0x1];
	s4 =	simm.s32 $0x0;
	v40 =	vor.u32 $0x61, v29;
	v41 =	vadd.s32 $0x1020, v35;
	[tilespmem:$0x1FFE0] =	vst v6;
	v6 =	vadd.s32 s10, v5  }
0x4b: {  	s7 =	sadd.s32 s8, s30;
	s8 =	sadd.s32 s8, s31;
	[smem:$0x7FF] =	sst s4;
	v42 =	vadd.s32 $0x2040, v35;
	v43 =	vadd.s32 $0x3060, v35;
	v2 =	vadd.s32 $0x10A1, v35;
	[tilespmem:$0x1FFF0] =	vst v6  }
0x4c: {  	s12 =	simm.s32 $0x4180;
	v1 =	vadd.s32 $0x20C1, v35;
	v0 =	vadd.s32 $0x30E1, v35;
	v4 =	vadd.s32 $0x81, v35;
	s10 =	simm.s32 $0x5;
	_ =	strace $0x80000047  }
.LBB2_1:
0x4d: {  	[tilespmem:s4], [sflag:$0x5] =	stream.linear.gather [hbm4b:s1+s4], $0x80, $0x38;
	[tilespmem:$0x14280] =	vst v63  }
0x4e: {  	_ =	swait.ge [sflag:s10], $0x80  }
0x4f: {  	[sflag:s10] =	ssyncset.done $0x0;
	v3 =	vld [tilespmem:$0x1FE80]  }
0x50: {  	[sflag:s10] =	ssyncadd.s32 $0xFFFFFF80  }
0x51: {  	[tilespmem:s11], [sflag:$0x1] =	stream.linear.gather [hbm4b:s5+s4], $0x4000, $0x38;
	[tilespmem:$0x14280] =	vst v63  }
0x52: {  	_ = 	snop  }
0x53: {  	[tilespmem:s12], [sflag:$0x2] =	stream.linear.gather [hbm4b:s6+s4], $0x4000, $0x38;
	[tilespmem:$0x14280] =	vst v63  }
0x54: {  	[tilespmem:$0x80] =	vst v3;
	v3 =	vld [tilespmem:$0x1FE90];
	_ =	sdelay $0x4  }
0x55: {  	[tilespmem:$0x90] =	vst v3;
	v3 =	vld [tilespmem:$0x1FEA0];
	_ =	sdelay $0x4  }
0x56: {  	[tilespmem:$0xA0] =	vst v3;
	v3 =	vld [tilespmem:$0x1FEB0];
	_ =	sdelay $0x4  }
0x57: {  	[tilespmem:$0xB0] =	vst v3;
	v3 =	vld [tilespmem:$0x1FEC0];
	_ =	sdelay $0x4  }
0x58: {  	[tilespmem:$0xC0] =	vst v3;
	v3 =	vld [tilespmem:$0x1FED0];
	_ =	sdelay $0x4  }
0x59: {  	[tilespmem:$0xD0] =	vst v3;
	v3 =	vld [tilespmem:$0x1FEE0];
	_ =	sdelay $0x4  }
0x5a: {  	[tilespmem:$0xE0] =	vst v3;
	v3 =	vld [tilespmem:$0x1FEF0];
	_ =	sdelay $0x4  }
0x5b: {  	[tilespmem:$0xF0] =	vst v3  }
0x5c: {  	_ =	swait.ge [sflag:s13], $0x4000  }
0x5d: {  	[sflag:s13] =	ssyncset.done $0x0  }
0x5e: {  	[sflag:s13] =	ssyncadd.s32 $0xFFFFC000  }
0x5f: {  	v3 =	vld.idx.msk [tilespmem:v34+s4+$0x0], $0xffff  }
0x60: {  	v5 =	vld.idx.msk [tilespmem:v33+s4+$0x0], $0xffff  }
0x61: {  	v44 =	vld.idx.msk [tilespmem:v29+s4+$0x0], $0xffff  }
0x62: {  	v49 =	vld.idx.msk [tilespmem:v37+s4+$0x0], $0xffff  }
0x63: {  	v8 =	vld.idx.msk [tilespmem:v38+s4+$0x0], $0xffff  }
0x64: {  	v50 =	vld.idx.msk [tilespmem:v36+s4+$0x0], $0xffff  }
0x65: {  	v10 =	vld.idx.msk [tilespmem:v40+s4+$0x0], $0xffff  }
0x66: {  	v11 =	vld.idx.msk [tilespmem:v39+s4+$0x0], $0xffff  }
0x67: {  	v6 =	vld.idx.msk [tilespmem:v3+s11+$0x0], $0xffff  }
0x68: {  	v7 =	vld.idx.msk [tilespmem:v5+s11+$0x0], $0xffff  }
0x69: {  	v9 =	vld.idx.msk [tilespmem:v44+s11+$0x0], $0xffff  }
0x6a: {  	v12 =	vld.idx.msk [tilespmem:v49+s11+$0x0], $0xffff  }
0x6b: {  	v13 =	vld.idx.msk [tilespmem:v8+s11+$0x0], $0xffff  }
0x6c: {  	v14 =	vld.idx.msk [tilespmem:v50+s11+$0x0], $0xffff  }
0x6d: {  	v15 =	vld.idx.msk [tilespmem:v10+s11+$0x0], $0xffff  }
0x6e: {  	v16 =	vld.idx.msk [tilespmem:v11+s11+$0x0], $0xffff;
	[tilespmem:v35+s14+$0x0] =	vst.idx.msk $0xffff, v9  }
0x6f: {  	[tilespmem:v41+s14+$0x0] =	vst.idx.msk $0xffff, v7  }
0x70: {  	[tilespmem:v42+s14+$0x0] =	vst.idx.msk $0xffff, v6  }
0x71: {  	v6 =	vadd.s32 $0x80, v5;
	[tilespmem:v43+s14+$0x0] =	vst.idx.msk $0xffff, v14  }
0x72: {  	v7 =	vadd.s32 $0x80, v3;
	[tilespmem:v4+s14+$0x0] =	vst.idx.msk $0xffff, v12  }
0x73: {  	v48 =	vor.u32 $0x1, v43;
	v51 =	vadd.s32 $0x2, v0;
	v45 =	vadd.s32 $0x80, v44;
	[tilespmem:v2+s14+$0x0] =	vst.idx.msk $0xffff, v13  }
0x74: {  	v52 =	vadd.s32 $0x2, v2;
	v53 =	vadd.s32 $0x2, v1;
	v46 =	vadd.s32 $0x80, v49;
	[tilespmem:v1+s14+$0x0] =	vst.idx.msk $0xffff, v16  }
0x75: {  	v54 =	vadd.s32 $0x2, v42;
	v55 =	vadd.s32 $0x2, v4;
	v16 =	vadd.s32 $0x80, v50;
	[tilespmem:v0+s14+$0x0] =	vst.idx.msk $0xffff, v15  }
0x76: {  	v56 =	vadd.s32 $0x2, v41;
	v57 =	vadd.s32 $0x2, v43;
	v14 =	vadd.s32 $0x80, v8;
	v6 =	vld.idx.msk [tilespmem:v6+s11+$0x0], $0xffff  }
0x77: {  	v59 =	vadd.s32 $0x2, v35;
	v58 =	vadd.s32 $0x100, v8;
	v12 =	vadd.s32 $0x80, v11;
	v7 =	vld.idx.msk [tilespmem:v7+s11+$0x0], $0xffff  }
0x78: {  	v47 =	vmovc v0;
	v60 =	vadd.s32 $0x100, v10;
	v61 =	vadd.s32 $0x100, v3;
	v15 =	vadd.s32 $0x80, v10;
	v13 =	vld.idx.msk [tilespmem:v45+s11+$0x0], $0xffff  }
0x79: {  	v62 =	vmovc v48;
	v63 =	vadd.s32 $0x100, v11;
	v9 =	vor.u32 $0x1, v35;
	v3 =	vadd.s32 $0x100, v44;
	v44 =	vmovc v4;
	v11 =	vld.idx.msk [tilespmem:v46+s11+$0x0], $0xffff  }
0x7a: {  	s25 =	simm.s32 $0x0;
	v5 =	vadd.s32 $0x100, v5;
	v10 =	vor.u32 $0x1, v41;
	v45 =	vmovc v2;
	v46 =	vmovc v1;
	v8 =	vld.idx.msk [tilespmem:v16+s11+$0x0], $0xffff;
	v16 =	vor.u32 $0x1, v42  }
.LBB2_2:
0x7b: {  	v17 =	vor.u32 $0x1, v57;
	s25 =	sadd.s32 $0x2, s25;
	v14 =	vld.idx.msk [tilespmem:v14+s11+$0x0], $0xffff;
	v50 =	vadd.s32 $0x100, v50;
	v49 =	vadd.s32 $0x100, v49;
	s23 =	simm.s32 $0x8201;
	s24 =	simm.s32 $0xC300;
	v18 =	vmovc v54;
	v19 =	vmovc v56  }
0x7c: {  	v20 =	vadd.s32 $0x1, v44;
	v44 =	vmov v55;
	v21 =	vmov v59;
	p0 =	slt.u32 s25, $0x7E;
	v12 =	vld.idx.msk [tilespmem:v12+s11+$0x0], $0xffff  }
0x7d: {  	v22 =	vadd.s32 $0x1, v45;
	v45 =	vmov v52;
	v15 =	vld.idx.msk [tilespmem:v15+s11+$0x0], $0xffff  }
0x7e: {  	v23 =	vadd.s32 $0x1, v46;
	v46 =	vmov v53;
	[tilespmem:v9+s14+$0x0] =	vst.idx.msk $0xffff, v13  }
0x7f: {  	v9 =	vadd.s32 $0x1, v47;
	v47 =	vmov v51;
	[tilespmem:v10+s14+$0x0] =	vst.idx.msk $0xffff, v6  }
0x80: {  	[tilespmem:v16+s14+$0x0] =	vst.idx.msk $0xffff, v7  }
0x81: {  	[tilespmem:v62+s14+$0x0] =	vst.idx.msk $0xffff, v8;
	v62 =	vmov v17  }
0x82: {  	[tilespmem:v20+s14+$0x0] =	vst.idx.msk $0xffff, v11  }
0x83: {  	[tilespmem:v22+s14+$0x0] =	vst.idx.msk $0xffff, v14  }
0x84: {  	[tilespmem:v23+s14+$0x0] =	vst.idx.msk $0xffff, v12  }
0x85: {  	[tilespmem:v9+s14+$0x0] =	vst.idx.msk $0xffff, v15  }
0x86: {  	v6 =	vld.idx.msk [tilespmem:v61+s11+$0x0], $0xffff  }
0x87: {  	v7 =	vld.idx.msk [tilespmem:v5+s11+$0x0], $0xffff  }
0x88: {  	v8 =	vld.idx.msk [tilespmem:v3+s11+$0x0], $0xffff  }
0x89: {  	v9 =	vld.idx.msk [tilespmem:v49+s11+$0x0], $0xffff  }
0x8a: {  	v10 =	vld.idx.msk [tilespmem:v58+s11+$0x0], $0xffff  }
0x8b: {  	v11 =	vld.idx.msk [tilespmem:v50+s11+$0x0], $0xffff  }
0x8c: {  	v12 =	vld.idx.msk [tilespmem:v60+s11+$0x0], $0xffff  }
0x8d: {  	v13 =	vld.idx.msk [tilespmem:v63+s11+$0x0], $0xffff  }
0x8e: {  	[tilespmem:v59+s14+$0x0] =	vst.idx.msk $0xffff, v8  }
0x8f: {  	[tilespmem:v56+s14+$0x0] =	vst.idx.msk $0xffff, v7  }
0x90: {  	[tilespmem:v54+s14+$0x0] =	vst.idx.msk $0xffff, v6  }
0x91: {  	v6 =	vadd.s32 $0x80, v5;
	[tilespmem:v57+s14+$0x0] =	vst.idx.msk $0xffff, v11  }
0x92: {  	v8 =	vadd.s32 $0x80, v3;
	v7 =	vadd.s32 $0x80, v61;
	[tilespmem:v55+s14+$0x0] =	vst.idx.msk $0xffff, v9  }
0x93: {  	v51 =	vadd.s32 $0x2, v51;
	[tilespmem:v52+s14+$0x0] =	vst.idx.msk $0xffff, v10  }
0x94: {  	v11 =	vadd.s32 $0x80, v50;
	v52 =	vadd.s32 $0x2, v52;
	[tilespmem:v53+s14+$0x0] =	vst.idx.msk $0xffff, v13;
	v53 =	vadd.s32 $0x2, v53  }
0x95: {  	v17 =	vadd.s32 $0x80, v49;
	v54 =	vadd.s32 $0x2, v54;
	v55 =	vadd.s32 $0x2, v55;
	[tilespmem:v47+s14+$0x0] =	vst.idx.msk $0xffff, v12  }
.Ltmp0:
0x96: {  	v14 =	vadd.s32 $0x80, v58;
	v56 =	vadd.s32 $0x2, v56;
	v57 =	vadd.s32 $0x2, v57;
	v6 =	vld.idx.msk [tilespmem:v6+s11+$0x0], $0xffff;
	(pc) =	sbr.rel @p0 .LBB2_2-.Ltmp0, $4  }
0x97: {  	v58 =	vadd.s32 $0x100, v58;
	v59 =	vadd.s32 $0x2, v59;
	v12 =	vadd.s32 $0x80, v63;
	v7 =	vld.idx.msk [tilespmem:v7+s11+$0x0], $0xffff  }
0x98: {  	v15 =	vadd.s32 $0x80, v60;
	v60 =	vadd.s32 $0x100, v60;
	v9 =	vor.u32 $0x1, v21;
	v13 =	vld.idx.msk [tilespmem:v8+s11+$0x0], $0xffff  }
0x99: {  	v61 =	vadd.s32 $0x100, v61;
	v10 =	vor.u32 $0x1, v19;
	v63 =	vadd.s32 $0x100, v63;
	v8 =	vld.idx.msk [tilespmem:v11+s11+$0x0], $0xffff  }
0x9a: {  	v16 =	vor.u32 $0x1, v18;
	v3 =	vadd.s32 $0x100, v3;
	v5 =	vadd.s32 $0x100, v5;
	v11 =	vld.idx.msk [tilespmem:v17+s11+$0x0], $0xffff  }
0x9b: {  	_ =	sdelay $0x3  }
0x9c: {  	v3 =	vld.idx.msk [tilespmem:v14+s11+$0x0], $0xffff  }
0x9d: {  	v5 =	vld.idx.msk [tilespmem:v12+s11+$0x0], $0xffff;
	v59 =	vadd.s32 $0x1, v44  }
0x9e: {  	v60 =	vld.idx.msk [tilespmem:v15+s11+$0x0], $0xffff;
	v61 =	vadd.s32 $0x1, v45;
	[tilespmem:v9+s14+$0x0] =	vst.idx.msk $0xffff, v13  }
0x9f: {  	v63 =	vadd.s32 $0x1, v46;
	[tilespmem:v10+s14+$0x0] =	vst.idx.msk $0xffff, v6  }
0xa0: {  	v6 =	vadd.s32 $0x1, v47;
	[tilespmem:v16+s14+$0x0] =	vst.idx.msk $0xffff, v7  }
0xa1: {  	[tilespmem:v62+s14+$0x0] =	vst.idx.msk $0xffff, v8  }
0xa2: {  	[tilespmem:v59+s14+$0x0] =	vst.idx.msk $0xffff, v11  }
0xa3: {  	[tilespmem:v61+s14+$0x0] =	vst.idx.msk $0xffff, v3  }
0xa4: {  	[tilespmem:v63+s14+$0x0] =	vst.idx.msk $0xffff, v5  }
0xa5: {  	[tilespmem:v6+s14+$0x0] =	vst.idx.msk $0xffff, v60  }
0xa6: {  	v3 =	vld [tilespmem:s23+$0xFFFFFFCF]  }
0xa7: {  	v5 =	vld [tilespmem:s23+$0xFFFFFFBF]  }
0xa8: {  	v6 =	vld [tilespmem:s23+$0xFFFFFFEF]  }
0xa9: {  	v7 =	vld [tilespmem:s23+$0xFFFFFFDF]  }
0xaa: {  	v9 =	vld [tilespmem:s23+$0xFFFFFF7F]  }
0xab: {  	v10 =	vld [tilespmem:s23+$0xFFFFFF9F]  }
0xac: {  	v8 =	vld [tilespmem:s23+$0xFFFFFFAF]  }
0xad: {  	v11 =	vld [tilespmem:s23+$0xFFFFFF8F];
	[tilespmem:s24+$0xFFFFFFF0] =	vst v6  }
0xae: {  	[tilespmem:s24+$0xFFFFFFE0] =	vst v7  }
0xaf: {  	[tilespmem:s24+$0xFFFFFF80] =	vst v9  }
0xb0: {  	[tilespmem:s24+$0xFFFFFFA0] =	vst v10  }
0xb1: {  	[tilespmem:s24+$0xFFFFFFB0] =	vst v8  }
0xb2: {  	[tilespmem:s24+$0xFFFFFFC0] =	vst v5  }
0xb3: {  	[tilespmem:s24+$0xFFFFFF90] =	vst v11  }
0xb4: {  	[tilespmem:s24+$0xFFFFFFD0] =	vst v3  }
0xb5: {  	v5 =	vld [tilespmem:s23+$0x70]  }
0xb6: {  	s26 =	simm.s32 $0x0;
	s28 =	simm.s32 $0x8201;
	s25 =	simm.s32 $0xC300;
	v3 =	vld [tilespmem:s23+$0x60]  }
.LBB2_4:
0xb7: {  	s26 =	sadd.s32 $0x2, s26;
	v6 =	vld [tilespmem:s23+$0x50];
	s28 =	sadd.s32 $0x102, s28;
	s24 =	sadd.s32 $0x100, s24  }
0xb8: {  	p0 =	slt.u32 s26, $0x7E;
	v7 =	vld [tilespmem:s23+$0x30]  }
0xb9: {  	v8 =	vld [tilespmem:s23+$0x20]  }
0xba: {  	v9 =	vld [tilespmem:s23+$0x0]  }
0xbb: {  	v10 =	vld [tilespmem:s23+$0x10]  }
0xbc: {  	v11 =	vld [tilespmem:s23+$0x40];
	s23 =	smov.u32 s28  }
0xbd: {  	[tilespmem:s25+$0x70] =	vst v5  }
0xbe: {  	[tilespmem:s25+$0x30] =	vst v7  }
0xbf: {  	[tilespmem:s25+$0x60] =	vst v3  }
0xc0: {  	[tilespmem:s25+$0x10] =	vst v10  }
0xc1: {  	[tilespmem:s25+$0x40] =	vst v11  }
0xc2: {  	[tilespmem:s25+$0x50] =	vst v6  }
0xc3: {  	[tilespmem:s25+$0x20] =	vst v8  }
0xc4: {  	[tilespmem:s25+$0x0] =	vst v9;
	s25 =	smov.u32 s24  }
0xc5: {  	v3 =	vld [tilespmem:s28+$0xFFFFFFCF]  }
0xc6: {  	v5 =	vld [tilespmem:s28+$0xFFFFFFBF]  }
0xc7: {  	v6 =	vld [tilespmem:s28+$0xFFFFFFEF]  }
0xc8: {  	v7 =	vld [tilespmem:s28+$0xFFFFFFDF]  }
0xc9: {  	v8 =	vld [tilespmem:s28+$0xFFFFFFAF]  }
0xca: {  	v9 =	vld [tilespmem:s28+$0xFFFFFF7F]  }
0xcb: {  	v10 =	vld [tilespmem:s28+$0xFFFFFF9F]  }
0xcc: {  	v11 =	vld [tilespmem:s28+$0xFFFFFF8F]  }
0xcd: {  	[tilespmem:s24+$0xFFFFFFF0] =	vst v6  }
0xce: {  	[tilespmem:s24+$0xFFFFFFE0] =	vst v7  }
0xcf: {  	[tilespmem:s24+$0xFFFFFF80] =	vst v9  }
0xd0: {  	[tilespmem:s24+$0xFFFFFFA0] =	vst v10  }
0xd1: {  	[tilespmem:s24+$0xFFFFFFB0] =	vst v8  }
.Ltmp1:
0xd2: {  	[tilespmem:s24+$0xFFFFFFC0] =	vst v5;
	(pc) =	sbr.rel @p0 .LBB2_4-.Ltmp1, $4  }
0xd3: {  	[tilespmem:s24+$0xFFFFFF90] =	vst v11  }
0xd4: {  	[tilespmem:s24+$0xFFFFFFD0] =	vst v3  }
0xd5: {  	v5 =	vld [tilespmem:s28+$0x70]  }
0xd6: {  	v3 =	vld [tilespmem:s28+$0x60]  }
0xd7: {  	v6 =	vld [tilespmem:s23+$0x50]  }
0xd8: {  	v7 =	vld [tilespmem:s23+$0x30]  }
0xd9: {  	v8 =	vld [tilespmem:s23+$0x20]  }
0xda: {  	v10 =	vld [tilespmem:s23+$0x10]  }
0xdb: {  	v11 =	vld [tilespmem:s23+$0x40]  }
0xdc: {  	v9 =	vld [tilespmem:s23+$0x0];
	[tilespmem:s25+$0x70] =	vst v5  }
0xdd: {  	[tilespmem:s25+$0x60] =	vst v3  }
0xde: {  	[tilespmem:s25+$0x30] =	vst v7  }
0xdf: {  	[tilespmem:s25+$0x10] =	vst v10  }
0xe0: {  	[tilespmem:s25+$0x40] =	vst v11  }
0xe1: {  	[tilespmem:s25+$0x50] =	vst v6  }
0xe2: {  	v3 =	vld [tilespmem:$0x1FF00];
	[tilespmem:s25+$0x20] =	vst v8  }
0xe3: {  	[tilespmem:s25+$0x0] =	vst v9  }
0xe4: {  	[hbm4b:s3+s15] =	stream.indirect.scatter [tilespmem:s16], [sflag:$0x3], $0x80, s15, s15, $0xb8;
	[tilespmem:$0x14280] =	vst v63  }
0xe5: {  	_ = 	snop  }
0xe6: {  	[tilespmem:s11], [sflag:$0x1] =	stream.linear.gather [hbm4b:s7+s4], $0x4000, $0x38;
	[tilespmem:$0x14280] =	vst v63  }
0xe7: {  	[tilespmem:$0x100] =	vst v3;
	v3 =	vld [tilespmem:$0x1FF10];
	_ =	sdelay $0x4  }
0xe8: {  	[tilespmem:$0x110] =	vst v3;
	v3 =	vld [tilespmem:$0x1FF20];
	_ =	sdelay $0x4  }
0xe9: {  	[tilespmem:$0x120] =	vst v3;
	v3 =	vld [tilespmem:$0x1FF30];
	_ =	sdelay $0x4  }
0xea: {  	[tilespmem:$0x130] =	vst v3;
	v3 =	vld [tilespmem:$0x1FF40];
	_ =	sdelay $0x4  }
0xeb: {  	[tilespmem:$0x140] =	vst v3;
	v3 =	vld [tilespmem:$0x1FF50];
	_ =	sdelay $0x4  }
0xec: {  	[tilespmem:$0x150] =	vst v3;
	v3 =	vld [tilespmem:$0x1FF60];
	_ =	sdelay $0x4  }
0xed: {  	[tilespmem:$0x160] =	vst v3;
	v3 =	vld [tilespmem:$0x1FF70];
	_ =	sdelay $0x4  }
0xee: {  	[tilespmem:$0x170] =	vst v3  }
0xef: {  	_ =	swait.ge [sflag:s17], $0x4000  }
0xf0: {  	[sflag:s17] =	ssyncset.done $0x0  }
0xf1: {  	[sflag:s17] =	ssyncadd.s32 $0xFFFFC000  }
0xf2: {  	v3 =	vld.idx.msk [tilespmem:v34+s4+$0x0], $0xffff  }
0xf3: {  	v17 =	vld.idx.msk [tilespmem:v33+s4+$0x0], $0xffff  }
0xf4: {  	v5 =	vld.idx.msk [tilespmem:v29+s4+$0x0], $0xffff  }
0xf5: {  	v49 =	vld.idx.msk [tilespmem:v37+s4+$0x0], $0xffff  }
0xf6: {  	v8 =	vld.idx.msk [tilespmem:v38+s4+$0x0], $0xffff  }
0xf7: {  	v50 =	vld.idx.msk [tilespmem:v36+s4+$0x0], $0xffff  }
0xf8: {  	v10 =	vld.idx.msk [tilespmem:v40+s4+$0x0], $0xffff  }
0xf9: {  	v11 =	vld.idx.msk [tilespmem:v39+s4+$0x0], $0xffff  }
0xfa: {  	v6 =	vld.idx.msk [tilespmem:v3+s12+$0x0], $0xffff  }
0xfb: {  	v7 =	vld.idx.msk [tilespmem:v17+s12+$0x0], $0xffff  }
0xfc: {  	v9 =	vld.idx.msk [tilespmem:v5+s12+$0x0], $0xffff  }
0xfd: {  	v12 =	vld.idx.msk [tilespmem:v49+s12+$0x0], $0xffff  }
0xfe: {  	v13 =	vld.idx.msk [tilespmem:v8+s12+$0x0], $0xffff  }
0xff: {  	v14 =	vld.idx.msk [tilespmem:v50+s12+$0x0], $0xffff  }
0x100: {  	v15 =	vld.idx.msk [tilespmem:v10+s12+$0x0], $0xffff  }
0x101: {  	v16 =	vld.idx.msk [tilespmem:v11+s12+$0x0], $0xffff;
	[tilespmem:v35+s14+$0x0] =	vst.idx.msk $0xffff, v9  }
0x102: {  	[tilespmem:v41+s14+$0x0] =	vst.idx.msk $0xffff, v7  }
0x103: {  	[tilespmem:v42+s14+$0x0] =	vst.idx.msk $0xffff, v6  }
0x104: {  	v6 =	vadd.s32 $0x80, v17;
	[tilespmem:v43+s14+$0x0] =	vst.idx.msk $0xffff, v14  }
0x105: {  	v7 =	vadd.s32 $0x80, v3;
	[tilespmem:v4+s14+$0x0] =	vst.idx.msk $0xffff, v12  }
0x106: {  	v51 =	vadd.s32 $0x2, v0;
	v18 =	vadd.s32 $0x80, v5;
	[tilespmem:v2+s14+$0x0] =	vst.idx.msk $0xffff, v13  }
0x107: {  	v52 =	vadd.s32 $0x2, v2;
	v53 =	vadd.s32 $0x2, v1;
	v19 =	vadd.s32 $0x80, v49;
	[tilespmem:v1+s14+$0x0] =	vst.idx.msk $0xffff, v16  }
0x108: {  	v54 =	vadd.s32 $0x2, v42;
	v55 =	vadd.s32 $0x2, v4;
	v16 =	vadd.s32 $0x80, v50;
	[tilespmem:v0+s14+$0x0] =	vst.idx.msk $0xffff, v15  }
0x109: {  	v56 =	vadd.s32 $0x2, v41;
	v57 =	vadd.s32 $0x2, v43;
	v14 =	vadd.s32 $0x80, v8;
	v6 =	vld.idx.msk [tilespmem:v6+s12+$0x0], $0xffff  }
0x10a: {  	v59 =	vadd.s32 $0x2, v35;
	v58 =	vadd.s32 $0x100, v8;
	v12 =	vadd.s32 $0x80, v11;
	v7 =	vld.idx.msk [tilespmem:v7+s12+$0x0], $0xffff  }
0x10b: {  	v44 =	vmovc v4;
	v60 =	vadd.s32 $0x100, v10;
	v61 =	vadd.s32 $0x100, v3;
	v15 =	vadd.s32 $0x80, v10;
	v13 =	vld.idx.msk [tilespmem:v18+s12+$0x0], $0xffff  }
0x10c: {  	v45 =	vmovc v1;
	v46 =	vmovc v0;
	v63 =	vadd.s32 $0x100, v11;
	v47 =	vadd.s32 $0x100, v17;
	v9 =	vor.u32 $0x1, v35;
	v11 =	vld.idx.msk [tilespmem:v19+s12+$0x0], $0xffff  }
0x10d: {  	s24 =	simm.s32 $0x0;
	v62 =	vmovc v48;
	v5 =	vadd.s32 $0x100, v5;
	v3 =	vmovc v2;
	v10 =	vor.u32 $0x1, v41;
	v8 =	vld.idx.msk [tilespmem:v16+s12+$0x0], $0xffff;
	v16 =	vor.u32 $0x1, v42  }
.LBB2_6:
0x10e: {  	v17 =	vor.u32 $0x1, v57;
	s24 =	sadd.s32 $0x2, s24;
	v14 =	vld.idx.msk [tilespmem:v14+s12+$0x0], $0xffff;
	v50 =	vadd.s32 $0x100, v50;
	v49 =	vadd.s32 $0x100, v49;
	s23 =	simm.s32 $0x10370;
	v18 =	vmovc v54;
	v19 =	vmovc v56  }
0x10f: {  	v20 =	vadd.s32 $0x1, v44;
	v44 =	vmov v55;
	v21 =	vmov v59;
	p0 =	slt.u32 s24, $0x7E;
	v12 =	vld.idx.msk [tilespmem:v12+s12+$0x0], $0xffff  }
0x110: {  	v22 =	vadd.s32 $0x1, v3;
	v3 =	vmov v52;
	v15 =	vld.idx.msk [tilespmem:v15+s12+$0x0], $0xffff  }
0x111: {  	v23 =	vadd.s32 $0x1, v45;
	v45 =	vmov v53;
	[tilespmem:v9+s14+$0x0] =	vst.idx.msk $0xffff, v13  }
0x112: {  	v9 =	vadd.s32 $0x1, v46;
	v46 =	vmov v51;
	[tilespmem:v10+s14+$0x0] =	vst.idx.msk $0xffff, v6  }
0x113: {  	[tilespmem:v16+s14+$0x0] =	vst.idx.msk $0xffff, v7  }
0x114: {  	[tilespmem:v62+s14+$0x0] =	vst.idx.msk $0xffff, v8;
	v62 =	vmov v17  }
0x115: {  	[tilespmem:v20+s14+$0x0] =	vst.idx.msk $0xffff, v11  }
0x116: {  	[tilespmem:v22+s14+$0x0] =	vst.idx.msk $0xffff, v14  }
0x117: {  	[tilespmem:v23+s14+$0x0] =	vst.idx.msk $0xffff, v12  }
0x118: {  	[tilespmem:v9+s14+$0x0] =	vst.idx.msk $0xffff, v15  }
0x119: {  	v6 =	vld.idx.msk [tilespmem:v61+s12+$0x0], $0xffff  }
0x11a: {  	v7 =	vld.idx.msk [tilespmem:v47+s12+$0x0], $0xffff  }
0x11b: {  	v8 =	vld.idx.msk [tilespmem:v5+s12+$0x0], $0xffff  }
0x11c: {  	v9 =	vld.idx.msk [tilespmem:v49+s12+$0x0], $0xffff  }
0x11d: {  	v10 =	vld.idx.msk [tilespmem:v58+s12+$0x0], $0xffff  }
0x11e: {  	v11 =	vld.idx.msk [tilespmem:v50+s12+$0x0], $0xffff  }
0x11f: {  	v12 =	vld.idx.msk [tilespmem:v60+s12+$0x0], $0xffff  }
0x120: {  	v13 =	vld.idx.msk [tilespmem:v63+s12+$0x0], $0xffff  }
0x121: {  	[tilespmem:v59+s14+$0x0] =	vst.idx.msk $0xffff, v8  }
0x122: {  	[tilespmem:v56+s14+$0x0] =	vst.idx.msk $0xffff, v7  }
0x123: {  	[tilespmem:v54+s14+$0x0] =	vst.idx.msk $0xffff, v6  }
0x124: {  	v6 =	vadd.s32 $0x80, v47;
	[tilespmem:v57+s14+$0x0] =	vst.idx.msk $0xffff, v11  }
0x125: {  	v8 =	vadd.s32 $0x80, v5;
	v7 =	vadd.s32 $0x80, v61;
	[tilespmem:v55+s14+$0x0] =	vst.idx.msk $0xffff, v9  }
0x126: {  	v51 =	vadd.s32 $0x2, v51;
	[tilespmem:v52+s14+$0x0] =	vst.idx.msk $0xffff, v10  }
0x127: {  	v11 =	vadd.s32 $0x80, v50;
	v52 =	vadd.s32 $0x2, v52;
	[tilespmem:v53+s14+$0x0] =	vst.idx.msk $0xffff, v13;
	v53 =	vadd.s32 $0x2, v53  }
0x128: {  	v17 =	vadd.s32 $0x80, v49;
	v54 =	vadd.s32 $0x2, v54;
	v55 =	vadd.s32 $0x2, v55;
	[tilespmem:v46+s14+$0x0] =	vst.idx.msk $0xffff, v12  }
.Ltmp2:
0x129: {  	v14 =	vadd.s32 $0x80, v58;
	v56 =	vadd.s32 $0x2, v56;
	v57 =	vadd.s32 $0x2, v57;
	v6 =	vld.idx.msk [tilespmem:v6+s12+$0x0], $0xffff;
	(pc) =	sbr.rel @p0 .LBB2_6-.Ltmp2, $4  }
0x12a: {  	v58 =	vadd.s32 $0x100, v58;
	v59 =	vadd.s32 $0x2, v59;
	v12 =	vadd.s32 $0x80, v63;
	v7 =	vld.idx.msk [tilespmem:v7+s12+$0x0], $0xffff  }
0x12b: {  	v15 =	vadd.s32 $0x80, v60;
	v60 =	vadd.s32 $0x100, v60;
	v9 =	vor.u32 $0x1, v21;
	v13 =	vld.idx.msk [tilespmem:v8+s12+$0x0], $0xffff  }
0x12c: {  	v61 =	vadd.s32 $0x100, v61;
	v10 =	vor.u32 $0x1, v19;
	v63 =	vadd.s32 $0x100, v63;
	v8 =	vld.idx.msk [tilespmem:v11+s12+$0x0], $0xffff  }
0x12d: {  	v16 =	vor.u32 $0x1, v18;
	v5 =	vadd.s32 $0x100, v5;
	v47 =	vadd.s32 $0x100, v47;
	v11 =	vld.idx.msk [tilespmem:v17+s12+$0x0], $0xffff  }
0x12e: {  	_ =	sdelay $0x3  }
0x12f: {  	v5 =	vld.idx.msk [tilespmem:v14+s12+$0x0], $0xffff  }
0x130: {  	v12 =	vld.idx.msk [tilespmem:v12+s12+$0x0], $0xffff;
	v61 =	vadd.s32 $0x1, v44  }
0x131: {  	v15 =	vld.idx.msk [tilespmem:v15+s12+$0x0], $0xffff;
	v3 =	vadd.s32 $0x1, v3;
	[tilespmem:v9+s14+$0x0] =	vst.idx.msk $0xffff, v13  }
0x132: {  	v63 =	vadd.s32 $0x1, v45;
	[tilespmem:v10+s14+$0x0] =	vst.idx.msk $0xffff, v6  }
0x133: {  	v6 =	vadd.s32 $0x1, v46;
	[tilespmem:v16+s14+$0x0] =	vst.idx.msk $0xffff, v7  }
0x134: {  	[tilespmem:v62+s14+$0x0] =	vst.idx.msk $0xffff, v8  }
0x135: {  	[tilespmem:v61+s14+$0x0] =	vst.idx.msk $0xffff, v11  }
0x136: {  	[tilespmem:v3+s14+$0x0] =	vst.idx.msk $0xffff, v5  }
0x137: {  	[tilespmem:v63+s14+$0x0] =	vst.idx.msk $0xffff, v12  }
0x138: {  	s24 =	simm.s32 $0x8201;
	[tilespmem:v6+s14+$0x0] =	vst.idx.msk $0xffff, v15  }
0x139: {  	v3 =	vld [tilespmem:s24+$0xFFFFFFCF]  }
0x13a: {  	v5 =	vld [tilespmem:s24+$0xFFFFFFBF]  }
0x13b: {  	v6 =	vld [tilespmem:s24+$0xFFFFFFEF]  }
0x13c: {  	v7 =	vld [tilespmem:s24+$0xFFFFFFDF]  }
0x13d: {  	v9 =	vld [tilespmem:s24+$0xFFFFFF7F]  }
0x13e: {  	v10 =	vld [tilespmem:s24+$0xFFFFFF9F]  }
0x13f: {  	v8 =	vld [tilespmem:s24+$0xFFFFFFAF]  }
0x140: {  	v11 =	vld [tilespmem:s24+$0xFFFFFF8F];
	[tilespmem:s23+$0xFFFFFF80] =	vst v6  }
0x141: {  	[tilespmem:s23+$0xFFFFFF70] =	vst v7  }
0x142: {  	[tilespmem:s23+$0xFFFFFF10] =	vst v9  }
0x143: {  	[tilespmem:s23+$0xFFFFFF30] =	vst v10  }
0x144: {  	[tilespmem:s23+$0xFFFFFF40] =	vst v8  }
0x145: {  	[tilespmem:s23+$0xFFFFFF50] =	vst v5  }
0x146: {  	[tilespmem:s23+$0xFFFFFF20] =	vst v11  }
0x147: {  	[tilespmem:s23+$0xFFFFFF60] =	vst v3  }
0x148: {  	v5 =	vld [tilespmem:s24+$0x70]  }
0x149: {  	s26 =	simm.s32 $0x0;
	s28 =	simm.s32 $0x8201;
	s25 =	simm.s32 $0x10370;
	v3 =	vld [tilespmem:s24+$0x60]  }
.LBB2_8:
0x14a: {  	s26 =	sadd.s32 $0x2, s26;
	v6 =	vld [tilespmem:s24+$0x50];
	s23 =	sadd.s32 $0x100, s23;
	s28 =	sadd.s32 $0x102, s28  }
0x14b: {  	p0 =	slt.u32 s26, $0x7E;
	v7 =	vld [tilespmem:s24+$0x30]  }
0x14c: {  	v8 =	vld [tilespmem:s24+$0x20]  }
0x14d: {  	v9 =	vld [tilespmem:s24+$0x0]  }
0x14e: {  	v10 =	vld [tilespmem:s24+$0x10]  }
0x14f: {  	v11 =	vld [tilespmem:s24+$0x40];
	s24 =	smov.u32 s28  }
0x150: {  	[tilespmem:s25+$0x0] =	vst v5  }
0x151: {  	[tilespmem:s25+$0xFFFFFFC0] =	vst v7  }
0x152: {  	[tilespmem:s25+$0xFFFFFFF0] =	vst v3  }
0x153: {  	[tilespmem:s25+$0xFFFFFFA0] =	vst v10  }
0x154: {  	[tilespmem:s25+$0xFFFFFFD0] =	vst v11  }
0x155: {  	[tilespmem:s25+$0xFFFFFFE0] =	vst v6  }
0x156: {  	[tilespmem:s25+$0xFFFFFFB0] =	vst v8  }
0x157: {  	[tilespmem:s25+$0xFFFFFF90] =	vst v9;
	s25 =	smov.u32 s23  }
0x158: {  	v3 =	vld [tilespmem:s28+$0xFFFFFFCF]  }
0x159: {  	v5 =	vld [tilespmem:s28+$0xFFFFFFBF]  }
0x15a: {  	v6 =	vld [tilespmem:s28+$0xFFFFFFEF]  }
0x15b: {  	v7 =	vld [tilespmem:s28+$0xFFFFFFDF]  }
0x15c: {  	v8 =	vld [tilespmem:s28+$0xFFFFFFAF]  }
0x15d: {  	v9 =	vld [tilespmem:s28+$0xFFFFFF7F]  }
0x15e: {  	v10 =	vld [tilespmem:s28+$0xFFFFFF9F]  }
0x15f: {  	v11 =	vld [tilespmem:s28+$0xFFFFFF8F]  }
0x160: {  	[tilespmem:s23+$0xFFFFFF80] =	vst v6  }
0x161: {  	[tilespmem:s23+$0xFFFFFF70] =	vst v7  }
0x162: {  	[tilespmem:s23+$0xFFFFFF10] =	vst v9  }
0x163: {  	[tilespmem:s23+$0xFFFFFF30] =	vst v10  }
0x164: {  	[tilespmem:s23+$0xFFFFFF40] =	vst v8  }
.Ltmp3:
0x165: {  	[tilespmem:s23+$0xFFFFFF50] =	vst v5;
	(pc) =	sbr.rel @p0 .LBB2_8-.Ltmp3, $4  }
0x166: {  	[tilespmem:s23+$0xFFFFFF20] =	vst v11  }
0x167: {  	[tilespmem:s23+$0xFFFFFF60] =	vst v3  }
0x168: {  	v5 =	vld [tilespmem:s28+$0x70]  }
0x169: {  	v3 =	vld [tilespmem:s28+$0x60]  }
0x16a: {  	v6 =	vld [tilespmem:s24+$0x50]  }
0x16b: {  	v7 =	vld [tilespmem:s24+$0x30]  }
0x16c: {  	v8 =	vld [tilespmem:s24+$0x20]  }
0x16d: {  	v10 =	vld [tilespmem:s24+$0x10]  }
0x16e: {  	v11 =	vld [tilespmem:s24+$0x40]  }
0x16f: {  	v9 =	vld [tilespmem:s24+$0x0];
	[tilespmem:s25+$0x0] =	vst v5  }
0x170: {  	[tilespmem:s25+$0xFFFFFFF0] =	vst v3  }
0x171: {  	[tilespmem:s25+$0xFFFFFFC0] =	vst v7  }
0x172: {  	[tilespmem:s25+$0xFFFFFFA0] =	vst v10  }
0x173: {  	[tilespmem:s25+$0xFFFFFFD0] =	vst v11  }
0x174: {  	[tilespmem:s25+$0xFFFFFFE0] =	vst v6  }
0x175: {  	[tilespmem:s25+$0xFFFFFFB0] =	vst v8  }
0x176: {  	[tilespmem:s25+$0xFFFFFF90] =	vst v9  }
0x177: {  	[hbm4b:s3+s15] =	stream.indirect.scatter [tilespmem:s19], [sflag:$0x4], $0x80, s18, s15, $0xb8;
	[tilespmem:$0x14280] =	vst v63  }
0x178: {  	_ = 	snop  }
0x179: {  	[tilespmem:s12], [sflag:$0x2] =	stream.linear.gather [hbm4b:s8+s4], $0x4000, $0x38;
	[tilespmem:$0x14280] =	vst v63  }
0x17a: {  	_ =	swait.ge [sflag:s20], $0x4000  }
0x17b: {  	v3 =	vld [tilespmem:$0x1FF80];
	_ =	sdelay $0x2  }
0x17c: {  	[sflag:s20] =	ssyncset.done $0x0  }
0x17d: {  	[sflag:s20] =	ssyncadd.s32 $0xFFFFC000  }
0x17e: {  	[tilespmem:$0x80] =	vst v3;
	v3 =	vld [tilespmem:$0x1FF90];
	_ =	sdelay $0x4  }
0x17f: {  	[tilespmem:$0x90] =	vst v3;
	v3 =	vld [tilespmem:$0x1FFA0];
	_ =	sdelay $0x4  }
0x180: {  	[tilespmem:$0xA0] =	vst v3;
	v3 =	vld [tilespmem:$0x1FFB0];
	_ =	sdelay $0x4  }
0x181: {  	[tilespmem:$0xB0] =	vst v3;
	v3 =	vld [tilespmem:$0x1FFC0];
	_ =	sdelay $0x4  }
0x182: {  	[tilespmem:$0xC0] =	vst v3;
	v3 =	vld [tilespmem:$0x1FFD0];
	_ =	sdelay $0x4  }
0x183: {  	[tilespmem:$0xD0] =	vst v3;
	v3 =	vld [tilespmem:$0x1FFE0];
	_ =	sdelay $0x4  }
0x184: {  	[tilespmem:$0xE0] =	vst v3;
	v3 =	vld [tilespmem:$0x1FFF0];
	_ =	sdelay $0x4  }
0x185: {  	[tilespmem:$0xF0] =	vst v3  }
0x186: {  	_ =	swait.ge [sflag:s13], $0x4000  }
0x187: {  	[sflag:s13] =	ssyncset.done $0x0  }
0x188: {  	[sflag:s13] =	ssyncadd.s32 $0xFFFFC000  }
0x189: {  	v3 =	vld.idx.msk [tilespmem:v34+s4+$0x0], $0xffff  }
0x18a: {  	v5 =	vld.idx.msk [tilespmem:v33+s4+$0x0], $0xffff  }
0x18b: {  	v17 =	vld.idx.msk [tilespmem:v29+s4+$0x0], $0xffff  }
0x18c: {  	v49 =	vld.idx.msk [tilespmem:v37+s4+$0x0], $0xffff  }
0x18d: {  	v8 =	vld.idx.msk [tilespmem:v38+s4+$0x0], $0xffff  }
0x18e: {  	v50 =	vld.idx.msk [tilespmem:v36+s4+$0x0], $0xffff  }
0x18f: {  	v10 =	vld.idx.msk [tilespmem:v40+s4+$0x0], $0xffff  }
0x190: {  	v11 =	vld.idx.msk [tilespmem:v39+s4+$0x0], $0xffff  }
0x191: {  	v6 =	vld.idx.msk [tilespmem:v3+s11+$0x0], $0xffff  }
0x192: {  	v7 =	vld.idx.msk [tilespmem:v5+s11+$0x0], $0xffff  }
0x193: {  	v9 =	vld.idx.msk [tilespmem:v17+s11+$0x0], $0xffff  }
0x194: {  	v12 =	vld.idx.msk [tilespmem:v49+s11+$0x0], $0xffff  }
0x195: {  	v13 =	vld.idx.msk [tilespmem:v8+s11+$0x0], $0xffff  }
0x196: {  	v14 =	vld.idx.msk [tilespmem:v50+s11+$0x0], $0xffff  }
0x197: {  	v15 =	vld.idx.msk [tilespmem:v10+s11+$0x0], $0xffff  }
0x198: {  	v16 =	vld.idx.msk [tilespmem:v11+s11+$0x0], $0xffff;
	[tilespmem:v35+s14+$0x0] =	vst.idx.msk $0xffff, v9  }
0x199: {  	[tilespmem:v41+s14+$0x0] =	vst.idx.msk $0xffff, v7  }
0x19a: {  	[tilespmem:v42+s14+$0x0] =	vst.idx.msk $0xffff, v6  }
0x19b: {  	v6 =	vadd.s32 $0x80, v5;
	[tilespmem:v43+s14+$0x0] =	vst.idx.msk $0xffff, v14  }
0x19c: {  	v7 =	vadd.s32 $0x80, v3;
	[tilespmem:v4+s14+$0x0] =	vst.idx.msk $0xffff, v12  }
0x19d: {  	v51 =	vadd.s32 $0x2, v0;
	v14 =	vadd.s32 $0x80, v17;
	[tilespmem:v2+s14+$0x0] =	vst.idx.msk $0xffff, v13  }
0x19e: {  	v52 =	vadd.s32 $0x2, v2;
	v53 =	vadd.s32 $0x2, v1;
	v18 =	vadd.s32 $0x80, v49;
	[tilespmem:v1+s14+$0x0] =	vst.idx.msk $0xffff, v16  }
0x19f: {  	v54 =	vadd.s32 $0x2, v42;
	v55 =	vadd.s32 $0x2, v4;
	v16 =	vadd.s32 $0x80, v50;
	[tilespmem:v0+s14+$0x0] =	vst.idx.msk $0xffff, v15  }
0x1a0: {  	v56 =	vadd.s32 $0x2, v41;
	v57 =	vadd.s32 $0x2, v43;
	v12 =	vadd.s32 $0x80, v8;
	v6 =	vld.idx.msk [tilespmem:v6+s11+$0x0], $0xffff  }
0x1a1: {  	v59 =	vadd.s32 $0x2, v35;
	v58 =	vadd.s32 $0x100, v8;
	v13 =	vadd.s32 $0x80, v11;
	v7 =	vld.idx.msk [tilespmem:v7+s11+$0x0], $0xffff  }
0x1a2: {  	v46 =	vmovc v4;
	v60 =	vadd.s32 $0x100, v10;
	v61 =	vadd.s32 $0x100, v3;
	v15 =	vadd.s32 $0x80, v10;
	v14 =	vld.idx.msk [tilespmem:v14+s11+$0x0], $0xffff  }
0x1a3: {  	v45 =	vmovc v0;
	v47 =	vmovc v48;
	v62 =	vadd.s32 $0x100, v11;
	v44 =	vadd.s32 $0x100, v17;
	v9 =	vor.u32 $0x1, v35;
	v11 =	vld.idx.msk [tilespmem:v18+s11+$0x0], $0xffff  }
0x1a4: {  	s23 =	simm.s32 $0x0;
	v63 =	vadd.s32 $0x100, v5;
	v3 =	vmovc v1;
	v5 =	vmovc v2;
	v10 =	vor.u32 $0x1, v41;
	v8 =	vld.idx.msk [tilespmem:v16+s11+$0x0], $0xffff;
	v16 =	vor.u32 $0x1, v42  }
.LBB2_10:
0x1a5: {  	v17 =	vor.u32 $0x1, v57;
	s23 =	sadd.s32 $0x2, s23;
	v12 =	vld.idx.msk [tilespmem:v12+s11+$0x0], $0xffff;
	v50 =	vadd.s32 $0x100, v50;
	v49 =	vadd.s32 $0x100, v49;
	v18 =	vmovc v54;
	v19 =	vmovc v56  }
0x1a6: {  	v20 =	vadd.s32 $0x1, v46;
	v46 =	vmov v55;
	v21 =	vmov v59;
	p0 =	slt.u32 s23, $0x7E;
	v13 =	vld.idx.msk [tilespmem:v13+s11+$0x0], $0xffff  }
0x1a7: {  	v22 =	vadd.s32 $0x1, v5;
	v5 =	vmov v52;
	v15 =	vld.idx.msk [tilespmem:v15+s11+$0x0], $0xffff  }
0x1a8: {  	v23 =	vadd.s32 $0x1, v3;
	v3 =	vmov v53;
	[tilespmem:v9+s14+$0x0] =	vst.idx.msk $0xffff, v14  }
0x1a9: {  	v9 =	vadd.s32 $0x1, v45;
	v45 =	vmov v51;
	[tilespmem:v10+s14+$0x0] =	vst.idx.msk $0xffff, v6  }
0x1aa: {  	[tilespmem:v16+s14+$0x0] =	vst.idx.msk $0xffff, v7  }
0x1ab: {  	[tilespmem:v47+s14+$0x0] =	vst.idx.msk $0xffff, v8;
	v47 =	vmov v17  }
0x1ac: {  	[tilespmem:v20+s14+$0x0] =	vst.idx.msk $0xffff, v11  }
0x1ad: {  	[tilespmem:v22+s14+$0x0] =	vst.idx.msk $0xffff, v12  }
0x1ae: {  	[tilespmem:v23+s14+$0x0] =	vst.idx.msk $0xffff, v13  }
0x1af: {  	[tilespmem:v9+s14+$0x0] =	vst.idx.msk $0xffff, v15  }
0x1b0: {  	v6 =	vld.idx.msk [tilespmem:v61+s11+$0x0], $0xffff  }
0x1b1: {  	v7 =	vld.idx.msk [tilespmem:v63+s11+$0x0], $0xffff  }
0x1b2: {  	v8 =	vld.idx.msk [tilespmem:v44+s11+$0x0], $0xffff  }
0x1b3: {  	v9 =	vld.idx.msk [tilespmem:v49+s11+$0x0], $0xffff  }
0x1b4: {  	v10 =	vld.idx.msk [tilespmem:v58+s11+$0x0], $0xffff  }
0x1b5: {  	v11 =	vld.idx.msk [tilespmem:v50+s11+$0x0], $0xffff  }
0x1b6: {  	v12 =	vld.idx.msk [tilespmem:v60+s11+$0x0], $0xffff  }
0x1b7: {  	v13 =	vld.idx.msk [tilespmem:v62+s11+$0x0], $0xffff  }
0x1b8: {  	[tilespmem:v59+s14+$0x0] =	vst.idx.msk $0xffff, v8  }
0x1b9: {  	[tilespmem:v56+s14+$0x0] =	vst.idx.msk $0xffff, v7  }
0x1ba: {  	[tilespmem:v54+s14+$0x0] =	vst.idx.msk $0xffff, v6  }
0x1bb: {  	v6 =	vadd.s32 $0x80, v63;
	[tilespmem:v57+s14+$0x0] =	vst.idx.msk $0xffff, v11  }
0x1bc: {  	v8 =	vadd.s32 $0x80, v44;
	v7 =	vadd.s32 $0x80, v61;
	[tilespmem:v55+s14+$0x0] =	vst.idx.msk $0xffff, v9  }
0x1bd: {  	v51 =	vadd.s32 $0x2, v51;
	[tilespmem:v52+s14+$0x0] =	vst.idx.msk $0xffff, v10  }
0x1be: {  	v11 =	vadd.s32 $0x80, v50;
	v52 =	vadd.s32 $0x2, v52;
	[tilespmem:v53+s14+$0x0] =	vst.idx.msk $0xffff, v13;
	v53 =	vadd.s32 $0x2, v53  }
0x1bf: {  	v17 =	vadd.s32 $0x80, v49;
	v54 =	vadd.s32 $0x2, v54;
	v55 =	vadd.s32 $0x2, v55;
	[tilespmem:v45+s14+$0x0] =	vst.idx.msk $0xffff, v12  }
.Ltmp4:
0x1c0: {  	v56 =	vadd.s32 $0x2, v56;
	v57 =	vadd.s32 $0x2, v57;
	v12 =	vadd.s32 $0x80, v58;
	v6 =	vld.idx.msk [tilespmem:v6+s11+$0x0], $0xffff;
	(pc) =	sbr.rel @p0 .LBB2_10-.Ltmp4, $4  }
0x1c1: {  	v59 =	vadd.s32 $0x2, v59;
	v13 =	vadd.s32 $0x80, v62;
	v58 =	vadd.s32 $0x100, v58;
	v7 =	vld.idx.msk [tilespmem:v7+s11+$0x0], $0xffff  }
0x1c2: {  	v15 =	vadd.s32 $0x80, v60;
	v60 =	vadd.s32 $0x100, v60;
	v9 =	vor.u32 $0x1, v21;
	v14 =	vld.idx.msk [tilespmem:v8+s11+$0x0], $0xffff  }
0x1c3: {  	v61 =	vadd.s32 $0x100, v61;
	v10 =	vor.u32 $0x1, v19;
	v62 =	vadd.s32 $0x100, v62;
	v8 =	vld.idx.msk [tilespmem:v11+s11+$0x0], $0xffff  }
0x1c4: {  	v16 =	vor.u32 $0x1, v18;
	v44 =	vadd.s32 $0x100, v44;
	v63 =	vadd.s32 $0x100, v63;
	v11 =	vld.idx.msk [tilespmem:v17+s11+$0x0], $0xffff  }
0x1c5: {  	_ =	sdelay $0x3  }
0x1c6: {  	v12 =	vld.idx.msk [tilespmem:v12+s11+$0x0], $0xffff  }
0x1c7: {  	v13 =	vld.idx.msk [tilespmem:v13+s11+$0x0], $0xffff;
	v17 =	vadd.s32 $0x1, v46  }
0x1c8: {  	v15 =	vld.idx.msk [tilespmem:v15+s11+$0x0], $0xffff;
	v5 =	vadd.s32 $0x1, v5;
	[tilespmem:v9+s14+$0x0] =	vst.idx.msk $0xffff, v14  }
0x1c9: {  	v3 =	vadd.s32 $0x1, v3;
	[tilespmem:v10+s14+$0x0] =	vst.idx.msk $0xffff, v6  }
0x1ca: {  	v6 =	vadd.s32 $0x1, v45;
	[tilespmem:v16+s14+$0x0] =	vst.idx.msk $0xffff, v7  }
0x1cb: {  	[tilespmem:v47+s14+$0x0] =	vst.idx.msk $0xffff, v8  }
0x1cc: {  	[tilespmem:v17+s14+$0x0] =	vst.idx.msk $0xffff, v11  }
0x1cd: {  	[tilespmem:v5+s14+$0x0] =	vst.idx.msk $0xffff, v12  }
0x1ce: {  	[tilespmem:v3+s14+$0x0] =	vst.idx.msk $0xffff, v13  }
0x1cf: {  	s23 =	simm.s32 $0x8201;
	[tilespmem:v6+s14+$0x0] =	vst.idx.msk $0xffff, v15  }
0x1d0: {  	v3 =	vld [tilespmem:s23+$0xFFFFFFCF]  }
0x1d1: {  	v5 =	vld [tilespmem:s23+$0xFFFFFFBF]  }
0x1d2: {  	v6 =	vld [tilespmem:s23+$0xFFFFFFEF]  }
0x1d3: {  	v7 =	vld [tilespmem:s23+$0xFFFFFFDF]  }
0x1d4: {  	v9 =	vld [tilespmem:s23+$0xFFFFFF7F]  }
0x1d5: {  	v10 =	vld [tilespmem:s23+$0xFFFFFF9F]  }
0x1d6: {  	s24 =	simm.s32 $0xC300;
	v8 =	vld [tilespmem:s23+$0xFFFFFFAF]  }
0x1d7: {  	v11 =	vld [tilespmem:s23+$0xFFFFFF8F];
	[tilespmem:s24+$0xFFFFFFF0] =	vst v6  }
0x1d8: {  	[tilespmem:s24+$0xFFFFFFE0] =	vst v7  }
0x1d9: {  	[tilespmem:s24+$0xFFFFFF80] =	vst v9  }
0x1da: {  	[tilespmem:s24+$0xFFFFFFA0] =	vst v10  }
0x1db: {  	[tilespmem:s24+$0xFFFFFFB0] =	vst v8  }
0x1dc: {  	[tilespmem:s24+$0xFFFFFFC0] =	vst v5  }
0x1dd: {  	[tilespmem:s24+$0xFFFFFF90] =	vst v11  }
0x1de: {  	[tilespmem:s24+$0xFFFFFFD0] =	vst v3  }
0x1df: {  	v5 =	vld [tilespmem:s23+$0x70]  }
0x1e0: {  	s26 =	simm.s32 $0x0;
	s28 =	simm.s32 $0x8201;
	s25 =	simm.s32 $0xC300;
	v3 =	vld [tilespmem:s23+$0x60]  }
.LBB2_12:
0x1e1: {  	s26 =	sadd.s32 $0x2, s26;
	v6 =	vld [tilespmem:s23+$0x50];
	s28 =	sadd.s32 $0x102, s28;
	s24 =	sadd.s32 $0x100, s24  }
0x1e2: {  	p0 =	slt.u32 s26, $0x7E;
	v7 =	vld [tilespmem:s23+$0x30]  }
0x1e3: {  	v8 =	vld [tilespmem:s23+$0x20]  }
0x1e4: {  	v9 =	vld [tilespmem:s23+$0x0]  }
0x1e5: {  	v10 =	vld [tilespmem:s23+$0x10]  }
0x1e6: {  	v11 =	vld [tilespmem:s23+$0x40];
	s23 =	smov.u32 s28  }
0x1e7: {  	[tilespmem:s25+$0x70] =	vst v5  }
0x1e8: {  	[tilespmem:s25+$0x30] =	vst v7  }
0x1e9: {  	[tilespmem:s25+$0x60] =	vst v3  }
0x1ea: {  	[tilespmem:s25+$0x10] =	vst v10  }
0x1eb: {  	[tilespmem:s25+$0x40] =	vst v11  }
0x1ec: {  	[tilespmem:s25+$0x50] =	vst v6  }
0x1ed: {  	[tilespmem:s25+$0x20] =	vst v8  }
0x1ee: {  	[tilespmem:s25+$0x0] =	vst v9;
	s25 =	smov.u32 s24  }
0x1ef: {  	v3 =	vld [tilespmem:s28+$0xFFFFFFCF]  }
0x1f0: {  	v5 =	vld [tilespmem:s28+$0xFFFFFFBF]  }
0x1f1: {  	v6 =	vld [tilespmem:s28+$0xFFFFFFEF]  }
0x1f2: {  	v7 =	vld [tilespmem:s28+$0xFFFFFFDF]  }
0x1f3: {  	v8 =	vld [tilespmem:s28+$0xFFFFFFAF]  }
0x1f4: {  	v9 =	vld [tilespmem:s28+$0xFFFFFF7F]  }
0x1f5: {  	v10 =	vld [tilespmem:s28+$0xFFFFFF9F]  }
0x1f6: {  	v11 =	vld [tilespmem:s28+$0xFFFFFF8F]  }
0x1f7: {  	[tilespmem:s24+$0xFFFFFFF0] =	vst v6  }
0x1f8: {  	[tilespmem:s24+$0xFFFFFFE0] =	vst v7  }
0x1f9: {  	[tilespmem:s24+$0xFFFFFF80] =	vst v9  }
0x1fa: {  	[tilespmem:s24+$0xFFFFFFA0] =	vst v10  }
0x1fb: {  	[tilespmem:s24+$0xFFFFFFB0] =	vst v8  }
.Ltmp5:
0x1fc: {  	[tilespmem:s24+$0xFFFFFFC0] =	vst v5;
	(pc) =	sbr.rel @p0 .LBB2_12-.Ltmp5, $4  }
0x1fd: {  	[tilespmem:s24+$0xFFFFFF90] =	vst v11  }
0x1fe: {  	[tilespmem:s24+$0xFFFFFFD0] =	vst v3  }
0x1ff: {  	v5 =	vld [tilespmem:s28+$0x70]  }
0x200: {  	v3 =	vld [tilespmem:s28+$0x60]  }
0x201: {  	v6 =	vld [tilespmem:s23+$0x50]  }
0x202: {  	v7 =	vld [tilespmem:s23+$0x30]  }
0x203: {  	v8 =	vld [tilespmem:s23+$0x20]  }
0x204: {  	v10 =	vld [tilespmem:s23+$0x10]  }
0x205: {  	v11 =	vld [tilespmem:s23+$0x40]  }
0x206: {  	v9 =	vld [tilespmem:s23+$0x0];
	[tilespmem:s25+$0x70] =	vst v5  }
0x207: {  	[tilespmem:s25+$0x60] =	vst v3  }
0x208: {  	[tilespmem:s25+$0x30] =	vst v7  }
0x209: {  	[tilespmem:s25+$0x10] =	vst v10  }
0x20a: {  	[tilespmem:s25+$0x40] =	vst v11  }
0x20b: {  	[tilespmem:s25+$0x50] =	vst v6  }
0x20c: {  	[tilespmem:s25+$0x20] =	vst v8  }
0x20d: {  	[tilespmem:s25+$0x0] =	vst v9  }
0x20e: {  	[hbm4b:s3+s15] =	stream.indirect.scatter [tilespmem:s16], [sflag:$0x3], $0x80, s15, s15, $0xb8;
	[tilespmem:$0x14280] =	vst v63  }
0x20f: {  	_ =	swait.ge [sflag:s21], $0x4000  }
0x210: {  	[sflag:s21] =	ssyncset.done $0x0  }
0x211: {  	[sflag:s21] =	ssyncadd.s32 $0xFFFFC000  }
0x212: {  	[tilespmem:$0x100] =	vst v24  }
0x213: {  	[tilespmem:$0x110] =	vst v25  }
0x214: {  	[tilespmem:$0x120] =	vst v26  }
0x215: {  	[tilespmem:$0x130] =	vst v27  }
0x216: {  	[tilespmem:$0x140] =	vst v28  }
0x217: {  	[tilespmem:$0x150] =	vst v30  }
0x218: {  	[tilespmem:$0x160] =	vst v31  }
0x219: {  	[tilespmem:$0x170] =	vst v32  }
0x21a: {  	_ =	swait.ge [sflag:s17], $0x4000  }
0x21b: {  	[sflag:s17] =	ssyncset.done $0x0  }
0x21c: {  	[sflag:s17] =	ssyncadd.s32 $0xFFFFC000  }
0x21d: {  	v3 =	vld.idx.msk [tilespmem:v34+s4+$0x0], $0xffff  }
0x21e: {  	v5 =	vld.idx.msk [tilespmem:v33+s4+$0x0], $0xffff  }
0x21f: {  	v17 =	vld.idx.msk [tilespmem:v29+s4+$0x0], $0xffff  }
0x220: {  	v49 =	vld.idx.msk [tilespmem:v37+s4+$0x0], $0xffff  }
0x221: {  	v8 =	vld.idx.msk [tilespmem:v38+s4+$0x0], $0xffff  }
0x222: {  	v50 =	vld.idx.msk [tilespmem:v36+s4+$0x0], $0xffff  }
0x223: {  	v10 =	vld.idx.msk [tilespmem:v40+s4+$0x0], $0xffff  }
0x224: {  	v11 =	vld.idx.msk [tilespmem:v39+s4+$0x0], $0xffff  }
0x225: {  	v6 =	vld.idx.msk [tilespmem:v3+s12+$0x0], $0xffff  }
0x226: {  	v7 =	vld.idx.msk [tilespmem:v5+s12+$0x0], $0xffff  }
0x227: {  	v9 =	vld.idx.msk [tilespmem:v17+s12+$0x0], $0xffff  }
0x228: {  	v12 =	vld.idx.msk [tilespmem:v49+s12+$0x0], $0xffff  }
0x229: {  	v13 =	vld.idx.msk [tilespmem:v8+s12+$0x0], $0xffff  }
0x22a: {  	v14 =	vld.idx.msk [tilespmem:v50+s12+$0x0], $0xffff  }
0x22b: {  	v15 =	vld.idx.msk [tilespmem:v10+s12+$0x0], $0xffff  }
0x22c: {  	v16 =	vld.idx.msk [tilespmem:v11+s12+$0x0], $0xffff;
	[tilespmem:v35+s14+$0x0] =	vst.idx.msk $0xffff, v9  }
0x22d: {  	[tilespmem:v41+s14+$0x0] =	vst.idx.msk $0xffff, v7  }
0x22e: {  	[tilespmem:v42+s14+$0x0] =	vst.idx.msk $0xffff, v6  }
0x22f: {  	v6 =	vadd.s32 $0x80, v5;
	[tilespmem:v43+s14+$0x0] =	vst.idx.msk $0xffff, v14  }
0x230: {  	v7 =	vadd.s32 $0x80, v3;
	[tilespmem:v4+s14+$0x0] =	vst.idx.msk $0xffff, v12  }
0x231: {  	v51 =	vadd.s32 $0x2, v0;
	v14 =	vadd.s32 $0x80, v17;
	[tilespmem:v2+s14+$0x0] =	vst.idx.msk $0xffff, v13  }
0x232: {  	v52 =	vadd.s32 $0x2, v2;
	v53 =	vadd.s32 $0x2, v1;
	v18 =	vadd.s32 $0x80, v49;
	[tilespmem:v1+s14+$0x0] =	vst.idx.msk $0xffff, v16  }
0x233: {  	v54 =	vadd.s32 $0x2, v42;
	v55 =	vadd.s32 $0x2, v4;
	v16 =	vadd.s32 $0x80, v50;
	[tilespmem:v0+s14+$0x0] =	vst.idx.msk $0xffff, v15  }
0x234: {  	v56 =	vadd.s32 $0x2, v41;
	v57 =	vadd.s32 $0x2, v43;
	v12 =	vadd.s32 $0x80, v8;
	v6 =	vld.idx.msk [tilespmem:v6+s12+$0x0], $0xffff  }
0x235: {  	v59 =	vadd.s32 $0x2, v35;
	v58 =	vadd.s32 $0x100, v8;
	v13 =	vadd.s32 $0x80, v11;
	v7 =	vld.idx.msk [tilespmem:v7+s12+$0x0], $0xffff  }
0x236: {  	v60 =	vadd.s32 $0x100, v10;
	v47 =	vadd.s32 $0x100, v3;
	v15 =	vadd.s32 $0x80, v10;
	v14 =	vld.idx.msk [tilespmem:v14+s12+$0x0], $0xffff  }
0x237: {  	v61 =	vmovc v4;
	v44 =	vmovc v2;
	v46 =	vadd.s32 $0x100, v11;
	v45 =	vadd.s32 $0x100, v17;
	v9 =	vor.u32 $0x1, v35;
	v11 =	vld.idx.msk [tilespmem:v18+s12+$0x0], $0xffff  }
0x238: {  	s23 =	simm.s32 $0x0;
	v62 =	vadd.s32 $0x100, v5;
	v3 =	vmovc v0;
	v5 =	vmovc v1;
	v10 =	vor.u32 $0x1, v41;
	v8 =	vld.idx.msk [tilespmem:v16+s12+$0x0], $0xffff;
	v16 =	vor.u32 $0x1, v42  }
.LBB2_14:
0x239: {  	v17 =	vor.u32 $0x1, v57;
	s23 =	sadd.s32 $0x2, s23;
	v12 =	vld.idx.msk [tilespmem:v12+s12+$0x0], $0xffff;
	v50 =	vadd.s32 $0x100, v50;
	v49 =	vadd.s32 $0x100, v49;
	v18 =	vmovc v54;
	v19 =	vmovc v56  }
0x23a: {  	v20 =	vadd.s32 $0x1, v61;
	v61 =	vmov v55;
	v21 =	vmov v59;
	p0 =	slt.u32 s23, $0x7E;
	v13 =	vld.idx.msk [tilespmem:v13+s12+$0x0], $0xffff  }
0x23b: {  	v22 =	vadd.s32 $0x1, v44;
	v44 =	vmov v52;
	v15 =	vld.idx.msk [tilespmem:v15+s12+$0x0], $0xffff  }
0x23c: {  	v23 =	vadd.s32 $0x1, v5;
	v5 =	vmov v53;
	[tilespmem:v9+s14+$0x0] =	vst.idx.msk $0xffff, v14  }
0x23d: {  	v9 =	vadd.s32 $0x1, v3;
	v3 =	vmov v51;
	[tilespmem:v10+s14+$0x0] =	vst.idx.msk $0xffff, v6  }
0x23e: {  	[tilespmem:v16+s14+$0x0] =	vst.idx.msk $0xffff, v7  }
0x23f: {  	[tilespmem:v48+s14+$0x0] =	vst.idx.msk $0xffff, v8;
	v48 =	vmov v17  }
0x240: {  	[tilespmem:v20+s14+$0x0] =	vst.idx.msk $0xffff, v11  }
0x241: {  	[tilespmem:v22+s14+$0x0] =	vst.idx.msk $0xffff, v12  }
0x242: {  	[tilespmem:v23+s14+$0x0] =	vst.idx.msk $0xffff, v13  }
0x243: {  	[tilespmem:v9+s14+$0x0] =	vst.idx.msk $0xffff, v15  }
0x244: {  	v6 =	vld.idx.msk [tilespmem:v47+s12+$0x0], $0xffff  }
0x245: {  	v7 =	vld.idx.msk [tilespmem:v62+s12+$0x0], $0xffff  }
0x246: {  	v8 =	vld.idx.msk [tilespmem:v45+s12+$0x0], $0xffff  }
0x247: {  	v9 =	vld.idx.msk [tilespmem:v49+s12+$0x0], $0xffff  }
0x248: {  	v10 =	vld.idx.msk [tilespmem:v58+s12+$0x0], $0xffff  }
0x249: {  	v11 =	vld.idx.msk [tilespmem:v50+s12+$0x0], $0xffff  }
0x24a: {  	v12 =	vld.idx.msk [tilespmem:v60+s12+$0x0], $0xffff  }
0x24b: {  	v13 =	vld.idx.msk [tilespmem:v46+s12+$0x0], $0xffff  }
0x24c: {  	[tilespmem:v59+s14+$0x0] =	vst.idx.msk $0xffff, v8  }
0x24d: {  	[tilespmem:v56+s14+$0x0] =	vst.idx.msk $0xffff, v7  }
0x24e: {  	[tilespmem:v54+s14+$0x0] =	vst.idx.msk $0xffff, v6  }
0x24f: {  	v6 =	vadd.s32 $0x80, v62;
	[tilespmem:v57+s14+$0x0] =	vst.idx.msk $0xffff, v11  }
0x250: {  	v8 =	vadd.s32 $0x80, v45;
	v7 =	vadd.s32 $0x80, v47;
	[tilespmem:v55+s14+$0x0] =	vst.idx.msk $0xffff, v9  }
0x251: {  	v51 =	vadd.s32 $0x2, v51;
	[tilespmem:v52+s14+$0x0] =	vst.idx.msk $0xffff, v10  }
0x252: {  	v11 =	vadd.s32 $0x80, v50;
	v52 =	vadd.s32 $0x2, v52;
	[tilespmem:v53+s14+$0x0] =	vst.idx.msk $0xffff, v13;
	v53 =	vadd.s32 $0x2, v53  }
0x253: {  	v17 =	vadd.s32 $0x80, v49;
	v54 =	vadd.s32 $0x2, v54;
	v55 =	vadd.s32 $0x2, v55;
	[tilespmem:v3+s14+$0x0] =	vst.idx.msk $0xffff, v12  }
.Ltmp6:
0x254: {  	v56 =	vadd.s32 $0x2, v56;
	v57 =	vadd.s32 $0x2, v57;
	v12 =	vadd.s32 $0x80, v58;
	v6 =	vld.idx.msk [tilespmem:v6+s12+$0x0], $0xffff;
	(pc) =	sbr.rel @p0 .LBB2_14-.Ltmp6, $4  }
0x255: {  	v59 =	vadd.s32 $0x2, v59;
	v13 =	vadd.s32 $0x80, v46;
	v58 =	vadd.s32 $0x100, v58;
	v7 =	vld.idx.msk [tilespmem:v7+s12+$0x0], $0xffff  }
0x256: {  	v15 =	vadd.s32 $0x80, v60;
	v60 =	vadd.s32 $0x100, v60;
	v9 =	vor.u32 $0x1, v21;
	v14 =	vld.idx.msk [tilespmem:v8+s12+$0x0], $0xffff  }
0x257: {  	v47 =	vadd.s32 $0x100, v47;
	v10 =	vor.u32 $0x1, v19;
	v46 =	vadd.s32 $0x100, v46;
	v8 =	vld.idx.msk [tilespmem:v11+s12+$0x0], $0xffff  }
0x258: {  	v16 =	vor.u32 $0x1, v18;
	v45 =	vadd.s32 $0x100, v45;
	v62 =	vadd.s32 $0x100, v62;
	v11 =	vld.idx.msk [tilespmem:v17+s12+$0x0], $0xffff  }
0x259: {  	_ =	sdelay $0x3  }
0x25a: {  	v12 =	vld.idx.msk [tilespmem:v12+s12+$0x0], $0xffff  }
0x25b: {  	v13 =	vld.idx.msk [tilespmem:v13+s12+$0x0], $0xffff;
	v17 =	vadd.s32 $0x1, v61  }
0x25c: {  	v15 =	vld.idx.msk [tilespmem:v15+s12+$0x0], $0xffff;
	v18 =	vadd.s32 $0x1, v44;
	[tilespmem:v9+s14+$0x0] =	vst.idx.msk $0xffff, v14  }
0x25d: {  	v5 =	vadd.s32 $0x1, v5;
	[tilespmem:v10+s14+$0x0] =	vst.idx.msk $0xffff, v6  }
0x25e: {  	v3 =	vadd.s32 $0x1, v3;
	[tilespmem:v16+s14+$0x0] =	vst.idx.msk $0xffff, v7  }
0x25f: {  	[tilespmem:v48+s14+$0x0] =	vst.idx.msk $0xffff, v8  }
0x260: {  	[tilespmem:v17+s14+$0x0] =	vst.idx.msk $0xffff, v11  }
0x261: {  	[tilespmem:v18+s14+$0x0] =	vst.idx.msk $0xffff, v12  }
0x262: {  	[tilespmem:v5+s14+$0x0] =	vst.idx.msk $0xffff, v13  }
0x263: {  	s23 =	simm.s32 $0x8201;
	[tilespmem:v3+s14+$0x0] =	vst.idx.msk $0xffff, v15  }
0x264: {  	v3 =	vld [tilespmem:s23+$0xFFFFFFCF]  }
0x265: {  	v5 =	vld [tilespmem:s23+$0xFFFFFFBF]  }
0x266: {  	v6 =	vld [tilespmem:s23+$0xFFFFFFEF]  }
0x267: {  	v7 =	vld [tilespmem:s23+$0xFFFFFFDF]  }
0x268: {  	v9 =	vld [tilespmem:s23+$0xFFFFFF7F]  }
0x269: {  	v10 =	vld [tilespmem:s23+$0xFFFFFF9F]  }
0x26a: {  	s24 =	simm.s32 $0x10370;
	v8 =	vld [tilespmem:s23+$0xFFFFFFAF]  }
0x26b: {  	v11 =	vld [tilespmem:s23+$0xFFFFFF8F];
	[tilespmem:s24+$0xFFFFFF80] =	vst v6  }
0x26c: {  	[tilespmem:s24+$0xFFFFFF70] =	vst v7  }
0x26d: {  	[tilespmem:s24+$0xFFFFFF10] =	vst v9  }
0x26e: {  	[tilespmem:s24+$0xFFFFFF30] =	vst v10  }
0x26f: {  	[tilespmem:s24+$0xFFFFFF40] =	vst v8  }
0x270: {  	[tilespmem:s24+$0xFFFFFF50] =	vst v5  }
0x271: {  	[tilespmem:s24+$0xFFFFFF20] =	vst v11  }
0x272: {  	[tilespmem:s24+$0xFFFFFF60] =	vst v3  }
0x273: {  	v5 =	vld [tilespmem:s23+$0x70]  }
0x274: {  	s26 =	simm.s32 $0x0;
	s28 =	simm.s32 $0x8201;
	s25 =	simm.s32 $0x10370;
	v3 =	vld [tilespmem:s23+$0x60]  }
.LBB2_16:
0x275: {  	s26 =	sadd.s32 $0x2, s26;
	v6 =	vld [tilespmem:s23+$0x50];
	s24 =	sadd.s32 $0x100, s24;
	s28 =	sadd.s32 $0x102, s28  }
0x276: {  	p0 =	slt.u32 s26, $0x7E;
	v7 =	vld [tilespmem:s23+$0x30]  }
0x277: {  	v8 =	vld [tilespmem:s23+$0x20]  }
0x278: {  	v9 =	vld [tilespmem:s23+$0x0]  }
0x279: {  	v10 =	vld [tilespmem:s23+$0x10]  }
0x27a: {  	v11 =	vld [tilespmem:s23+$0x40];
	s23 =	smov.u32 s28  }
0x27b: {  	[tilespmem:s25+$0x0] =	vst v5  }
0x27c: {  	[tilespmem:s25+$0xFFFFFFC0] =	vst v7  }
0x27d: {  	[tilespmem:s25+$0xFFFFFFF0] =	vst v3  }
0x27e: {  	[tilespmem:s25+$0xFFFFFFA0] =	vst v10  }
0x27f: {  	[tilespmem:s25+$0xFFFFFFD0] =	vst v11  }
0x280: {  	[tilespmem:s25+$0xFFFFFFE0] =	vst v6  }
0x281: {  	[tilespmem:s25+$0xFFFFFFB0] =	vst v8  }
0x282: {  	[tilespmem:s25+$0xFFFFFF90] =	vst v9;
	s25 =	smov.u32 s24  }
0x283: {  	v3 =	vld [tilespmem:s28+$0xFFFFFFCF]  }
0x284: {  	v5 =	vld [tilespmem:s28+$0xFFFFFFBF]  }
0x285: {  	v6 =	vld [tilespmem:s28+$0xFFFFFFEF]  }
0x286: {  	v7 =	vld [tilespmem:s28+$0xFFFFFFDF]  }
0x287: {  	v8 =	vld [tilespmem:s28+$0xFFFFFFAF]  }
0x288: {  	v9 =	vld [tilespmem:s28+$0xFFFFFF7F]  }
0x289: {  	v10 =	vld [tilespmem:s28+$0xFFFFFF9F]  }
0x28a: {  	v11 =	vld [tilespmem:s28+$0xFFFFFF8F]  }
0x28b: {  	[tilespmem:s24+$0xFFFFFF80] =	vst v6  }
0x28c: {  	[tilespmem:s24+$0xFFFFFF70] =	vst v7  }
0x28d: {  	[tilespmem:s24+$0xFFFFFF10] =	vst v9  }
0x28e: {  	[tilespmem:s24+$0xFFFFFF30] =	vst v10  }
0x28f: {  	[tilespmem:s24+$0xFFFFFF40] =	vst v8  }
.Ltmp7:
0x290: {  	[tilespmem:s24+$0xFFFFFF50] =	vst v5;
	(pc) =	sbr.rel @p0 .LBB2_16-.Ltmp7, $4  }
0x291: {  	[tilespmem:s24+$0xFFFFFF20] =	vst v11  }
0x292: {  	[tilespmem:s24+$0xFFFFFF60] =	vst v3  }
0x293: {  	v5 =	vld [tilespmem:s28+$0x70]  }
0x294: {  	v3 =	vld [tilespmem:s28+$0x60]  }
0x295: {  	v6 =	vld [tilespmem:s23+$0x50]  }
0x296: {  	v7 =	vld [tilespmem:s23+$0x30]  }
0x297: {  	v8 =	vld [tilespmem:s23+$0x20]  }
0x298: {  	v10 =	vld [tilespmem:s23+$0x10]  }
0x299: {  	v11 =	vld [tilespmem:s23+$0x40]  }
0x29a: {  	v9 =	vld [tilespmem:s23+$0x0];
	[tilespmem:s25+$0x0] =	vst v5  }
0x29b: {  	[tilespmem:s25+$0xFFFFFFF0] =	vst v3  }
0x29c: {  	[tilespmem:s25+$0xFFFFFFC0] =	vst v7  }
0x29d: {  	[tilespmem:s25+$0xFFFFFFA0] =	vst v10  }
0x29e: {  	[tilespmem:s25+$0xFFFFFFD0] =	vst v11  }
0x29f: {  	[tilespmem:s25+$0xFFFFFFE0] =	vst v6  }
0x2a0: {  	[tilespmem:s25+$0xFFFFFFB0] =	vst v8  }
0x2a1: {  	s22 =	sadd.s32 $0x1, s22;
	[tilespmem:s25+$0xFFFFFF90] =	vst v9  }
0x2a2: {  	[hbm4b:s3+s15] =	stream.indirect.scatter [tilespmem:s19], [sflag:$0x4], $0x80, s18, s15, $0xb8;
	[tilespmem:$0x14280] =	vst v63  }
0x2a3: {  	p0 =	sne.s32 s22, s9;
	_ =	swait.ge [sflag:s20], $0x4000  }
.Ltmp8:
0x2a4: {  	[sflag:s20] =	ssyncset.done $0x0;
	(pc) =	sbr.rel @p0 .LBB2_1-.Ltmp8, $4  }
0x2a5: {  	[sflag:s20] =	ssyncadd.s32 $0xFFFFC000  }
0x2a6: {  	_ =	swait.ge [sflag:s21], $0x4000  }
0x2a7: {  	[sflag:s21] =	ssyncset.done $0x0  }
0x2a8: {  	[sflag:s21] =	ssyncadd.s32 $0xFFFFC000  }
0x2a9: {  	_ =	sfence.sel $0x180000  }
0x2aa: {  	[bflag:$0x0] =	sbarrier.arrive $0xFFFF  }
0x2ab: {  	p0 =	sne.s32 s0, $0x0;
	_ =	strace $0x90000047  }
0x2ac: {  	s0 =	sadd.s32 @!p0 $0x100000, s2;
	[bflag:$0x2] =	sbarrier.arrive $0xFFFF  }
0x2ad: {  	[sflag:s0] =	ssyncadd.tile.s32 @!p0 $0x1;
	_ =	shalt  }
.Lfunc_end2:
_tile_overlayer_lowered:
.L_overlay_start_2:
0x2ae: {  	(tag) =	ssettag $0x2  }
0x2af: {  	s0 =	rddreg [dreg:$0x0];
	s2 =	stileid.u32  }
0x2b0: {  	s1 =	rddreg [dreg:$0x1];
	p0 =	sne.s32 s2, $0x0  }
0x2b1: {  	s3 =	rddreg [dreg:$0x2];
	[bflag:$0x3] =	sbarrier.arrive $0xFFFF;
	s2 =	simm.s32 @!p0 $0x1C05  }
0x2b2: {  	[timem:s3], [sflag:s2] =	dma.local @!p0 [hbm:s0], s1  }
0x2b3: {  	s0 =	simm.s32 @!p0 $0x5  }
0x2b4: {  	_ =	swait.ge @!p0 [sflag:s0], s1  }
0x2b5: {  	s1 =	ssub.s32 @!p0 $0x0, s1;
	[sflag:s0] =	ssyncset.done @!p0 $0x0  }
0x2b6: {  	[sflag:s0] =	ssyncadd.s32 @!p0 s1  }
0x2b7: {  	[bflag:$0x3] =	sbarrier.arrive $0xFFFF  }
0x2b8: {  	_ =	shalt  }

</sc_bundles>
